<compile_context>
chip_gen: v7x
topology: tpu7x:2x2x1
jax: 0.10.2.dev20260603
libtpu: 0.0.44.dev20260713+nightly
codegen_flags: <defaults>
</compile_context>

<pallas_src>
import jax
import jax.numpy as jnp
from jax import lax
from jax.experimental import pallas as pl
from jax.experimental.pallas import tpu as pltpu
from jax.experimental.pallas import tpu_sc as plsc

N = 10000
E = 320000
D = 128
EPS = 1e-5

NT = 32
EPT = E // NT
C = 64
G = C // 16
BLK = 256
CPB = BLK // C
MAIN = EPT // C
PAIRS = MAIN // 2
TAIL = EPT - MAIN * C
EPAD = E + BLK
RPT = 624
ZR = 16


def _dense_body(feat_ref, gamma_ref, beta_ref, wq_ref, bq_ref, wk_ref,
                wv_ref, q_ref, k_ref, v_ref):
    f = feat_ref[...]
    mean = jnp.mean(f, axis=0, keepdims=True)
    var = jnp.mean(f * f, axis=0, keepdims=True) - mean * mean
    x = (f - mean) * jax.lax.rsqrt(var + EPS) * gamma_ref[...] + beta_ref[...]
    q = jnp.dot(x, wq_ref[...], preferred_element_type=jnp.float32) \
        + bq_ref[...]
    k = jnp.dot(x, wk_ref[...], preferred_element_type=jnp.float32)
    q_ref[...] = jnp.exp(-q)
    k_ref[...] = jnp.exp(-k)
    v_ref[...] = jnp.dot(x, wv_ref[...], preferred_element_type=jnp.float32)


def _dense(feat, gamma, beta, Wq, bq, Wk, Wv):
    out = jax.ShapeDtypeStruct((N, D), jnp.float32)
    return pl.pallas_call(
        _dense_body,
        out_shape=(out, out, out),
    )(feat, gamma.reshape(1, D), beta.reshape(1, D), Wq, bq.reshape(1, D),
      Wk, Wv)


def _vgather(x, idx):
    dnums = lax.GatherDimensionNumbers(
        offset_dims=(), collapsed_slice_dims=(0,), start_index_map=(0,))
    return lax.gather(x, idx[:, None], dnums, (1,),
                      mode=lax.GatherScatterMode.PROMISE_IN_BOUNDS)


def _edge_body(q_hbm, k_hbm, v_hbm, src_hbm, dst_hbm, we_hbm,
               u_out, s_out,
               we_v, src_blk, dst_blk, dst_vt,
               q0, k0, v0, sb0, dv0,
               q1, k1, v1, sb1, dv1,
               u_acc, s_acc,
               gq0, gk0, gv0, su0, ss0,
               gq1, gk1, gv1, su1, ss1, bk0, bk1):
    cid = lax.axis_index("c")
    sid = lax.axis_index("s")
    wid = sid * 2 + cid
    ebase = wid * EPT

    pltpu.sync_copy(we_hbm, we_v)
    lanes = lax.iota(jnp.int32, 16)

    slots = ((q0, k0, v0, sb0, dv0, gq0, gk0, gv0, su0, ss0),
             (q1, k1, v1, sb1, dv1, gq1, gk1, gv1, su1, ss1))

    def zrow(i, _):
        for j in range(8):
            q0[i, pl.ds(j * 16, 16)] = jnp.zeros((16,), jnp.float32)
        return _

    lax.fori_loop(0, ZR, zrow, None)
    for j in range(4):
        sb0[pl.ds(j * 16, 16)] = jnp.zeros((16,), jnp.float32)

    row0 = sid * RPT
    NZC = (RPT + 16) // ZR

    def zissue(i, _):
        pltpu.async_copy(q0.at[pl.ds(0, ZR)],
                         u_acc.at[pl.ds(row0 + i * ZR, ZR)], gq0)
        return _

    lax.fori_loop(0, NZC, zissue, None)
    for j in range(5):
        pltpu.async_copy(q0.at[2 * j], s_acc.at[pl.ds(row0 + j * 128, 128)], gk0)

    def zdrain(i, _):
        pltpu.make_async_copy(q0.at[pl.ds(0, ZR)],
                              u_acc.at[pl.ds(0, ZR)], gq0).wait()
        return _

    lax.fori_loop(0, NZC, zdrain, None)
    for j in range(5):
        pltpu.make_async_copy(q0.at[2 * j], s_acc.at[pl.ds(0, 128)], gk0).wait()
    plsc.subcore_barrier()

    def load_block(b):
        cs = pltpu.async_copy(src_hbm.at[pl.ds(ebase + b * BLK, BLK)],
                              src_blk, bk0)
        cd = pltpu.async_copy(dst_hbm.at[pl.ds(ebase + b * BLK, BLK)],
                              dst_blk, bk1)
        cs.wait()
        cd.wait()

    def copy_dst(dv, off):
        for j in range(4):
            dv[pl.ds(j * 16, 16)] = dst_blk[pl.ds(off + j * 16, 16)]

    def issue_gathers(t, s):
        qb, kb, vb, _, dv, gq, gk, gv, _, _ = slots[s]
        off = (t % CPB) * C
        cq = pltpu.async_copy(q_hbm.at[src_blk.at[pl.ds(off, C)]], qb, gq)
        ck = pltpu.async_copy(k_hbm.at[dv], kb, gk)
        cv = pltpu.async_copy(v_hbm.at[src_blk.at[pl.ds(off, C)]], vb, gv)
        return cq, ck, cv

    def wait_gathers(s):
        qb, kb, vb, _, _, gq, gk, gv, _, _ = slots[s]
        pltpu.make_async_copy(q_hbm.at[pl.ds(0, C)], qb, gq).wait()
        pltpu.make_async_copy(k_hbm.at[pl.ds(0, C)], kb, gk).wait()
        pltpu.make_async_copy(v_hbm.at[pl.ds(0, C)], vb, gv).wait()

    def wait_scatters(s):
        qb, kb, vb, sb, _, _, _, _, su, ss = slots[s]
        pltpu.make_async_copy(q_hbm.at[pl.ds(0, C)], vb, su).wait()
        pltpu.make_async_copy(s_out.at[pl.ds(0, C)], sb, ss).wait()

    def compute_p(s, ngroups):
        qb, kb, vb, sb, _, _, _, _, _, _ = slots[s]

        def group_body(m, _):
            def edge_body(l, pv):
                e = m * 16 + l
                acc = jnp.zeros((16,), jnp.float32)
                for j in range(8):
                    den = 1.0 + (qb[e, pl.ds(j * 16, 16)]
                                 * kb[e, pl.ds(j * 16, 16)])
                    acc = acc + we_v[pl.ds(j * 16, 16)] / den
                for sh in (8, 4, 2, 1):
                    acc = acc + _vgather(acc, (lanes + sh) % 16)
                return jnp.where(lanes == l, acc, pv)

            pv = lax.fori_loop(0, 16, edge_body, jnp.zeros((16,), jnp.float32))
            sb[pl.ds(m * 16, 16)] = jnp.exp(pv)
            return _

        lax.fori_loop(0, ngroups, group_body, None)

        def scale_body(m, _):
            pvec = sb[pl.ds(m * 16, 16)]

            def edge_scale(l, _):
                e = m * 16 + l
                pe = _vgather(pvec, jnp.full((16,), l, jnp.int32))
                for j in range(8):
                    vb[e, pl.ds(j * 16, 16)] = vb[e, pl.ds(j * 16, 16)] * pe
                return _

            lax.fori_loop(0, 16, edge_scale, None)
            return _

        lax.fori_loop(0, ngroups, scale_body, None)

    def issue_scatters(s):
        qb, kb, vb, sb, dv, _, _, _, su, ss = slots[s]
        pltpu.async_copy(vb, u_acc.at[dv], su, add=True)
        pltpu.async_copy(sb, s_acc.at[dv], ss, add=True)

    load_block(0)
    copy_dst(dv0, 0)
    issue_gathers(0, 0)

    def pair_body(u, _):
        t0 = 2 * u
        wait_gathers(0)

        @pl.when(u > 0)
        def _():
            wait_scatters(1)

        copy_dst(dv1, ((t0 + 1) % CPB) * C)
        issue_gathers(t0 + 1, 1)
        compute_p(0, G)
        issue_scatters(0)

        t1 = 2 * u + 1
        wait_gathers(1)

        @pl.when(lax.rem(u, 2) == 1)
        def _():
            load_block((u + 1) // 2)

        wait_scatters(0)

        @pl.when(u < PAIRS - 1)
        def _():
            copy_dst(dv0, ((t1 + 1) % CPB) * C)
            issue_gathers(t1 + 1, 0)

        compute_p(1, G)
        issue_scatters(1)
        return _

    lax.fori_loop(0, PAIRS, pair_body, None)

    wait_scatters(1)
    toff = (MAIN % CPB) * C
    for j in range(4):
        dv0[pl.ds(j * 16, 16)] = dst_blk[pl.ds(toff + j * 16, 16)]
    dst_vt[...] = dst_blk[pl.ds(toff, 16)]
    cq, ck, cv = issue_gathers(MAIN, 0)
    cq.wait()
    ck.wait()
    cv.wait()
    compute_p(0, 1)
    pltpu.sync_copy(v0.at[pl.ds(0, 16)], u_acc.at[dst_vt], add=True)
    pltpu.sync_copy(sb0.at[pl.ds(0, 16)], s_acc.at[dst_vt], add=True)

    plsc.subcore_barrier()

    cu = pltpu.async_copy(u_acc.at[pl.ds(row0, RPT)],
                          u_out.at[cid, pl.ds(row0, RPT)], gq0)
    for j in range(5):
        pltpu.async_copy(s_acc.at[pl.ds(row0 + j * 128, 128)], q0.at[2 * j], gk0)

    @pl.when(sid == 15)
    def _():
        pltpu.async_copy(u_acc.at[pl.ds(row0 + RPT, 16)],
                         u_out.at[cid, pl.ds(row0 + RPT, 16)], gv0)

    for j in range(5):
        pltpu.make_async_copy(s_acc.at[pl.ds(0, 128)], q0.at[2 * j], gk0).wait()
    for j in range(5):
        pltpu.async_copy(q0.at[2 * j],
                         s_out.at[pl.ds(cid * N + row0 + j * 128, 128)], gk0)
    for j in range(5):
        pltpu.make_async_copy(q0.at[2 * j], s_out.at[pl.ds(0, 128)],
                              gk0).wait()
    cu.wait()

    @pl.when(sid == 15)
    def _():
        pltpu.make_async_copy(u_acc.at[pl.ds(0, 16)],
                              u_out.at[0, pl.ds(0, 16)], gv0).wait()


def _edge_sc(q, k, v, src, dst, we):
    mesh = plsc.VectorSubcoreMesh(core_axis_name="c", subcore_axis_name="s")
    f32 = jnp.float32
    i32 = jnp.int32
    kfn = pl.kernel(
        _edge_body,
        out_type=(jax.ShapeDtypeStruct((2, N, D), f32),
                  jax.ShapeDtypeStruct((2 * N,), f32)),
        mesh=mesh,
        scratch_types=[
            pltpu.VMEM((D,), f32),
            pltpu.VMEM((BLK,), i32),
            pltpu.VMEM((BLK,), i32),
            pltpu.VMEM((16,), i32),
            pltpu.VMEM((C, D), f32),
            pltpu.VMEM((C, D), f32),
            pltpu.VMEM((C, D), f32),
            pltpu.VMEM((C,), f32),
            pltpu.VMEM((C,), i32),
            pltpu.VMEM((C, D), f32),
            pltpu.VMEM((C, D), f32),
            pltpu.VMEM((C, D), f32),
            pltpu.VMEM((C,), f32),
            pltpu.VMEM((C,), i32),
            pltpu.VMEM_SHARED((N, D), f32),
            pltpu.VMEM_SHARED((N,), f32),
            pltpu.SemaphoreType.DMA,
            pltpu.SemaphoreType.DMA,
            pltpu.SemaphoreType.DMA,
            pltpu.SemaphoreType.DMA,
            pltpu.SemaphoreType.DMA,
            pltpu.SemaphoreType.DMA,
            pltpu.SemaphoreType.DMA,
            pltpu.SemaphoreType.DMA,
            pltpu.SemaphoreType.DMA,
            pltpu.SemaphoreType.DMA,
            pltpu.SemaphoreType.DMA,
            pltpu.SemaphoreType.DMA,
        ],
    )
    return kfn(q, k, v, src, dst, we)


def _final_body(u_ref, s_ref, o_ref):
    u = u_ref[0] + u_ref[1]
    s = (s_ref[0] + s_ref[1])[:, None]
    o_ref[...] = u / jnp.maximum(s, 1e-30)


def _finalize(U, S):
    return pl.pallas_call(
        _final_body,
        out_shape=jax.ShapeDtypeStruct((N, D), jnp.float32),
    )(U, S)


def kernel(feat, edge_index, gamma, beta, Wq, bq, Wk, Wv, We):
    q, k, v = _dense(feat, gamma, beta, Wq, bq, Wk, Wv)
    src = jnp.pad(edge_index[0], (0, EPAD - E))
    dst = jnp.pad(edge_index[1], (0, EPAD - E))
    U, S = _edge_sc(q, k, v, src, dst, We.reshape(D))
    return _finalize(U, S.reshape(2, N))

# --- scband reference (transcript-rebuilt; emitter-appended) ---
"""Pipeline reference for scband-pill-16655883174587 (READ-ONLY COPY).

The authoritative reference and input builder live on the scoring server;
editing this copy changes nothing except your own understanding.
"""

import jax, jax.numpy as jnp
import numpy as np

N = 10000
E = 320000
D = 128
H = 128
O = 128
EPS = 1e-5

def setup_inputs(seed: int = 0) -> dict:
    key = jax.random.key(seed)
    ks = jax.random.split(key, 8)
    feat = jax.random.normal(ks[0], (N, D), dtype=jnp.float32)
    edge_index = jax.random.randint(ks[1], (2, E), 0, N, dtype=jnp.int32)
    # BatchNorm1d affine params
    gamma = jnp.ones((D,), dtype=jnp.float32)
    beta = jnp.zeros((D,), dtype=jnp.float32)
    # Linear layers (torch default init: U(-1/sqrt(fan_in), 1/sqrt(fan_in)))
    b = 1.0 / np.sqrt(D)
    Wq = jax.random.uniform(ks[2], (D, H), minval=-b, maxval=b, dtype=jnp.float32)
    bq = jax.random.uniform(ks[3], (H,), minval=-b, maxval=b, dtype=jnp.float32)
    Wk = jax.random.uniform(ks[4], (D, H), minval=-b, maxval=b, dtype=jnp.float32)
    Wv = jax.random.uniform(ks[5], (D, O), minval=-b, maxval=b, dtype=jnp.float32)
    bh = 1.0 / np.sqrt(H)
    We = jax.random.uniform(ks[6], (H, 1), minval=-bh, maxval=bh, dtype=jnp.float32)
    return {"feat": feat, "edge_index": edge_index, "gamma": gamma, "beta": beta,
            "Wq": Wq, "bq": bq, "Wk": Wk, "Wv": Wv, "We": We}

def reference(feat, edge_index, gamma, beta, Wq, bq, Wk, Wv, We):
    src = edge_index[0]
    dst = edge_index[1]
    # BatchNorm1d (training-mode batch stats, biased variance)
    mean = jnp.mean(feat, axis=0)
    var = jnp.var(feat, axis=0)
    x = (feat - mean) / jnp.sqrt(var + EPS) * gamma + beta
    # feat_drop = 0.0 -> identity
    q = x @ Wq + bq
    k = x @ Wk
    v = x @ Wv
    # e = u_add_v(sg, q, k): per-edge q[src] + k[dst]
    e = q[src] + k[dst]          # [E, H]
    e = jax.nn.sigmoid(e) @ We   # [E, 1]
    # edge_softmax over incoming edges of each dst node
    emax = jax.ops.segment_max(e, dst, num_segments=N)   # [N, 1]
    eexp = jnp.exp(e - emax[dst])                        # [E, 1]
    esum = jax.ops.segment_sum(eexp, dst, num_segments=N)  # [N, 1]
    a = eexp / esum[dst]                                 # [E, 1]
    # rst = u_mul_e_sum(sg, v, a): scatter-add v[src]*a into dst
    rst = jax.ops.segment_sum(v[src] * a, dst, num_segments=N)  # [N, O]
    # activation is None
    return rst

if __name__ == "__main__":
    import jax
    _d = setup_inputs()
    print(jax.jit(kernel)(*tuple(_d.values())))

</pallas_src>

<mosaic_0001>
#map = affine_map<(d0, d1) -> (0, 0)>
#map1 = affine_map<(d0, d1) -> (0)>
#map2 = affine_map<(d0, d1) -> (0, 0, 0)>
module attributes {stable_mosaic.version = 14 : i64} {
  func.func @_edge_body(%arg0: i32, %arg1: i32, %arg2: memref<10000x128xf32, #tpu.memory_space<hbm>>, %arg3: memref<10000x128xf32, #tpu.memory_space<hbm>>, %arg4: memref<10000x128xf32, #tpu.memory_space<hbm>>, %arg5: memref<320256xi32, #tpu.memory_space<hbm>>, %arg6: memref<320256xi32, #tpu.memory_space<hbm>>, %arg7: memref<128xf32, #tpu.memory_space<hbm>>, %arg8: memref<2x10000x128xf32, #tpu.memory_space<hbm>>, %arg9: memref<20000xf32, #tpu.memory_space<hbm>>, %arg10: memref<128xf32, #tpu.memory_space<vmem>>, %arg11: memref<256xi32, #tpu.memory_space<vmem>>, %arg12: memref<256xi32, #tpu.memory_space<vmem>>, %arg13: memref<16xi32, #tpu.memory_space<vmem>>, %arg14: memref<64x128xf32, #tpu.memory_space<vmem>>, %arg15: memref<64x128xf32, #tpu.memory_space<vmem>>, %arg16: memref<64x128xf32, #tpu.memory_space<vmem>>, %arg17: memref<64xf32, #tpu.memory_space<vmem>>, %arg18: memref<64xi32, #tpu.memory_space<vmem>>, %arg19: memref<64x128xf32, #tpu.memory_space<vmem>>, %arg20: memref<64x128xf32, #tpu.memory_space<vmem>>, %arg21: memref<64x128xf32, #tpu.memory_space<vmem>>, %arg22: memref<64xf32, #tpu.memory_space<vmem>>, %arg23: memref<64xi32, #tpu.memory_space<vmem>>, %arg24: memref<10000x128xf32, #tpu.memory_space<vmem_shared>>, %arg25: memref<10000xf32, #tpu.memory_space<vmem_shared>>, %arg26: memref<!tpu.dma_semaphore, #tpu.memory_space<semaphore_mem>>, %arg27: memref<!tpu.dma_semaphore, #tpu.memory_space<semaphore_mem>>, %arg28: memref<!tpu.dma_semaphore, #tpu.memory_space<semaphore_mem>>, %arg29: memref<!tpu.dma_semaphore, #tpu.memory_space<semaphore_mem>>, %arg30: memref<!tpu.dma_semaphore, #tpu.memory_space<semaphore_mem>>, %arg31: memref<!tpu.dma_semaphore, #tpu.memory_space<semaphore_mem>>, %arg32: memref<!tpu.dma_semaphore, #tpu.memory_space<semaphore_mem>>, %arg33: memref<!tpu.dma_semaphore, #tpu.memory_space<semaphore_mem>>, %arg34: memref<!tpu.dma_semaphore, #tpu.memory_space<semaphore_mem>>, %arg35: memref<!tpu.dma_semaphore, #tpu.memory_space<semaphore_mem>>, %arg36: memref<!tpu.dma_semaphore, #tpu.memory_space<semaphore_mem>>, %arg37: memref<!tpu.dma_semaphore, #tpu.memory_space<semaphore_mem>>) attributes {dimension_semantics = [#tpu.dimension_semantics<core_parallel>, #tpu.dimension_semantics<subcore_parallel>], iteration_bounds = array<i64: 2, 16>, scalar_prefetch = 0 : i64, scratch_operands = 28 : i64, tpu.core_type = #tpu.core_type<sc_vector_subcore>, window_params = [{transform_indices = #map}, {transform_indices = #map}, {transform_indices = #map}, {transform_indices = #map1}, {transform_indices = #map1}, {transform_indices = #map1}, {transform_indices = #map2}, {transform_indices = #map1}]} {
    %mul3A = arith.constant 2 : i32
    %mul3A_0 = arith.muli %arg1, %mul3A : i32
    %add3A = arith.addi %mul3A_0, %arg0 : i32
    %mul3A_1 = arith.constant 10000 : i32
    %mul3A_2 = arith.muli %add3A, %mul3A_1 : i32
    "tpu.region"() ({
      %run_scoped3A = tpu.sem_alloc : memref<!tpu.dma_semaphore, #tpu.memory_space<semaphore_mem>>
      tpu.enqueue_dma source(%arg7 : memref<128xf32, #tpu.memory_space<hbm>>) target(%arg10 : memref<128xf32, #tpu.memory_space<vmem>>) target_semaphore(%run_scoped3A : memref<!tpu.dma_semaphore, #tpu.memory_space<semaphore_mem>>)
      tpu.wait_dma2 semaphore(%run_scoped3A : memref<!tpu.dma_semaphore, #tpu.memory_space<semaphore_mem>>) src(%arg7 : memref<128xf32, #tpu.memory_space<hbm>>) dst(%arg10 : memref<128xf32, #tpu.memory_space<vmem>>)
      tpu.yield
    }) : () -> ()
    %iota3A = tpu.iota {dimensions = array<i32: 0>} : vector<16xi32>
    %scan3A = arith.constant 0 : i32
    %scan3A_3 = arith.constant 16 : i32
    %scan3A_4 = arith.addi %scan3A, %scan3A_3 : i32
    %scan3A_5 = arith.constant 1 : i32
    scf.for %scan3A_558 = %scan3A to %scan3A_4 step %scan3A_5  : i32 {
      %broadcast_in_dim3A_559 = arith.constant 0.000000e+00 : f32
      %broadcast_in_dim3A_560 = vector.broadcast %broadcast_in_dim3A_559 : f32 to vector<16xf32>
      %swap3A_561 = arith.index_cast %scan3A_558 : i32 to index
      %swap3A_562 = arith.constant 0 : index
      %swap3A_563 = tpu.vector_load %arg14[%swap3A_561, %swap3A_562] {strides = array<i32>} : memref<64x128xf32, #tpu.memory_space<vmem>>, vector<1x16xf32>,
      %swap3A_564 = vector.shape_cast %swap3A_563 : vector<1x16xf32> to vector<16xf32>
      %swap3A_565 = vector.shape_cast %broadcast_in_dim3A_560 : vector<16xf32> to vector<1x16xf32>
      tpu.vector_store %arg14[%swap3A_561, %swap3A_562], %swap3A_565 {strides = array<i32>} : memref<64x128xf32, #tpu.memory_space<vmem>>, vector<1x16xf32>,
      %broadcast_in_dim3A_566 = arith.constant 0.000000e+00 : f32
      %broadcast_in_dim3A_567 = vector.broadcast %broadcast_in_dim3A_566 : f32 to vector<16xf32>
      %swap3A_568 = arith.index_cast %scan3A_558 : i32 to index
      %swap3A_569 = arith.constant 16 : index
      %swap3A_570 = tpu.vector_load %arg14[%swap3A_568, %swap3A_569] {strides = array<i32>} : memref<64x128xf32, #tpu.memory_space<vmem>>, vector<1x16xf32>,
      %swap3A_571 = vector.shape_cast %swap3A_570 : vector<1x16xf32> to vector<16xf32>
      %swap3A_572 = vector.shape_cast %broadcast_in_dim3A_567 : vector<16xf32> to vector<1x16xf32>
      tpu.vector_store %arg14[%swap3A_568, %swap3A_569], %swap3A_572 {strides = array<i32>} : memref<64x128xf32, #tpu.memory_space<vmem>>, vector<1x16xf32>,
      %broadcast_in_dim3A_573 = arith.constant 0.000000e+00 : f32
      %broadcast_in_dim3A_574 = vector.broadcast %broadcast_in_dim3A_573 : f32 to vector<16xf32>
      %swap3A_575 = arith.index_cast %scan3A_558 : i32 to index
      %swap3A_576 = arith.constant 32 : index
      %swap3A_577 = tpu.vector_load %arg14[%swap3A_575, %swap3A_576] {strides = array<i32>} : memref<64x128xf32, #tpu.memory_space<vmem>>, vector<1x16xf32>,
      %swap3A_578 = vector.shape_cast %swap3A_577 : vector<1x16xf32> to vector<16xf32>
      %swap3A_579 = vector.shape_cast %broadcast_in_dim3A_574 : vector<16xf32> to vector<1x16xf32>
      tpu.vector_store %arg14[%swap3A_575, %swap3A_576], %swap3A_579 {strides = array<i32>} : memref<64x128xf32, #tpu.memory_space<vmem>>, vector<1x16xf32>,
      %broadcast_in_dim3A_580 = arith.constant 0.000000e+00 : f32
      %broadcast_in_dim3A_581 = vector.broadcast %broadcast_in_dim3A_580 : f32 to vector<16xf32>
      %swap3A_582 = arith.index_cast %scan3A_558 : i32 to index
      %swap3A_583 = arith.constant 48 : index
      %swap3A_584 = tpu.vector_load %arg14[%swap3A_582, %swap3A_583] {strides = array<i32>} : memref<64x128xf32, #tpu.memory_space<vmem>>, vector<1x16xf32>,
      %swap3A_585 = vector.shape_cast %swap3A_584 : vector<1x16xf32> to vector<16xf32>
      %swap3A_586 = vector.shape_cast %broadcast_in_dim3A_581 : vector<16xf32> to vector<1x16xf32>
      tpu.vector_store %arg14[%swap3A_582, %swap3A_583], %swap3A_586 {strides = array<i32>} : memref<64x128xf32, #tpu.memory_space<vmem>>, vector<1x16xf32>,
      %broadcast_in_dim3A_587 = arith.constant 0.000000e+00 : f32
      %broadcast_in_dim3A_588 = vector.broadcast %broadcast_in_dim3A_587 : f32 to vector<16xf32>
      %swap3A_589 = arith.index_cast %scan3A_558 : i32 to index
      %swap3A_590 = arith.constant 64 : index
      %swap3A_591 = tpu.vector_load %arg14[%swap3A_589, %swap3A_590] {strides = array<i32>} : memref<64x128xf32, #tpu.memory_space<vmem>>, vector<1x16xf32>,
      %swap3A_592 = vector.shape_cast %swap3A_591 : vector<1x16xf32> to vector<16xf32>
      %swap3A_593 = vector.shape_cast %broadcast_in_dim3A_588 : vector<16xf32> to vector<1x16xf32>
      tpu.vector_store %arg14[%swap3A_589, %swap3A_590], %swap3A_593 {strides = array<i32>} : memref<64x128xf32, #tpu.memory_space<vmem>>, vector<1x16xf32>,
      %broadcast_in_dim3A_594 = arith.constant 0.000000e+00 : f32
      %broadcast_in_dim3A_595 = vector.broadcast %broadcast_in_dim3A_594 : f32 to vector<16xf32>
      %swap3A_596 = arith.index_cast %scan3A_558 : i32 to index
      %swap3A_597 = arith.constant 80 : index
      %swap3A_598 = tpu.vector_load %arg14[%swap3A_596, %swap3A_597] {strides = array<i32>} : memref<64x128xf32, #tpu.memory_space<vmem>>, vector<1x16xf32>,
      %swap3A_599 = vector.shape_cast %swap3A_598 : vector<1x16xf32> to vector<16xf32>
      %swap3A_600 = vector.shape_cast %broadcast_in_dim3A_595 : vector<16xf32> to vector<1x16xf32>
      tpu.vector_store %arg14[%swap3A_596, %swap3A_597], %swap3A_600 {strides = array<i32>} : memref<64x128xf32, #tpu.memory_space<vmem>>, vector<1x16xf32>,
      %broadcast_in_dim3A_601 = arith.constant 0.000000e+00 : f32
      %broadcast_in_dim3A_602 = vector.broadcast %broadcast_in_dim3A_601 : f32 to vector<16xf32>
      %swap3A_603 = arith.index_cast %scan3A_558 : i32 to index
      %swap3A_604 = arith.constant 96 : index
      %swap3A_605 = tpu.vector_load %arg14[%swap3A_603, %swap3A_604] {strides = array<i32>} : memref<64x128xf32, #tpu.memory_space<vmem>>, vector<1x16xf32>,
      %swap3A_606 = vector.shape_cast %swap3A_605 : vector<1x16xf32> to vector<16xf32>
      %swap3A_607 = vector.shape_cast %broadcast_in_dim3A_602 : vector<16xf32> to vector<1x16xf32>
      tpu.vector_store %arg14[%swap3A_603, %swap3A_604], %swap3A_607 {strides = array<i32>} : memref<64x128xf32, #tpu.memory_space<vmem>>, vector<1x16xf32>,
      %broadcast_in_dim3A_608 = arith.constant 0.000000e+00 : f32
      %broadcast_in_dim3A_609 = vector.broadcast %broadcast_in_dim3A_608 : f32 to vector<16xf32>
      %swap3A_610 = arith.index_cast %scan3A_558 : i32 to index
      %swap3A_611 = arith.constant 112 : index
      %swap3A_612 = tpu.vector_load %arg14[%swap3A_610, %swap3A_611] {strides = array<i32>} : memref<64x128xf32, #tpu.memory_space<vmem>>, vector<1x16xf32>,
      %swap3A_613 = vector.shape_cast %swap3A_612 : vector<1x16xf32> to vector<16xf32>
      %swap3A_614 = vector.shape_cast %broadcast_in_dim3A_609 : vector<16xf32> to vector<1x16xf32>
      tpu.vector_store %arg14[%swap3A_610, %swap3A_611], %swap3A_614 {strides = array<i32>} : memref<64x128xf32, #tpu.memory_space<vmem>>, vector<1x16xf32>,
    }
    %scan3A_6 = arith.constant 16 : i32
    %broadcast_in_dim3A = arith.constant 0.000000e+00 : f32
    %broadcast_in_dim3A_7 = vector.broadcast %broadcast_in_dim3A : f32 to vector<16xf32>
    %swap3A = arith.constant 0 : index
    %swap3A_8 = tpu.vector_load %arg17[%swap3A] {strides = array<i32>} : memref<64xf32, #tpu.memory_space<vmem>>, vector<16xf32>,
    %swap3A_9 = vector.shape_cast %swap3A_8 : vector<16xf32> to vector<16xf32>
    %swap3A_10 = vector.shape_cast %broadcast_in_dim3A_7 : vector<16xf32> to vector<16xf32>
    tpu.vector_store %arg17[%swap3A], %swap3A_10 {strides = array<i32>} : memref<64xf32, #tpu.memory_space<vmem>>, vector<16xf32>,
    %broadcast_in_dim3A_11 = arith.constant 0.000000e+00 : f32
    %broadcast_in_dim3A_12 = vector.broadcast %broadcast_in_dim3A_11 : f32 to vector<16xf32>
    %swap3A_13 = arith.constant 16 : index
    %swap3A_14 = tpu.vector_load %arg17[%swap3A_13] {strides = array<i32>} : memref<64xf32, #tpu.memory_space<vmem>>, vector<16xf32>,
    %swap3A_15 = vector.shape_cast %swap3A_14 : vector<16xf32> to vector<16xf32>
    %swap3A_16 = vector.shape_cast %broadcast_in_dim3A_12 : vector<16xf32> to vector<16xf32>
    tpu.vector_store %arg17[%swap3A_13], %swap3A_16 {strides = array<i32>} : memref<64xf32, #tpu.memory_space<vmem>>, vector<16xf32>,
    %broadcast_in_dim3A_17 = arith.constant 0.000000e+00 : f32
    %broadcast_in_dim3A_18 = vector.broadcast %broadcast_in_dim3A_17 : f32 to vector<16xf32>
    %swap3A_19 = arith.constant 32 : index
    %swap3A_20 = tpu.vector_load %arg17[%swap3A_19] {strides = array<i32>} : memref<64xf32, #tpu.memory_space<vmem>>, vector<16xf32>,
    %swap3A_21 = vector.shape_cast %swap3A_20 : vector<16xf32> to vector<16xf32>
    %swap3A_22 = vector.shape_cast %broadcast_in_dim3A_18 : vector<16xf32> to vector<16xf32>
    tpu.vector_store %arg17[%swap3A_19], %swap3A_22 {strides = array<i32>} : memref<64xf32, #tpu.memory_space<vmem>>, vector<16xf32>,
    %broadcast_in_dim3A_23 = arith.constant 0.000000e+00 : f32
    %broadcast_in_dim3A_24 = vector.broadcast %broadcast_in_dim3A_23 : f32 to vector<16xf32>
    %swap3A_25 = arith.constant 48 : index
    %swap3A_26 = tpu.vector_load %arg17[%swap3A_25] {strides = array<i32>} : memref<64xf32, #tpu.memory_space<vmem>>, vector<16xf32>,
    %swap3A_27 = vector.shape_cast %swap3A_26 : vector<16xf32> to vector<16xf32>
    %swap3A_28 = vector.shape_cast %broadcast_in_dim3A_24 : vector<16xf32> to vector<16xf32>
    tpu.vector_store %arg17[%swap3A_25], %swap3A_28 {strides = array<i32>} : memref<64xf32, #tpu.memory_space<vmem>>, vector<16xf32>,
    %mul3A_29 = arith.constant 624 : i32
    %mul3A_30 = arith.muli %arg1, %mul3A_29 : i32
    %scan3A_31 = arith.constant 0 : i32
    %scan3A_32 = arith.constant 40 : i32
    %scan3A_33 = arith.addi %scan3A_31, %scan3A_32 : i32
    %scan3A_34 = arith.constant 1 : i32
    scf.for %scan3A_558 = %scan3A_31 to %scan3A_33 step %scan3A_34  : i32 {
      %mul3A_559 = arith.constant 16 : i32
      %mul3A_560 = arith.muli %scan3A_558, %mul3A_559 : i32
      %add3A_561 = arith.addi %mul3A_30, %mul3A_560 : i32
      %dma_start3A_562 = arith.constant 0 : i32
      %dma_start3A_563 = arith.constant 0 : i32
      %dma_start3A_564 = tpu.memref_slice %arg14[%dma_start3A_562, %dma_start3A_563] : memref<64x128xf32, #tpu.memory_space<vmem>> -> memref<16x128xf32, #tpu.memory_space<vmem>>
      %dma_start3A_565 = arith.constant 0 : i32
      %dma_start3A_566 = tpu.memref_slice %arg24[%add3A_561, %dma_start3A_565] : memref<10000x128xf32, #tpu.memory_space<vmem_shared>> -> memref<16x128xf32, #tpu.memory_space<vmem_shared>>
      %dma_start3A_567 = arith.constant 0 : i32
      %dma_start3A_568 = tpu.memref_slice %arg24[%add3A_561, %dma_start3A_567] : memref<10000x128xf32, #tpu.memory_space<vmem_shared>> -> memref<16x128xf32, #tpu.memory_space<vmem_shared>>
      %dma_start3A_569 = arith.constant 0 : i32
      %dma_start3A_570 = arith.constant 0 : i32
      %dma_start3A_571 = tpu.memref_slice %arg14[%dma_start3A_569, %dma_start3A_570] : memref<64x128xf32, #tpu.memory_space<vmem>> -> memref<16x128xf32, #tpu.memory_space<vmem>>
      tpu.enqueue_dma source(%dma_start3A_571 : memref<16x128xf32, #tpu.memory_space<vmem>>) target(%dma_start3A_568 : memref<16x128xf32, #tpu.memory_space<vmem_shared>>) target_semaphore(%arg26 : memref<!tpu.dma_semaphore, #tpu.memory_space<semaphore_mem>>)
    }
    %scan3A_35 = arith.constant 40 : i32
    %add3A_36 = arith.constant 0 : i32
    %add3A_37 = arith.addi %mul3A_30, %add3A_36 : i32
    %dma_start3A = arith.constant 0 : i32
    %dma_start3A_38 = arith.constant 0 : i32
    %dma_start3A_39 = tpu.memref_slice %arg14[%dma_start3A, %dma_start3A_38] : memref<64x128xf32, #tpu.memory_space<vmem>> -> memref<1x128xf32, #tpu.memory_space<vmem>>
    %dma_start3A_40 = tpu.memref_squeeze %dma_start3A_39 : memref<1x128xf32, #tpu.memory_space<vmem>> -> memref<128xf32, #tpu.memory_space<vmem>>
    %dma_start3A_41 = tpu.memref_slice %arg25[%add3A_37] : memref<10000xf32, #tpu.memory_space<vmem_shared>> -> memref<128xf32, #tpu.memory_space<vmem_shared>>
    %dma_start3A_42 = tpu.memref_slice %arg25[%add3A_37] : memref<10000xf32, #tpu.memory_space<vmem_shared>> -> memref<128xf32, #tpu.memory_space<vmem_shared>>
    %dma_start3A_43 = arith.constant 0 : i32
    %dma_start3A_44 = tpu.memref_slice %arg14[%dma_start3A, %dma_start3A_43] : memref<64x128xf32, #tpu.memory_space<vmem>> -> memref<1x128xf32, #tpu.memory_space<vmem>>
    %dma_start3A_45 = tpu.memref_squeeze %dma_start3A_44 : memref<1x128xf32, #tpu.memory_space<vmem>> -> memref<128xf32, #tpu.memory_space<vmem>>
    tpu.enqueue_dma source(%dma_start3A_45 : memref<128xf32, #tpu.memory_space<vmem>>) target(%dma_start3A_42 : memref<128xf32, #tpu.memory_space<vmem_shared>>) target_semaphore(%arg27 : memref<!tpu.dma_semaphore, #tpu.memory_space<semaphore_mem>>)
    %add3A_46 = arith.constant 128 : i32
    %add3A_47 = arith.addi %mul3A_30, %add3A_46 : i32
    %dma_start3A_48 = arith.constant 2 : i32
    %dma_start3A_49 = arith.constant 0 : i32
    %dma_start3A_50 = tpu.memref_slice %arg14[%dma_start3A_48, %dma_start3A_49] : memref<64x128xf32, #tpu.memory_space<vmem>> -> memref<1x128xf32, #tpu.memory_space<vmem>>
    %dma_start3A_51 = tpu.memref_squeeze %dma_start3A_50 : memref<1x128xf32, #tpu.memory_space<vmem>> -> memref<128xf32, #tpu.memory_space<vmem>>
    %dma_start3A_52 = tpu.memref_slice %arg25[%add3A_47] : memref<10000xf32, #tpu.memory_space<vmem_shared>> -> memref<128xf32, #tpu.memory_space<vmem_shared>>
    %dma_start3A_53 = tpu.memref_slice %arg25[%add3A_47] : memref<10000xf32, #tpu.memory_space<vmem_shared>> -> memref<128xf32, #tpu.memory_space<vmem_shared>>
    %dma_start3A_54 = arith.constant 0 : i32
    %dma_start3A_55 = tpu.memref_slice %arg14[%dma_start3A_48, %dma_start3A_54] : memref<64x128xf32, #tpu.memory_space<vmem>> -> memref<1x128xf32, #tpu.memory_space<vmem>>
    %dma_start3A_56 = tpu.memref_squeeze %dma_start3A_55 : memref<1x128xf32, #tpu.memory_space<vmem>> -> memref<128xf32, #tpu.memory_space<vmem>>
    tpu.enqueue_dma source(%dma_start3A_56 : memref<128xf32, #tpu.memory_space<vmem>>) target(%dma_start3A_53 : memref<128xf32, #tpu.memory_space<vmem_shared>>) target_semaphore(%arg27 : memref<!tpu.dma_semaphore, #tpu.memory_space<semaphore_mem>>)
    %add3A_57 = arith.constant 256 : i32
    %add3A_58 = arith.addi %mul3A_30, %add3A_57 : i32
    %dma_start3A_59 = arith.constant 4 : i32
    %dma_start3A_60 = arith.constant 0 : i32
    %dma_start3A_61 = tpu.memref_slice %arg14[%dma_start3A_59, %dma_start3A_60] : memref<64x128xf32, #tpu.memory_space<vmem>> -> memref<1x128xf32, #tpu.memory_space<vmem>>
    %dma_start3A_62 = tpu.memref_squeeze %dma_start3A_61 : memref<1x128xf32, #tpu.memory_space<vmem>> -> memref<128xf32, #tpu.memory_space<vmem>>
    %dma_start3A_63 = tpu.memref_slice %arg25[%add3A_58] : memref<10000xf32, #tpu.memory_space<vmem_shared>> -> memref<128xf32, #tpu.memory_space<vmem_shared>>
    %dma_start3A_64 = tpu.memref_slice %arg25[%add3A_58] : memref<10000xf32, #tpu.memory_space<vmem_shared>> -> memref<128xf32, #tpu.memory_space<vmem_shared>>
    %dma_start3A_65 = arith.constant 0 : i32
    %dma_start3A_66 = tpu.memref_slice %arg14[%dma_start3A_59, %dma_start3A_65] : memref<64x128xf32, #tpu.memory_space<vmem>> -> memref<1x128xf32, #tpu.memory_space<vmem>>
    %dma_start3A_67 = tpu.memref_squeeze %dma_start3A_66 : memref<1x128xf32, #tpu.memory_space<vmem>> -> memref<128xf32, #tpu.memory_space<vmem>>
    tpu.enqueue_dma source(%dma_start3A_67 : memref<128xf32, #tpu.memory_space<vmem>>) target(%dma_start3A_64 : memref<128xf32, #tpu.memory_space<vmem_shared>>) target_semaphore(%arg27 : memref<!tpu.dma_semaphore, #tpu.memory_space<semaphore_mem>>)
    %add3A_68 = arith.constant 384 : i32
    %add3A_69 = arith.addi %mul3A_30, %add3A_68 : i32
    %dma_start3A_70 = arith.constant 6 : i32
    %dma_start3A_71 = arith.constant 0 : i32
    %dma_start3A_72 = tpu.memref_slice %arg14[%dma_start3A_70, %dma_start3A_71] : memref<64x128xf32, #tpu.memory_space<vmem>> -> memref<1x128xf32, #tpu.memory_space<vmem>>
    %dma_start3A_73 = tpu.memref_squeeze %dma_start3A_72 : memref<1x128xf32, #tpu.memory_space<vmem>> -> memref<128xf32, #tpu.memory_space<vmem>>
    %dma_start3A_74 = tpu.memref_slice %arg25[%add3A_69] : memref<10000xf32, #tpu.memory_space<vmem_shared>> -> memref<128xf32, #tpu.memory_space<vmem_shared>>
    %dma_start3A_75 = tpu.memref_slice %arg25[%add3A_69] : memref<10000xf32, #tpu.memory_space<vmem_shared>> -> memref<128xf32, #tpu.memory_space<vmem_shared>>
    %dma_start3A_76 = arith.constant 0 : i32
    %dma_start3A_77 = tpu.memref_slice %arg14[%dma_start3A_70, %dma_start3A_76] : memref<64x128xf32, #tpu.memory_space<vmem>> -> memref<1x128xf32, #tpu.memory_space<vmem>>
    %dma_start3A_78 = tpu.memref_squeeze %dma_start3A_77 : memref<1x128xf32, #tpu.memory_space<vmem>> -> memref<128xf32, #tpu.memory_space<vmem>>
    tpu.enqueue_dma source(%dma_start3A_78 : memref<128xf32, #tpu.memory_space<vmem>>) target(%dma_start3A_75 : memref<128xf32, #tpu.memory_space<vmem_shared>>) target_semaphore(%arg27 : memref<!tpu.dma_semaphore, #tpu.memory_space<semaphore_mem>>)
    %add3A_79 = arith.constant 512 : i32
    %add3A_80 = arith.addi %mul3A_30, %add3A_79 : i32
    %dma_start3A_81 = arith.constant 8 : i32
    %dma_start3A_82 = arith.constant 0 : i32
    %dma_start3A_83 = tpu.memref_slice %arg14[%dma_start3A_81, %dma_start3A_82] : memref<64x128xf32, #tpu.memory_space<vmem>> -> memref<1x128xf32, #tpu.memory_space<vmem>>
    %dma_start3A_84 = tpu.memref_squeeze %dma_start3A_83 : memref<1x128xf32, #tpu.memory_space<vmem>> -> memref<128xf32, #tpu.memory_space<vmem>>
    %dma_start3A_85 = tpu.memref_slice %arg25[%add3A_80] : memref<10000xf32, #tpu.memory_space<vmem_shared>> -> memref<128xf32, #tpu.memory_space<vmem_shared>>
    %dma_start3A_86 = tpu.memref_slice %arg25[%add3A_80] : memref<10000xf32, #tpu.memory_space<vmem_shared>> -> memref<128xf32, #tpu.memory_space<vmem_shared>>
    %dma_start3A_87 = arith.constant 0 : i32
    %dma_start3A_88 = tpu.memref_slice %arg14[%dma_start3A_81, %dma_start3A_87] : memref<64x128xf32, #tpu.memory_space<vmem>> -> memref<1x128xf32, #tpu.memory_space<vmem>>
    %dma_start3A_89 = tpu.memref_squeeze %dma_start3A_88 : memref<1x128xf32, #tpu.memory_space<vmem>> -> memref<128xf32, #tpu.memory_space<vmem>>
    tpu.enqueue_dma source(%dma_start3A_89 : memref<128xf32, #tpu.memory_space<vmem>>) target(%dma_start3A_86 : memref<128xf32, #tpu.memory_space<vmem_shared>>) target_semaphore(%arg27 : memref<!tpu.dma_semaphore, #tpu.memory_space<semaphore_mem>>)
    %scan3A_90 = arith.constant 0 : i32
    %scan3A_91 = arith.constant 40 : i32
    %scan3A_92 = arith.addi %scan3A_90, %scan3A_91 : i32
    %scan3A_93 = arith.constant 1 : i32
    scf.for %scan3A_558 = %scan3A_90 to %scan3A_92 step %scan3A_93  : i32 {
      %dma_wait3A_559 = arith.constant 0 : i32
      %dma_wait3A_560 = arith.constant 0 : i32
      %dma_wait3A_561 = tpu.memref_slice %arg14[%dma_wait3A_559, %dma_wait3A_560] : memref<64x128xf32, #tpu.memory_space<vmem>> -> memref<16x128xf32, #tpu.memory_space<vmem>>
      %dma_wait3A_562 = arith.constant 0 : i32
      %dma_wait3A_563 = arith.constant 0 : i32
      %dma_wait3A_564 = tpu.memref_slice %arg24[%dma_wait3A_562, %dma_wait3A_563] : memref<10000x128xf32, #tpu.memory_space<vmem_shared>> -> memref<16x128xf32, #tpu.memory_space<vmem_shared>>
      %dma_wait3A_565 = arith.constant 0 : i32
      %dma_wait3A_566 = arith.constant 0 : i32
      %dma_wait3A_567 = tpu.memref_slice %arg24[%dma_wait3A_565, %dma_wait3A_566] : memref<10000x128xf32, #tpu.memory_space<vmem_shared>> -> memref<16x128xf32, #tpu.memory_space<vmem_shared>>
      %dma_wait3A_568 = arith.constant 0 : i32
      %dma_wait3A_569 = arith.constant 0 : i32
      %dma_wait3A_570 = tpu.memref_slice %arg14[%dma_wait3A_568, %dma_wait3A_569] : memref<64x128xf32, #tpu.memory_space<vmem>> -> memref<16x128xf32, #tpu.memory_space<vmem>>
      tpu.wait_dma2 semaphore(%arg26 : memref<!tpu.dma_semaphore, #tpu.memory_space<semaphore_mem>>) src(%dma_wait3A_570 : memref<16x128xf32, #tpu.memory_space<vmem>>) dst(%dma_wait3A_567 : memref<16x128xf32, #tpu.memory_space<vmem_shared>>)
    }
    %scan3A_94 = arith.constant 40 : i32
    %dma_wait3A = arith.constant 0 : i32
    %dma_wait3A_95 = arith.constant 0 : i32
    %dma_wait3A_96 = tpu.memref_slice %arg14[%dma_wait3A, %dma_wait3A_95] : memref<64x128xf32, #tpu.memory_space<vmem>> -> memref<1x128xf32, #tpu.memory_space<vmem>>
    %dma_wait3A_97 = tpu.memref_squeeze %dma_wait3A_96 : memref<1x128xf32, #tpu.memory_space<vmem>> -> memref<128xf32, #tpu.memory_space<vmem>>
    %dma_wait3A_98 = arith.constant 0 : i32
    %dma_wait3A_99 = tpu.memref_slice %arg25[%dma_wait3A_98] : memref<10000xf32, #tpu.memory_space<vmem_shared>> -> memref<128xf32, #tpu.memory_space<vmem_shared>>
    %dma_wait3A_100 = arith.constant 0 : i32
    %dma_wait3A_101 = tpu.memref_slice %arg25[%dma_wait3A_100] : memref<10000xf32, #tpu.memory_space<vmem_shared>> -> memref<128xf32, #tpu.memory_space<vmem_shared>>
    %dma_wait3A_102 = arith.constant 0 : i32
    %dma_wait3A_103 = tpu.memref_slice %arg14[%dma_wait3A, %dma_wait3A_102] : memref<64x128xf32, #tpu.memory_space<vmem>> -> memref<1x128xf32, #tpu.memory_space<vmem>>
    %dma_wait3A_104 = tpu.memref_squeeze %dma_wait3A_103 : memref<1x128xf32, #tpu.memory_space<vmem>> -> memref<128xf32, #tpu.memory_space<vmem>>
    tpu.wait_dma2 semaphore(%arg27 : memref<!tpu.dma_semaphore, #tpu.memory_space<semaphore_mem>>) src(%dma_wait3A_104 : memref<128xf32, #tpu.memory_space<vmem>>) dst(%dma_wait3A_101 : memref<128xf32, #tpu.memory_space<vmem_shared>>)
    %dma_wait3A_105 = arith.constant 2 : i32
    %dma_wait3A_106 = arith.constant 0 : i32
    %dma_wait3A_107 = tpu.memref_slice %arg14[%dma_wait3A_105, %dma_wait3A_106] : memref<64x128xf32, #tpu.memory_space<vmem>> -> memref<1x128xf32, #tpu.memory_space<vmem>>
    %dma_wait3A_108 = tpu.memref_squeeze %dma_wait3A_107 : memref<1x128xf32, #tpu.memory_space<vmem>> -> memref<128xf32, #tpu.memory_space<vmem>>
    %dma_wait3A_109 = arith.constant 0 : i32
    %dma_wait3A_110 = tpu.memref_slice %arg25[%dma_wait3A_109] : memref<10000xf32, #tpu.memory_space<vmem_shared>> -> memref<128xf32, #tpu.memory_space<vmem_shared>>
    %dma_wait3A_111 = arith.constant 0 : i32
    %dma_wait3A_112 = tpu.memref_slice %arg25[%dma_wait3A_111] : memref<10000xf32, #tpu.memory_space<vmem_shared>> -> memref<128xf32, #tpu.memory_space<vmem_shared>>
    %dma_wait3A_113 = arith.constant 0 : i32
    %dma_wait3A_114 = tpu.memref_slice %arg14[%dma_wait3A_105, %dma_wait3A_113] : memref<64x128xf32, #tpu.memory_space<vmem>> -> memref<1x128xf32, #tpu.memory_space<vmem>>
    %dma_wait3A_115 = tpu.memref_squeeze %dma_wait3A_114 : memref<1x128xf32, #tpu.memory_space<vmem>> -> memref<128xf32, #tpu.memory_space<vmem>>
    tpu.wait_dma2 semaphore(%arg27 : memref<!tpu.dma_semaphore, #tpu.memory_space<semaphore_mem>>) src(%dma_wait3A_115 : memref<128xf32, #tpu.memory_space<vmem>>) dst(%dma_wait3A_112 : memref<128xf32, #tpu.memory_space<vmem_shared>>)
    %dma_wait3A_116 = arith.constant 4 : i32
    %dma_wait3A_117 = arith.constant 0 : i32
    %dma_wait3A_118 = tpu.memref_slice %arg14[%dma_wait3A_116, %dma_wait3A_117] : memref<64x128xf32, #tpu.memory_space<vmem>> -> memref<1x128xf32, #tpu.memory_space<vmem>>
    %dma_wait3A_119 = tpu.memref_squeeze %dma_wait3A_118 : memref<1x128xf32, #tpu.memory_space<vmem>> -> memref<128xf32, #tpu.memory_space<vmem>>
    %dma_wait3A_120 = arith.constant 0 : i32
    %dma_wait3A_121 = tpu.memref_slice %arg25[%dma_wait3A_120] : memref<10000xf32, #tpu.memory_space<vmem_shared>> -> memref<128xf32, #tpu.memory_space<vmem_shared>>
    %dma_wait3A_122 = arith.constant 0 : i32
    %dma_wait3A_123 = tpu.memref_slice %arg25[%dma_wait3A_122] : memref<10000xf32, #tpu.memory_space<vmem_shared>> -> memref<128xf32, #tpu.memory_space<vmem_shared>>
    %dma_wait3A_124 = arith.constant 0 : i32
    %dma_wait3A_125 = tpu.memref_slice %arg14[%dma_wait3A_116, %dma_wait3A_124] : memref<64x128xf32, #tpu.memory_space<vmem>> -> memref<1x128xf32, #tpu.memory_space<vmem>>
    %dma_wait3A_126 = tpu.memref_squeeze %dma_wait3A_125 : memref<1x128xf32, #tpu.memory_space<vmem>> -> memref<128xf32, #tpu.memory_space<vmem>>
    tpu.wait_dma2 semaphore(%arg27 : memref<!tpu.dma_semaphore, #tpu.memory_space<semaphore_mem>>) src(%dma_wait3A_126 : memref<128xf32, #tpu.memory_space<vmem>>) dst(%dma_wait3A_123 : memref<128xf32, #tpu.memory_space<vmem_shared>>)
    %dma_wait3A_127 = arith.constant 6 : i32
    %dma_wait3A_128 = arith.constant 0 : i32
    %dma_wait3A_129 = tpu.memref_slice %arg14[%dma_wait3A_127, %dma_wait3A_128] : memref<64x128xf32, #tpu.memory_space<vmem>> -> memref<1x128xf32, #tpu.memory_space<vmem>>
    %dma_wait3A_130 = tpu.memref_squeeze %dma_wait3A_129 : memref<1x128xf32, #tpu.memory_space<vmem>> -> memref<128xf32, #tpu.memory_space<vmem>>
    %dma_wait3A_131 = arith.constant 0 : i32
    %dma_wait3A_132 = tpu.memref_slice %arg25[%dma_wait3A_131] : memref<10000xf32, #tpu.memory_space<vmem_shared>> -> memref<128xf32, #tpu.memory_space<vmem_shared>>
    %dma_wait3A_133 = arith.constant 0 : i32
    %dma_wait3A_134 = tpu.memref_slice %arg25[%dma_wait3A_133] : memref<10000xf32, #tpu.memory_space<vmem_shared>> -> memref<128xf32, #tpu.memory_space<vmem_shared>>
    %dma_wait3A_135 = arith.constant 0 : i32
    %dma_wait3A_136 = tpu.memref_slice %arg14[%dma_wait3A_127, %dma_wait3A_135] : memref<64x128xf32, #tpu.memory_space<vmem>> -> memref<1x128xf32, #tpu.memory_space<vmem>>
    %dma_wait3A_137 = tpu.memref_squeeze %dma_wait3A_136 : memref<1x128xf32, #tpu.memory_space<vmem>> -> memref<128xf32, #tpu.memory_space<vmem>>
    tpu.wait_dma2 semaphore(%arg27 : memref<!tpu.dma_semaphore, #tpu.memory_space<semaphore_mem>>) src(%dma_wait3A_137 : memref<128xf32, #tpu.memory_space<vmem>>) dst(%dma_wait3A_134 : memref<128xf32, #tpu.memory_space<vmem_shared>>)
    %dma_wait3A_138 = arith.constant 8 : i32
    %dma_wait3A_139 = arith.constant 0 : i32
    %dma_wait3A_140 = tpu.memref_slice %arg14[%dma_wait3A_138, %dma_wait3A_139] : memref<64x128xf32, #tpu.memory_space<vmem>> -> memref<1x128xf32, #tpu.memory_space<vmem>>
    %dma_wait3A_141 = tpu.memref_squeeze %dma_wait3A_140 : memref<1x128xf32, #tpu.memory_space<vmem>> -> memref<128xf32, #tpu.memory_space<vmem>>
    %dma_wait3A_142 = arith.constant 0 : i32
    %dma_wait3A_143 = tpu.memref_slice %arg25[%dma_wait3A_142] : memref<10000xf32, #tpu.memory_space<vmem_shared>> -> memref<128xf32, #tpu.memory_space<vmem_shared>>
    %dma_wait3A_144 = arith.constant 0 : i32
    %dma_wait3A_145 = tpu.memref_slice %arg25[%dma_wait3A_144] : memref<10000xf32, #tpu.memory_space<vmem_shared>> -> memref<128xf32, #tpu.memory_space<vmem_shared>>
    %dma_wait3A_146 = arith.constant 0 : i32
    %dma_wait3A_147 = tpu.memref_slice %arg14[%dma_wait3A_138, %dma_wait3A_146] : memref<64x128xf32, #tpu.memory_space<vmem>> -> memref<1x128xf32, #tpu.memory_space<vmem>>
    %dma_wait3A_148 = tpu.memref_squeeze %dma_wait3A_147 : memref<1x128xf32, #tpu.memory_space<vmem>> -> memref<128xf32, #tpu.memory_space<vmem>>
    tpu.wait_dma2 semaphore(%arg27 : memref<!tpu.dma_semaphore, #tpu.memory_space<semaphore_mem>>) src(%dma_wait3A_148 : memref<128xf32, #tpu.memory_space<vmem>>) dst(%dma_wait3A_145 : memref<128xf32, #tpu.memory_space<vmem_shared>>)
    %barrier3A = arith.constant 0 : index
    tpu.barrier barrier_id(%barrier3A)
    %add3A_149 = arith.constant 0 : i32
    %add3A_150 = arith.addi %mul3A_2, %add3A_149 : i32
    %dma_start3A_151 = tpu.memref_slice %arg5[%add3A_150] : memref<320256xi32, #tpu.memory_space<hbm>> -> memref<256xi32, #tpu.memory_space<hbm>>
    %dma_start3A_152 = tpu.memref_slice %arg5[%add3A_150] : memref<320256xi32, #tpu.memory_space<hbm>> -> memref<256xi32, #tpu.memory_space<hbm>>
    tpu.enqueue_dma source(%dma_start3A_152 : memref<256xi32, #tpu.memory_space<hbm>>) target(%arg11 : memref<256xi32, #tpu.memory_space<vmem>>) target_semaphore(%arg36 : memref<!tpu.dma_semaphore, #tpu.memory_space<semaphore_mem>>)
    %add3A_153 = arith.constant 0 : i32
    %add3A_154 = arith.addi %mul3A_2, %add3A_153 : i32
    %dma_start3A_155 = tpu.memref_slice %arg6[%add3A_154] : memref<320256xi32, #tpu.memory_space<hbm>> -> memref<256xi32, #tpu.memory_space<hbm>>
    %dma_start3A_156 = tpu.memref_slice %arg6[%add3A_154] : memref<320256xi32, #tpu.memory_space<hbm>> -> memref<256xi32, #tpu.memory_space<hbm>>
    tpu.enqueue_dma source(%dma_start3A_156 : memref<256xi32, #tpu.memory_space<hbm>>) target(%arg12 : memref<256xi32, #tpu.memory_space<vmem>>) target_semaphore(%arg37 : memref<!tpu.dma_semaphore, #tpu.memory_space<semaphore_mem>>)
    %dma_wait3A_157 = tpu.memref_slice %arg5[%add3A_150] : memref<320256xi32, #tpu.memory_space<hbm>> -> memref<256xi32, #tpu.memory_space<hbm>>
    %dma_wait3A_158 = tpu.memref_slice %arg5[%add3A_150] : memref<320256xi32, #tpu.memory_space<hbm>> -> memref<256xi32, #tpu.memory_space<hbm>>
    tpu.wait_dma2 semaphore(%arg36 : memref<!tpu.dma_semaphore, #tpu.memory_space<semaphore_mem>>) src(%dma_wait3A_158 : memref<256xi32, #tpu.memory_space<hbm>>) dst(%arg11 : memref<256xi32, #tpu.memory_space<vmem>>)
    %dma_wait3A_159 = tpu.memref_slice %arg6[%add3A_154] : memref<320256xi32, #tpu.memory_space<hbm>> -> memref<256xi32, #tpu.memory_space<hbm>>
    %dma_wait3A_160 = tpu.memref_slice %arg6[%add3A_154] : memref<320256xi32, #tpu.memory_space<hbm>> -> memref<256xi32, #tpu.memory_space<hbm>>
    tpu.wait_dma2 semaphore(%arg37 : memref<!tpu.dma_semaphore, #tpu.memory_space<semaphore_mem>>) src(%dma_wait3A_160 : memref<256xi32, #tpu.memory_space<hbm>>) dst(%arg12 : memref<256xi32, #tpu.memory_space<vmem>>)
    %get3A = arith.constant 0 : index
    %get3A_161 = tpu.vector_load %arg12[%get3A] {strides = array<i32>} : memref<256xi32, #tpu.memory_space<vmem>>, vector<16xi32>,
    %get3A_162 = vector.shape_cast %get3A_161 : vector<16xi32> to vector<16xi32>
    %swap3A_163 = arith.constant 0 : index
    %swap3A_164 = tpu.vector_load %arg18[%swap3A_163] {strides = array<i32>} : memref<64xi32, #tpu.memory_space<vmem>>, vector<16xi32>,
    %swap3A_165 = vector.shape_cast %swap3A_164 : vector<16xi32> to vector<16xi32>
    %swap3A_166 = vector.shape_cast %get3A_162 : vector<16xi32> to vector<16xi32>
    tpu.vector_store %arg18[%swap3A_163], %swap3A_166 {strides = array<i32>} : memref<64xi32, #tpu.memory_space<vmem>>, vector<16xi32>,
    %get3A_167 = arith.constant 16 : index
    %get3A_168 = tpu.vector_load %arg12[%get3A_167] {strides = array<i32>} : memref<256xi32, #tpu.memory_space<vmem>>, vector<16xi32>,
    %get3A_169 = vector.shape_cast %get3A_168 : vector<16xi32> to vector<16xi32>
    %swap3A_170 = arith.constant 16 : index
    %swap3A_171 = tpu.vector_load %arg18[%swap3A_170] {strides = array<i32>} : memref<64xi32, #tpu.memory_space<vmem>>, vector<16xi32>,
    %swap3A_172 = vector.shape_cast %swap3A_171 : vector<16xi32> to vector<16xi32>
    %swap3A_173 = vector.shape_cast %get3A_169 : vector<16xi32> to vector<16xi32>
    tpu.vector_store %arg18[%swap3A_170], %swap3A_173 {strides = array<i32>} : memref<64xi32, #tpu.memory_space<vmem>>, vector<16xi32>,
    %get3A_174 = arith.constant 32 : index
    %get3A_175 = tpu.vector_load %arg12[%get3A_174] {strides = array<i32>} : memref<256xi32, #tpu.memory_space<vmem>>, vector<16xi32>,
    %get3A_176 = vector.shape_cast %get3A_175 : vector<16xi32> to vector<16xi32>
    %swap3A_177 = arith.constant 32 : index
    %swap3A_178 = tpu.vector_load %arg18[%swap3A_177] {strides = array<i32>} : memref<64xi32, #tpu.memory_space<vmem>>, vector<16xi32>,
    %swap3A_179 = vector.shape_cast %swap3A_178 : vector<16xi32> to vector<16xi32>
    %swap3A_180 = vector.shape_cast %get3A_176 : vector<16xi32> to vector<16xi32>
    tpu.vector_store %arg18[%swap3A_177], %swap3A_180 {strides = array<i32>} : memref<64xi32, #tpu.memory_space<vmem>>, vector<16xi32>,
    %get3A_181 = arith.constant 48 : index
    %get3A_182 = tpu.vector_load %arg12[%get3A_181] {strides = array<i32>} : memref<256xi32, #tpu.memory_space<vmem>>, vector<16xi32>,
    %get3A_183 = vector.shape_cast %get3A_182 : vector<16xi32> to vector<16xi32>
    %swap3A_184 = arith.constant 48 : index
    %swap3A_185 = tpu.vector_load %arg18[%swap3A_184] {strides = array<i32>} : memref<64xi32, #tpu.memory_space<vmem>>, vector<16xi32>,
    %swap3A_186 = vector.shape_cast %swap3A_185 : vector<16xi32> to vector<16xi32>
    %swap3A_187 = vector.shape_cast %get3A_183 : vector<16xi32> to vector<16xi32>
    tpu.vector_store %arg18[%swap3A_184], %swap3A_187 {strides = array<i32>} : memref<64xi32, #tpu.memory_space<vmem>>, vector<16xi32>,
    %dma_start3A_188 = arith.constant 0 : i32
    %dma_start3A_189 = tpu.memref_slice %arg11[%dma_start3A_188] : memref<256xi32, #tpu.memory_space<vmem>> -> memref<64xi32, #tpu.memory_space<vmem>>
    %dma_start3A_190 = arith.constant 0 : i32
    %dma_start3A_191 = arith.constant 0 : i32
    %dma_start3A_192 = tpu.memref_slice %arg2[%dma_start3A_190, %dma_start3A_191] : memref<10000x128xf32, #tpu.memory_space<hbm>> -> memref<10000x128xf32, #tpu.memory_space<hbm>>
    tpu.enqueue_indirect_dma source(%dma_start3A_192 : memref<10000x128xf32, #tpu.memory_space<hbm>>) target(%arg14 : memref<64x128xf32, #tpu.memory_space<vmem>>) offsets(%dma_start3A_189 : memref<64xi32, #tpu.memory_space<vmem>>) semaphore(%arg26 : memref<!tpu.dma_semaphore, #tpu.memory_space<semaphore_mem>>)
    %dma_start3A_193 = arith.constant 0 : i32
    %dma_start3A_194 = arith.constant 0 : i32
    %dma_start3A_195 = tpu.memref_slice %arg3[%dma_start3A_193, %dma_start3A_194] : memref<10000x128xf32, #tpu.memory_space<hbm>> -> memref<10000x128xf32, #tpu.memory_space<hbm>>
    tpu.enqueue_indirect_dma source(%dma_start3A_195 : memref<10000x128xf32, #tpu.memory_space<hbm>>) target(%arg15 : memref<64x128xf32, #tpu.memory_space<vmem>>) offsets(%arg18 : memref<64xi32, #tpu.memory_space<vmem>>) semaphore(%arg27 : memref<!tpu.dma_semaphore, #tpu.memory_space<semaphore_mem>>)
    %dma_start3A_196 = arith.constant 0 : i32
    %dma_start3A_197 = tpu.memref_slice %arg11[%dma_start3A_196] : memref<256xi32, #tpu.memory_space<vmem>> -> memref<64xi32, #tpu.memory_space<vmem>>
    %dma_start3A_198 = arith.constant 0 : i32
    %dma_start3A_199 = arith.constant 0 : i32
    %dma_start3A_200 = tpu.memref_slice %arg4[%dma_start3A_198, %dma_start3A_199] : memref<10000x128xf32, #tpu.memory_space<hbm>> -> memref<10000x128xf32, #tpu.memory_space<hbm>>
    tpu.enqueue_indirect_dma source(%dma_start3A_200 : memref<10000x128xf32, #tpu.memory_space<hbm>>) target(%arg16 : memref<64x128xf32, #tpu.memory_space<vmem>>) offsets(%dma_start3A_197 : memref<64xi32, #tpu.memory_space<vmem>>) semaphore(%arg28 : memref<!tpu.dma_semaphore, #tpu.memory_space<semaphore_mem>>)
    %scan3A_201 = arith.constant 0 : i32
    %scan3A_202 = arith.constant 78 : i32
    %scan3A_203 = arith.addi %scan3A_201, %scan3A_202 : i32
    %scan3A_204 = arith.constant 1 : i32
    scf.for %scan3A_558 = %scan3A_201 to %scan3A_203 step %scan3A_204  : i32 {
      %mul3A_559 = arith.constant 2 : i32
      %mul3A_560 = arith.muli %mul3A_559, %scan3A_558 : i32
      %dma_wait3A_561 = arith.constant 0 : i32
      %dma_wait3A_562 = arith.constant 0 : i32
      %dma_wait3A_563 = tpu.memref_slice %arg2[%dma_wait3A_561, %dma_wait3A_562] : memref<10000x128xf32, #tpu.memory_space<hbm>> -> memref<64x128xf32, #tpu.memory_space<hbm>>
      %dma_wait3A_564 = arith.constant 0 : i32
      %dma_wait3A_565 = arith.constant 0 : i32
      %dma_wait3A_566 = tpu.memref_slice %arg2[%dma_wait3A_564, %dma_wait3A_565] : memref<10000x128xf32, #tpu.memory_space<hbm>> -> memref<64x128xf32, #tpu.memory_space<hbm>>
      tpu.wait_dma2 semaphore(%arg26 : memref<!tpu.dma_semaphore, #tpu.memory_space<semaphore_mem>>) src(%dma_wait3A_566 : memref<64x128xf32, #tpu.memory_space<hbm>>) dst(%arg14 : memref<64x128xf32, #tpu.memory_space<vmem>>)
      %dma_wait3A_567 = arith.constant 0 : i32
      %dma_wait3A_568 = arith.constant 0 : i32
      %dma_wait3A_569 = tpu.memref_slice %arg3[%dma_wait3A_567, %dma_wait3A_568] : memref<10000x128xf32, #tpu.memory_space<hbm>> -> memref<64x128xf32, #tpu.memory_space<hbm>>
      %dma_wait3A_570 = arith.constant 0 : i32
      %dma_wait3A_571 = arith.constant 0 : i32
      %dma_wait3A_572 = tpu.memref_slice %arg3[%dma_wait3A_570, %dma_wait3A_571] : memref<10000x128xf32, #tpu.memory_space<hbm>> -> memref<64x128xf32, #tpu.memory_space<hbm>>
      tpu.wait_dma2 semaphore(%arg27 : memref<!tpu.dma_semaphore, #tpu.memory_space<semaphore_mem>>) src(%dma_wait3A_572 : memref<64x128xf32, #tpu.memory_space<hbm>>) dst(%arg15 : memref<64x128xf32, #tpu.memory_space<vmem>>)
      %dma_wait3A_573 = arith.constant 0 : i32
      %dma_wait3A_574 = arith.constant 0 : i32
      %dma_wait3A_575 = tpu.memref_slice %arg4[%dma_wait3A_573, %dma_wait3A_574] : memref<10000x128xf32, #tpu.memory_space<hbm>> -> memref<64x128xf32, #tpu.memory_space<hbm>>
      %dma_wait3A_576 = arith.constant 0 : i32
      %dma_wait3A_577 = arith.constant 0 : i32
      %dma_wait3A_578 = tpu.memref_slice %arg4[%dma_wait3A_576, %dma_wait3A_577] : memref<10000x128xf32, #tpu.memory_space<hbm>> -> memref<64x128xf32, #tpu.memory_space<hbm>>
      tpu.wait_dma2 semaphore(%arg28 : memref<!tpu.dma_semaphore, #tpu.memory_space<semaphore_mem>>) src(%dma_wait3A_578 : memref<64x128xf32, #tpu.memory_space<hbm>>) dst(%arg16 : memref<64x128xf32, #tpu.memory_space<vmem>>)
      %gt3A = arith.constant 0 : i32
      %gt3A_579 = arith.cmpi sgt, %scan3A_558, %gt3A : i32
      %convert_element_type3A_580 = arith.extui %gt3A_579 : i1 to i32
      %cond3A_581 = arith.constant 0 : i32
      %cond3A_582 = arith.cmpi ne, %convert_element_type3A_580, %cond3A_581 : i32
      scf.if %cond3A_582 {
        %dma_wait3A_738 = arith.constant 0 : i32
        %dma_wait3A_739 = arith.constant 0 : i32
        %dma_wait3A_740 = tpu.memref_slice %arg2[%dma_wait3A_738, %dma_wait3A_739] : memref<10000x128xf32, #tpu.memory_space<hbm>> -> memref<64x128xf32, #tpu.memory_space<hbm>>
        %dma_wait3A_741 = arith.constant 0 : i32
        %dma_wait3A_742 = arith.constant 0 : i32
        %dma_wait3A_743 = tpu.memref_slice %arg2[%dma_wait3A_741, %dma_wait3A_742] : memref<10000x128xf32, #tpu.memory_space<hbm>> -> memref<64x128xf32, #tpu.memory_space<hbm>>
        tpu.wait_dma2 semaphore(%arg34 : memref<!tpu.dma_semaphore, #tpu.memory_space<semaphore_mem>>) src(%dma_wait3A_743 : memref<64x128xf32, #tpu.memory_space<hbm>>) dst(%arg21 : memref<64x128xf32, #tpu.memory_space<vmem>>)
        %dma_wait3A_744 = arith.constant 0 : i32
        %dma_wait3A_745 = tpu.memref_slice %arg9[%dma_wait3A_744] : memref<20000xf32, #tpu.memory_space<hbm>> -> memref<64xf32, #tpu.memory_space<hbm>>
        %dma_wait3A_746 = arith.constant 0 : i32
        %dma_wait3A_747 = tpu.memref_slice %arg9[%dma_wait3A_746] : memref<20000xf32, #tpu.memory_space<hbm>> -> memref<64xf32, #tpu.memory_space<hbm>>
        tpu.wait_dma2 semaphore(%arg35 : memref<!tpu.dma_semaphore, #tpu.memory_space<semaphore_mem>>) src(%dma_wait3A_747 : memref<64xf32, #tpu.memory_space<hbm>>) dst(%arg22 : memref<64xf32, #tpu.memory_space<vmem>>)
      } else {
      }
      %add3A_583 = arith.constant 1 : i32
      %add3A_584 = arith.addi %mul3A_560, %add3A_583 : i32
      %jit3A = arith.constant 4 : i32
      %eq3A_585 = arith.constant 0 : i32
      %eq3A_586 = arith.cmpi eq, %jit3A, %eq3A_585 : i32
      %jit3A_587 = arith.constant 1 : i32
      %select_n3A = arith.select %eq3A_586, %jit3A_587, %jit3A : i32
      %rem3A = arith.remsi %add3A_584, %select_n3A : i32
      %ne3A = arith.constant 0 : i32
      %ne3A_588 = arith.cmpi ne, %rem3A, %ne3A : i32
      %lt3A = arith.constant 0 : i32
      %lt3A_589 = arith.cmpi slt, %rem3A, %lt3A : i32
      %lt3A_590 = arith.constant 0 : i32
      %lt3A_591 = arith.cmpi slt, %select_n3A, %lt3A_590 : i32
      %ne3A_592 = arith.xori %lt3A_589, %lt3A_591 : i1
      %and3A = arith.andi %ne3A_592, %ne3A_588 : i1
      %add3A_593 = arith.addi %rem3A, %select_n3A : i32
      %select_n3A_594 = arith.select %and3A, %add3A_593, %rem3A : i32
      %mul3A_595 = arith.constant 64 : i32
      %mul3A_596 = arith.muli %select_n3A_594, %mul3A_595 : i32
      %add3A_597 = arith.constant 0 : i32
      %add3A_598 = arith.addi %mul3A_596, %add3A_597 : i32
      %get3A_599 = arith.index_cast %add3A_598 : i32 to index
      %get3A_600 = tpu.vector_load %arg12[%get3A_599] {strides = array<i32>} : memref<256xi32, #tpu.memory_space<vmem>>, vector<16xi32>,
      %get3A_601 = vector.shape_cast %get3A_600 : vector<16xi32> to vector<16xi32>
      %swap3A_602 = arith.constant 0 : index
      %swap3A_603 = tpu.vector_load %arg23[%swap3A_602] {strides = array<i32>} : memref<64xi32, #tpu.memory_space<vmem>>, vector<16xi32>,
      %swap3A_604 = vector.shape_cast %swap3A_603 : vector<16xi32> to vector<16xi32>
      %swap3A_605 = vector.shape_cast %get3A_601 : vector<16xi32> to vector<16xi32>
      tpu.vector_store %arg23[%swap3A_602], %swap3A_605 {strides = array<i32>} : memref<64xi32, #tpu.memory_space<vmem>>, vector<16xi32>,
      %add3A_606 = arith.constant 16 : i32
      %add3A_607 = arith.addi %mul3A_596, %add3A_606 : i32
      %get3A_608 = arith.index_cast %add3A_607 : i32 to index
      %get3A_609 = tpu.vector_load %arg12[%get3A_608] {strides = array<i32>} : memref<256xi32, #tpu.memory_space<vmem>>, vector<16xi32>,
      %get3A_610 = vector.shape_cast %get3A_609 : vector<16xi32> to vector<16xi32>
      %swap3A_611 = arith.constant 16 : index
      %swap3A_612 = tpu.vector_load %arg23[%swap3A_611] {strides = array<i32>} : memref<64xi32, #tpu.memory_space<vmem>>, vector<16xi32>,
      %swap3A_613 = vector.shape_cast %swap3A_612 : vector<16xi32> to vector<16xi32>
      %swap3A_614 = vector.shape_cast %get3A_610 : vector<16xi32> to vector<16xi32>
      tpu.vector_store %arg23[%swap3A_611], %swap3A_614 {strides = array<i32>} : memref<64xi32, #tpu.memory_space<vmem>>, vector<16xi32>,
      %add3A_615 = arith.constant 32 : i32
      %add3A_616 = arith.addi %mul3A_596, %add3A_615 : i32
      %get3A_617 = arith.index_cast %add3A_616 : i32 to index
      %get3A_618 = tpu.vector_load %arg12[%get3A_617] {strides = array<i32>} : memref<256xi32, #tpu.memory_space<vmem>>, vector<16xi32>,
      %get3A_619 = vector.shape_cast %get3A_618 : vector<16xi32> to vector<16xi32>
      %swap3A_620 = arith.constant 32 : index
      %swap3A_621 = tpu.vector_load %arg23[%swap3A_620] {strides = array<i32>} : memref<64xi32, #tpu.memory_space<vmem>>, vector<16xi32>,
      %swap3A_622 = vector.shape_cast %swap3A_621 : vector<16xi32> to vector<16xi32>
      %swap3A_623 = vector.shape_cast %get3A_619 : vector<16xi32> to vector<16xi32>
      tpu.vector_store %arg23[%swap3A_620], %swap3A_623 {strides = array<i32>} : memref<64xi32, #tpu.memory_space<vmem>>, vector<16xi32>,
      %add3A_624 = arith.constant 48 : i32
      %add3A_625 = arith.addi %mul3A_596, %add3A_624 : i32
      %get3A_626 = arith.index_cast %add3A_625 : i32 to index
      %get3A_627 = tpu.vector_load %arg12[%get3A_626] {strides = array<i32>} : memref<256xi32, #tpu.memory_space<vmem>>, vector<16xi32>,
      %get3A_628 = vector.shape_cast %get3A_627 : vector<16xi32> to vector<16xi32>
      %swap3A_629 = arith.constant 48 : index
      %swap3A_630 = tpu.vector_load %arg23[%swap3A_629] {strides = array<i32>} : memref<64xi32, #tpu.memory_space<vmem>>, vector<16xi32>,
      %swap3A_631 = vector.shape_cast %swap3A_630 : vector<16xi32> to vector<16xi32>
      %swap3A_632 = vector.shape_cast %get3A_628 : vector<16xi32> to vector<16xi32>
      tpu.vector_store %arg23[%swap3A_629], %swap3A_632 {strides = array<i32>} : memref<64xi32, #tpu.memory_space<vmem>>, vector<16xi32>,
      %add3A_633 = arith.constant 1 : i32
      %add3A_634 = arith.addi %mul3A_560, %add3A_633 : i32
      %jit3A_635 = arith.constant 4 : i32
      %eq3A_636 = arith.constant 0 : i32
      %eq3A_637 = arith.cmpi eq, %jit3A_635, %eq3A_636 : i32
      %jit3A_638 = arith.constant 1 : i32
      %select_n3A_639 = arith.select %eq3A_637, %jit3A_638, %jit3A_635 : i32
      %rem3A_640 = arith.remsi %add3A_634, %select_n3A_639 : i32
      %ne3A_641 = arith.constant 0 : i32
      %ne3A_642 = arith.cmpi ne, %rem3A_640, %ne3A_641 : i32
      %lt3A_643 = arith.constant 0 : i32
      %lt3A_644 = arith.cmpi slt, %rem3A_640, %lt3A_643 : i32
      %lt3A_645 = arith.constant 0 : i32
      %lt3A_646 = arith.cmpi slt, %select_n3A_639, %lt3A_645 : i32
      %ne3A_647 = arith.xori %lt3A_644, %lt3A_646 : i1
      %and3A_648 = arith.andi %ne3A_647, %ne3A_642 : i1
      %add3A_649 = arith.addi %rem3A_640, %select_n3A_639 : i32
      %select_n3A_650 = arith.select %and3A_648, %add3A_649, %rem3A_640 : i32
      %mul3A_651 = arith.constant 64 : i32
      %mul3A_652 = arith.muli %select_n3A_650, %mul3A_651 : i32
      %dma_start3A_653 = tpu.memref_slice %arg11[%mul3A_652] : memref<256xi32, #tpu.memory_space<vmem>> -> memref<64xi32, #tpu.memory_space<vmem>>
      %dma_start3A_654 = arith.constant 0 : i32
      %dma_start3A_655 = arith.constant 0 : i32
      %dma_start3A_656 = tpu.memref_slice %arg2[%dma_start3A_654, %dma_start3A_655] : memref<10000x128xf32, #tpu.memory_space<hbm>> -> memref<10000x128xf32, #tpu.memory_space<hbm>>
      tpu.enqueue_indirect_dma source(%dma_start3A_656 : memref<10000x128xf32, #tpu.memory_space<hbm>>) target(%arg19 : memref<64x128xf32, #tpu.memory_space<vmem>>) offsets(%dma_start3A_653 : memref<64xi32, #tpu.memory_space<vmem>>) semaphore(%arg31 : memref<!tpu.dma_semaphore, #tpu.memory_space<semaphore_mem>>)
      %dma_start3A_657 = arith.constant 0 : i32
      %dma_start3A_658 = arith.constant 0 : i32
      %dma_start3A_659 = tpu.memref_slice %arg3[%dma_start3A_657, %dma_start3A_658] : memref<10000x128xf32, #tpu.memory_space<hbm>> -> memref<10000x128xf32, #tpu.memory_space<hbm>>
      tpu.enqueue_indirect_dma source(%dma_start3A_659 : memref<10000x128xf32, #tpu.memory_space<hbm>>) target(%arg20 : memref<64x128xf32, #tpu.memory_space<vmem>>) offsets(%arg23 : memref<64xi32, #tpu.memory_space<vmem>>) semaphore(%arg32 : memref<!tpu.dma_semaphore, #tpu.memory_space<semaphore_mem>>)
      %dma_start3A_660 = tpu.memref_slice %arg11[%mul3A_652] : memref<256xi32, #tpu.memory_space<vmem>> -> memref<64xi32, #tpu.memory_space<vmem>>
      %dma_start3A_661 = arith.constant 0 : i32
      %dma_start3A_662 = arith.constant 0 : i32
      %dma_start3A_663 = tpu.memref_slice %arg4[%dma_start3A_661, %dma_start3A_662] : memref<10000x128xf32, #tpu.memory_space<hbm>> -> memref<10000x128xf32, #tpu.memory_space<hbm>>
      tpu.enqueue_indirect_dma source(%dma_start3A_663 : memref<10000x128xf32, #tpu.memory_space<hbm>>) target(%arg21 : memref<64x128xf32, #tpu.memory_space<vmem>>) offsets(%dma_start3A_660 : memref<64xi32, #tpu.memory_space<vmem>>) semaphore(%arg33 : memref<!tpu.dma_semaphore, #tpu.memory_space<semaphore_mem>>)
      %scan3A_664 = arith.constant 0 : i32
      %scan3A_665 = arith.constant 4 : i32
      %scan3A_666 = arith.addi %scan3A_664, %scan3A_665 : i32
      %scan3A_667 = arith.constant 1 : i32
      scf.for %scan3A_738 = %scan3A_664 to %scan3A_666 step %scan3A_667  : i32 {
        %broadcast_in_dim3A_739 = arith.constant 0.000000e+00 : f32
        %broadcast_in_dim3A_740 = vector.broadcast %broadcast_in_dim3A_739 : f32 to vector<16xf32>
        %scan3A_741 = arith.constant 0 : i32
        %scan3A_742 = arith.constant 16 : i32
        %scan3A_743 = arith.addi %scan3A_741, %scan3A_742 : i32
        %scan3A_744 = arith.constant 1 : i32
        %scan3A_745 = scf.for %scan3A_754 = %scan3A_741 to %scan3A_743 step %scan3A_744 iter_args(%scan3A_755 = %broadcast_in_dim3A_740) -> (vector<16xf32>)  : i32 {
          %mul3A_756 = arith.constant 16 : i32
          %mul3A_757 = arith.muli %scan3A_738, %mul3A_756 : i32
          %add3A_758 = arith.addi %mul3A_757, %scan3A_754 : i32
          %broadcast_in_dim3A_759 = arith.constant 0.000000e+00 : f32
          %broadcast_in_dim3A_760 = vector.broadcast %broadcast_in_dim3A_759 : f32 to vector<16xf32>
          %get3A_761 = arith.index_cast %add3A_758 : i32 to index
          %get3A_762 = arith.constant 0 : index
          %get3A_763 = tpu.vector_load %arg14[%get3A_761, %get3A_762] {strides = array<i32>} : memref<64x128xf32, #tpu.memory_space<vmem>>, vector<1x16xf32>,
          %get3A_764 = vector.shape_cast %get3A_763 : vector<1x16xf32> to vector<16xf32>
          %get3A_765 = arith.index_cast %add3A_758 : i32 to index
          %get3A_766 = arith.constant 0 : index
          %get3A_767 = tpu.vector_load %arg15[%get3A_765, %get3A_766] {strides = array<i32>} : memref<64x128xf32, #tpu.memory_space<vmem>>, vector<1x16xf32>,
          %get3A_768 = vector.shape_cast %get3A_767 : vector<1x16xf32> to vector<16xf32>
          %mul3A_769 = arith.mulf %get3A_764, %get3A_768 : vector<16xf32>
          %add3A_770 = arith.constant 1.000000e+00 : f32
          %add3A_771 = vector.broadcast %add3A_770 : f32 to vector<16xf32>
          %add3A_772 = arith.addf %add3A_771, %mul3A_769 : vector<16xf32>
          %get3A_773 = arith.constant 0 : index
          %get3A_774 = tpu.vector_load %arg10[%get3A_773] {strides = array<i32>} : memref<128xf32, #tpu.memory_space<vmem>>, vector<16xf32>,
          %get3A_775 = vector.shape_cast %get3A_774 : vector<16xf32> to vector<16xf32>
          %div3A = arith.divf %get3A_775, %add3A_772 : vector<16xf32>
          %add3A_776 = arith.addf %broadcast_in_dim3A_760, %div3A : vector<16xf32>
          %get3A_777 = arith.index_cast %add3A_758 : i32 to index
          %get3A_778 = arith.constant 16 : index
          %get3A_779 = tpu.vector_load %arg14[%get3A_777, %get3A_778] {strides = array<i32>} : memref<64x128xf32, #tpu.memory_space<vmem>>, vector<1x16xf32>,
          %get3A_780 = vector.shape_cast %get3A_779 : vector<1x16xf32> to vector<16xf32>
          %get3A_781 = arith.index_cast %add3A_758 : i32 to index
          %get3A_782 = arith.constant 16 : index
          %get3A_783 = tpu.vector_load %arg15[%get3A_781, %get3A_782] {strides = array<i32>} : memref<64x128xf32, #tpu.memory_space<vmem>>, vector<1x16xf32>,
          %get3A_784 = vector.shape_cast %get3A_783 : vector<1x16xf32> to vector<16xf32>
          %mul3A_785 = arith.mulf %get3A_780, %get3A_784 : vector<16xf32>
          %add3A_786 = arith.constant 1.000000e+00 : f32
          %add3A_787 = vector.broadcast %add3A_786 : f32 to vector<16xf32>
          %add3A_788 = arith.addf %add3A_787, %mul3A_785 : vector<16xf32>
          %get3A_789 = arith.constant 16 : index
          %get3A_790 = tpu.vector_load %arg10[%get3A_789] {strides = array<i32>} : memref<128xf32, #tpu.memory_space<vmem>>, vector<16xf32>,
          %get3A_791 = vector.shape_cast %get3A_790 : vector<16xf32> to vector<16xf32>
          %div3A_792 = arith.divf %get3A_791, %add3A_788 : vector<16xf32>
          %add3A_793 = arith.addf %add3A_776, %div3A_792 : vector<16xf32>
          %get3A_794 = arith.index_cast %add3A_758 : i32 to index
          %get3A_795 = arith.constant 32 : index
          %get3A_796 = tpu.vector_load %arg14[%get3A_794, %get3A_795] {strides = array<i32>} : memref<64x128xf32, #tpu.memory_space<vmem>>, vector<1x16xf32>,
          %get3A_797 = vector.shape_cast %get3A_796 : vector<1x16xf32> to vector<16xf32>
          %get3A_798 = arith.index_cast %add3A_758 : i32 to index
          %get3A_799 = arith.constant 32 : index
          %get3A_800 = tpu.vector_load %arg15[%get3A_798, %get3A_799] {strides = array<i32>} : memref<64x128xf32, #tpu.memory_space<vmem>>, vector<1x16xf32>,
          %get3A_801 = vector.shape_cast %get3A_800 : vector<1x16xf32> to vector<16xf32>
          %mul3A_802 = arith.mulf %get3A_797, %get3A_801 : vector<16xf32>
          %add3A_803 = arith.constant 1.000000e+00 : f32
          %add3A_804 = vector.broadcast %add3A_803 : f32 to vector<16xf32>
          %add3A_805 = arith.addf %add3A_804, %mul3A_802 : vector<16xf32>
          %get3A_806 = arith.constant 32 : index
          %get3A_807 = tpu.vector_load %arg10[%get3A_806] {strides = array<i32>} : memref<128xf32, #tpu.memory_space<vmem>>, vector<16xf32>,
          %get3A_808 = vector.shape_cast %get3A_807 : vector<16xf32> to vector<16xf32>
          %div3A_809 = arith.divf %get3A_808, %add3A_805 : vector<16xf32>
          %add3A_810 = arith.addf %add3A_793, %div3A_809 : vector<16xf32>
          %get3A_811 = arith.index_cast %add3A_758 : i32 to index
          %get3A_812 = arith.constant 48 : index
          %get3A_813 = tpu.vector_load %arg14[%get3A_811, %get3A_812] {strides = array<i32>} : memref<64x128xf32, #tpu.memory_space<vmem>>, vector<1x16xf32>,
          %get3A_814 = vector.shape_cast %get3A_813 : vector<1x16xf32> to vector<16xf32>
          %get3A_815 = arith.index_cast %add3A_758 : i32 to index
          %get3A_816 = arith.constant 48 : index
          %get3A_817 = tpu.vector_load %arg15[%get3A_815, %get3A_816] {strides = array<i32>} : memref<64x128xf32, #tpu.memory_space<vmem>>, vector<1x16xf32>,
          %get3A_818 = vector.shape_cast %get3A_817 : vector<1x16xf32> to vector<16xf32>
          %mul3A_819 = arith.mulf %get3A_814, %get3A_818 : vector<16xf32>
          %add3A_820 = arith.constant 1.000000e+00 : f32
          %add3A_821 = vector.broadcast %add3A_820 : f32 to vector<16xf32>
          %add3A_822 = arith.addf %add3A_821, %mul3A_819 : vector<16xf32>
          %get3A_823 = arith.constant 48 : index
          %get3A_824 = tpu.vector_load %arg10[%get3A_823] {strides = array<i32>} : memref<128xf32, #tpu.memory_space<vmem>>, vector<16xf32>,
          %get3A_825 = vector.shape_cast %get3A_824 : vector<16xf32> to vector<16xf32>
          %div3A_826 = arith.divf %get3A_825, %add3A_822 : vector<16xf32>
          %add3A_827 = arith.addf %add3A_810, %div3A_826 : vector<16xf32>
          %get3A_828 = arith.index_cast %add3A_758 : i32 to index
          %get3A_829 = arith.constant 64 : index
          %get3A_830 = tpu.vector_load %arg14[%get3A_828, %get3A_829] {strides = array<i32>} : memref<64x128xf32, #tpu.memory_space<vmem>>, vector<1x16xf32>,
          %get3A_831 = vector.shape_cast %get3A_830 : vector<1x16xf32> to vector<16xf32>
          %get3A_832 = arith.index_cast %add3A_758 : i32 to index
          %get3A_833 = arith.constant 64 : index
          %get3A_834 = tpu.vector_load %arg15[%get3A_832, %get3A_833] {strides = array<i32>} : memref<64x128xf32, #tpu.memory_space<vmem>>, vector<1x16xf32>,
          %get3A_835 = vector.shape_cast %get3A_834 : vector<1x16xf32> to vector<16xf32>
          %mul3A_836 = arith.mulf %get3A_831, %get3A_835 : vector<16xf32>
          %add3A_837 = arith.constant 1.000000e+00 : f32
          %add3A_838 = vector.broadcast %add3A_837 : f32 to vector<16xf32>
          %add3A_839 = arith.addf %add3A_838, %mul3A_836 : vector<16xf32>
          %get3A_840 = arith.constant 64 : index
          %get3A_841 = tpu.vector_load %arg10[%get3A_840] {strides = array<i32>} : memref<128xf32, #tpu.memory_space<vmem>>, vector<16xf32>,
          %get3A_842 = vector.shape_cast %get3A_841 : vector<16xf32> to vector<16xf32>
          %div3A_843 = arith.divf %get3A_842, %add3A_839 : vector<16xf32>
          %add3A_844 = arith.addf %add3A_827, %div3A_843 : vector<16xf32>
          %get3A_845 = arith.index_cast %add3A_758 : i32 to index
          %get3A_846 = arith.constant 80 : index
          %get3A_847 = tpu.vector_load %arg14[%get3A_845, %get3A_846] {strides = array<i32>} : memref<64x128xf32, #tpu.memory_space<vmem>>, vector<1x16xf32>,
          %get3A_848 = vector.shape_cast %get3A_847 : vector<1x16xf32> to vector<16xf32>
          %get3A_849 = arith.index_cast %add3A_758 : i32 to index
          %get3A_850 = arith.constant 80 : index
          %get3A_851 = tpu.vector_load %arg15[%get3A_849, %get3A_850] {strides = array<i32>} : memref<64x128xf32, #tpu.memory_space<vmem>>, vector<1x16xf32>,
          %get3A_852 = vector.shape_cast %get3A_851 : vector<1x16xf32> to vector<16xf32>
          %mul3A_853 = arith.mulf %get3A_848, %get3A_852 : vector<16xf32>
          %add3A_854 = arith.constant 1.000000e+00 : f32
          %add3A_855 = vector.broadcast %add3A_854 : f32 to vector<16xf32>
          %add3A_856 = arith.addf %add3A_855, %mul3A_853 : vector<16xf32>
          %get3A_857 = arith.constant 80 : index
          %get3A_858 = tpu.vector_load %arg10[%get3A_857] {strides = array<i32>} : memref<128xf32, #tpu.memory_space<vmem>>, vector<16xf32>,
          %get3A_859 = vector.shape_cast %get3A_858 : vector<16xf32> to vector<16xf32>
          %div3A_860 = arith.divf %get3A_859, %add3A_856 : vector<16xf32>
          %add3A_861 = arith.addf %add3A_844, %div3A_860 : vector<16xf32>
          %get3A_862 = arith.index_cast %add3A_758 : i32 to index
          %get3A_863 = arith.constant 96 : index
          %get3A_864 = tpu.vector_load %arg14[%get3A_862, %get3A_863] {strides = array<i32>} : memref<64x128xf32, #tpu.memory_space<vmem>>, vector<1x16xf32>,
          %get3A_865 = vector.shape_cast %get3A_864 : vector<1x16xf32> to vector<16xf32>
          %get3A_866 = arith.index_cast %add3A_758 : i32 to index
          %get3A_867 = arith.constant 96 : index
          %get3A_868 = tpu.vector_load %arg15[%get3A_866, %get3A_867] {strides = array<i32>} : memref<64x128xf32, #tpu.memory_space<vmem>>, vector<1x16xf32>,
          %get3A_869 = vector.shape_cast %get3A_868 : vector<1x16xf32> to vector<16xf32>
          %mul3A_870 = arith.mulf %get3A_865, %get3A_869 : vector<16xf32>
          %add3A_871 = arith.constant 1.000000e+00 : f32
          %add3A_872 = vector.broadcast %add3A_871 : f32 to vector<16xf32>
          %add3A_873 = arith.addf %add3A_872, %mul3A_870 : vector<16xf32>
          %get3A_874 = arith.constant 96 : index
          %get3A_875 = tpu.vector_load %arg10[%get3A_874] {strides = array<i32>} : memref<128xf32, #tpu.memory_space<vmem>>, vector<16xf32>,
          %get3A_876 = vector.shape_cast %get3A_875 : vector<16xf32> to vector<16xf32>
          %div3A_877 = arith.divf %get3A_876, %add3A_873 : vector<16xf32>
          %add3A_878 = arith.addf %add3A_861, %div3A_877 : vector<16xf32>
          %get3A_879 = arith.index_cast %add3A_758 : i32 to index
          %get3A_880 = arith.constant 112 : index
          %get3A_881 = tpu.vector_load %arg14[%get3A_879, %get3A_880] {strides = array<i32>} : memref<64x128xf32, #tpu.memory_space<vmem>>, vector<1x16xf32>,
          %get3A_882 = vector.shape_cast %get3A_881 : vector<1x16xf32> to vector<16xf32>
          %get3A_883 = arith.index_cast %add3A_758 : i32 to index
          %get3A_884 = arith.constant 112 : index
          %get3A_885 = tpu.vector_load %arg15[%get3A_883, %get3A_884] {strides = array<i32>} : memref<64x128xf32, #tpu.memory_space<vmem>>, vector<1x16xf32>,
          %get3A_886 = vector.shape_cast %get3A_885 : vector<1x16xf32> to vector<16xf32>
          %mul3A_887 = arith.mulf %get3A_882, %get3A_886 : vector<16xf32>
          %add3A_888 = arith.constant 1.000000e+00 : f32
          %add3A_889 = vector.broadcast %add3A_888 : f32 to vector<16xf32>
          %add3A_890 = arith.addf %add3A_889, %mul3A_887 : vector<16xf32>
          %get3A_891 = arith.constant 112 : index
          %get3A_892 = tpu.vector_load %arg10[%get3A_891] {strides = array<i32>} : memref<128xf32, #tpu.memory_space<vmem>>, vector<16xf32>,
          %get3A_893 = vector.shape_cast %get3A_892 : vector<16xf32> to vector<16xf32>
          %div3A_894 = arith.divf %get3A_893, %add3A_890 : vector<16xf32>
          %add3A_895 = arith.addf %add3A_878, %div3A_894 : vector<16xf32>
          %add3A_896 = arith.constant 8 : i32
          %add3A_897 = vector.broadcast %add3A_896 : i32 to vector<16xi32>
          %add3A_898 = arith.addi %iota3A, %add3A_897 : vector<16xi32>
          %jit3A_899 = arith.constant 16 : i32
          %eq3A_900 = arith.constant 0 : i32
          %eq3A_901 = arith.cmpi eq, %jit3A_899, %eq3A_900 : i32
          %jit3A_902 = arith.constant 1 : i32
          %select_n3A_903 = arith.select %eq3A_901, %jit3A_902, %jit3A_899 : i32
          %rem3A_904 = vector.broadcast %select_n3A_903 : i32 to vector<16xi32>
          %rem3A_905 = arith.remsi %add3A_898, %rem3A_904 : vector<16xi32>
          %ne3A_906 = arith.constant 0 : i32
          %ne3A_907 = vector.broadcast %ne3A_906 : i32 to vector<16xi32>
          %ne3A_908 = arith.cmpi ne, %rem3A_905, %ne3A_907 : vector<16xi32>
          %lt3A_909 = arith.constant 0 : i32
          %lt3A_910 = vector.broadcast %lt3A_909 : i32 to vector<16xi32>
          %lt3A_911 = arith.cmpi slt, %rem3A_905, %lt3A_910 : vector<16xi32>
          %lt3A_912 = arith.constant 0 : i32
          %lt3A_913 = arith.cmpi slt, %select_n3A_903, %lt3A_912 : i32
          %ne3A_914 = vector.broadcast %lt3A_913 : i1 to vector<16xi1>
          %ne3A_915 = vector.broadcast %ne3A_914 : vector<16xi1> to vector<16xi1>
          %ne3A_916 = arith.xori %lt3A_911, %ne3A_915 : vector<16xi1>
          %and3A_917 = arith.andi %ne3A_916, %ne3A_908 : vector<16xi1>
          %add3A_918 = vector.broadcast %select_n3A_903 : i32 to vector<16xi32>
          %add3A_919 = arith.addi %rem3A_905, %add3A_918 : vector<16xi32>
          %select_n3A_920 = arith.select %and3A_917, %add3A_919, %rem3A_905 : vector<16xi1>, vector<16xi32>
          %broadcast_in_dim3A_921 = vector.shape_cast %select_n3A_920 : vector<16xi32> to vector<16x1xi32>
          %gather3A = vector.shape_cast %broadcast_in_dim3A_921 : vector<16x1xi32> to vector<16xi32>
          %gather3A_922 = tpu.dynamic_gather %add3A_895[%gather3A] in [0] : vector<16xf32>, vector<16xi32> -> vector<16xf32>
          %add3A_923 = arith.addf %add3A_895, %gather3A_922 : vector<16xf32>
          %add3A_924 = arith.constant 4 : i32
          %add3A_925 = vector.broadcast %add3A_924 : i32 to vector<16xi32>
          %add3A_926 = arith.addi %iota3A, %add3A_925 : vector<16xi32>
          %jit3A_927 = arith.constant 16 : i32
          %eq3A_928 = arith.constant 0 : i32
          %eq3A_929 = arith.cmpi eq, %jit3A_927, %eq3A_928 : i32
          %jit3A_930 = arith.constant 1 : i32
          %select_n3A_931 = arith.select %eq3A_929, %jit3A_930, %jit3A_927 : i32
          %rem3A_932 = vector.broadcast %select_n3A_931 : i32 to vector<16xi32>
          %rem3A_933 = arith.remsi %add3A_926, %rem3A_932 : vector<16xi32>
          %ne3A_934 = arith.constant 0 : i32
          %ne3A_935 = vector.broadcast %ne3A_934 : i32 to vector<16xi32>
          %ne3A_936 = arith.cmpi ne, %rem3A_933, %ne3A_935 : vector<16xi32>
          %lt3A_937 = arith.constant 0 : i32
          %lt3A_938 = vector.broadcast %lt3A_937 : i32 to vector<16xi32>
          %lt3A_939 = arith.cmpi slt, %rem3A_933, %lt3A_938 : vector<16xi32>
          %lt3A_940 = arith.constant 0 : i32
          %lt3A_941 = arith.cmpi slt, %select_n3A_931, %lt3A_940 : i32
          %ne3A_942 = vector.broadcast %lt3A_941 : i1 to vector<16xi1>
          %ne3A_943 = vector.broadcast %ne3A_942 : vector<16xi1> to vector<16xi1>
          %ne3A_944 = arith.xori %lt3A_939, %ne3A_943 : vector<16xi1>
          %and3A_945 = arith.andi %ne3A_944, %ne3A_936 : vector<16xi1>
          %add3A_946 = vector.broadcast %select_n3A_931 : i32 to vector<16xi32>
          %add3A_947 = arith.addi %rem3A_933, %add3A_946 : vector<16xi32>
          %select_n3A_948 = arith.select %and3A_945, %add3A_947, %rem3A_933 : vector<16xi1>, vector<16xi32>
          %broadcast_in_dim3A_949 = vector.shape_cast %select_n3A_948 : vector<16xi32> to vector<16x1xi32>
          %gather3A_950 = vector.shape_cast %broadcast_in_dim3A_949 : vector<16x1xi32> to vector<16xi32>
          %gather3A_951 = tpu.dynamic_gather %add3A_923[%gather3A_950] in [0] : vector<16xf32>, vector<16xi32> -> vector<16xf32>
          %add3A_952 = arith.addf %add3A_923, %gather3A_951 : vector<16xf32>
          %add3A_953 = arith.constant 2 : i32
          %add3A_954 = vector.broadcast %add3A_953 : i32 to vector<16xi32>
          %add3A_955 = arith.addi %iota3A, %add3A_954 : vector<16xi32>
          %jit3A_956 = arith.constant 16 : i32
          %eq3A_957 = arith.constant 0 : i32
          %eq3A_958 = arith.cmpi eq, %jit3A_956, %eq3A_957 : i32
          %jit3A_959 = arith.constant 1 : i32
          %select_n3A_960 = arith.select %eq3A_958, %jit3A_959, %jit3A_956 : i32
          %rem3A_961 = vector.broadcast %select_n3A_960 : i32 to vector<16xi32>
          %rem3A_962 = arith.remsi %add3A_955, %rem3A_961 : vector<16xi32>
          %ne3A_963 = arith.constant 0 : i32
          %ne3A_964 = vector.broadcast %ne3A_963 : i32 to vector<16xi32>
          %ne3A_965 = arith.cmpi ne, %rem3A_962, %ne3A_964 : vector<16xi32>
          %lt3A_966 = arith.constant 0 : i32
          %lt3A_967 = vector.broadcast %lt3A_966 : i32 to vector<16xi32>
          %lt3A_968 = arith.cmpi slt, %rem3A_962, %lt3A_967 : vector<16xi32>
          %lt3A_969 = arith.constant 0 : i32
          %lt3A_970 = arith.cmpi slt, %select_n3A_960, %lt3A_969 : i32
          %ne3A_971 = vector.broadcast %lt3A_970 : i1 to vector<16xi1>
          %ne3A_972 = vector.broadcast %ne3A_971 : vector<16xi1> to vector<16xi1>
          %ne3A_973 = arith.xori %lt3A_968, %ne3A_972 : vector<16xi1>
          %and3A_974 = arith.andi %ne3A_973, %ne3A_965 : vector<16xi1>
          %add3A_975 = vector.broadcast %select_n3A_960 : i32 to vector<16xi32>
          %add3A_976 = arith.addi %rem3A_962, %add3A_975 : vector<16xi32>
          %select_n3A_977 = arith.select %and3A_974, %add3A_976, %rem3A_962 : vector<16xi1>, vector<16xi32>
          %broadcast_in_dim3A_978 = vector.shape_cast %select_n3A_977 : vector<16xi32> to vector<16x1xi32>
          %gather3A_979 = vector.shape_cast %broadcast_in_dim3A_978 : vector<16x1xi32> to vector<16xi32>
          %gather3A_980 = tpu.dynamic_gather %add3A_952[%gather3A_979] in [0] : vector<16xf32>, vector<16xi32> -> vector<16xf32>
          %add3A_981 = arith.addf %add3A_952, %gather3A_980 : vector<16xf32>
          %add3A_982 = arith.constant 1 : i32
          %add3A_983 = vector.broadcast %add3A_982 : i32 to vector<16xi32>
          %add3A_984 = arith.addi %iota3A, %add3A_983 : vector<16xi32>
          %jit3A_985 = arith.constant 16 : i32
          %eq3A_986 = arith.constant 0 : i32
          %eq3A_987 = arith.cmpi eq, %jit3A_985, %eq3A_986 : i32
          %jit3A_988 = arith.constant 1 : i32
          %select_n3A_989 = arith.select %eq3A_987, %jit3A_988, %jit3A_985 : i32
          %rem3A_990 = vector.broadcast %select_n3A_989 : i32 to vector<16xi32>
          %rem3A_991 = arith.remsi %add3A_984, %rem3A_990 : vector<16xi32>
          %ne3A_992 = arith.constant 0 : i32
          %ne3A_993 = vector.broadcast %ne3A_992 : i32 to vector<16xi32>
          %ne3A_994 = arith.cmpi ne, %rem3A_991, %ne3A_993 : vector<16xi32>
          %lt3A_995 = arith.constant 0 : i32
          %lt3A_996 = vector.broadcast %lt3A_995 : i32 to vector<16xi32>
          %lt3A_997 = arith.cmpi slt, %rem3A_991, %lt3A_996 : vector<16xi32>
          %lt3A_998 = arith.constant 0 : i32
          %lt3A_999 = arith.cmpi slt, %select_n3A_989, %lt3A_998 : i32
          %ne3A_1000 = vector.broadcast %lt3A_999 : i1 to vector<16xi1>
          %ne3A_1001 = vector.broadcast %ne3A_1000 : vector<16xi1> to vector<16xi1>
          %ne3A_1002 = arith.xori %lt3A_997, %ne3A_1001 : vector<16xi1>
          %and3A_1003 = arith.andi %ne3A_1002, %ne3A_994 : vector<16xi1>
          %add3A_1004 = vector.broadcast %select_n3A_989 : i32 to vector<16xi32>
          %add3A_1005 = arith.addi %rem3A_991, %add3A_1004 : vector<16xi32>
          %select_n3A_1006 = arith.select %and3A_1003, %add3A_1005, %rem3A_991 : vector<16xi1>, vector<16xi32>
          %broadcast_in_dim3A_1007 = vector.shape_cast %select_n3A_1006 : vector<16xi32> to vector<16x1xi32>
          %gather3A_1008 = vector.shape_cast %broadcast_in_dim3A_1007 : vector<16x1xi32> to vector<16xi32>
          %gather3A_1009 = tpu.dynamic_gather %add3A_981[%gather3A_1008] in [0] : vector<16xf32>, vector<16xi32> -> vector<16xf32>
          %add3A_1010 = arith.addf %add3A_981, %gather3A_1009 : vector<16xf32>
          %eq3A_1011 = vector.broadcast %scan3A_754 : i32 to vector<16xi32>
          %eq3A_1012 = arith.cmpi eq, %iota3A, %eq3A_1011 : vector<16xi32>
          %select_n3A_1013 = arith.select %eq3A_1012, %add3A_1010, %scan3A_755 : vector<16xi1>, vector<16xf32>
          scf.yield %select_n3A_1013 : vector<16xf32>
        }
        %scan3A_746 = arith.constant 16 : i32
        %exp3A_747 = math.exp %scan3A_745 : vector<16xf32>
        %mul3A_748 = arith.constant 16 : i32
        %mul3A_749 = arith.muli %scan3A_738, %mul3A_748 : i32
        %swap3A_750 = arith.index_cast %mul3A_749 : i32 to index
        %swap3A_751 = tpu.vector_load %arg17[%swap3A_750] {strides = array<i32>} : memref<64xf32, #tpu.memory_space<vmem>>, vector<16xf32>,
        %swap3A_752 = vector.shape_cast %swap3A_751 : vector<16xf32> to vector<16xf32>
        %swap3A_753 = vector.shape_cast %exp3A_747 : vector<16xf32> to vector<16xf32>
        tpu.vector_store %arg17[%swap3A_750], %swap3A_753 {strides = array<i32>} : memref<64xf32, #tpu.memory_space<vmem>>, vector<16xf32>,
      }
      %scan3A_668 = arith.constant 4 : i32
      %scan3A_669 = arith.constant 0 : i32
      %scan3A_670 = arith.constant 4 : i32
      %scan3A_671 = arith.addi %scan3A_669, %scan3A_670 : i32
      %scan3A_672 = arith.constant 1 : i32
      scf.for %scan3A_738 = %scan3A_669 to %scan3A_671 step %scan3A_672  : i32 {
        %mul3A_739 = arith.constant 16 : i32
        %mul3A_740 = arith.muli %scan3A_738, %mul3A_739 : i32
        %get3A_741 = arith.index_cast %mul3A_740 : i32 to index
        %get3A_742 = tpu.vector_load %arg17[%get3A_741] {strides = array<i32>} : memref<64xf32, #tpu.memory_space<vmem>>, vector<16xf32>,
        %get3A_743 = vector.shape_cast %get3A_742 : vector<16xf32> to vector<16xf32>
        %scan3A_744 = arith.constant 0 : i32
        %scan3A_745 = arith.constant 16 : i32
        %scan3A_746 = arith.addi %scan3A_744, %scan3A_745 : i32
        %scan3A_747 = arith.constant 1 : i32
        scf.for %scan3A_749 = %scan3A_744 to %scan3A_746 step %scan3A_747  : i32 {
          %mul3A_750 = arith.constant 16 : i32
          %mul3A_751 = arith.muli %scan3A_738, %mul3A_750 : i32
          %add3A_752 = arith.addi %mul3A_751, %scan3A_749 : i32
          %broadcast_in_dim3A_753 = vector.broadcast %scan3A_749 : i32 to vector<16xi32>
          %broadcast_in_dim3A_754 = vector.shape_cast %broadcast_in_dim3A_753 : vector<16xi32> to vector<16x1xi32>
          %gather3A = vector.shape_cast %broadcast_in_dim3A_754 : vector<16x1xi32> to vector<16xi32>
          %gather3A_755 = tpu.dynamic_gather %get3A_743[%gather3A] in [0] : vector<16xf32>, vector<16xi32> -> vector<16xf32>
          %get3A_756 = arith.index_cast %add3A_752 : i32 to index
          %get3A_757 = arith.constant 0 : index
          %get3A_758 = tpu.vector_load %arg16[%get3A_756, %get3A_757] {strides = array<i32>} : memref<64x128xf32, #tpu.memory_space<vmem>>, vector<1x16xf32>,
          %get3A_759 = vector.shape_cast %get3A_758 : vector<1x16xf32> to vector<16xf32>
          %mul3A_760 = arith.mulf %get3A_759, %gather3A_755 : vector<16xf32>
          %swap3A_761 = arith.index_cast %add3A_752 : i32 to index
          %swap3A_762 = arith.constant 0 : index
          %swap3A_763 = tpu.vector_load %arg16[%swap3A_761, %swap3A_762] {strides = array<i32>} : memref<64x128xf32, #tpu.memory_space<vmem>>, vector<1x16xf32>,
          %swap3A_764 = vector.shape_cast %swap3A_763 : vector<1x16xf32> to vector<16xf32>
          %swap3A_765 = vector.shape_cast %mul3A_760 : vector<16xf32> to vector<1x16xf32>
          tpu.vector_store %arg16[%swap3A_761, %swap3A_762], %swap3A_765 {strides = array<i32>} : memref<64x128xf32, #tpu.memory_space<vmem>>, vector<1x16xf32>,
          %get3A_766 = arith.index_cast %add3A_752 : i32 to index
          %get3A_767 = arith.constant 16 : index
          %get3A_768 = tpu.vector_load %arg16[%get3A_766, %get3A_767] {strides = array<i32>} : memref<64x128xf32, #tpu.memory_space<vmem>>, vector<1x16xf32>,
          %get3A_769 = vector.shape_cast %get3A_768 : vector<1x16xf32> to vector<16xf32>
          %mul3A_770 = arith.mulf %get3A_769, %gather3A_755 : vector<16xf32>
          %swap3A_771 = arith.index_cast %add3A_752 : i32 to index
          %swap3A_772 = arith.constant 16 : index
          %swap3A_773 = tpu.vector_load %arg16[%swap3A_771, %swap3A_772] {strides = array<i32>} : memref<64x128xf32, #tpu.memory_space<vmem>>, vector<1x16xf32>,
          %swap3A_774 = vector.shape_cast %swap3A_773 : vector<1x16xf32> to vector<16xf32>
          %swap3A_775 = vector.shape_cast %mul3A_770 : vector<16xf32> to vector<1x16xf32>
          tpu.vector_store %arg16[%swap3A_771, %swap3A_772], %swap3A_775 {strides = array<i32>} : memref<64x128xf32, #tpu.memory_space<vmem>>, vector<1x16xf32>,
          %get3A_776 = arith.index_cast %add3A_752 : i32 to index
          %get3A_777 = arith.constant 32 : index
          %get3A_778 = tpu.vector_load %arg16[%get3A_776, %get3A_777] {strides = array<i32>} : memref<64x128xf32, #tpu.memory_space<vmem>>, vector<1x16xf32>,
          %get3A_779 = vector.shape_cast %get3A_778 : vector<1x16xf32> to vector<16xf32>
          %mul3A_780 = arith.mulf %get3A_779, %gather3A_755 : vector<16xf32>
          %swap3A_781 = arith.index_cast %add3A_752 : i32 to index
          %swap3A_782 = arith.constant 32 : index
          %swap3A_783 = tpu.vector_load %arg16[%swap3A_781, %swap3A_782] {strides = array<i32>} : memref<64x128xf32, #tpu.memory_space<vmem>>, vector<1x16xf32>,
          %swap3A_784 = vector.shape_cast %swap3A_783 : vector<1x16xf32> to vector<16xf32>
          %swap3A_785 = vector.shape_cast %mul3A_780 : vector<16xf32> to vector<1x16xf32>
          tpu.vector_store %arg16[%swap3A_781, %swap3A_782], %swap3A_785 {strides = array<i32>} : memref<64x128xf32, #tpu.memory_space<vmem>>, vector<1x16xf32>,
          %get3A_786 = arith.index_cast %add3A_752 : i32 to index
          %get3A_787 = arith.constant 48 : index
          %get3A_788 = tpu.vector_load %arg16[%get3A_786, %get3A_787] {strides = array<i32>} : memref<64x128xf32, #tpu.memory_space<vmem>>, vector<1x16xf32>,
          %get3A_789 = vector.shape_cast %get3A_788 : vector<1x16xf32> to vector<16xf32>
          %mul3A_790 = arith.mulf %get3A_789, %gather3A_755 : vector<16xf32>
          %swap3A_791 = arith.index_cast %add3A_752 : i32 to index
          %swap3A_792 = arith.constant 48 : index
          %swap3A_793 = tpu.vector_load %arg16[%swap3A_791, %swap3A_792] {strides = array<i32>} : memref<64x128xf32, #tpu.memory_space<vmem>>, vector<1x16xf32>,
          %swap3A_794 = vector.shape_cast %swap3A_793 : vector<1x16xf32> to vector<16xf32>
          %swap3A_795 = vector.shape_cast %mul3A_790 : vector<16xf32> to vector<1x16xf32>
          tpu.vector_store %arg16[%swap3A_791, %swap3A_792], %swap3A_795 {strides = array<i32>} : memref<64x128xf32, #tpu.memory_space<vmem>>, vector<1x16xf32>,
          %get3A_796 = arith.index_cast %add3A_752 : i32 to index
          %get3A_797 = arith.constant 64 : index
          %get3A_798 = tpu.vector_load %arg16[%get3A_796, %get3A_797] {strides = array<i32>} : memref<64x128xf32, #tpu.memory_space<vmem>>, vector<1x16xf32>,
          %get3A_799 = vector.shape_cast %get3A_798 : vector<1x16xf32> to vector<16xf32>
          %mul3A_800 = arith.mulf %get3A_799, %gather3A_755 : vector<16xf32>
          %swap3A_801 = arith.index_cast %add3A_752 : i32 to index
          %swap3A_802 = arith.constant 64 : index
          %swap3A_803 = tpu.vector_load %arg16[%swap3A_801, %swap3A_802] {strides = array<i32>} : memref<64x128xf32, #tpu.memory_space<vmem>>, vector<1x16xf32>,
          %swap3A_804 = vector.shape_cast %swap3A_803 : vector<1x16xf32> to vector<16xf32>
          %swap3A_805 = vector.shape_cast %mul3A_800 : vector<16xf32> to vector<1x16xf32>
          tpu.vector_store %arg16[%swap3A_801, %swap3A_802], %swap3A_805 {strides = array<i32>} : memref<64x128xf32, #tpu.memory_space<vmem>>, vector<1x16xf32>,
          %get3A_806 = arith.index_cast %add3A_752 : i32 to index
          %get3A_807 = arith.constant 80 : index
          %get3A_808 = tpu.vector_load %arg16[%get3A_806, %get3A_807] {strides = array<i32>} : memref<64x128xf32, #tpu.memory_space<vmem>>, vector<1x16xf32>,
          %get3A_809 = vector.shape_cast %get3A_808 : vector<1x16xf32> to vector<16xf32>
          %mul3A_810 = arith.mulf %get3A_809, %gather3A_755 : vector<16xf32>
          %swap3A_811 = arith.index_cast %add3A_752 : i32 to index
          %swap3A_812 = arith.constant 80 : index
          %swap3A_813 = tpu.vector_load %arg16[%swap3A_811, %swap3A_812] {strides = array<i32>} : memref<64x128xf32, #tpu.memory_space<vmem>>, vector<1x16xf32>,
          %swap3A_814 = vector.shape_cast %swap3A_813 : vector<1x16xf32> to vector<16xf32>
          %swap3A_815 = vector.shape_cast %mul3A_810 : vector<16xf32> to vector<1x16xf32>
          tpu.vector_store %arg16[%swap3A_811, %swap3A_812], %swap3A_815 {strides = array<i32>} : memref<64x128xf32, #tpu.memory_space<vmem>>, vector<1x16xf32>,
          %get3A_816 = arith.index_cast %add3A_752 : i32 to index
          %get3A_817 = arith.constant 96 : index
          %get3A_818 = tpu.vector_load %arg16[%get3A_816, %get3A_817] {strides = array<i32>} : memref<64x128xf32, #tpu.memory_space<vmem>>, vector<1x16xf32>,
          %get3A_819 = vector.shape_cast %get3A_818 : vector<1x16xf32> to vector<16xf32>
          %mul3A_820 = arith.mulf %get3A_819, %gather3A_755 : vector<16xf32>
          %swap3A_821 = arith.index_cast %add3A_752 : i32 to index
          %swap3A_822 = arith.constant 96 : index
          %swap3A_823 = tpu.vector_load %arg16[%swap3A_821, %swap3A_822] {strides = array<i32>} : memref<64x128xf32, #tpu.memory_space<vmem>>, vector<1x16xf32>,
          %swap3A_824 = vector.shape_cast %swap3A_823 : vector<1x16xf32> to vector<16xf32>
          %swap3A_825 = vector.shape_cast %mul3A_820 : vector<16xf32> to vector<1x16xf32>
          tpu.vector_store %arg16[%swap3A_821, %swap3A_822], %swap3A_825 {strides = array<i32>} : memref<64x128xf32, #tpu.memory_space<vmem>>, vector<1x16xf32>,
          %get3A_826 = arith.index_cast %add3A_752 : i32 to index
          %get3A_827 = arith.constant 112 : index
          %get3A_828 = tpu.vector_load %arg16[%get3A_826, %get3A_827] {strides = array<i32>} : memref<64x128xf32, #tpu.memory_space<vmem>>, vector<1x16xf32>,
          %get3A_829 = vector.shape_cast %get3A_828 : vector<1x16xf32> to vector<16xf32>
          %mul3A_830 = arith.mulf %get3A_829, %gather3A_755 : vector<16xf32>
          %swap3A_831 = arith.index_cast %add3A_752 : i32 to index
          %swap3A_832 = arith.constant 112 : index
          %swap3A_833 = tpu.vector_load %arg16[%swap3A_831, %swap3A_832] {strides = array<i32>} : memref<64x128xf32, #tpu.memory_space<vmem>>, vector<1x16xf32>,
          %swap3A_834 = vector.shape_cast %swap3A_833 : vector<1x16xf32> to vector<16xf32>
          %swap3A_835 = vector.shape_cast %mul3A_830 : vector<16xf32> to vector<1x16xf32>
          tpu.vector_store %arg16[%swap3A_831, %swap3A_832], %swap3A_835 {strides = array<i32>} : memref<64x128xf32, #tpu.memory_space<vmem>>, vector<1x16xf32>,
        }
        %scan3A_748 = arith.constant 16 : i32
      }
      %scan3A_673 = arith.constant 4 : i32
      %dma_start3A_674 = arith.constant 0 : i32
      %dma_start3A_675 = arith.constant 0 : i32
      %dma_start3A_676 = tpu.memref_slice %arg24[%dma_start3A_674, %dma_start3A_675] : memref<10000x128xf32, #tpu.memory_space<vmem_shared>> -> memref<10000x128xf32, #tpu.memory_space<vmem_shared>>
      tpu.enqueue_indirect_dma source(%arg16 : memref<64x128xf32, #tpu.memory_space<vmem>>) target(%dma_start3A_676 : memref<10000x128xf32, #tpu.memory_space<vmem_shared>>) offsets(%arg18 : memref<64xi32, #tpu.memory_space<vmem>>) semaphore(%arg29 : memref<!tpu.dma_semaphore, #tpu.memory_space<semaphore_mem>>) {add = true}
      %dma_start3A_677 = arith.constant 0 : i32
      %dma_start3A_678 = tpu.memref_slice %arg25[%dma_start3A_677] : memref<10000xf32, #tpu.memory_space<vmem_shared>> -> memref<10000xf32, #tpu.memory_space<vmem_shared>>
      tpu.enqueue_indirect_dma source(%arg17 : memref<64xf32, #tpu.memory_space<vmem>>) target(%dma_start3A_678 : memref<10000xf32, #tpu.memory_space<vmem_shared>>) offsets(%arg18 : memref<64xi32, #tpu.memory_space<vmem>>) semaphore(%arg30 : memref<!tpu.dma_semaphore, #tpu.memory_space<semaphore_mem>>) {add = true}
      %mul3A_679 = arith.constant 2 : i32
      %mul3A_680 = arith.muli %mul3A_679, %scan3A_558 : i32
      %add3A_681 = arith.constant 1 : i32
      %add3A_682 = arith.addi %mul3A_680, %add3A_681 : i32
      %dma_wait3A_683 = arith.constant 0 : i32
      %dma_wait3A_684 = arith.constant 0 : i32
      %dma_wait3A_685 = tpu.memref_slice %arg2[%dma_wait3A_683, %dma_wait3A_684] : memref<10000x128xf32, #tpu.memory_space<hbm>> -> memref<64x128xf32, #tpu.memory_space<hbm>>
      %dma_wait3A_686 = arith.constant 0 : i32
      %dma_wait3A_687 = arith.constant 0 : i32
      %dma_wait3A_688 = tpu.memref_slice %arg2[%dma_wait3A_686, %dma_wait3A_687] : memref<10000x128xf32, #tpu.memory_space<hbm>> -> memref<64x128xf32, #tpu.memory_space<hbm>>
      tpu.wait_dma2 semaphore(%arg31 : memref<!tpu.dma_semaphore, #tpu.memory_space<semaphore_mem>>) src(%dma_wait3A_688 : memref<64x128xf32, #tpu.memory_space<hbm>>) dst(%arg19 : memref<64x128xf32, #tpu.memory_space<vmem>>)
      %dma_wait3A_689 = arith.constant 0 : i32
      %dma_wait3A_690 = arith.constant 0 : i32
      %dma_wait3A_691 = tpu.memref_slice %arg3[%dma_wait3A_689, %dma_wait3A_690] : memref<10000x128xf32, #tpu.memory_space<hbm>> -> memref<64x128xf32, #tpu.memory_space<hbm>>
      %dma_wait3A_692 = arith.constant 0 : i32
      %dma_wait3A_693 = arith.constant 0 : i32
      %dma_wait3A_694 = tpu.memref_slice %arg3[%dma_wait3A_692, %dma_wait3A_693] : memref<10000x128xf32, #tpu.memory_space<hbm>> -> memref<64x128xf32, #tpu.memory_space<hbm>>
      tpu.wait_dma2 semaphore(%arg32 : memref<!tpu.dma_semaphore, #tpu.memory_space<semaphore_mem>>) src(%dma_wait3A_694 : memref<64x128xf32, #tpu.memory_space<hbm>>) dst(%arg20 : memref<64x128xf32, #tpu.memory_space<vmem>>)
      %dma_wait3A_695 = arith.constant 0 : i32
      %dma_wait3A_696 = arith.constant 0 : i32
      %dma_wait3A_697 = tpu.memref_slice %arg4[%dma_wait3A_695, %dma_wait3A_696] : memref<10000x128xf32, #tpu.memory_space<hbm>> -> memref<64x128xf32, #tpu.memory_space<hbm>>
      %dma_wait3A_698 = arith.constant 0 : i32
      %dma_wait3A_699 = arith.constant 0 : i32
      %dma_wait3A_700 = tpu.memref_slice %arg4[%dma_wait3A_698, %dma_wait3A_699] : memref<10000x128xf32, #tpu.memory_space<hbm>> -> memref<64x128xf32, #tpu.memory_space<hbm>>
      tpu.wait_dma2 semaphore(%arg33 : memref<!tpu.dma_semaphore, #tpu.memory_space<semaphore_mem>>) src(%dma_wait3A_700 : memref<64x128xf32, #tpu.memory_space<hbm>>) dst(%arg21 : memref<64x128xf32, #tpu.memory_space<vmem>>)
      %rem3A_701 = arith.constant 2 : i32
      %rem3A_702 = arith.remsi %scan3A_558, %rem3A_701 : i32
      %eq3A_703 = arith.constant 1 : i32
      %eq3A_704 = arith.cmpi eq, %rem3A_702, %eq3A_703 : i32
      %convert_element_type3A_705 = arith.extui %eq3A_704 : i1 to i32
      %cond3A_706 = arith.constant 0 : i32
      %cond3A_707 = arith.cmpi ne, %convert_element_type3A_705, %cond3A_706 : i32
      scf.if %cond3A_707 {
        %add3A_738 = arith.constant 1 : i32
        %add3A_739 = arith.addi %scan3A_558, %add3A_738 : i32
        %jit3A_740 = arith.constant 2 : i32
        %div3A = arith.divsi %add3A_739, %jit3A_740 : i32
        %sign3A = arith.constant 0 : i32
        %sign3A_741 = arith.cmpi sgt, %add3A_739, %sign3A : i32
        %sign3A_742 = arith.extui %sign3A_741 : i1 to i32
        %sign3A_743 = arith.constant 0 : i32
        %sign3A_744 = arith.cmpi slt, %add3A_739, %sign3A_743 : i32
        %sign3A_745 = arith.extui %sign3A_744 : i1 to i32
        %sign3A_746 = arith.subi %sign3A_742, %sign3A_745 : i32
        %sign3A_747 = arith.constant 0 : i32
        %sign3A_748 = arith.cmpi sgt, %jit3A_740, %sign3A_747 : i32
        %sign3A_749 = arith.extui %sign3A_748 : i1 to i32
        %sign3A_750 = arith.constant 0 : i32
        %sign3A_751 = arith.cmpi slt, %jit3A_740, %sign3A_750 : i32
        %sign3A_752 = arith.extui %sign3A_751 : i1 to i32
        %sign3A_753 = arith.subi %sign3A_749, %sign3A_752 : i32
        %ne3A_754 = arith.cmpi ne, %sign3A_746, %sign3A_753 : i32
        %rem3A_755 = arith.remsi %add3A_739, %jit3A_740 : i32
        %ne3A_756 = arith.constant 0 : i32
        %ne3A_757 = arith.cmpi ne, %rem3A_755, %ne3A_756 : i32
        %and3A_758 = arith.andi %ne3A_754, %ne3A_757 : i1
        %sub3A = arith.constant 1 : i32
        %sub3A_759 = arith.subi %div3A, %sub3A : i32
        %select_n3A_760 = arith.select %and3A_758, %sub3A_759, %div3A : i32
        %mul3A_761 = arith.constant 256 : i32
        %mul3A_762 = arith.muli %select_n3A_760, %mul3A_761 : i32
        %add3A_763 = arith.addi %mul3A_2, %mul3A_762 : i32
        %dma_start3A_764 = tpu.memref_slice %arg5[%add3A_763] : memref<320256xi32, #tpu.memory_space<hbm>> -> memref<256xi32, #tpu.memory_space<hbm>>
        %dma_start3A_765 = tpu.memref_slice %arg5[%add3A_763] : memref<320256xi32, #tpu.memory_space<hbm>> -> memref<256xi32, #tpu.memory_space<hbm>>
        tpu.enqueue_dma source(%dma_start3A_765 : memref<256xi32, #tpu.memory_space<hbm>>) target(%arg11 : memref<256xi32, #tpu.memory_space<vmem>>) target_semaphore(%arg36 : memref<!tpu.dma_semaphore, #tpu.memory_space<semaphore_mem>>)
        %mul3A_766 = arith.constant 256 : i32
        %mul3A_767 = arith.muli %select_n3A_760, %mul3A_766 : i32
        %add3A_768 = arith.addi %mul3A_2, %mul3A_767 : i32
        %dma_start3A_769 = tpu.memref_slice %arg6[%add3A_768] : memref<320256xi32, #tpu.memory_space<hbm>> -> memref<256xi32, #tpu.memory_space<hbm>>
        %dma_start3A_770 = tpu.memref_slice %arg6[%add3A_768] : memref<320256xi32, #tpu.memory_space<hbm>> -> memref<256xi32, #tpu.memory_space<hbm>>
        tpu.enqueue_dma source(%dma_start3A_770 : memref<256xi32, #tpu.memory_space<hbm>>) target(%arg12 : memref<256xi32, #tpu.memory_space<vmem>>) target_semaphore(%arg37 : memref<!tpu.dma_semaphore, #tpu.memory_space<semaphore_mem>>)
        %dma_wait3A_771 = tpu.memref_slice %arg5[%add3A_763] : memref<320256xi32, #tpu.memory_space<hbm>> -> memref<256xi32, #tpu.memory_space<hbm>>
        %dma_wait3A_772 = tpu.memref_slice %arg5[%add3A_763] : memref<320256xi32, #tpu.memory_space<hbm>> -> memref<256xi32, #tpu.memory_space<hbm>>
        tpu.wait_dma2 semaphore(%arg36 : memref<!tpu.dma_semaphore, #tpu.memory_space<semaphore_mem>>) src(%dma_wait3A_772 : memref<256xi32, #tpu.memory_space<hbm>>) dst(%arg11 : memref<256xi32, #tpu.memory_space<vmem>>)
        %dma_wait3A_773 = tpu.memref_slice %arg6[%add3A_768] : memref<320256xi32, #tpu.memory_space<hbm>> -> memref<256xi32, #tpu.memory_space<hbm>>
        %dma_wait3A_774 = tpu.memref_slice %arg6[%add3A_768] : memref<320256xi32, #tpu.memory_space<hbm>> -> memref<256xi32, #tpu.memory_space<hbm>>
        tpu.wait_dma2 semaphore(%arg37 : memref<!tpu.dma_semaphore, #tpu.memory_space<semaphore_mem>>) src(%dma_wait3A_774 : memref<256xi32, #tpu.memory_space<hbm>>) dst(%arg12 : memref<256xi32, #tpu.memory_space<vmem>>)
      } else {
      }
      %dma_wait3A_708 = arith.constant 0 : i32
      %dma_wait3A_709 = arith.constant 0 : i32
      %dma_wait3A_710 = tpu.memref_slice %arg2[%dma_wait3A_708, %dma_wait3A_709] : memref<10000x128xf32, #tpu.memory_space<hbm>> -> memref<64x128xf32, #tpu.memory_space<hbm>>
      %dma_wait3A_711 = arith.constant 0 : i32
      %dma_wait3A_712 = arith.constant 0 : i32
      %dma_wait3A_713 = tpu.memref_slice %arg2[%dma_wait3A_711, %dma_wait3A_712] : memref<10000x128xf32, #tpu.memory_space<hbm>> -> memref<64x128xf32, #tpu.memory_space<hbm>>
      tpu.wait_dma2 semaphore(%arg29 : memref<!tpu.dma_semaphore, #tpu.memory_space<semaphore_mem>>) src(%dma_wait3A_713 : memref<64x128xf32, #tpu.memory_space<hbm>>) dst(%arg16 : memref<64x128xf32, #tpu.memory_space<vmem>>)
      %dma_wait3A_714 = arith.constant 0 : i32
      %dma_wait3A_715 = tpu.memref_slice %arg9[%dma_wait3A_714] : memref<20000xf32, #tpu.memory_space<hbm>> -> memref<64xf32, #tpu.memory_space<hbm>>
      %dma_wait3A_716 = arith.constant 0 : i32
      %dma_wait3A_717 = tpu.memref_slice %arg9[%dma_wait3A_716] : memref<20000xf32, #tpu.memory_space<hbm>> -> memref<64xf32, #tpu.memory_space<hbm>>
      tpu.wait_dma2 semaphore(%arg30 : memref<!tpu.dma_semaphore, #tpu.memory_space<semaphore_mem>>) src(%dma_wait3A_717 : memref<64xf32, #tpu.memory_space<hbm>>) dst(%arg17 : memref<64xf32, #tpu.memory_space<vmem>>)
      %lt3A_718 = arith.constant 77 : i32
      %lt3A_719 = arith.cmpi slt, %scan3A_558, %lt3A_718 : i32
      %convert_element_type3A_720 = arith.extui %lt3A_719 : i1 to i32
      %cond3A_721 = arith.constant 0 : i32
      %cond3A_722 = arith.cmpi ne, %convert_element_type3A_720, %cond3A_721 : i32
      scf.if %cond3A_722 {
        %add3A_738 = arith.constant 1 : i32
        %add3A_739 = arith.addi %add3A_682, %add3A_738 : i32
        %jit3A_740 = arith.constant 4 : i32
        %eq3A_741 = arith.constant 0 : i32
        %eq3A_742 = arith.cmpi eq, %jit3A_740, %eq3A_741 : i32
        %jit3A_743 = arith.constant 1 : i32
        %select_n3A_744 = arith.select %eq3A_742, %jit3A_743, %jit3A_740 : i32
        %rem3A_745 = arith.remsi %add3A_739, %select_n3A_744 : i32
        %ne3A_746 = arith.constant 0 : i32
        %ne3A_747 = arith.cmpi ne, %rem3A_745, %ne3A_746 : i32
        %lt3A_748 = arith.constant 0 : i32
        %lt3A_749 = arith.cmpi slt, %rem3A_745, %lt3A_748 : i32
        %lt3A_750 = arith.constant 0 : i32
        %lt3A_751 = arith.cmpi slt, %select_n3A_744, %lt3A_750 : i32
        %ne3A_752 = arith.xori %lt3A_749, %lt3A_751 : i1
        %and3A_753 = arith.andi %ne3A_752, %ne3A_747 : i1
        %add3A_754 = arith.addi %rem3A_745, %select_n3A_744 : i32
        %select_n3A_755 = arith.select %and3A_753, %add3A_754, %rem3A_745 : i32
        %mul3A_756 = arith.constant 64 : i32
        %mul3A_757 = arith.muli %select_n3A_755, %mul3A_756 : i32
        %add3A_758 = arith.constant 0 : i32
        %add3A_759 = arith.addi %mul3A_757, %add3A_758 : i32
        %get3A_760 = arith.index_cast %add3A_759 : i32 to index
        %get3A_761 = tpu.vector_load %arg12[%get3A_760] {strides = array<i32>} : memref<256xi32, #tpu.memory_space<vmem>>, vector<16xi32>,
        %get3A_762 = vector.shape_cast %get3A_761 : vector<16xi32> to vector<16xi32>
        %swap3A_763 = arith.constant 0 : index
        %swap3A_764 = tpu.vector_load %arg18[%swap3A_763] {strides = array<i32>} : memref<64xi32, #tpu.memory_space<vmem>>, vector<16xi32>,
        %swap3A_765 = vector.shape_cast %swap3A_764 : vector<16xi32> to vector<16xi32>
        %swap3A_766 = vector.shape_cast %get3A_762 : vector<16xi32> to vector<16xi32>
        tpu.vector_store %arg18[%swap3A_763], %swap3A_766 {strides = array<i32>} : memref<64xi32, #tpu.memory_space<vmem>>, vector<16xi32>,
        %add3A_767 = arith.constant 16 : i32
        %add3A_768 = arith.addi %mul3A_757, %add3A_767 : i32
        %get3A_769 = arith.index_cast %add3A_768 : i32 to index
        %get3A_770 = tpu.vector_load %arg12[%get3A_769] {strides = array<i32>} : memref<256xi32, #tpu.memory_space<vmem>>, vector<16xi32>,
        %get3A_771 = vector.shape_cast %get3A_770 : vector<16xi32> to vector<16xi32>
        %swap3A_772 = arith.constant 16 : index
        %swap3A_773 = tpu.vector_load %arg18[%swap3A_772] {strides = array<i32>} : memref<64xi32, #tpu.memory_space<vmem>>, vector<16xi32>,
        %swap3A_774 = vector.shape_cast %swap3A_773 : vector<16xi32> to vector<16xi32>
        %swap3A_775 = vector.shape_cast %get3A_771 : vector<16xi32> to vector<16xi32>
        tpu.vector_store %arg18[%swap3A_772], %swap3A_775 {strides = array<i32>} : memref<64xi32, #tpu.memory_space<vmem>>, vector<16xi32>,
        %add3A_776 = arith.constant 32 : i32
        %add3A_777 = arith.addi %mul3A_757, %add3A_776 : i32
        %get3A_778 = arith.index_cast %add3A_777 : i32 to index
        %get3A_779 = tpu.vector_load %arg12[%get3A_778] {strides = array<i32>} : memref<256xi32, #tpu.memory_space<vmem>>, vector<16xi32>,
        %get3A_780 = vector.shape_cast %get3A_779 : vector<16xi32> to vector<16xi32>
        %swap3A_781 = arith.constant 32 : index
        %swap3A_782 = tpu.vector_load %arg18[%swap3A_781] {strides = array<i32>} : memref<64xi32, #tpu.memory_space<vmem>>, vector<16xi32>,
        %swap3A_783 = vector.shape_cast %swap3A_782 : vector<16xi32> to vector<16xi32>
        %swap3A_784 = vector.shape_cast %get3A_780 : vector<16xi32> to vector<16xi32>
        tpu.vector_store %arg18[%swap3A_781], %swap3A_784 {strides = array<i32>} : memref<64xi32, #tpu.memory_space<vmem>>, vector<16xi32>,
        %add3A_785 = arith.constant 48 : i32
        %add3A_786 = arith.addi %mul3A_757, %add3A_785 : i32
        %get3A_787 = arith.index_cast %add3A_786 : i32 to index
        %get3A_788 = tpu.vector_load %arg12[%get3A_787] {strides = array<i32>} : memref<256xi32, #tpu.memory_space<vmem>>, vector<16xi32>,
        %get3A_789 = vector.shape_cast %get3A_788 : vector<16xi32> to vector<16xi32>
        %swap3A_790 = arith.constant 48 : index
        %swap3A_791 = tpu.vector_load %arg18[%swap3A_790] {strides = array<i32>} : memref<64xi32, #tpu.memory_space<vmem>>, vector<16xi32>,
        %swap3A_792 = vector.shape_cast %swap3A_791 : vector<16xi32> to vector<16xi32>
        %swap3A_793 = vector.shape_cast %get3A_789 : vector<16xi32> to vector<16xi32>
        tpu.vector_store %arg18[%swap3A_790], %swap3A_793 {strides = array<i32>} : memref<64xi32, #tpu.memory_space<vmem>>, vector<16xi32>,
        %add3A_794 = arith.constant 1 : i32
        %add3A_795 = arith.addi %add3A_682, %add3A_794 : i32
        %jit3A_796 = arith.constant 4 : i32
        %eq3A_797 = arith.constant 0 : i32
        %eq3A_798 = arith.cmpi eq, %jit3A_796, %eq3A_797 : i32
        %jit3A_799 = arith.constant 1 : i32
        %select_n3A_800 = arith.select %eq3A_798, %jit3A_799, %jit3A_796 : i32
        %rem3A_801 = arith.remsi %add3A_795, %select_n3A_800 : i32
        %ne3A_802 = arith.constant 0 : i32
        %ne3A_803 = arith.cmpi ne, %rem3A_801, %ne3A_802 : i32
        %lt3A_804 = arith.constant 0 : i32
        %lt3A_805 = arith.cmpi slt, %rem3A_801, %lt3A_804 : i32
        %lt3A_806 = arith.constant 0 : i32
        %lt3A_807 = arith.cmpi slt, %select_n3A_800, %lt3A_806 : i32
        %ne3A_808 = arith.xori %lt3A_805, %lt3A_807 : i1
        %and3A_809 = arith.andi %ne3A_808, %ne3A_803 : i1
        %add3A_810 = arith.addi %rem3A_801, %select_n3A_800 : i32
        %select_n3A_811 = arith.select %and3A_809, %add3A_810, %rem3A_801 : i32
        %mul3A_812 = arith.constant 64 : i32
        %mul3A_813 = arith.muli %select_n3A_811, %mul3A_812 : i32
        %dma_start3A_814 = tpu.memref_slice %arg11[%mul3A_813] : memref<256xi32, #tpu.memory_space<vmem>> -> memref<64xi32, #tpu.memory_space<vmem>>
        %dma_start3A_815 = arith.constant 0 : i32
        %dma_start3A_816 = arith.constant 0 : i32
        %dma_start3A_817 = tpu.memref_slice %arg2[%dma_start3A_815, %dma_start3A_816] : memref<10000x128xf32, #tpu.memory_space<hbm>> -> memref<10000x128xf32, #tpu.memory_space<hbm>>
        tpu.enqueue_indirect_dma source(%dma_start3A_817 : memref<10000x128xf32, #tpu.memory_space<hbm>>) target(%arg14 : memref<64x128xf32, #tpu.memory_space<vmem>>) offsets(%dma_start3A_814 : memref<64xi32, #tpu.memory_space<vmem>>) semaphore(%arg26 : memref<!tpu.dma_semaphore, #tpu.memory_space<semaphore_mem>>)
        %dma_start3A_818 = arith.constant 0 : i32
        %dma_start3A_819 = arith.constant 0 : i32
        %dma_start3A_820 = tpu.memref_slice %arg3[%dma_start3A_818, %dma_start3A_819] : memref<10000x128xf32, #tpu.memory_space<hbm>> -> memref<10000x128xf32, #tpu.memory_space<hbm>>
        tpu.enqueue_indirect_dma source(%dma_start3A_820 : memref<10000x128xf32, #tpu.memory_space<hbm>>) target(%arg15 : memref<64x128xf32, #tpu.memory_space<vmem>>) offsets(%arg18 : memref<64xi32, #tpu.memory_space<vmem>>) semaphore(%arg27 : memref<!tpu.dma_semaphore, #tpu.memory_space<semaphore_mem>>)
        %dma_start3A_821 = tpu.memref_slice %arg11[%mul3A_813] : memref<256xi32, #tpu.memory_space<vmem>> -> memref<64xi32, #tpu.memory_space<vmem>>
        %dma_start3A_822 = arith.constant 0 : i32
        %dma_start3A_823 = arith.constant 0 : i32
        %dma_start3A_824 = tpu.memref_slice %arg4[%dma_start3A_822, %dma_start3A_823] : memref<10000x128xf32, #tpu.memory_space<hbm>> -> memref<10000x128xf32, #tpu.memory_space<hbm>>
        tpu.enqueue_indirect_dma source(%dma_start3A_824 : memref<10000x128xf32, #tpu.memory_space<hbm>>) target(%arg16 : memref<64x128xf32, #tpu.memory_space<vmem>>) offsets(%dma_start3A_821 : memref<64xi32, #tpu.memory_space<vmem>>) semaphore(%arg28 : memref<!tpu.dma_semaphore, #tpu.memory_space<semaphore_mem>>)
      } else {
      }
      %scan3A_723 = arith.constant 0 : i32
      %scan3A_724 = arith.constant 4 : i32
      %scan3A_725 = arith.addi %scan3A_723, %scan3A_724 : i32
      %scan3A_726 = arith.constant 1 : i32
      scf.for %scan3A_738 = %scan3A_723 to %scan3A_725 step %scan3A_726  : i32 {
        %broadcast_in_dim3A_739 = arith.constant 0.000000e+00 : f32
        %broadcast_in_dim3A_740 = vector.broadcast %broadcast_in_dim3A_739 : f32 to vector<16xf32>
        %scan3A_741 = arith.constant 0 : i32
        %scan3A_742 = arith.constant 16 : i32
        %scan3A_743 = arith.addi %scan3A_741, %scan3A_742 : i32
        %scan3A_744 = arith.constant 1 : i32
        %scan3A_745 = scf.for %scan3A_754 = %scan3A_741 to %scan3A_743 step %scan3A_744 iter_args(%scan3A_755 = %broadcast_in_dim3A_740) -> (vector<16xf32>)  : i32 {
          %mul3A_756 = arith.constant 16 : i32
          %mul3A_757 = arith.muli %scan3A_738, %mul3A_756 : i32
          %add3A_758 = arith.addi %mul3A_757, %scan3A_754 : i32
          %broadcast_in_dim3A_759 = arith.constant 0.000000e+00 : f32
          %broadcast_in_dim3A_760 = vector.broadcast %broadcast_in_dim3A_759 : f32 to vector<16xf32>
          %get3A_761 = arith.index_cast %add3A_758 : i32 to index
          %get3A_762 = arith.constant 0 : index
          %get3A_763 = tpu.vector_load %arg19[%get3A_761, %get3A_762] {strides = array<i32>} : memref<64x128xf32, #tpu.memory_space<vmem>>, vector<1x16xf32>,
          %get3A_764 = vector.shape_cast %get3A_763 : vector<1x16xf32> to vector<16xf32>
          %get3A_765 = arith.index_cast %add3A_758 : i32 to index
          %get3A_766 = arith.constant 0 : index
          %get3A_767 = tpu.vector_load %arg20[%get3A_765, %get3A_766] {strides = array<i32>} : memref<64x128xf32, #tpu.memory_space<vmem>>, vector<1x16xf32>,
          %get3A_768 = vector.shape_cast %get3A_767 : vector<1x16xf32> to vector<16xf32>
          %mul3A_769 = arith.mulf %get3A_764, %get3A_768 : vector<16xf32>
          %add3A_770 = arith.constant 1.000000e+00 : f32
          %add3A_771 = vector.broadcast %add3A_770 : f32 to vector<16xf32>
          %add3A_772 = arith.addf %add3A_771, %mul3A_769 : vector<16xf32>
          %get3A_773 = arith.constant 0 : index
          %get3A_774 = tpu.vector_load %arg10[%get3A_773] {strides = array<i32>} : memref<128xf32, #tpu.memory_space<vmem>>, vector<16xf32>,
          %get3A_775 = vector.shape_cast %get3A_774 : vector<16xf32> to vector<16xf32>
          %div3A = arith.divf %get3A_775, %add3A_772 : vector<16xf32>
          %add3A_776 = arith.addf %broadcast_in_dim3A_760, %div3A : vector<16xf32>
          %get3A_777 = arith.index_cast %add3A_758 : i32 to index
          %get3A_778 = arith.constant 16 : index
          %get3A_779 = tpu.vector_load %arg19[%get3A_777, %get3A_778] {strides = array<i32>} : memref<64x128xf32, #tpu.memory_space<vmem>>, vector<1x16xf32>,
          %get3A_780 = vector.shape_cast %get3A_779 : vector<1x16xf32> to vector<16xf32>
          %get3A_781 = arith.index_cast %add3A_758 : i32 to index
          %get3A_782 = arith.constant 16 : index
          %get3A_783 = tpu.vector_load %arg20[%get3A_781, %get3A_782] {strides = array<i32>} : memref<64x128xf32, #tpu.memory_space<vmem>>, vector<1x16xf32>,
          %get3A_784 = vector.shape_cast %get3A_783 : vector<1x16xf32> to vector<16xf32>
          %mul3A_785 = arith.mulf %get3A_780, %get3A_784 : vector<16xf32>
          %add3A_786 = arith.constant 1.000000e+00 : f32
          %add3A_787 = vector.broadcast %add3A_786 : f32 to vector<16xf32>
          %add3A_788 = arith.addf %add3A_787, %mul3A_785 : vector<16xf32>
          %get3A_789 = arith.constant 16 : index
          %get3A_790 = tpu.vector_load %arg10[%get3A_789] {strides = array<i32>} : memref<128xf32, #tpu.memory_space<vmem>>, vector<16xf32>,
          %get3A_791 = vector.shape_cast %get3A_790 : vector<16xf32> to vector<16xf32>
          %div3A_792 = arith.divf %get3A_791, %add3A_788 : vector<16xf32>
          %add3A_793 = arith.addf %add3A_776, %div3A_792 : vector<16xf32>
          %get3A_794 = arith.index_cast %add3A_758 : i32 to index
          %get3A_795 = arith.constant 32 : index
          %get3A_796 = tpu.vector_load %arg19[%get3A_794, %get3A_795] {strides = array<i32>} : memref<64x128xf32, #tpu.memory_space<vmem>>, vector<1x16xf32>,
          %get3A_797 = vector.shape_cast %get3A_796 : vector<1x16xf32> to vector<16xf32>
          %get3A_798 = arith.index_cast %add3A_758 : i32 to index
          %get3A_799 = arith.constant 32 : index
          %get3A_800 = tpu.vector_load %arg20[%get3A_798, %get3A_799] {strides = array<i32>} : memref<64x128xf32, #tpu.memory_space<vmem>>, vector<1x16xf32>,
          %get3A_801 = vector.shape_cast %get3A_800 : vector<1x16xf32> to vector<16xf32>
          %mul3A_802 = arith.mulf %get3A_797, %get3A_801 : vector<16xf32>
          %add3A_803 = arith.constant 1.000000e+00 : f32
          %add3A_804 = vector.broadcast %add3A_803 : f32 to vector<16xf32>
          %add3A_805 = arith.addf %add3A_804, %mul3A_802 : vector<16xf32>
          %get3A_806 = arith.constant 32 : index
          %get3A_807 = tpu.vector_load %arg10[%get3A_806] {strides = array<i32>} : memref<128xf32, #tpu.memory_space<vmem>>, vector<16xf32>,
          %get3A_808 = vector.shape_cast %get3A_807 : vector<16xf32> to vector<16xf32>
          %div3A_809 = arith.divf %get3A_808, %add3A_805 : vector<16xf32>
          %add3A_810 = arith.addf %add3A_793, %div3A_809 : vector<16xf32>
          %get3A_811 = arith.index_cast %add3A_758 : i32 to index
          %get3A_812 = arith.constant 48 : index
          %get3A_813 = tpu.vector_load %arg19[%get3A_811, %get3A_812] {strides = array<i32>} : memref<64x128xf32, #tpu.memory_space<vmem>>, vector<1x16xf32>,
          %get3A_814 = vector.shape_cast %get3A_813 : vector<1x16xf32> to vector<16xf32>
          %get3A_815 = arith.index_cast %add3A_758 : i32 to index
          %get3A_816 = arith.constant 48 : index
          %get3A_817 = tpu.vector_load %arg20[%get3A_815, %get3A_816] {strides = array<i32>} : memref<64x128xf32, #tpu.memory_space<vmem>>, vector<1x16xf32>,
          %get3A_818 = vector.shape_cast %get3A_817 : vector<1x16xf32> to vector<16xf32>
          %mul3A_819 = arith.mulf %get3A_814, %get3A_818 : vector<16xf32>
          %add3A_820 = arith.constant 1.000000e+00 : f32
          %add3A_821 = vector.broadcast %add3A_820 : f32 to vector<16xf32>
          %add3A_822 = arith.addf %add3A_821, %mul3A_819 : vector<16xf32>
          %get3A_823 = arith.constant 48 : index
          %get3A_824 = tpu.vector_load %arg10[%get3A_823] {strides = array<i32>} : memref<128xf32, #tpu.memory_space<vmem>>, vector<16xf32>,
          %get3A_825 = vector.shape_cast %get3A_824 : vector<16xf32> to vector<16xf32>
          %div3A_826 = arith.divf %get3A_825, %add3A_822 : vector<16xf32>
          %add3A_827 = arith.addf %add3A_810, %div3A_826 : vector<16xf32>
          %get3A_828 = arith.index_cast %add3A_758 : i32 to index
          %get3A_829 = arith.constant 64 : index
          %get3A_830 = tpu.vector_load %arg19[%get3A_828, %get3A_829] {strides = array<i32>} : memref<64x128xf32, #tpu.memory_space<vmem>>, vector<1x16xf32>,
          %get3A_831 = vector.shape_cast %get3A_830 : vector<1x16xf32> to vector<16xf32>
          %get3A_832 = arith.index_cast %add3A_758 : i32 to index
          %get3A_833 = arith.constant 64 : index
          %get3A_834 = tpu.vector_load %arg20[%get3A_832, %get3A_833] {strides = array<i32>} : memref<64x128xf32, #tpu.memory_space<vmem>>, vector<1x16xf32>,
          %get3A_835 = vector.shape_cast %get3A_834 : vector<1x16xf32> to vector<16xf32>
          %mul3A_836 = arith.mulf %get3A_831, %get3A_835 : vector<16xf32>
          %add3A_837 = arith.constant 1.000000e+00 : f32
          %add3A_838 = vector.broadcast %add3A_837 : f32 to vector<16xf32>
          %add3A_839 = arith.addf %add3A_838, %mul3A_836 : vector<16xf32>
          %get3A_840 = arith.constant 64 : index
          %get3A_841 = tpu.vector_load %arg10[%get3A_840] {strides = array<i32>} : memref<128xf32, #tpu.memory_space<vmem>>, vector<16xf32>,
          %get3A_842 = vector.shape_cast %get3A_841 : vector<16xf32> to vector<16xf32>
          %div3A_843 = arith.divf %get3A_842, %add3A_839 : vector<16xf32>
          %add3A_844 = arith.addf %add3A_827, %div3A_843 : vector<16xf32>
          %get3A_845 = arith.index_cast %add3A_758 : i32 to index
          %get3A_846 = arith.constant 80 : index
          %get3A_847 = tpu.vector_load %arg19[%get3A_845, %get3A_846] {strides = array<i32>} : memref<64x128xf32, #tpu.memory_space<vmem>>, vector<1x16xf32>,
          %get3A_848 = vector.shape_cast %get3A_847 : vector<1x16xf32> to vector<16xf32>
          %get3A_849 = arith.index_cast %add3A_758 : i32 to index
          %get3A_850 = arith.constant 80 : index
          %get3A_851 = tpu.vector_load %arg20[%get3A_849, %get3A_850] {strides = array<i32>} : memref<64x128xf32, #tpu.memory_space<vmem>>, vector<1x16xf32>,
          %get3A_852 = vector.shape_cast %get3A_851 : vector<1x16xf32> to vector<16xf32>
          %mul3A_853 = arith.mulf %get3A_848, %get3A_852 : vector<16xf32>
          %add3A_854 = arith.constant 1.000000e+00 : f32
          %add3A_855 = vector.broadcast %add3A_854 : f32 to vector<16xf32>
          %add3A_856 = arith.addf %add3A_855, %mul3A_853 : vector<16xf32>
          %get3A_857 = arith.constant 80 : index
          %get3A_858 = tpu.vector_load %arg10[%get3A_857] {strides = array<i32>} : memref<128xf32, #tpu.memory_space<vmem>>, vector<16xf32>,
          %get3A_859 = vector.shape_cast %get3A_858 : vector<16xf32> to vector<16xf32>
          %div3A_860 = arith.divf %get3A_859, %add3A_856 : vector<16xf32>
          %add3A_861 = arith.addf %add3A_844, %div3A_860 : vector<16xf32>
          %get3A_862 = arith.index_cast %add3A_758 : i32 to index
          %get3A_863 = arith.constant 96 : index
          %get3A_864 = tpu.vector_load %arg19[%get3A_862, %get3A_863] {strides = array<i32>} : memref<64x128xf32, #tpu.memory_space<vmem>>, vector<1x16xf32>,
          %get3A_865 = vector.shape_cast %get3A_864 : vector<1x16xf32> to vector<16xf32>
          %get3A_866 = arith.index_cast %add3A_758 : i32 to index
          %get3A_867 = arith.constant 96 : index
          %get3A_868 = tpu.vector_load %arg20[%get3A_866, %get3A_867] {strides = array<i32>} : memref<64x128xf32, #tpu.memory_space<vmem>>, vector<1x16xf32>,
          %get3A_869 = vector.shape_cast %get3A_868 : vector<1x16xf32> to vector<16xf32>
          %mul3A_870 = arith.mulf %get3A_865, %get3A_869 : vector<16xf32>
          %add3A_871 = arith.constant 1.000000e+00 : f32
          %add3A_872 = vector.broadcast %add3A_871 : f32 to vector<16xf32>
          %add3A_873 = arith.addf %add3A_872, %mul3A_870 : vector<16xf32>
          %get3A_874 = arith.constant 96 : index
          %get3A_875 = tpu.vector_load %arg10[%get3A_874] {strides = array<i32>} : memref<128xf32, #tpu.memory_space<vmem>>, vector<16xf32>,
          %get3A_876 = vector.shape_cast %get3A_875 : vector<16xf32> to vector<16xf32>
          %div3A_877 = arith.divf %get3A_876, %add3A_873 : vector<16xf32>
          %add3A_878 = arith.addf %add3A_861, %div3A_877 : vector<16xf32>
          %get3A_879 = arith.index_cast %add3A_758 : i32 to index
          %get3A_880 = arith.constant 112 : index
          %get3A_881 = tpu.vector_load %arg19[%get3A_879, %get3A_880] {strides = array<i32>} : memref<64x128xf32, #tpu.memory_space<vmem>>, vector<1x16xf32>,
          %get3A_882 = vector.shape_cast %get3A_881 : vector<1x16xf32> to vector<16xf32>
          %get3A_883 = arith.index_cast %add3A_758 : i32 to index
          %get3A_884 = arith.constant 112 : index
          %get3A_885 = tpu.vector_load %arg20[%get3A_883, %get3A_884] {strides = array<i32>} : memref<64x128xf32, #tpu.memory_space<vmem>>, vector<1x16xf32>,
          %get3A_886 = vector.shape_cast %get3A_885 : vector<1x16xf32> to vector<16xf32>
          %mul3A_887 = arith.mulf %get3A_882, %get3A_886 : vector<16xf32>
          %add3A_888 = arith.constant 1.000000e+00 : f32
          %add3A_889 = vector.broadcast %add3A_888 : f32 to vector<16xf32>
          %add3A_890 = arith.addf %add3A_889, %mul3A_887 : vector<16xf32>
          %get3A_891 = arith.constant 112 : index
          %get3A_892 = tpu.vector_load %arg10[%get3A_891] {strides = array<i32>} : memref<128xf32, #tpu.memory_space<vmem>>, vector<16xf32>,
          %get3A_893 = vector.shape_cast %get3A_892 : vector<16xf32> to vector<16xf32>
          %div3A_894 = arith.divf %get3A_893, %add3A_890 : vector<16xf32>
          %add3A_895 = arith.addf %add3A_878, %div3A_894 : vector<16xf32>
          %add3A_896 = arith.constant 8 : i32
          %add3A_897 = vector.broadcast %add3A_896 : i32 to vector<16xi32>
          %add3A_898 = arith.addi %iota3A, %add3A_897 : vector<16xi32>
          %jit3A_899 = arith.constant 16 : i32
          %eq3A_900 = arith.constant 0 : i32
          %eq3A_901 = arith.cmpi eq, %jit3A_899, %eq3A_900 : i32
          %jit3A_902 = arith.constant 1 : i32
          %select_n3A_903 = arith.select %eq3A_901, %jit3A_902, %jit3A_899 : i32
          %rem3A_904 = vector.broadcast %select_n3A_903 : i32 to vector<16xi32>
          %rem3A_905 = arith.remsi %add3A_898, %rem3A_904 : vector<16xi32>
          %ne3A_906 = arith.constant 0 : i32
          %ne3A_907 = vector.broadcast %ne3A_906 : i32 to vector<16xi32>
          %ne3A_908 = arith.cmpi ne, %rem3A_905, %ne3A_907 : vector<16xi32>
          %lt3A_909 = arith.constant 0 : i32
          %lt3A_910 = vector.broadcast %lt3A_909 : i32 to vector<16xi32>
          %lt3A_911 = arith.cmpi slt, %rem3A_905, %lt3A_910 : vector<16xi32>
          %lt3A_912 = arith.constant 0 : i32
          %lt3A_913 = arith.cmpi slt, %select_n3A_903, %lt3A_912 : i32
          %ne3A_914 = vector.broadcast %lt3A_913 : i1 to vector<16xi1>
          %ne3A_915 = vector.broadcast %ne3A_914 : vector<16xi1> to vector<16xi1>
          %ne3A_916 = arith.xori %lt3A_911, %ne3A_915 : vector<16xi1>
          %and3A_917 = arith.andi %ne3A_916, %ne3A_908 : vector<16xi1>
          %add3A_918 = vector.broadcast %select_n3A_903 : i32 to vector<16xi32>
          %add3A_919 = arith.addi %rem3A_905, %add3A_918 : vector<16xi32>
          %select_n3A_920 = arith.select %and3A_917, %add3A_919, %rem3A_905 : vector<16xi1>, vector<16xi32>
          %broadcast_in_dim3A_921 = vector.shape_cast %select_n3A_920 : vector<16xi32> to vector<16x1xi32>
          %gather3A = vector.shape_cast %broadcast_in_dim3A_921 : vector<16x1xi32> to vector<16xi32>
          %gather3A_922 = tpu.dynamic_gather %add3A_895[%gather3A] in [0] : vector<16xf32>, vector<16xi32> -> vector<16xf32>
          %add3A_923 = arith.addf %add3A_895, %gather3A_922 : vector<16xf32>
          %add3A_924 = arith.constant 4 : i32
          %add3A_925 = vector.broadcast %add3A_924 : i32 to vector<16xi32>
          %add3A_926 = arith.addi %iota3A, %add3A_925 : vector<16xi32>
          %jit3A_927 = arith.constant 16 : i32
          %eq3A_928 = arith.constant 0 : i32
          %eq3A_929 = arith.cmpi eq, %jit3A_927, %eq3A_928 : i32
          %jit3A_930 = arith.constant 1 : i32
          %select_n3A_931 = arith.select %eq3A_929, %jit3A_930, %jit3A_927 : i32
          %rem3A_932 = vector.broadcast %select_n3A_931 : i32 to vector<16xi32>
          %rem3A_933 = arith.remsi %add3A_926, %rem3A_932 : vector<16xi32>
          %ne3A_934 = arith.constant 0 : i32
          %ne3A_935 = vector.broadcast %ne3A_934 : i32 to vector<16xi32>
          %ne3A_936 = arith.cmpi ne, %rem3A_933, %ne3A_935 : vector<16xi32>
          %lt3A_937 = arith.constant 0 : i32
          %lt3A_938 = vector.broadcast %lt3A_937 : i32 to vector<16xi32>
          %lt3A_939 = arith.cmpi slt, %rem3A_933, %lt3A_938 : vector<16xi32>
          %lt3A_940 = arith.constant 0 : i32
          %lt3A_941 = arith.cmpi slt, %select_n3A_931, %lt3A_940 : i32
          %ne3A_942 = vector.broadcast %lt3A_941 : i1 to vector<16xi1>
          %ne3A_943 = vector.broadcast %ne3A_942 : vector<16xi1> to vector<16xi1>
          %ne3A_944 = arith.xori %lt3A_939, %ne3A_943 : vector<16xi1>
          %and3A_945 = arith.andi %ne3A_944, %ne3A_936 : vector<16xi1>
          %add3A_946 = vector.broadcast %select_n3A_931 : i32 to vector<16xi32>
          %add3A_947 = arith.addi %rem3A_933, %add3A_946 : vector<16xi32>
          %select_n3A_948 = arith.select %and3A_945, %add3A_947, %rem3A_933 : vector<16xi1>, vector<16xi32>
          %broadcast_in_dim3A_949 = vector.shape_cast %select_n3A_948 : vector<16xi32> to vector<16x1xi32>
          %gather3A_950 = vector.shape_cast %broadcast_in_dim3A_949 : vector<16x1xi32> to vector<16xi32>
          %gather3A_951 = tpu.dynamic_gather %add3A_923[%gather3A_950] in [0] : vector<16xf32>, vector<16xi32> -> vector<16xf32>
          %add3A_952 = arith.addf %add3A_923, %gather3A_951 : vector<16xf32>
          %add3A_953 = arith.constant 2 : i32
          %add3A_954 = vector.broadcast %add3A_953 : i32 to vector<16xi32>
          %add3A_955 = arith.addi %iota3A, %add3A_954 : vector<16xi32>
          %jit3A_956 = arith.constant 16 : i32
          %eq3A_957 = arith.constant 0 : i32
          %eq3A_958 = arith.cmpi eq, %jit3A_956, %eq3A_957 : i32
          %jit3A_959 = arith.constant 1 : i32
          %select_n3A_960 = arith.select %eq3A_958, %jit3A_959, %jit3A_956 : i32
          %rem3A_961 = vector.broadcast %select_n3A_960 : i32 to vector<16xi32>
          %rem3A_962 = arith.remsi %add3A_955, %rem3A_961 : vector<16xi32>
          %ne3A_963 = arith.constant 0 : i32
          %ne3A_964 = vector.broadcast %ne3A_963 : i32 to vector<16xi32>
          %ne3A_965 = arith.cmpi ne, %rem3A_962, %ne3A_964 : vector<16xi32>
          %lt3A_966 = arith.constant 0 : i32
          %lt3A_967 = vector.broadcast %lt3A_966 : i32 to vector<16xi32>
          %lt3A_968 = arith.cmpi slt, %rem3A_962, %lt3A_967 : vector<16xi32>
          %lt3A_969 = arith.constant 0 : i32
          %lt3A_970 = arith.cmpi slt, %select_n3A_960, %lt3A_969 : i32
          %ne3A_971 = vector.broadcast %lt3A_970 : i1 to vector<16xi1>
          %ne3A_972 = vector.broadcast %ne3A_971 : vector<16xi1> to vector<16xi1>
          %ne3A_973 = arith.xori %lt3A_968, %ne3A_972 : vector<16xi1>
          %and3A_974 = arith.andi %ne3A_973, %ne3A_965 : vector<16xi1>
          %add3A_975 = vector.broadcast %select_n3A_960 : i32 to vector<16xi32>
          %add3A_976 = arith.addi %rem3A_962, %add3A_975 : vector<16xi32>
          %select_n3A_977 = arith.select %and3A_974, %add3A_976, %rem3A_962 : vector<16xi1>, vector<16xi32>
          %broadcast_in_dim3A_978 = vector.shape_cast %select_n3A_977 : vector<16xi32> to vector<16x1xi32>
          %gather3A_979 = vector.shape_cast %broadcast_in_dim3A_978 : vector<16x1xi32> to vector<16xi32>
          %gather3A_980 = tpu.dynamic_gather %add3A_952[%gather3A_979] in [0] : vector<16xf32>, vector<16xi32> -> vector<16xf32>
          %add3A_981 = arith.addf %add3A_952, %gather3A_980 : vector<16xf32>
          %add3A_982 = arith.constant 1 : i32
          %add3A_983 = vector.broadcast %add3A_982 : i32 to vector<16xi32>
          %add3A_984 = arith.addi %iota3A, %add3A_983 : vector<16xi32>
          %jit3A_985 = arith.constant 16 : i32
          %eq3A_986 = arith.constant 0 : i32
          %eq3A_987 = arith.cmpi eq, %jit3A_985, %eq3A_986 : i32
          %jit3A_988 = arith.constant 1 : i32
          %select_n3A_989 = arith.select %eq3A_987, %jit3A_988, %jit3A_985 : i32
          %rem3A_990 = vector.broadcast %select_n3A_989 : i32 to vector<16xi32>
          %rem3A_991 = arith.remsi %add3A_984, %rem3A_990 : vector<16xi32>
          %ne3A_992 = arith.constant 0 : i32
          %ne3A_993 = vector.broadcast %ne3A_992 : i32 to vector<16xi32>
          %ne3A_994 = arith.cmpi ne, %rem3A_991, %ne3A_993 : vector<16xi32>
          %lt3A_995 = arith.constant 0 : i32
          %lt3A_996 = vector.broadcast %lt3A_995 : i32 to vector<16xi32>
          %lt3A_997 = arith.cmpi slt, %rem3A_991, %lt3A_996 : vector<16xi32>
          %lt3A_998 = arith.constant 0 : i32
          %lt3A_999 = arith.cmpi slt, %select_n3A_989, %lt3A_998 : i32
          %ne3A_1000 = vector.broadcast %lt3A_999 : i1 to vector<16xi1>
          %ne3A_1001 = vector.broadcast %ne3A_1000 : vector<16xi1> to vector<16xi1>
          %ne3A_1002 = arith.xori %lt3A_997, %ne3A_1001 : vector<16xi1>
          %and3A_1003 = arith.andi %ne3A_1002, %ne3A_994 : vector<16xi1>
          %add3A_1004 = vector.broadcast %select_n3A_989 : i32 to vector<16xi32>
          %add3A_1005 = arith.addi %rem3A_991, %add3A_1004 : vector<16xi32>
          %select_n3A_1006 = arith.select %and3A_1003, %add3A_1005, %rem3A_991 : vector<16xi1>, vector<16xi32>
          %broadcast_in_dim3A_1007 = vector.shape_cast %select_n3A_1006 : vector<16xi32> to vector<16x1xi32>
          %gather3A_1008 = vector.shape_cast %broadcast_in_dim3A_1007 : vector<16x1xi32> to vector<16xi32>
          %gather3A_1009 = tpu.dynamic_gather %add3A_981[%gather3A_1008] in [0] : vector<16xf32>, vector<16xi32> -> vector<16xf32>
          %add3A_1010 = arith.addf %add3A_981, %gather3A_1009 : vector<16xf32>
          %eq3A_1011 = vector.broadcast %scan3A_754 : i32 to vector<16xi32>
          %eq3A_1012 = arith.cmpi eq, %iota3A, %eq3A_1011 : vector<16xi32>
          %select_n3A_1013 = arith.select %eq3A_1012, %add3A_1010, %scan3A_755 : vector<16xi1>, vector<16xf32>
          scf.yield %select_n3A_1013 : vector<16xf32>
        }
        %scan3A_746 = arith.constant 16 : i32
        %exp3A_747 = math.exp %scan3A_745 : vector<16xf32>
        %mul3A_748 = arith.constant 16 : i32
        %mul3A_749 = arith.muli %scan3A_738, %mul3A_748 : i32
        %swap3A_750 = arith.index_cast %mul3A_749 : i32 to index
        %swap3A_751 = tpu.vector_load %arg22[%swap3A_750] {strides = array<i32>} : memref<64xf32, #tpu.memory_space<vmem>>, vector<16xf32>,
        %swap3A_752 = vector.shape_cast %swap3A_751 : vector<16xf32> to vector<16xf32>
        %swap3A_753 = vector.shape_cast %exp3A_747 : vector<16xf32> to vector<16xf32>
        tpu.vector_store %arg22[%swap3A_750], %swap3A_753 {strides = array<i32>} : memref<64xf32, #tpu.memory_space<vmem>>, vector<16xf32>,
      }
      %scan3A_727 = arith.constant 4 : i32
      %scan3A_728 = arith.constant 0 : i32
      %scan3A_729 = arith.constant 4 : i32
      %scan3A_730 = arith.addi %scan3A_728, %scan3A_729 : i32
      %scan3A_731 = arith.constant 1 : i32
      scf.for %scan3A_738 = %scan3A_728 to %scan3A_730 step %scan3A_731  : i32 {
        %mul3A_739 = arith.constant 16 : i32
        %mul3A_740 = arith.muli %scan3A_738, %mul3A_739 : i32
        %get3A_741 = arith.index_cast %mul3A_740 : i32 to index
        %get3A_742 = tpu.vector_load %arg22[%get3A_741] {strides = array<i32>} : memref<64xf32, #tpu.memory_space<vmem>>, vector<16xf32>,
        %get3A_743 = vector.shape_cast %get3A_742 : vector<16xf32> to vector<16xf32>
        %scan3A_744 = arith.constant 0 : i32
        %scan3A_745 = arith.constant 16 : i32
        %scan3A_746 = arith.addi %scan3A_744, %scan3A_745 : i32
        %scan3A_747 = arith.constant 1 : i32
        scf.for %scan3A_749 = %scan3A_744 to %scan3A_746 step %scan3A_747  : i32 {
          %mul3A_750 = arith.constant 16 : i32
          %mul3A_751 = arith.muli %scan3A_738, %mul3A_750 : i32
          %add3A_752 = arith.addi %mul3A_751, %scan3A_749 : i32
          %broadcast_in_dim3A_753 = vector.broadcast %scan3A_749 : i32 to vector<16xi32>
          %broadcast_in_dim3A_754 = vector.shape_cast %broadcast_in_dim3A_753 : vector<16xi32> to vector<16x1xi32>
          %gather3A = vector.shape_cast %broadcast_in_dim3A_754 : vector<16x1xi32> to vector<16xi32>
          %gather3A_755 = tpu.dynamic_gather %get3A_743[%gather3A] in [0] : vector<16xf32>, vector<16xi32> -> vector<16xf32>
          %get3A_756 = arith.index_cast %add3A_752 : i32 to index
          %get3A_757 = arith.constant 0 : index
          %get3A_758 = tpu.vector_load %arg21[%get3A_756, %get3A_757] {strides = array<i32>} : memref<64x128xf32, #tpu.memory_space<vmem>>, vector<1x16xf32>,
          %get3A_759 = vector.shape_cast %get3A_758 : vector<1x16xf32> to vector<16xf32>
          %mul3A_760 = arith.mulf %get3A_759, %gather3A_755 : vector<16xf32>
          %swap3A_761 = arith.index_cast %add3A_752 : i32 to index
          %swap3A_762 = arith.constant 0 : index
          %swap3A_763 = tpu.vector_load %arg21[%swap3A_761, %swap3A_762] {strides = array<i32>} : memref<64x128xf32, #tpu.memory_space<vmem>>, vector<1x16xf32>,
          %swap3A_764 = vector.shape_cast %swap3A_763 : vector<1x16xf32> to vector<16xf32>
          %swap3A_765 = vector.shape_cast %mul3A_760 : vector<16xf32> to vector<1x16xf32>
          tpu.vector_store %arg21[%swap3A_761, %swap3A_762], %swap3A_765 {strides = array<i32>} : memref<64x128xf32, #tpu.memory_space<vmem>>, vector<1x16xf32>,
          %get3A_766 = arith.index_cast %add3A_752 : i32 to index
          %get3A_767 = arith.constant 16 : index
          %get3A_768 = tpu.vector_load %arg21[%get3A_766, %get3A_767] {strides = array<i32>} : memref<64x128xf32, #tpu.memory_space<vmem>>, vector<1x16xf32>,
          %get3A_769 = vector.shape_cast %get3A_768 : vector<1x16xf32> to vector<16xf32>
          %mul3A_770 = arith.mulf %get3A_769, %gather3A_755 : vector<16xf32>
          %swap3A_771 = arith.index_cast %add3A_752 : i32 to index
          %swap3A_772 = arith.constant 16 : index
          %swap3A_773 = tpu.vector_load %arg21[%swap3A_771, %swap3A_772] {strides = array<i32>} : memref<64x128xf32, #tpu.memory_space<vmem>>, vector<1x16xf32>,
          %swap3A_774 = vector.shape_cast %swap3A_773 : vector<1x16xf32> to vector<16xf32>
          %swap3A_775 = vector.shape_cast %mul3A_770 : vector<16xf32> to vector<1x16xf32>
          tpu.vector_store %arg21[%swap3A_771, %swap3A_772], %swap3A_775 {strides = array<i32>} : memref<64x128xf32, #tpu.memory_space<vmem>>, vector<1x16xf32>,
          %get3A_776 = arith.index_cast %add3A_752 : i32 to index
          %get3A_777 = arith.constant 32 : index
          %get3A_778 = tpu.vector_load %arg21[%get3A_776, %get3A_777] {strides = array<i32>} : memref<64x128xf32, #tpu.memory_space<vmem>>, vector<1x16xf32>,
          %get3A_779 = vector.shape_cast %get3A_778 : vector<1x16xf32> to vector<16xf32>
          %mul3A_780 = arith.mulf %get3A_779, %gather3A_755 : vector<16xf32>
          %swap3A_781 = arith.index_cast %add3A_752 : i32 to index
          %swap3A_782 = arith.constant 32 : index
          %swap3A_783 = tpu.vector_load %arg21[%swap3A_781, %swap3A_782] {strides = array<i32>} : memref<64x128xf32, #tpu.memory_space<vmem>>, vector<1x16xf32>,
          %swap3A_784 = vector.shape_cast %swap3A_783 : vector<1x16xf32> to vector<16xf32>
          %swap3A_785 = vector.shape_cast %mul3A_780 : vector<16xf32> to vector<1x16xf32>
          tpu.vector_store %arg21[%swap3A_781, %swap3A_782], %swap3A_785 {strides = array<i32>} : memref<64x128xf32, #tpu.memory_space<vmem>>, vector<1x16xf32>,
          %get3A_786 = arith.index_cast %add3A_752 : i32 to index
          %get3A_787 = arith.constant 48 : index
          %get3A_788 = tpu.vector_load %arg21[%get3A_786, %get3A_787] {strides = array<i32>} : memref<64x128xf32, #tpu.memory_space<vmem>>, vector<1x16xf32>,
          %get3A_789 = vector.shape_cast %get3A_788 : vector<1x16xf32> to vector<16xf32>
          %mul3A_790 = arith.mulf %get3A_789, %gather3A_755 : vector<16xf32>
          %swap3A_791 = arith.index_cast %add3A_752 : i32 to index
          %swap3A_792 = arith.constant 48 : index
          %swap3A_793 = tpu.vector_load %arg21[%swap3A_791, %swap3A_792] {strides = array<i32>} : memref<64x128xf32, #tpu.memory_space<vmem>>, vector<1x16xf32>,
          %swap3A_794 = vector.shape_cast %swap3A_793 : vector<1x16xf32> to vector<16xf32>
          %swap3A_795 = vector.shape_cast %mul3A_790 : vector<16xf32> to vector<1x16xf32>
          tpu.vector_store %arg21[%swap3A_791, %swap3A_792], %swap3A_795 {strides = array<i32>} : memref<64x128xf32, #tpu.memory_space<vmem>>, vector<1x16xf32>,
          %get3A_796 = arith.index_cast %add3A_752 : i32 to index
          %get3A_797 = arith.constant 64 : index
          %get3A_798 = tpu.vector_load %arg21[%get3A_796, %get3A_797] {strides = array<i32>} : memref<64x128xf32, #tpu.memory_space<vmem>>, vector<1x16xf32>,
          %get3A_799 = vector.shape_cast %get3A_798 : vector<1x16xf32> to vector<16xf32>
          %mul3A_800 = arith.mulf %get3A_799, %gather3A_755 : vector<16xf32>
          %swap3A_801 = arith.index_cast %add3A_752 : i32 to index
          %swap3A_802 = arith.constant 64 : index
          %swap3A_803 = tpu.vector_load %arg21[%swap3A_801, %swap3A_802] {strides = array<i32>} : memref<64x128xf32, #tpu.memory_space<vmem>>, vector<1x16xf32>,
          %swap3A_804 = vector.shape_cast %swap3A_803 : vector<1x16xf32> to vector<16xf32>
          %swap3A_805 = vector.shape_cast %mul3A_800 : vector<16xf32> to vector<1x16xf32>
          tpu.vector_store %arg21[%swap3A_801, %swap3A_802], %swap3A_805 {strides = array<i32>} : memref<64x128xf32, #tpu.memory_space<vmem>>, vector<1x16xf32>,
          %get3A_806 = arith.index_cast %add3A_752 : i32 to index
          %get3A_807 = arith.constant 80 : index
          %get3A_808 = tpu.vector_load %arg21[%get3A_806, %get3A_807] {strides = array<i32>} : memref<64x128xf32, #tpu.memory_space<vmem>>, vector<1x16xf32>,
          %get3A_809 = vector.shape_cast %get3A_808 : vector<1x16xf32> to vector<16xf32>
          %mul3A_810 = arith.mulf %get3A_809, %gather3A_755 : vector<16xf32>
          %swap3A_811 = arith.index_cast %add3A_752 : i32 to index
          %swap3A_812 = arith.constant 80 : index
          %swap3A_813 = tpu.vector_load %arg21[%swap3A_811, %swap3A_812] {strides = array<i32>} : memref<64x128xf32, #tpu.memory_space<vmem>>, vector<1x16xf32>,
          %swap3A_814 = vector.shape_cast %swap3A_813 : vector<1x16xf32> to vector<16xf32>
          %swap3A_815 = vector.shape_cast %mul3A_810 : vector<16xf32> to vector<1x16xf32>
          tpu.vector_store %arg21[%swap3A_811, %swap3A_812], %swap3A_815 {strides = array<i32>} : memref<64x128xf32, #tpu.memory_space<vmem>>, vector<1x16xf32>,
          %get3A_816 = arith.index_cast %add3A_752 : i32 to index
          %get3A_817 = arith.constant 96 : index
          %get3A_818 = tpu.vector_load %arg21[%get3A_816, %get3A_817] {strides = array<i32>} : memref<64x128xf32, #tpu.memory_space<vmem>>, vector<1x16xf32>,
          %get3A_819 = vector.shape_cast %get3A_818 : vector<1x16xf32> to vector<16xf32>
          %mul3A_820 = arith.mulf %get3A_819, %gather3A_755 : vector<16xf32>
          %swap3A_821 = arith.index_cast %add3A_752 : i32 to index
          %swap3A_822 = arith.constant 96 : index
          %swap3A_823 = tpu.vector_load %arg21[%swap3A_821, %swap3A_822] {strides = array<i32>} : memref<64x128xf32, #tpu.memory_space<vmem>>, vector<1x16xf32>,
          %swap3A_824 = vector.shape_cast %swap3A_823 : vector<1x16xf32> to vector<16xf32>
          %swap3A_825 = vector.shape_cast %mul3A_820 : vector<16xf32> to vector<1x16xf32>
          tpu.vector_store %arg21[%swap3A_821, %swap3A_822], %swap3A_825 {strides = array<i32>} : memref<64x128xf32, #tpu.memory_space<vmem>>, vector<1x16xf32>,
          %get3A_826 = arith.index_cast %add3A_752 : i32 to index
          %get3A_827 = arith.constant 112 : index
          %get3A_828 = tpu.vector_load %arg21[%get3A_826, %get3A_827] {strides = array<i32>} : memref<64x128xf32, #tpu.memory_space<vmem>>, vector<1x16xf32>,
          %get3A_829 = vector.shape_cast %get3A_828 : vector<1x16xf32> to vector<16xf32>
          %mul3A_830 = arith.mulf %get3A_829, %gather3A_755 : vector<16xf32>
          %swap3A_831 = arith.index_cast %add3A_752 : i32 to index
          %swap3A_832 = arith.constant 112 : index
          %swap3A_833 = tpu.vector_load %arg21[%swap3A_831, %swap3A_832] {strides = array<i32>} : memref<64x128xf32, #tpu.memory_space<vmem>>, vector<1x16xf32>,
          %swap3A_834 = vector.shape_cast %swap3A_833 : vector<1x16xf32> to vector<16xf32>
          %swap3A_835 = vector.shape_cast %mul3A_830 : vector<16xf32> to vector<1x16xf32>
          tpu.vector_store %arg21[%swap3A_831, %swap3A_832], %swap3A_835 {strides = array<i32>} : memref<64x128xf32, #tpu.memory_space<vmem>>, vector<1x16xf32>,
        }
        %scan3A_748 = arith.constant 16 : i32
      }
      %scan3A_732 = arith.constant 4 : i32
      %dma_start3A_733 = arith.constant 0 : i32
      %dma_start3A_734 = arith.constant 0 : i32
      %dma_start3A_735 = tpu.memref_slice %arg24[%dma_start3A_733, %dma_start3A_734] : memref<10000x128xf32, #tpu.memory_space<vmem_shared>> -> memref<10000x128xf32, #tpu.memory_space<vmem_shared>>
      tpu.enqueue_indirect_dma source(%arg21 : memref<64x128xf32, #tpu.memory_space<vmem>>) target(%dma_start3A_735 : memref<10000x128xf32, #tpu.memory_space<vmem_shared>>) offsets(%arg23 : memref<64xi32, #tpu.memory_space<vmem>>) semaphore(%arg34 : memref<!tpu.dma_semaphore, #tpu.memory_space<semaphore_mem>>) {add = true}
      %dma_start3A_736 = arith.constant 0 : i32
      %dma_start3A_737 = tpu.memref_slice %arg25[%dma_start3A_736] : memref<10000xf32, #tpu.memory_space<vmem_shared>> -> memref<10000xf32, #tpu.memory_space<vmem_shared>>
      tpu.enqueue_indirect_dma source(%arg22 : memref<64xf32, #tpu.memory_space<vmem>>) target(%dma_start3A_737 : memref<10000xf32, #tpu.memory_space<vmem_shared>>) offsets(%arg23 : memref<64xi32, #tpu.memory_space<vmem>>) semaphore(%arg35 : memref<!tpu.dma_semaphore, #tpu.memory_space<semaphore_mem>>) {add = true}
    }
    %scan3A_205 = arith.constant 78 : i32
    %dma_wait3A_206 = arith.constant 0 : i32
    %dma_wait3A_207 = arith.constant 0 : i32
    %dma_wait3A_208 = tpu.memref_slice %arg2[%dma_wait3A_206, %dma_wait3A_207] : memref<10000x128xf32, #tpu.memory_space<hbm>> -> memref<64x128xf32, #tpu.memory_space<hbm>>
    %dma_wait3A_209 = arith.constant 0 : i32
    %dma_wait3A_210 = arith.constant 0 : i32
    %dma_wait3A_211 = tpu.memref_slice %arg2[%dma_wait3A_209, %dma_wait3A_210] : memref<10000x128xf32, #tpu.memory_space<hbm>> -> memref<64x128xf32, #tpu.memory_space<hbm>>
    tpu.wait_dma2 semaphore(%arg34 : memref<!tpu.dma_semaphore, #tpu.memory_space<semaphore_mem>>) src(%dma_wait3A_211 : memref<64x128xf32, #tpu.memory_space<hbm>>) dst(%arg21 : memref<64x128xf32, #tpu.memory_space<vmem>>)
    %dma_wait3A_212 = arith.constant 0 : i32
    %dma_wait3A_213 = tpu.memref_slice %arg9[%dma_wait3A_212] : memref<20000xf32, #tpu.memory_space<hbm>> -> memref<64xf32, #tpu.memory_space<hbm>>
    %dma_wait3A_214 = arith.constant 0 : i32
    %dma_wait3A_215 = tpu.memref_slice %arg9[%dma_wait3A_214] : memref<20000xf32, #tpu.memory_space<hbm>> -> memref<64xf32, #tpu.memory_space<hbm>>
    tpu.wait_dma2 semaphore(%arg35 : memref<!tpu.dma_semaphore, #tpu.memory_space<semaphore_mem>>) src(%dma_wait3A_215 : memref<64xf32, #tpu.memory_space<hbm>>) dst(%arg22 : memref<64xf32, #tpu.memory_space<vmem>>)
    %get3A_216 = arith.constant 0 : index
    %get3A_217 = tpu.vector_load %arg12[%get3A_216] {strides = array<i32>} : memref<256xi32, #tpu.memory_space<vmem>>, vector<16xi32>,
    %get3A_218 = vector.shape_cast %get3A_217 : vector<16xi32> to vector<16xi32>
    %swap3A_219 = arith.constant 0 : index
    %swap3A_220 = tpu.vector_load %arg18[%swap3A_219] {strides = array<i32>} : memref<64xi32, #tpu.memory_space<vmem>>, vector<16xi32>,
    %swap3A_221 = vector.shape_cast %swap3A_220 : vector<16xi32> to vector<16xi32>
    %swap3A_222 = vector.shape_cast %get3A_218 : vector<16xi32> to vector<16xi32>
    tpu.vector_store %arg18[%swap3A_219], %swap3A_222 {strides = array<i32>} : memref<64xi32, #tpu.memory_space<vmem>>, vector<16xi32>,
    %get3A_223 = arith.constant 16 : index
    %get3A_224 = tpu.vector_load %arg12[%get3A_223] {strides = array<i32>} : memref<256xi32, #tpu.memory_space<vmem>>, vector<16xi32>,
    %get3A_225 = vector.shape_cast %get3A_224 : vector<16xi32> to vector<16xi32>
    %swap3A_226 = arith.constant 16 : index
    %swap3A_227 = tpu.vector_load %arg18[%swap3A_226] {strides = array<i32>} : memref<64xi32, #tpu.memory_space<vmem>>, vector<16xi32>,
    %swap3A_228 = vector.shape_cast %swap3A_227 : vector<16xi32> to vector<16xi32>
    %swap3A_229 = vector.shape_cast %get3A_225 : vector<16xi32> to vector<16xi32>
    tpu.vector_store %arg18[%swap3A_226], %swap3A_229 {strides = array<i32>} : memref<64xi32, #tpu.memory_space<vmem>>, vector<16xi32>,
    %get3A_230 = arith.constant 32 : index
    %get3A_231 = tpu.vector_load %arg12[%get3A_230] {strides = array<i32>} : memref<256xi32, #tpu.memory_space<vmem>>, vector<16xi32>,
    %get3A_232 = vector.shape_cast %get3A_231 : vector<16xi32> to vector<16xi32>
    %swap3A_233 = arith.constant 32 : index
    %swap3A_234 = tpu.vector_load %arg18[%swap3A_233] {strides = array<i32>} : memref<64xi32, #tpu.memory_space<vmem>>, vector<16xi32>,
    %swap3A_235 = vector.shape_cast %swap3A_234 : vector<16xi32> to vector<16xi32>
    %swap3A_236 = vector.shape_cast %get3A_232 : vector<16xi32> to vector<16xi32>
    tpu.vector_store %arg18[%swap3A_233], %swap3A_236 {strides = array<i32>} : memref<64xi32, #tpu.memory_space<vmem>>, vector<16xi32>,
    %get3A_237 = arith.constant 48 : index
    %get3A_238 = tpu.vector_load %arg12[%get3A_237] {strides = array<i32>} : memref<256xi32, #tpu.memory_space<vmem>>, vector<16xi32>,
    %get3A_239 = vector.shape_cast %get3A_238 : vector<16xi32> to vector<16xi32>
    %swap3A_240 = arith.constant 48 : index
    %swap3A_241 = tpu.vector_load %arg18[%swap3A_240] {strides = array<i32>} : memref<64xi32, #tpu.memory_space<vmem>>, vector<16xi32>,
    %swap3A_242 = vector.shape_cast %swap3A_241 : vector<16xi32> to vector<16xi32>
    %swap3A_243 = vector.shape_cast %get3A_239 : vector<16xi32> to vector<16xi32>
    tpu.vector_store %arg18[%swap3A_240], %swap3A_243 {strides = array<i32>} : memref<64xi32, #tpu.memory_space<vmem>>, vector<16xi32>,
    %get3A_244 = arith.constant 0 : index
    %get3A_245 = tpu.vector_load %arg12[%get3A_244] {strides = array<i32>} : memref<256xi32, #tpu.memory_space<vmem>>, vector<16xi32>,
    %get3A_246 = vector.shape_cast %get3A_245 : vector<16xi32> to vector<16xi32>
    %swap3A_247 = arith.constant 0 : index
    %swap3A_248 = tpu.vector_load %arg13[%swap3A_247] {strides = array<i32>} : memref<16xi32, #tpu.memory_space<vmem>>, vector<16xi32>,
    %swap3A_249 = vector.shape_cast %swap3A_248 : vector<16xi32> to vector<16xi32>
    %swap3A_250 = vector.shape_cast %get3A_246 : vector<16xi32> to vector<16xi32>
    tpu.vector_store %arg13[%swap3A_247], %swap3A_250 {strides = array<i32>} : memref<16xi32, #tpu.memory_space<vmem>>, vector<16xi32>,
    %dma_start3A_251 = arith.constant 0 : i32
    %dma_start3A_252 = tpu.memref_slice %arg11[%dma_start3A_251] : memref<256xi32, #tpu.memory_space<vmem>> -> memref<64xi32, #tpu.memory_space<vmem>>
    %dma_start3A_253 = arith.constant 0 : i32
    %dma_start3A_254 = arith.constant 0 : i32
    %dma_start3A_255 = tpu.memref_slice %arg2[%dma_start3A_253, %dma_start3A_254] : memref<10000x128xf32, #tpu.memory_space<hbm>> -> memref<10000x128xf32, #tpu.memory_space<hbm>>
    tpu.enqueue_indirect_dma source(%dma_start3A_255 : memref<10000x128xf32, #tpu.memory_space<hbm>>) target(%arg14 : memref<64x128xf32, #tpu.memory_space<vmem>>) offsets(%dma_start3A_252 : memref<64xi32, #tpu.memory_space<vmem>>) semaphore(%arg26 : memref<!tpu.dma_semaphore, #tpu.memory_space<semaphore_mem>>)
    %dma_start3A_256 = arith.constant 0 : i32
    %dma_start3A_257 = arith.constant 0 : i32
    %dma_start3A_258 = tpu.memref_slice %arg3[%dma_start3A_256, %dma_start3A_257] : memref<10000x128xf32, #tpu.memory_space<hbm>> -> memref<10000x128xf32, #tpu.memory_space<hbm>>
    tpu.enqueue_indirect_dma source(%dma_start3A_258 : memref<10000x128xf32, #tpu.memory_space<hbm>>) target(%arg15 : memref<64x128xf32, #tpu.memory_space<vmem>>) offsets(%arg18 : memref<64xi32, #tpu.memory_space<vmem>>) semaphore(%arg27 : memref<!tpu.dma_semaphore, #tpu.memory_space<semaphore_mem>>)
    %dma_start3A_259 = arith.constant 0 : i32
    %dma_start3A_260 = tpu.memref_slice %arg11[%dma_start3A_259] : memref<256xi32, #tpu.memory_space<vmem>> -> memref<64xi32, #tpu.memory_space<vmem>>
    %dma_start3A_261 = arith.constant 0 : i32
    %dma_start3A_262 = arith.constant 0 : i32
    %dma_start3A_263 = tpu.memref_slice %arg4[%dma_start3A_261, %dma_start3A_262] : memref<10000x128xf32, #tpu.memory_space<hbm>> -> memref<10000x128xf32, #tpu.memory_space<hbm>>
    tpu.enqueue_indirect_dma source(%dma_start3A_263 : memref<10000x128xf32, #tpu.memory_space<hbm>>) target(%arg16 : memref<64x128xf32, #tpu.memory_space<vmem>>) offsets(%dma_start3A_260 : memref<64xi32, #tpu.memory_space<vmem>>) semaphore(%arg28 : memref<!tpu.dma_semaphore, #tpu.memory_space<semaphore_mem>>)
    %dma_wait3A_264 = arith.constant 0 : i32
    %dma_wait3A_265 = tpu.memref_slice %arg11[%dma_wait3A_264] : memref<256xi32, #tpu.memory_space<vmem>> -> memref<64xi32, #tpu.memory_space<vmem>>
    %dma_wait3A_266 = arith.constant 0 : i32
    %dma_wait3A_267 = arith.constant 0 : i32
    %dma_wait3A_268 = tpu.memref_slice %arg2[%dma_wait3A_266, %dma_wait3A_267] : memref<10000x128xf32, #tpu.memory_space<hbm>> -> memref<10000x128xf32, #tpu.memory_space<hbm>>
    tpu.wait_indirect_dma semaphore(%arg26 : memref<!tpu.dma_semaphore, #tpu.memory_space<semaphore_mem>>) src(%dma_wait3A_268 : memref<10000x128xf32, #tpu.memory_space<hbm>>) dst(%arg14 : memref<64x128xf32, #tpu.memory_space<vmem>>)
    %dma_wait3A_269 = arith.constant 0 : i32
    %dma_wait3A_270 = arith.constant 0 : i32
    %dma_wait3A_271 = tpu.memref_slice %arg3[%dma_wait3A_269, %dma_wait3A_270] : memref<10000x128xf32, #tpu.memory_space<hbm>> -> memref<10000x128xf32, #tpu.memory_space<hbm>>
    tpu.wait_indirect_dma semaphore(%arg27 : memref<!tpu.dma_semaphore, #tpu.memory_space<semaphore_mem>>) src(%dma_wait3A_271 : memref<10000x128xf32, #tpu.memory_space<hbm>>) dst(%arg15 : memref<64x128xf32, #tpu.memory_space<vmem>>)
    %dma_wait3A_272 = arith.constant 0 : i32
    %dma_wait3A_273 = tpu.memref_slice %arg11[%dma_wait3A_272] : memref<256xi32, #tpu.memory_space<vmem>> -> memref<64xi32, #tpu.memory_space<vmem>>
    %dma_wait3A_274 = arith.constant 0 : i32
    %dma_wait3A_275 = arith.constant 0 : i32
    %dma_wait3A_276 = tpu.memref_slice %arg4[%dma_wait3A_274, %dma_wait3A_275] : memref<10000x128xf32, #tpu.memory_space<hbm>> -> memref<10000x128xf32, #tpu.memory_space<hbm>>
    tpu.wait_indirect_dma semaphore(%arg28 : memref<!tpu.dma_semaphore, #tpu.memory_space<semaphore_mem>>) src(%dma_wait3A_276 : memref<10000x128xf32, #tpu.memory_space<hbm>>) dst(%arg16 : memref<64x128xf32, #tpu.memory_space<vmem>>)
    %scan3A_277 = arith.constant 0 : i32
    %broadcast_in_dim3A_278 = arith.constant 0.000000e+00 : f32
    %broadcast_in_dim3A_279 = vector.broadcast %broadcast_in_dim3A_278 : f32 to vector<16xf32>
    %scan3A_280 = arith.constant 0 : i32
    %scan3A_281 = arith.constant 16 : i32
    %scan3A_282 = arith.addi %scan3A_280, %scan3A_281 : i32
    %scan3A_283 = arith.constant 1 : i32
    %scan3A_284 = scf.for %scan3A_558 = %scan3A_280 to %scan3A_282 step %scan3A_283 iter_args(%scan3A_559 = %broadcast_in_dim3A_279) -> (vector<16xf32>)  : i32 {
      %mul3A_560 = arith.constant 16 : i32
      %mul3A_561 = arith.muli %scan3A_277, %mul3A_560 : i32
      %add3A_562 = arith.addi %mul3A_561, %scan3A_558 : i32
      %broadcast_in_dim3A_563 = arith.constant 0.000000e+00 : f32
      %broadcast_in_dim3A_564 = vector.broadcast %broadcast_in_dim3A_563 : f32 to vector<16xf32>
      %get3A_565 = arith.index_cast %add3A_562 : i32 to index
      %get3A_566 = arith.constant 0 : index
      %get3A_567 = tpu.vector_load %arg14[%get3A_565, %get3A_566] {strides = array<i32>} : memref<64x128xf32, #tpu.memory_space<vmem>>, vector<1x16xf32>,
      %get3A_568 = vector.shape_cast %get3A_567 : vector<1x16xf32> to vector<16xf32>
      %get3A_569 = arith.index_cast %add3A_562 : i32 to index
      %get3A_570 = arith.constant 0 : index
      %get3A_571 = tpu.vector_load %arg15[%get3A_569, %get3A_570] {strides = array<i32>} : memref<64x128xf32, #tpu.memory_space<vmem>>, vector<1x16xf32>,
      %get3A_572 = vector.shape_cast %get3A_571 : vector<1x16xf32> to vector<16xf32>
      %mul3A_573 = arith.mulf %get3A_568, %get3A_572 : vector<16xf32>
      %add3A_574 = arith.constant 1.000000e+00 : f32
      %add3A_575 = vector.broadcast %add3A_574 : f32 to vector<16xf32>
      %add3A_576 = arith.addf %add3A_575, %mul3A_573 : vector<16xf32>
      %get3A_577 = arith.constant 0 : index
      %get3A_578 = tpu.vector_load %arg10[%get3A_577] {strides = array<i32>} : memref<128xf32, #tpu.memory_space<vmem>>, vector<16xf32>,
      %get3A_579 = vector.shape_cast %get3A_578 : vector<16xf32> to vector<16xf32>
      %div3A = arith.divf %get3A_579, %add3A_576 : vector<16xf32>
      %add3A_580 = arith.addf %broadcast_in_dim3A_564, %div3A : vector<16xf32>
      %get3A_581 = arith.index_cast %add3A_562 : i32 to index
      %get3A_582 = arith.constant 16 : index
      %get3A_583 = tpu.vector_load %arg14[%get3A_581, %get3A_582] {strides = array<i32>} : memref<64x128xf32, #tpu.memory_space<vmem>>, vector<1x16xf32>,
      %get3A_584 = vector.shape_cast %get3A_583 : vector<1x16xf32> to vector<16xf32>
      %get3A_585 = arith.index_cast %add3A_562 : i32 to index
      %get3A_586 = arith.constant 16 : index
      %get3A_587 = tpu.vector_load %arg15[%get3A_585, %get3A_586] {strides = array<i32>} : memref<64x128xf32, #tpu.memory_space<vmem>>, vector<1x16xf32>,
      %get3A_588 = vector.shape_cast %get3A_587 : vector<1x16xf32> to vector<16xf32>
      %mul3A_589 = arith.mulf %get3A_584, %get3A_588 : vector<16xf32>
      %add3A_590 = arith.constant 1.000000e+00 : f32
      %add3A_591 = vector.broadcast %add3A_590 : f32 to vector<16xf32>
      %add3A_592 = arith.addf %add3A_591, %mul3A_589 : vector<16xf32>
      %get3A_593 = arith.constant 16 : index
      %get3A_594 = tpu.vector_load %arg10[%get3A_593] {strides = array<i32>} : memref<128xf32, #tpu.memory_space<vmem>>, vector<16xf32>,
      %get3A_595 = vector.shape_cast %get3A_594 : vector<16xf32> to vector<16xf32>
      %div3A_596 = arith.divf %get3A_595, %add3A_592 : vector<16xf32>
      %add3A_597 = arith.addf %add3A_580, %div3A_596 : vector<16xf32>
      %get3A_598 = arith.index_cast %add3A_562 : i32 to index
      %get3A_599 = arith.constant 32 : index
      %get3A_600 = tpu.vector_load %arg14[%get3A_598, %get3A_599] {strides = array<i32>} : memref<64x128xf32, #tpu.memory_space<vmem>>, vector<1x16xf32>,
      %get3A_601 = vector.shape_cast %get3A_600 : vector<1x16xf32> to vector<16xf32>
      %get3A_602 = arith.index_cast %add3A_562 : i32 to index
      %get3A_603 = arith.constant 32 : index
      %get3A_604 = tpu.vector_load %arg15[%get3A_602, %get3A_603] {strides = array<i32>} : memref<64x128xf32, #tpu.memory_space<vmem>>, vector<1x16xf32>,
      %get3A_605 = vector.shape_cast %get3A_604 : vector<1x16xf32> to vector<16xf32>
      %mul3A_606 = arith.mulf %get3A_601, %get3A_605 : vector<16xf32>
      %add3A_607 = arith.constant 1.000000e+00 : f32
      %add3A_608 = vector.broadcast %add3A_607 : f32 to vector<16xf32>
      %add3A_609 = arith.addf %add3A_608, %mul3A_606 : vector<16xf32>
      %get3A_610 = arith.constant 32 : index
      %get3A_611 = tpu.vector_load %arg10[%get3A_610] {strides = array<i32>} : memref<128xf32, #tpu.memory_space<vmem>>, vector<16xf32>,
      %get3A_612 = vector.shape_cast %get3A_611 : vector<16xf32> to vector<16xf32>
      %div3A_613 = arith.divf %get3A_612, %add3A_609 : vector<16xf32>
      %add3A_614 = arith.addf %add3A_597, %div3A_613 : vector<16xf32>
      %get3A_615 = arith.index_cast %add3A_562 : i32 to index
      %get3A_616 = arith.constant 48 : index
      %get3A_617 = tpu.vector_load %arg14[%get3A_615, %get3A_616] {strides = array<i32>} : memref<64x128xf32, #tpu.memory_space<vmem>>, vector<1x16xf32>,
      %get3A_618 = vector.shape_cast %get3A_617 : vector<1x16xf32> to vector<16xf32>
      %get3A_619 = arith.index_cast %add3A_562 : i32 to index
      %get3A_620 = arith.constant 48 : index
      %get3A_621 = tpu.vector_load %arg15[%get3A_619, %get3A_620] {strides = array<i32>} : memref<64x128xf32, #tpu.memory_space<vmem>>, vector<1x16xf32>,
      %get3A_622 = vector.shape_cast %get3A_621 : vector<1x16xf32> to vector<16xf32>
      %mul3A_623 = arith.mulf %get3A_618, %get3A_622 : vector<16xf32>
      %add3A_624 = arith.constant 1.000000e+00 : f32
      %add3A_625 = vector.broadcast %add3A_624 : f32 to vector<16xf32>
      %add3A_626 = arith.addf %add3A_625, %mul3A_623 : vector<16xf32>
      %get3A_627 = arith.constant 48 : index
      %get3A_628 = tpu.vector_load %arg10[%get3A_627] {strides = array<i32>} : memref<128xf32, #tpu.memory_space<vmem>>, vector<16xf32>,
      %get3A_629 = vector.shape_cast %get3A_628 : vector<16xf32> to vector<16xf32>
      %div3A_630 = arith.divf %get3A_629, %add3A_626 : vector<16xf32>
      %add3A_631 = arith.addf %add3A_614, %div3A_630 : vector<16xf32>
      %get3A_632 = arith.index_cast %add3A_562 : i32 to index
      %get3A_633 = arith.constant 64 : index
      %get3A_634 = tpu.vector_load %arg14[%get3A_632, %get3A_633] {strides = array<i32>} : memref<64x128xf32, #tpu.memory_space<vmem>>, vector<1x16xf32>,
      %get3A_635 = vector.shape_cast %get3A_634 : vector<1x16xf32> to vector<16xf32>
      %get3A_636 = arith.index_cast %add3A_562 : i32 to index
      %get3A_637 = arith.constant 64 : index
      %get3A_638 = tpu.vector_load %arg15[%get3A_636, %get3A_637] {strides = array<i32>} : memref<64x128xf32, #tpu.memory_space<vmem>>, vector<1x16xf32>,
      %get3A_639 = vector.shape_cast %get3A_638 : vector<1x16xf32> to vector<16xf32>
      %mul3A_640 = arith.mulf %get3A_635, %get3A_639 : vector<16xf32>
      %add3A_641 = arith.constant 1.000000e+00 : f32
      %add3A_642 = vector.broadcast %add3A_641 : f32 to vector<16xf32>
      %add3A_643 = arith.addf %add3A_642, %mul3A_640 : vector<16xf32>
      %get3A_644 = arith.constant 64 : index
      %get3A_645 = tpu.vector_load %arg10[%get3A_644] {strides = array<i32>} : memref<128xf32, #tpu.memory_space<vmem>>, vector<16xf32>,
      %get3A_646 = vector.shape_cast %get3A_645 : vector<16xf32> to vector<16xf32>
      %div3A_647 = arith.divf %get3A_646, %add3A_643 : vector<16xf32>
      %add3A_648 = arith.addf %add3A_631, %div3A_647 : vector<16xf32>
      %get3A_649 = arith.index_cast %add3A_562 : i32 to index
      %get3A_650 = arith.constant 80 : index
      %get3A_651 = tpu.vector_load %arg14[%get3A_649, %get3A_650] {strides = array<i32>} : memref<64x128xf32, #tpu.memory_space<vmem>>, vector<1x16xf32>,
      %get3A_652 = vector.shape_cast %get3A_651 : vector<1x16xf32> to vector<16xf32>
      %get3A_653 = arith.index_cast %add3A_562 : i32 to index
      %get3A_654 = arith.constant 80 : index
      %get3A_655 = tpu.vector_load %arg15[%get3A_653, %get3A_654] {strides = array<i32>} : memref<64x128xf32, #tpu.memory_space<vmem>>, vector<1x16xf32>,
      %get3A_656 = vector.shape_cast %get3A_655 : vector<1x16xf32> to vector<16xf32>
      %mul3A_657 = arith.mulf %get3A_652, %get3A_656 : vector<16xf32>
      %add3A_658 = arith.constant 1.000000e+00 : f32
      %add3A_659 = vector.broadcast %add3A_658 : f32 to vector<16xf32>
      %add3A_660 = arith.addf %add3A_659, %mul3A_657 : vector<16xf32>
      %get3A_661 = arith.constant 80 : index
      %get3A_662 = tpu.vector_load %arg10[%get3A_661] {strides = array<i32>} : memref<128xf32, #tpu.memory_space<vmem>>, vector<16xf32>,
      %get3A_663 = vector.shape_cast %get3A_662 : vector<16xf32> to vector<16xf32>
      %div3A_664 = arith.divf %get3A_663, %add3A_660 : vector<16xf32>
      %add3A_665 = arith.addf %add3A_648, %div3A_664 : vector<16xf32>
      %get3A_666 = arith.index_cast %add3A_562 : i32 to index
      %get3A_667 = arith.constant 96 : index
      %get3A_668 = tpu.vector_load %arg14[%get3A_666, %get3A_667] {strides = array<i32>} : memref<64x128xf32, #tpu.memory_space<vmem>>, vector<1x16xf32>,
      %get3A_669 = vector.shape_cast %get3A_668 : vector<1x16xf32> to vector<16xf32>
      %get3A_670 = arith.index_cast %add3A_562 : i32 to index
      %get3A_671 = arith.constant 96 : index
      %get3A_672 = tpu.vector_load %arg15[%get3A_670, %get3A_671] {strides = array<i32>} : memref<64x128xf32, #tpu.memory_space<vmem>>, vector<1x16xf32>,
      %get3A_673 = vector.shape_cast %get3A_672 : vector<1x16xf32> to vector<16xf32>
      %mul3A_674 = arith.mulf %get3A_669, %get3A_673 : vector<16xf32>
      %add3A_675 = arith.constant 1.000000e+00 : f32
      %add3A_676 = vector.broadcast %add3A_675 : f32 to vector<16xf32>
      %add3A_677 = arith.addf %add3A_676, %mul3A_674 : vector<16xf32>
      %get3A_678 = arith.constant 96 : index
      %get3A_679 = tpu.vector_load %arg10[%get3A_678] {strides = array<i32>} : memref<128xf32, #tpu.memory_space<vmem>>, vector<16xf32>,
      %get3A_680 = vector.shape_cast %get3A_679 : vector<16xf32> to vector<16xf32>
      %div3A_681 = arith.divf %get3A_680, %add3A_677 : vector<16xf32>
      %add3A_682 = arith.addf %add3A_665, %div3A_681 : vector<16xf32>
      %get3A_683 = arith.index_cast %add3A_562 : i32 to index
      %get3A_684 = arith.constant 112 : index
      %get3A_685 = tpu.vector_load %arg14[%get3A_683, %get3A_684] {strides = array<i32>} : memref<64x128xf32, #tpu.memory_space<vmem>>, vector<1x16xf32>,
      %get3A_686 = vector.shape_cast %get3A_685 : vector<1x16xf32> to vector<16xf32>
      %get3A_687 = arith.index_cast %add3A_562 : i32 to index
      %get3A_688 = arith.constant 112 : index
      %get3A_689 = tpu.vector_load %arg15[%get3A_687, %get3A_688] {strides = array<i32>} : memref<64x128xf32, #tpu.memory_space<vmem>>, vector<1x16xf32>,
      %get3A_690 = vector.shape_cast %get3A_689 : vector<1x16xf32> to vector<16xf32>
      %mul3A_691 = arith.mulf %get3A_686, %get3A_690 : vector<16xf32>
      %add3A_692 = arith.constant 1.000000e+00 : f32
      %add3A_693 = vector.broadcast %add3A_692 : f32 to vector<16xf32>
      %add3A_694 = arith.addf %add3A_693, %mul3A_691 : vector<16xf32>
      %get3A_695 = arith.constant 112 : index
      %get3A_696 = tpu.vector_load %arg10[%get3A_695] {strides = array<i32>} : memref<128xf32, #tpu.memory_space<vmem>>, vector<16xf32>,
      %get3A_697 = vector.shape_cast %get3A_696 : vector<16xf32> to vector<16xf32>
      %div3A_698 = arith.divf %get3A_697, %add3A_694 : vector<16xf32>
      %add3A_699 = arith.addf %add3A_682, %div3A_698 : vector<16xf32>
      %add3A_700 = arith.constant 8 : i32
      %add3A_701 = vector.broadcast %add3A_700 : i32 to vector<16xi32>
      %add3A_702 = arith.addi %iota3A, %add3A_701 : vector<16xi32>
      %jit3A = arith.constant 16 : i32
      %eq3A_703 = arith.constant 0 : i32
      %eq3A_704 = arith.cmpi eq, %jit3A, %eq3A_703 : i32
      %jit3A_705 = arith.constant 1 : i32
      %select_n3A = arith.select %eq3A_704, %jit3A_705, %jit3A : i32
      %rem3A = vector.broadcast %select_n3A : i32 to vector<16xi32>
      %rem3A_706 = arith.remsi %add3A_702, %rem3A : vector<16xi32>
      %ne3A = arith.constant 0 : i32
      %ne3A_707 = vector.broadcast %ne3A : i32 to vector<16xi32>
      %ne3A_708 = arith.cmpi ne, %rem3A_706, %ne3A_707 : vector<16xi32>
      %lt3A = arith.constant 0 : i32
      %lt3A_709 = vector.broadcast %lt3A : i32 to vector<16xi32>
      %lt3A_710 = arith.cmpi slt, %rem3A_706, %lt3A_709 : vector<16xi32>
      %lt3A_711 = arith.constant 0 : i32
      %lt3A_712 = arith.cmpi slt, %select_n3A, %lt3A_711 : i32
      %ne3A_713 = vector.broadcast %lt3A_712 : i1 to vector<16xi1>
      %ne3A_714 = vector.broadcast %ne3A_713 : vector<16xi1> to vector<16xi1>
      %ne3A_715 = arith.xori %lt3A_710, %ne3A_714 : vector<16xi1>
      %and3A = arith.andi %ne3A_715, %ne3A_708 : vector<16xi1>
      %add3A_716 = vector.broadcast %select_n3A : i32 to vector<16xi32>
      %add3A_717 = arith.addi %rem3A_706, %add3A_716 : vector<16xi32>
      %select_n3A_718 = arith.select %and3A, %add3A_717, %rem3A_706 : vector<16xi1>, vector<16xi32>
      %broadcast_in_dim3A_719 = vector.shape_cast %select_n3A_718 : vector<16xi32> to vector<16x1xi32>
      %gather3A = vector.shape_cast %broadcast_in_dim3A_719 : vector<16x1xi32> to vector<16xi32>
      %gather3A_720 = tpu.dynamic_gather %add3A_699[%gather3A] in [0] : vector<16xf32>, vector<16xi32> -> vector<16xf32>
      %add3A_721 = arith.addf %add3A_699, %gather3A_720 : vector<16xf32>
      %add3A_722 = arith.constant 4 : i32
      %add3A_723 = vector.broadcast %add3A_722 : i32 to vector<16xi32>
      %add3A_724 = arith.addi %iota3A, %add3A_723 : vector<16xi32>
      %jit3A_725 = arith.constant 16 : i32
      %eq3A_726 = arith.constant 0 : i32
      %eq3A_727 = arith.cmpi eq, %jit3A_725, %eq3A_726 : i32
      %jit3A_728 = arith.constant 1 : i32
      %select_n3A_729 = arith.select %eq3A_727, %jit3A_728, %jit3A_725 : i32
      %rem3A_730 = vector.broadcast %select_n3A_729 : i32 to vector<16xi32>
      %rem3A_731 = arith.remsi %add3A_724, %rem3A_730 : vector<16xi32>
      %ne3A_732 = arith.constant 0 : i32
      %ne3A_733 = vector.broadcast %ne3A_732 : i32 to vector<16xi32>
      %ne3A_734 = arith.cmpi ne, %rem3A_731, %ne3A_733 : vector<16xi32>
      %lt3A_735 = arith.constant 0 : i32
      %lt3A_736 = vector.broadcast %lt3A_735 : i32 to vector<16xi32>
      %lt3A_737 = arith.cmpi slt, %rem3A_731, %lt3A_736 : vector<16xi32>
      %lt3A_738 = arith.constant 0 : i32
      %lt3A_739 = arith.cmpi slt, %select_n3A_729, %lt3A_738 : i32
      %ne3A_740 = vector.broadcast %lt3A_739 : i1 to vector<16xi1>
      %ne3A_741 = vector.broadcast %ne3A_740 : vector<16xi1> to vector<16xi1>
      %ne3A_742 = arith.xori %lt3A_737, %ne3A_741 : vector<16xi1>
      %and3A_743 = arith.andi %ne3A_742, %ne3A_734 : vector<16xi1>
      %add3A_744 = vector.broadcast %select_n3A_729 : i32 to vector<16xi32>
      %add3A_745 = arith.addi %rem3A_731, %add3A_744 : vector<16xi32>
      %select_n3A_746 = arith.select %and3A_743, %add3A_745, %rem3A_731 : vector<16xi1>, vector<16xi32>
      %broadcast_in_dim3A_747 = vector.shape_cast %select_n3A_746 : vector<16xi32> to vector<16x1xi32>
      %gather3A_748 = vector.shape_cast %broadcast_in_dim3A_747 : vector<16x1xi32> to vector<16xi32>
      %gather3A_749 = tpu.dynamic_gather %add3A_721[%gather3A_748] in [0] : vector<16xf32>, vector<16xi32> -> vector<16xf32>
      %add3A_750 = arith.addf %add3A_721, %gather3A_749 : vector<16xf32>
      %add3A_751 = arith.constant 2 : i32
      %add3A_752 = vector.broadcast %add3A_751 : i32 to vector<16xi32>
      %add3A_753 = arith.addi %iota3A, %add3A_752 : vector<16xi32>
      %jit3A_754 = arith.constant 16 : i32
      %eq3A_755 = arith.constant 0 : i32
      %eq3A_756 = arith.cmpi eq, %jit3A_754, %eq3A_755 : i32
      %jit3A_757 = arith.constant 1 : i32
      %select_n3A_758 = arith.select %eq3A_756, %jit3A_757, %jit3A_754 : i32
      %rem3A_759 = vector.broadcast %select_n3A_758 : i32 to vector<16xi32>
      %rem3A_760 = arith.remsi %add3A_753, %rem3A_759 : vector<16xi32>
      %ne3A_761 = arith.constant 0 : i32
      %ne3A_762 = vector.broadcast %ne3A_761 : i32 to vector<16xi32>
      %ne3A_763 = arith.cmpi ne, %rem3A_760, %ne3A_762 : vector<16xi32>
      %lt3A_764 = arith.constant 0 : i32
      %lt3A_765 = vector.broadcast %lt3A_764 : i32 to vector<16xi32>
      %lt3A_766 = arith.cmpi slt, %rem3A_760, %lt3A_765 : vector<16xi32>
      %lt3A_767 = arith.constant 0 : i32
      %lt3A_768 = arith.cmpi slt, %select_n3A_758, %lt3A_767 : i32
      %ne3A_769 = vector.broadcast %lt3A_768 : i1 to vector<16xi1>
      %ne3A_770 = vector.broadcast %ne3A_769 : vector<16xi1> to vector<16xi1>
      %ne3A_771 = arith.xori %lt3A_766, %ne3A_770 : vector<16xi1>
      %and3A_772 = arith.andi %ne3A_771, %ne3A_763 : vector<16xi1>
      %add3A_773 = vector.broadcast %select_n3A_758 : i32 to vector<16xi32>
      %add3A_774 = arith.addi %rem3A_760, %add3A_773 : vector<16xi32>
      %select_n3A_775 = arith.select %and3A_772, %add3A_774, %rem3A_760 : vector<16xi1>, vector<16xi32>
      %broadcast_in_dim3A_776 = vector.shape_cast %select_n3A_775 : vector<16xi32> to vector<16x1xi32>
      %gather3A_777 = vector.shape_cast %broadcast_in_dim3A_776 : vector<16x1xi32> to vector<16xi32>
      %gather3A_778 = tpu.dynamic_gather %add3A_750[%gather3A_777] in [0] : vector<16xf32>, vector<16xi32> -> vector<16xf32>
      %add3A_779 = arith.addf %add3A_750, %gather3A_778 : vector<16xf32>
      %add3A_780 = arith.constant 1 : i32
      %add3A_781 = vector.broadcast %add3A_780 : i32 to vector<16xi32>
      %add3A_782 = arith.addi %iota3A, %add3A_781 : vector<16xi32>
      %jit3A_783 = arith.constant 16 : i32
      %eq3A_784 = arith.constant 0 : i32
      %eq3A_785 = arith.cmpi eq, %jit3A_783, %eq3A_784 : i32
      %jit3A_786 = arith.constant 1 : i32
      %select_n3A_787 = arith.select %eq3A_785, %jit3A_786, %jit3A_783 : i32
      %rem3A_788 = vector.broadcast %select_n3A_787 : i32 to vector<16xi32>
      %rem3A_789 = arith.remsi %add3A_782, %rem3A_788 : vector<16xi32>
      %ne3A_790 = arith.constant 0 : i32
      %ne3A_791 = vector.broadcast %ne3A_790 : i32 to vector<16xi32>
      %ne3A_792 = arith.cmpi ne, %rem3A_789, %ne3A_791 : vector<16xi32>
      %lt3A_793 = arith.constant 0 : i32
      %lt3A_794 = vector.broadcast %lt3A_793 : i32 to vector<16xi32>
      %lt3A_795 = arith.cmpi slt, %rem3A_789, %lt3A_794 : vector<16xi32>
      %lt3A_796 = arith.constant 0 : i32
      %lt3A_797 = arith.cmpi slt, %select_n3A_787, %lt3A_796 : i32
      %ne3A_798 = vector.broadcast %lt3A_797 : i1 to vector<16xi1>
      %ne3A_799 = vector.broadcast %ne3A_798 : vector<16xi1> to vector<16xi1>
      %ne3A_800 = arith.xori %lt3A_795, %ne3A_799 : vector<16xi1>
      %and3A_801 = arith.andi %ne3A_800, %ne3A_792 : vector<16xi1>
      %add3A_802 = vector.broadcast %select_n3A_787 : i32 to vector<16xi32>
      %add3A_803 = arith.addi %rem3A_789, %add3A_802 : vector<16xi32>
      %select_n3A_804 = arith.select %and3A_801, %add3A_803, %rem3A_789 : vector<16xi1>, vector<16xi32>
      %broadcast_in_dim3A_805 = vector.shape_cast %select_n3A_804 : vector<16xi32> to vector<16x1xi32>
      %gather3A_806 = vector.shape_cast %broadcast_in_dim3A_805 : vector<16x1xi32> to vector<16xi32>
      %gather3A_807 = tpu.dynamic_gather %add3A_779[%gather3A_806] in [0] : vector<16xf32>, vector<16xi32> -> vector<16xf32>
      %add3A_808 = arith.addf %add3A_779, %gather3A_807 : vector<16xf32>
      %eq3A_809 = vector.broadcast %scan3A_558 : i32 to vector<16xi32>
      %eq3A_810 = arith.cmpi eq, %iota3A, %eq3A_809 : vector<16xi32>
      %select_n3A_811 = arith.select %eq3A_810, %add3A_808, %scan3A_559 : vector<16xi1>, vector<16xf32>
      scf.yield %select_n3A_811 : vector<16xf32>
    }
    %scan3A_285 = arith.constant 16 : i32
    %exp3A = math.exp %scan3A_284 : vector<16xf32>
    %mul3A_286 = arith.constant 16 : i32
    %mul3A_287 = arith.muli %scan3A_277, %mul3A_286 : i32
    %swap3A_288 = arith.index_cast %mul3A_287 : i32 to index
    %swap3A_289 = tpu.vector_load %arg17[%swap3A_288] {strides = array<i32>} : memref<64xf32, #tpu.memory_space<vmem>>, vector<16xf32>,
    %swap3A_290 = vector.shape_cast %swap3A_289 : vector<16xf32> to vector<16xf32>
    %swap3A_291 = vector.shape_cast %exp3A : vector<16xf32> to vector<16xf32>
    tpu.vector_store %arg17[%swap3A_288], %swap3A_291 {strides = array<i32>} : memref<64xf32, #tpu.memory_space<vmem>>, vector<16xf32>,
    %scan3A_292 = arith.constant 1 : i32
    %scan3A_293 = arith.constant 0 : i32
    %mul3A_294 = arith.constant 16 : i32
    %mul3A_295 = arith.muli %scan3A_293, %mul3A_294 : i32
    %get3A_296 = arith.index_cast %mul3A_295 : i32 to index
    %get3A_297 = tpu.vector_load %arg17[%get3A_296] {strides = array<i32>} : memref<64xf32, #tpu.memory_space<vmem>>, vector<16xf32>,
    %get3A_298 = vector.shape_cast %get3A_297 : vector<16xf32> to vector<16xf32>
    %scan3A_299 = arith.constant 0 : i32
    %scan3A_300 = arith.constant 16 : i32
    %scan3A_301 = arith.addi %scan3A_299, %scan3A_300 : i32
    %scan3A_302 = arith.constant 1 : i32
    scf.for %scan3A_558 = %scan3A_299 to %scan3A_301 step %scan3A_302  : i32 {
      %mul3A_559 = arith.constant 16 : i32
      %mul3A_560 = arith.muli %scan3A_293, %mul3A_559 : i32
      %add3A_561 = arith.addi %mul3A_560, %scan3A_558 : i32
      %broadcast_in_dim3A_562 = vector.broadcast %scan3A_558 : i32 to vector<16xi32>
      %broadcast_in_dim3A_563 = vector.shape_cast %broadcast_in_dim3A_562 : vector<16xi32> to vector<16x1xi32>
      %gather3A = vector.shape_cast %broadcast_in_dim3A_563 : vector<16x1xi32> to vector<16xi32>
      %gather3A_564 = tpu.dynamic_gather %get3A_298[%gather3A] in [0] : vector<16xf32>, vector<16xi32> -> vector<16xf32>
      %get3A_565 = arith.index_cast %add3A_561 : i32 to index
      %get3A_566 = arith.constant 0 : index
      %get3A_567 = tpu.vector_load %arg16[%get3A_565, %get3A_566] {strides = array<i32>} : memref<64x128xf32, #tpu.memory_space<vmem>>, vector<1x16xf32>,
      %get3A_568 = vector.shape_cast %get3A_567 : vector<1x16xf32> to vector<16xf32>
      %mul3A_569 = arith.mulf %get3A_568, %gather3A_564 : vector<16xf32>
      %swap3A_570 = arith.index_cast %add3A_561 : i32 to index
      %swap3A_571 = arith.constant 0 : index
      %swap3A_572 = tpu.vector_load %arg16[%swap3A_570, %swap3A_571] {strides = array<i32>} : memref<64x128xf32, #tpu.memory_space<vmem>>, vector<1x16xf32>,
      %swap3A_573 = vector.shape_cast %swap3A_572 : vector<1x16xf32> to vector<16xf32>
      %swap3A_574 = vector.shape_cast %mul3A_569 : vector<16xf32> to vector<1x16xf32>
      tpu.vector_store %arg16[%swap3A_570, %swap3A_571], %swap3A_574 {strides = array<i32>} : memref<64x128xf32, #tpu.memory_space<vmem>>, vector<1x16xf32>,
      %get3A_575 = arith.index_cast %add3A_561 : i32 to index
      %get3A_576 = arith.constant 16 : index
      %get3A_577 = tpu.vector_load %arg16[%get3A_575, %get3A_576] {strides = array<i32>} : memref<64x128xf32, #tpu.memory_space<vmem>>, vector<1x16xf32>,
      %get3A_578 = vector.shape_cast %get3A_577 : vector<1x16xf32> to vector<16xf32>
      %mul3A_579 = arith.mulf %get3A_578, %gather3A_564 : vector<16xf32>
      %swap3A_580 = arith.index_cast %add3A_561 : i32 to index
      %swap3A_581 = arith.constant 16 : index
      %swap3A_582 = tpu.vector_load %arg16[%swap3A_580, %swap3A_581] {strides = array<i32>} : memref<64x128xf32, #tpu.memory_space<vmem>>, vector<1x16xf32>,
      %swap3A_583 = vector.shape_cast %swap3A_582 : vector<1x16xf32> to vector<16xf32>
      %swap3A_584 = vector.shape_cast %mul3A_579 : vector<16xf32> to vector<1x16xf32>
      tpu.vector_store %arg16[%swap3A_580, %swap3A_581], %swap3A_584 {strides = array<i32>} : memref<64x128xf32, #tpu.memory_space<vmem>>, vector<1x16xf32>,
      %get3A_585 = arith.index_cast %add3A_561 : i32 to index
      %get3A_586 = arith.constant 32 : index
      %get3A_587 = tpu.vector_load %arg16[%get3A_585, %get3A_586] {strides = array<i32>} : memref<64x128xf32, #tpu.memory_space<vmem>>, vector<1x16xf32>,
      %get3A_588 = vector.shape_cast %get3A_587 : vector<1x16xf32> to vector<16xf32>
      %mul3A_589 = arith.mulf %get3A_588, %gather3A_564 : vector<16xf32>
      %swap3A_590 = arith.index_cast %add3A_561 : i32 to index
      %swap3A_591 = arith.constant 32 : index
      %swap3A_592 = tpu.vector_load %arg16[%swap3A_590, %swap3A_591] {strides = array<i32>} : memref<64x128xf32, #tpu.memory_space<vmem>>, vector<1x16xf32>,
      %swap3A_593 = vector.shape_cast %swap3A_592 : vector<1x16xf32> to vector<16xf32>
      %swap3A_594 = vector.shape_cast %mul3A_589 : vector<16xf32> to vector<1x16xf32>
      tpu.vector_store %arg16[%swap3A_590, %swap3A_591], %swap3A_594 {strides = array<i32>} : memref<64x128xf32, #tpu.memory_space<vmem>>, vector<1x16xf32>,
      %get3A_595 = arith.index_cast %add3A_561 : i32 to index
      %get3A_596 = arith.constant 48 : index
      %get3A_597 = tpu.vector_load %arg16[%get3A_595, %get3A_596] {strides = array<i32>} : memref<64x128xf32, #tpu.memory_space<vmem>>, vector<1x16xf32>,
      %get3A_598 = vector.shape_cast %get3A_597 : vector<1x16xf32> to vector<16xf32>
      %mul3A_599 = arith.mulf %get3A_598, %gather3A_564 : vector<16xf32>
      %swap3A_600 = arith.index_cast %add3A_561 : i32 to index
      %swap3A_601 = arith.constant 48 : index
      %swap3A_602 = tpu.vector_load %arg16[%swap3A_600, %swap3A_601] {strides = array<i32>} : memref<64x128xf32, #tpu.memory_space<vmem>>, vector<1x16xf32>,
      %swap3A_603 = vector.shape_cast %swap3A_602 : vector<1x16xf32> to vector<16xf32>
      %swap3A_604 = vector.shape_cast %mul3A_599 : vector<16xf32> to vector<1x16xf32>
      tpu.vector_store %arg16[%swap3A_600, %swap3A_601], %swap3A_604 {strides = array<i32>} : memref<64x128xf32, #tpu.memory_space<vmem>>, vector<1x16xf32>,
      %get3A_605 = arith.index_cast %add3A_561 : i32 to index
      %get3A_606 = arith.constant 64 : index
      %get3A_607 = tpu.vector_load %arg16[%get3A_605, %get3A_606] {strides = array<i32>} : memref<64x128xf32, #tpu.memory_space<vmem>>, vector<1x16xf32>,
      %get3A_608 = vector.shape_cast %get3A_607 : vector<1x16xf32> to vector<16xf32>
      %mul3A_609 = arith.mulf %get3A_608, %gather3A_564 : vector<16xf32>
      %swap3A_610 = arith.index_cast %add3A_561 : i32 to index
      %swap3A_611 = arith.constant 64 : index
      %swap3A_612 = tpu.vector_load %arg16[%swap3A_610, %swap3A_611] {strides = array<i32>} : memref<64x128xf32, #tpu.memory_space<vmem>>, vector<1x16xf32>,
      %swap3A_613 = vector.shape_cast %swap3A_612 : vector<1x16xf32> to vector<16xf32>
      %swap3A_614 = vector.shape_cast %mul3A_609 : vector<16xf32> to vector<1x16xf32>
      tpu.vector_store %arg16[%swap3A_610, %swap3A_611], %swap3A_614 {strides = array<i32>} : memref<64x128xf32, #tpu.memory_space<vmem>>, vector<1x16xf32>,
      %get3A_615 = arith.index_cast %add3A_561 : i32 to index
      %get3A_616 = arith.constant 80 : index
      %get3A_617 = tpu.vector_load %arg16[%get3A_615, %get3A_616] {strides = array<i32>} : memref<64x128xf32, #tpu.memory_space<vmem>>, vector<1x16xf32>,
      %get3A_618 = vector.shape_cast %get3A_617 : vector<1x16xf32> to vector<16xf32>
      %mul3A_619 = arith.mulf %get3A_618, %gather3A_564 : vector<16xf32>
      %swap3A_620 = arith.index_cast %add3A_561 : i32 to index
      %swap3A_621 = arith.constant 80 : index
      %swap3A_622 = tpu.vector_load %arg16[%swap3A_620, %swap3A_621] {strides = array<i32>} : memref<64x128xf32, #tpu.memory_space<vmem>>, vector<1x16xf32>,
      %swap3A_623 = vector.shape_cast %swap3A_622 : vector<1x16xf32> to vector<16xf32>
      %swap3A_624 = vector.shape_cast %mul3A_619 : vector<16xf32> to vector<1x16xf32>
      tpu.vector_store %arg16[%swap3A_620, %swap3A_621], %swap3A_624 {strides = array<i32>} : memref<64x128xf32, #tpu.memory_space<vmem>>, vector<1x16xf32>,
      %get3A_625 = arith.index_cast %add3A_561 : i32 to index
      %get3A_626 = arith.constant 96 : index
      %get3A_627 = tpu.vector_load %arg16[%get3A_625, %get3A_626] {strides = array<i32>} : memref<64x128xf32, #tpu.memory_space<vmem>>, vector<1x16xf32>,
      %get3A_628 = vector.shape_cast %get3A_627 : vector<1x16xf32> to vector<16xf32>
      %mul3A_629 = arith.mulf %get3A_628, %gather3A_564 : vector<16xf32>
      %swap3A_630 = arith.index_cast %add3A_561 : i32 to index
      %swap3A_631 = arith.constant 96 : index
      %swap3A_632 = tpu.vector_load %arg16[%swap3A_630, %swap3A_631] {strides = array<i32>} : memref<64x128xf32, #tpu.memory_space<vmem>>, vector<1x16xf32>,
      %swap3A_633 = vector.shape_cast %swap3A_632 : vector<1x16xf32> to vector<16xf32>
      %swap3A_634 = vector.shape_cast %mul3A_629 : vector<16xf32> to vector<1x16xf32>
      tpu.vector_store %arg16[%swap3A_630, %swap3A_631], %swap3A_634 {strides = array<i32>} : memref<64x128xf32, #tpu.memory_space<vmem>>, vector<1x16xf32>,
      %get3A_635 = arith.index_cast %add3A_561 : i32 to index
      %get3A_636 = arith.constant 112 : index
      %get3A_637 = tpu.vector_load %arg16[%get3A_635, %get3A_636] {strides = array<i32>} : memref<64x128xf32, #tpu.memory_space<vmem>>, vector<1x16xf32>,
      %get3A_638 = vector.shape_cast %get3A_637 : vector<1x16xf32> to vector<16xf32>
      %mul3A_639 = arith.mulf %get3A_638, %gather3A_564 : vector<16xf32>
      %swap3A_640 = arith.index_cast %add3A_561 : i32 to index
      %swap3A_641 = arith.constant 112 : index
      %swap3A_642 = tpu.vector_load %arg16[%swap3A_640, %swap3A_641] {strides = array<i32>} : memref<64x128xf32, #tpu.memory_space<vmem>>, vector<1x16xf32>,
      %swap3A_643 = vector.shape_cast %swap3A_642 : vector<1x16xf32> to vector<16xf32>
      %swap3A_644 = vector.shape_cast %mul3A_639 : vector<16xf32> to vector<1x16xf32>
      tpu.vector_store %arg16[%swap3A_640, %swap3A_641], %swap3A_644 {strides = array<i32>} : memref<64x128xf32, #tpu.memory_space<vmem>>, vector<1x16xf32>,
    }
    %scan3A_303 = arith.constant 16 : i32
    %scan3A_304 = arith.constant 1 : i32
    "tpu.region"() ({
      %run_scoped3A = tpu.sem_alloc : memref<!tpu.dma_semaphore, #tpu.memory_space<semaphore_mem>>
      %dma_start3A_558 = arith.constant 0 : i32
      %dma_start3A_559 = arith.constant 0 : i32
      %dma_start3A_560 = tpu.memref_slice %arg16[%dma_start3A_558, %dma_start3A_559] : memref<64x128xf32, #tpu.memory_space<vmem>> -> memref<16x128xf32, #tpu.memory_space<vmem>>
      %dma_start3A_561 = arith.constant 0 : i32
      %dma_start3A_562 = arith.constant 0 : i32
      %dma_start3A_563 = tpu.memref_slice %arg24[%dma_start3A_561, %dma_start3A_562] : memref<10000x128xf32, #tpu.memory_space<vmem_shared>> -> memref<10000x128xf32, #tpu.memory_space<vmem_shared>>
      tpu.enqueue_indirect_dma source(%dma_start3A_560 : memref<16x128xf32, #tpu.memory_space<vmem>>) target(%dma_start3A_563 : memref<10000x128xf32, #tpu.memory_space<vmem_shared>>) offsets(%arg13 : memref<16xi32, #tpu.memory_space<vmem>>) semaphore(%run_scoped3A : memref<!tpu.dma_semaphore, #tpu.memory_space<semaphore_mem>>) {add = true}
      %dma_wait3A_564 = arith.constant 0 : i32
      %dma_wait3A_565 = arith.constant 0 : i32
      %dma_wait3A_566 = tpu.memref_slice %arg16[%dma_wait3A_564, %dma_wait3A_565] : memref<64x128xf32, #tpu.memory_space<vmem>> -> memref<16x128xf32, #tpu.memory_space<vmem>>
      %dma_wait3A_567 = arith.constant 0 : i32
      %dma_wait3A_568 = arith.constant 0 : i32
      %dma_wait3A_569 = tpu.memref_slice %arg24[%dma_wait3A_567, %dma_wait3A_568] : memref<10000x128xf32, #tpu.memory_space<vmem_shared>> -> memref<10000x128xf32, #tpu.memory_space<vmem_shared>>
      tpu.wait_indirect_dma semaphore(%run_scoped3A : memref<!tpu.dma_semaphore, #tpu.memory_space<semaphore_mem>>) src(%dma_wait3A_566 : memref<16x128xf32, #tpu.memory_space<vmem>>) dst(%dma_wait3A_569 : memref<10000x128xf32, #tpu.memory_space<vmem_shared>>)
      tpu.yield
    }) : () -> ()
    "tpu.region"() ({
      %run_scoped3A = tpu.sem_alloc : memref<!tpu.dma_semaphore, #tpu.memory_space<semaphore_mem>>
      %dma_start3A_558 = arith.constant 0 : i32
      %dma_start3A_559 = tpu.memref_slice %arg17[%dma_start3A_558] : memref<64xf32, #tpu.memory_space<vmem>> -> memref<16xf32, #tpu.memory_space<vmem>>
      %dma_start3A_560 = arith.constant 0 : i32
      %dma_start3A_561 = tpu.memref_slice %arg25[%dma_start3A_560] : memref<10000xf32, #tpu.memory_space<vmem_shared>> -> memref<10000xf32, #tpu.memory_space<vmem_shared>>
      tpu.enqueue_indirect_dma source(%dma_start3A_559 : memref<16xf32, #tpu.memory_space<vmem>>) target(%dma_start3A_561 : memref<10000xf32, #tpu.memory_space<vmem_shared>>) offsets(%arg13 : memref<16xi32, #tpu.memory_space<vmem>>) semaphore(%run_scoped3A : memref<!tpu.dma_semaphore, #tpu.memory_space<semaphore_mem>>) {add = true}
      %dma_wait3A_562 = arith.constant 0 : i32
      %dma_wait3A_563 = tpu.memref_slice %arg17[%dma_wait3A_562] : memref<64xf32, #tpu.memory_space<vmem>> -> memref<16xf32, #tpu.memory_space<vmem>>
      %dma_wait3A_564 = arith.constant 0 : i32
      %dma_wait3A_565 = tpu.memref_slice %arg25[%dma_wait3A_564] : memref<10000xf32, #tpu.memory_space<vmem_shared>> -> memref<10000xf32, #tpu.memory_space<vmem_shared>>
      tpu.wait_indirect_dma semaphore(%run_scoped3A : memref<!tpu.dma_semaphore, #tpu.memory_space<semaphore_mem>>) src(%dma_wait3A_563 : memref<16xf32, #tpu.memory_space<vmem>>) dst(%dma_wait3A_565 : memref<10000xf32, #tpu.memory_space<vmem_shared>>)
      tpu.yield
    }) : () -> ()
    %barrier3A_305 = arith.constant 0 : index
    tpu.barrier barrier_id(%barrier3A_305)
    %dma_start3A_306 = arith.constant 0 : i32
    %dma_start3A_307 = tpu.memref_slice %arg8[%arg0, %mul3A_30, %dma_start3A_306] : memref<2x10000x128xf32, #tpu.memory_space<hbm>> -> memref<1x624x128xf32, #tpu.memory_space<hbm>>
    %dma_start3A_308 = tpu.memref_squeeze %dma_start3A_307 : memref<1x624x128xf32, #tpu.memory_space<hbm>> -> memref<624x128xf32, #tpu.memory_space<hbm>>
    %dma_start3A_309 = arith.constant 0 : i32
    %dma_start3A_310 = tpu.memref_slice %arg24[%mul3A_30, %dma_start3A_309] : memref<10000x128xf32, #tpu.memory_space<vmem_shared>> -> memref<624x128xf32, #tpu.memory_space<vmem_shared>>
    tpu.enqueue_dma source(%dma_start3A_310 : memref<624x128xf32, #tpu.memory_space<vmem_shared>>) target(%dma_start3A_308 : memref<624x128xf32, #tpu.memory_space<hbm>>) target_semaphore(%arg26 : memref<!tpu.dma_semaphore, #tpu.memory_space<semaphore_mem>>)
    %add3A_311 = arith.constant 0 : i32
    %add3A_312 = arith.addi %mul3A_30, %add3A_311 : i32
    %dma_start3A_313 = arith.constant 0 : i32
    %dma_start3A_314 = arith.constant 0 : i32
    %dma_start3A_315 = tpu.memref_slice %arg14[%dma_start3A_313, %dma_start3A_314] : memref<64x128xf32, #tpu.memory_space<vmem>> -> memref<1x128xf32, #tpu.memory_space<vmem>>
    %dma_start3A_316 = tpu.memref_squeeze %dma_start3A_315 : memref<1x128xf32, #tpu.memory_space<vmem>> -> memref<128xf32, #tpu.memory_space<vmem>>
    %dma_start3A_317 = tpu.memref_slice %arg25[%add3A_312] : memref<10000xf32, #tpu.memory_space<vmem_shared>> -> memref<128xf32, #tpu.memory_space<vmem_shared>>
    %dma_start3A_318 = arith.constant 0 : i32
    %dma_start3A_319 = tpu.memref_slice %arg14[%dma_start3A_313, %dma_start3A_318] : memref<64x128xf32, #tpu.memory_space<vmem>> -> memref<1x128xf32, #tpu.memory_space<vmem>>
    %dma_start3A_320 = tpu.memref_squeeze %dma_start3A_319 : memref<1x128xf32, #tpu.memory_space<vmem>> -> memref<128xf32, #tpu.memory_space<vmem>>
    %dma_start3A_321 = tpu.memref_slice %arg25[%add3A_312] : memref<10000xf32, #tpu.memory_space<vmem_shared>> -> memref<128xf32, #tpu.memory_space<vmem_shared>>
    tpu.enqueue_dma source(%dma_start3A_321 : memref<128xf32, #tpu.memory_space<vmem_shared>>) target(%dma_start3A_320 : memref<128xf32, #tpu.memory_space<vmem>>) target_semaphore(%arg27 : memref<!tpu.dma_semaphore, #tpu.memory_space<semaphore_mem>>)
    %add3A_322 = arith.constant 128 : i32
    %add3A_323 = arith.addi %mul3A_30, %add3A_322 : i32
    %dma_start3A_324 = arith.constant 2 : i32
    %dma_start3A_325 = arith.constant 0 : i32
    %dma_start3A_326 = tpu.memref_slice %arg14[%dma_start3A_324, %dma_start3A_325] : memref<64x128xf32, #tpu.memory_space<vmem>> -> memref<1x128xf32, #tpu.memory_space<vmem>>
    %dma_start3A_327 = tpu.memref_squeeze %dma_start3A_326 : memref<1x128xf32, #tpu.memory_space<vmem>> -> memref<128xf32, #tpu.memory_space<vmem>>
    %dma_start3A_328 = tpu.memref_slice %arg25[%add3A_323] : memref<10000xf32, #tpu.memory_space<vmem_shared>> -> memref<128xf32, #tpu.memory_space<vmem_shared>>
    %dma_start3A_329 = arith.constant 0 : i32
    %dma_start3A_330 = tpu.memref_slice %arg14[%dma_start3A_324, %dma_start3A_329] : memref<64x128xf32, #tpu.memory_space<vmem>> -> memref<1x128xf32, #tpu.memory_space<vmem>>
    %dma_start3A_331 = tpu.memref_squeeze %dma_start3A_330 : memref<1x128xf32, #tpu.memory_space<vmem>> -> memref<128xf32, #tpu.memory_space<vmem>>
    %dma_start3A_332 = tpu.memref_slice %arg25[%add3A_323] : memref<10000xf32, #tpu.memory_space<vmem_shared>> -> memref<128xf32, #tpu.memory_space<vmem_shared>>
    tpu.enqueue_dma source(%dma_start3A_332 : memref<128xf32, #tpu.memory_space<vmem_shared>>) target(%dma_start3A_331 : memref<128xf32, #tpu.memory_space<vmem>>) target_semaphore(%arg27 : memref<!tpu.dma_semaphore, #tpu.memory_space<semaphore_mem>>)
    %add3A_333 = arith.constant 256 : i32
    %add3A_334 = arith.addi %mul3A_30, %add3A_333 : i32
    %dma_start3A_335 = arith.constant 4 : i32
    %dma_start3A_336 = arith.constant 0 : i32
    %dma_start3A_337 = tpu.memref_slice %arg14[%dma_start3A_335, %dma_start3A_336] : memref<64x128xf32, #tpu.memory_space<vmem>> -> memref<1x128xf32, #tpu.memory_space<vmem>>
    %dma_start3A_338 = tpu.memref_squeeze %dma_start3A_337 : memref<1x128xf32, #tpu.memory_space<vmem>> -> memref<128xf32, #tpu.memory_space<vmem>>
    %dma_start3A_339 = tpu.memref_slice %arg25[%add3A_334] : memref<10000xf32, #tpu.memory_space<vmem_shared>> -> memref<128xf32, #tpu.memory_space<vmem_shared>>
    %dma_start3A_340 = arith.constant 0 : i32
    %dma_start3A_341 = tpu.memref_slice %arg14[%dma_start3A_335, %dma_start3A_340] : memref<64x128xf32, #tpu.memory_space<vmem>> -> memref<1x128xf32, #tpu.memory_space<vmem>>
    %dma_start3A_342 = tpu.memref_squeeze %dma_start3A_341 : memref<1x128xf32, #tpu.memory_space<vmem>> -> memref<128xf32, #tpu.memory_space<vmem>>
    %dma_start3A_343 = tpu.memref_slice %arg25[%add3A_334] : memref<10000xf32, #tpu.memory_space<vmem_shared>> -> memref<128xf32, #tpu.memory_space<vmem_shared>>
    tpu.enqueue_dma source(%dma_start3A_343 : memref<128xf32, #tpu.memory_space<vmem_shared>>) target(%dma_start3A_342 : memref<128xf32, #tpu.memory_space<vmem>>) target_semaphore(%arg27 : memref<!tpu.dma_semaphore, #tpu.memory_space<semaphore_mem>>)
    %add3A_344 = arith.constant 384 : i32
    %add3A_345 = arith.addi %mul3A_30, %add3A_344 : i32
    %dma_start3A_346 = arith.constant 6 : i32
    %dma_start3A_347 = arith.constant 0 : i32
    %dma_start3A_348 = tpu.memref_slice %arg14[%dma_start3A_346, %dma_start3A_347] : memref<64x128xf32, #tpu.memory_space<vmem>> -> memref<1x128xf32, #tpu.memory_space<vmem>>
    %dma_start3A_349 = tpu.memref_squeeze %dma_start3A_348 : memref<1x128xf32, #tpu.memory_space<vmem>> -> memref<128xf32, #tpu.memory_space<vmem>>
    %dma_start3A_350 = tpu.memref_slice %arg25[%add3A_345] : memref<10000xf32, #tpu.memory_space<vmem_shared>> -> memref<128xf32, #tpu.memory_space<vmem_shared>>
    %dma_start3A_351 = arith.constant 0 : i32
    %dma_start3A_352 = tpu.memref_slice %arg14[%dma_start3A_346, %dma_start3A_351] : memref<64x128xf32, #tpu.memory_space<vmem>> -> memref<1x128xf32, #tpu.memory_space<vmem>>
    %dma_start3A_353 = tpu.memref_squeeze %dma_start3A_352 : memref<1x128xf32, #tpu.memory_space<vmem>> -> memref<128xf32, #tpu.memory_space<vmem>>
    %dma_start3A_354 = tpu.memref_slice %arg25[%add3A_345] : memref<10000xf32, #tpu.memory_space<vmem_shared>> -> memref<128xf32, #tpu.memory_space<vmem_shared>>
    tpu.enqueue_dma source(%dma_start3A_354 : memref<128xf32, #tpu.memory_space<vmem_shared>>) target(%dma_start3A_353 : memref<128xf32, #tpu.memory_space<vmem>>) target_semaphore(%arg27 : memref<!tpu.dma_semaphore, #tpu.memory_space<semaphore_mem>>)
    %add3A_355 = arith.constant 512 : i32
    %add3A_356 = arith.addi %mul3A_30, %add3A_355 : i32
    %dma_start3A_357 = arith.constant 8 : i32
    %dma_start3A_358 = arith.constant 0 : i32
    %dma_start3A_359 = tpu.memref_slice %arg14[%dma_start3A_357, %dma_start3A_358] : memref<64x128xf32, #tpu.memory_space<vmem>> -> memref<1x128xf32, #tpu.memory_space<vmem>>
    %dma_start3A_360 = tpu.memref_squeeze %dma_start3A_359 : memref<1x128xf32, #tpu.memory_space<vmem>> -> memref<128xf32, #tpu.memory_space<vmem>>
    %dma_start3A_361 = tpu.memref_slice %arg25[%add3A_356] : memref<10000xf32, #tpu.memory_space<vmem_shared>> -> memref<128xf32, #tpu.memory_space<vmem_shared>>
    %dma_start3A_362 = arith.constant 0 : i32
    %dma_start3A_363 = tpu.memref_slice %arg14[%dma_start3A_357, %dma_start3A_362] : memref<64x128xf32, #tpu.memory_space<vmem>> -> memref<1x128xf32, #tpu.memory_space<vmem>>
    %dma_start3A_364 = tpu.memref_squeeze %dma_start3A_363 : memref<1x128xf32, #tpu.memory_space<vmem>> -> memref<128xf32, #tpu.memory_space<vmem>>
    %dma_start3A_365 = tpu.memref_slice %arg25[%add3A_356] : memref<10000xf32, #tpu.memory_space<vmem_shared>> -> memref<128xf32, #tpu.memory_space<vmem_shared>>
    tpu.enqueue_dma source(%dma_start3A_365 : memref<128xf32, #tpu.memory_space<vmem_shared>>) target(%dma_start3A_364 : memref<128xf32, #tpu.memory_space<vmem>>) target_semaphore(%arg27 : memref<!tpu.dma_semaphore, #tpu.memory_space<semaphore_mem>>)
    %eq3A = arith.constant 15 : i32
    %eq3A_366 = arith.cmpi eq, %arg1, %eq3A : i32
    %convert_element_type3A = arith.extui %eq3A_366 : i1 to i32
    %cond3A = arith.constant 0 : i32
    %cond3A_367 = arith.cmpi ne, %convert_element_type3A, %cond3A : i32
    scf.if %cond3A_367 {
      %add3A_558 = arith.constant 624 : i32
      %add3A_559 = arith.addi %mul3A_30, %add3A_558 : i32
      %add3A_560 = arith.constant 624 : i32
      %add3A_561 = arith.addi %mul3A_30, %add3A_560 : i32
      %dma_start3A_562 = arith.constant 0 : i32
      %dma_start3A_563 = tpu.memref_slice %arg8[%arg0, %add3A_561, %dma_start3A_562] : memref<2x10000x128xf32, #tpu.memory_space<hbm>> -> memref<1x16x128xf32, #tpu.memory_space<hbm>>
      %dma_start3A_564 = tpu.memref_squeeze %dma_start3A_563 : memref<1x16x128xf32, #tpu.memory_space<hbm>> -> memref<16x128xf32, #tpu.memory_space<hbm>>
      %dma_start3A_565 = arith.constant 0 : i32
      %dma_start3A_566 = tpu.memref_slice %arg24[%add3A_559, %dma_start3A_565] : memref<10000x128xf32, #tpu.memory_space<vmem_shared>> -> memref<16x128xf32, #tpu.memory_space<vmem_shared>>
      tpu.enqueue_dma source(%dma_start3A_566 : memref<16x128xf32, #tpu.memory_space<vmem_shared>>) target(%dma_start3A_564 : memref<16x128xf32, #tpu.memory_space<hbm>>) target_semaphore(%arg28 : memref<!tpu.dma_semaphore, #tpu.memory_space<semaphore_mem>>)
    } else {
    }
    %dma_wait3A_368 = arith.constant 0 : i32
    %dma_wait3A_369 = arith.constant 0 : i32
    %dma_wait3A_370 = tpu.memref_slice %arg14[%dma_wait3A_368, %dma_wait3A_369] : memref<64x128xf32, #tpu.memory_space<vmem>> -> memref<1x128xf32, #tpu.memory_space<vmem>>
    %dma_wait3A_371 = tpu.memref_squeeze %dma_wait3A_370 : memref<1x128xf32, #tpu.memory_space<vmem>> -> memref<128xf32, #tpu.memory_space<vmem>>
    %dma_wait3A_372 = arith.constant 0 : i32
    %dma_wait3A_373 = tpu.memref_slice %arg25[%dma_wait3A_372] : memref<10000xf32, #tpu.memory_space<vmem_shared>> -> memref<128xf32, #tpu.memory_space<vmem_shared>>
    %dma_wait3A_374 = arith.constant 0 : i32
    %dma_wait3A_375 = tpu.memref_slice %arg14[%dma_wait3A_368, %dma_wait3A_374] : memref<64x128xf32, #tpu.memory_space<vmem>> -> memref<1x128xf32, #tpu.memory_space<vmem>>
    %dma_wait3A_376 = tpu.memref_squeeze %dma_wait3A_375 : memref<1x128xf32, #tpu.memory_space<vmem>> -> memref<128xf32, #tpu.memory_space<vmem>>
    %dma_wait3A_377 = arith.constant 0 : i32
    %dma_wait3A_378 = tpu.memref_slice %arg25[%dma_wait3A_377] : memref<10000xf32, #tpu.memory_space<vmem_shared>> -> memref<128xf32, #tpu.memory_space<vmem_shared>>
    tpu.wait_dma2 semaphore(%arg27 : memref<!tpu.dma_semaphore, #tpu.memory_space<semaphore_mem>>) src(%dma_wait3A_378 : memref<128xf32, #tpu.memory_space<vmem_shared>>) dst(%dma_wait3A_376 : memref<128xf32, #tpu.memory_space<vmem>>)
    %dma_wait3A_379 = arith.constant 2 : i32
    %dma_wait3A_380 = arith.constant 0 : i32
    %dma_wait3A_381 = tpu.memref_slice %arg14[%dma_wait3A_379, %dma_wait3A_380] : memref<64x128xf32, #tpu.memory_space<vmem>> -> memref<1x128xf32, #tpu.memory_space<vmem>>
    %dma_wait3A_382 = tpu.memref_squeeze %dma_wait3A_381 : memref<1x128xf32, #tpu.memory_space<vmem>> -> memref<128xf32, #tpu.memory_space<vmem>>
    %dma_wait3A_383 = arith.constant 0 : i32
    %dma_wait3A_384 = tpu.memref_slice %arg25[%dma_wait3A_383] : memref<10000xf32, #tpu.memory_space<vmem_shared>> -> memref<128xf32, #tpu.memory_space<vmem_shared>>
    %dma_wait3A_385 = arith.constant 0 : i32
    %dma_wait3A_386 = tpu.memref_slice %arg14[%dma_wait3A_379, %dma_wait3A_385] : memref<64x128xf32, #tpu.memory_space<vmem>> -> memref<1x128xf32, #tpu.memory_space<vmem>>
    %dma_wait3A_387 = tpu.memref_squeeze %dma_wait3A_386 : memref<1x128xf32, #tpu.memory_space<vmem>> -> memref<128xf32, #tpu.memory_space<vmem>>
    %dma_wait3A_388 = arith.constant 0 : i32
    %dma_wait3A_389 = tpu.memref_slice %arg25[%dma_wait3A_388] : memref<10000xf32, #tpu.memory_space<vmem_shared>> -> memref<128xf32, #tpu.memory_space<vmem_shared>>
    tpu.wait_dma2 semaphore(%arg27 : memref<!tpu.dma_semaphore, #tpu.memory_space<semaphore_mem>>) src(%dma_wait3A_389 : memref<128xf32, #tpu.memory_space<vmem_shared>>) dst(%dma_wait3A_387 : memref<128xf32, #tpu.memory_space<vmem>>)
    %dma_wait3A_390 = arith.constant 4 : i32
    %dma_wait3A_391 = arith.constant 0 : i32
    %dma_wait3A_392 = tpu.memref_slice %arg14[%dma_wait3A_390, %dma_wait3A_391] : memref<64x128xf32, #tpu.memory_space<vmem>> -> memref<1x128xf32, #tpu.memory_space<vmem>>
    %dma_wait3A_393 = tpu.memref_squeeze %dma_wait3A_392 : memref<1x128xf32, #tpu.memory_space<vmem>> -> memref<128xf32, #tpu.memory_space<vmem>>
    %dma_wait3A_394 = arith.constant 0 : i32
    %dma_wait3A_395 = tpu.memref_slice %arg25[%dma_wait3A_394] : memref<10000xf32, #tpu.memory_space<vmem_shared>> -> memref<128xf32, #tpu.memory_space<vmem_shared>>
    %dma_wait3A_396 = arith.constant 0 : i32
    %dma_wait3A_397 = tpu.memref_slice %arg14[%dma_wait3A_390, %dma_wait3A_396] : memref<64x128xf32, #tpu.memory_space<vmem>> -> memref<1x128xf32, #tpu.memory_space<vmem>>
    %dma_wait3A_398 = tpu.memref_squeeze %dma_wait3A_397 : memref<1x128xf32, #tpu.memory_space<vmem>> -> memref<128xf32, #tpu.memory_space<vmem>>
    %dma_wait3A_399 = arith.constant 0 : i32
    %dma_wait3A_400 = tpu.memref_slice %arg25[%dma_wait3A_399] : memref<10000xf32, #tpu.memory_space<vmem_shared>> -> memref<128xf32, #tpu.memory_space<vmem_shared>>
    tpu.wait_dma2 semaphore(%arg27 : memref<!tpu.dma_semaphore, #tpu.memory_space<semaphore_mem>>) src(%dma_wait3A_400 : memref<128xf32, #tpu.memory_space<vmem_shared>>) dst(%dma_wait3A_398 : memref<128xf32, #tpu.memory_space<vmem>>)
    %dma_wait3A_401 = arith.constant 6 : i32
    %dma_wait3A_402 = arith.constant 0 : i32
    %dma_wait3A_403 = tpu.memref_slice %arg14[%dma_wait3A_401, %dma_wait3A_402] : memref<64x128xf32, #tpu.memory_space<vmem>> -> memref<1x128xf32, #tpu.memory_space<vmem>>
    %dma_wait3A_404 = tpu.memref_squeeze %dma_wait3A_403 : memref<1x128xf32, #tpu.memory_space<vmem>> -> memref<128xf32, #tpu.memory_space<vmem>>
    %dma_wait3A_405 = arith.constant 0 : i32
    %dma_wait3A_406 = tpu.memref_slice %arg25[%dma_wait3A_405] : memref<10000xf32, #tpu.memory_space<vmem_shared>> -> memref<128xf32, #tpu.memory_space<vmem_shared>>
    %dma_wait3A_407 = arith.constant 0 : i32
    %dma_wait3A_408 = tpu.memref_slice %arg14[%dma_wait3A_401, %dma_wait3A_407] : memref<64x128xf32, #tpu.memory_space<vmem>> -> memref<1x128xf32, #tpu.memory_space<vmem>>
    %dma_wait3A_409 = tpu.memref_squeeze %dma_wait3A_408 : memref<1x128xf32, #tpu.memory_space<vmem>> -> memref<128xf32, #tpu.memory_space<vmem>>
    %dma_wait3A_410 = arith.constant 0 : i32
    %dma_wait3A_411 = tpu.memref_slice %arg25[%dma_wait3A_410] : memref<10000xf32, #tpu.memory_space<vmem_shared>> -> memref<128xf32, #tpu.memory_space<vmem_shared>>
    tpu.wait_dma2 semaphore(%arg27 : memref<!tpu.dma_semaphore, #tpu.memory_space<semaphore_mem>>) src(%dma_wait3A_411 : memref<128xf32, #tpu.memory_space<vmem_shared>>) dst(%dma_wait3A_409 : memref<128xf32, #tpu.memory_space<vmem>>)
    %dma_wait3A_412 = arith.constant 8 : i32
    %dma_wait3A_413 = arith.constant 0 : i32
    %dma_wait3A_414 = tpu.memref_slice %arg14[%dma_wait3A_412, %dma_wait3A_413] : memref<64x128xf32, #tpu.memory_space<vmem>> -> memref<1x128xf32, #tpu.memory_space<vmem>>
    %dma_wait3A_415 = tpu.memref_squeeze %dma_wait3A_414 : memref<1x128xf32, #tpu.memory_space<vmem>> -> memref<128xf32, #tpu.memory_space<vmem>>
    %dma_wait3A_416 = arith.constant 0 : i32
    %dma_wait3A_417 = tpu.memref_slice %arg25[%dma_wait3A_416] : memref<10000xf32, #tpu.memory_space<vmem_shared>> -> memref<128xf32, #tpu.memory_space<vmem_shared>>
    %dma_wait3A_418 = arith.constant 0 : i32
    %dma_wait3A_419 = tpu.memref_slice %arg14[%dma_wait3A_412, %dma_wait3A_418] : memref<64x128xf32, #tpu.memory_space<vmem>> -> memref<1x128xf32, #tpu.memory_space<vmem>>
    %dma_wait3A_420 = tpu.memref_squeeze %dma_wait3A_419 : memref<1x128xf32, #tpu.memory_space<vmem>> -> memref<128xf32, #tpu.memory_space<vmem>>
    %dma_wait3A_421 = arith.constant 0 : i32
    %dma_wait3A_422 = tpu.memref_slice %arg25[%dma_wait3A_421] : memref<10000xf32, #tpu.memory_space<vmem_shared>> -> memref<128xf32, #tpu.memory_space<vmem_shared>>
    tpu.wait_dma2 semaphore(%arg27 : memref<!tpu.dma_semaphore, #tpu.memory_space<semaphore_mem>>) src(%dma_wait3A_422 : memref<128xf32, #tpu.memory_space<vmem_shared>>) dst(%dma_wait3A_420 : memref<128xf32, #tpu.memory_space<vmem>>)
    %mul3A_423 = arith.constant 10000 : i32
    %mul3A_424 = arith.muli %arg0, %mul3A_423 : i32
    %add3A_425 = arith.addi %mul3A_424, %mul3A_30 : i32
    %add3A_426 = arith.constant 0 : i32
    %add3A_427 = arith.addi %add3A_425, %add3A_426 : i32
    %dma_start3A_428 = arith.constant 0 : i32
    %dma_start3A_429 = arith.constant 0 : i32
    %dma_start3A_430 = tpu.memref_slice %arg14[%dma_start3A_428, %dma_start3A_429] : memref<64x128xf32, #tpu.memory_space<vmem>> -> memref<1x128xf32, #tpu.memory_space<vmem>>
    %dma_start3A_431 = tpu.memref_squeeze %dma_start3A_430 : memref<1x128xf32, #tpu.memory_space<vmem>> -> memref<128xf32, #tpu.memory_space<vmem>>
    %dma_start3A_432 = tpu.memref_slice %arg9[%add3A_427] : memref<20000xf32, #tpu.memory_space<hbm>> -> memref<128xf32, #tpu.memory_space<hbm>>
    %dma_start3A_433 = tpu.memref_slice %arg9[%add3A_427] : memref<20000xf32, #tpu.memory_space<hbm>> -> memref<128xf32, #tpu.memory_space<hbm>>
    %dma_start3A_434 = arith.constant 0 : i32
    %dma_start3A_435 = tpu.memref_slice %arg14[%dma_start3A_428, %dma_start3A_434] : memref<64x128xf32, #tpu.memory_space<vmem>> -> memref<1x128xf32, #tpu.memory_space<vmem>>
    %dma_start3A_436 = tpu.memref_squeeze %dma_start3A_435 : memref<1x128xf32, #tpu.memory_space<vmem>> -> memref<128xf32, #tpu.memory_space<vmem>>
    tpu.enqueue_dma source(%dma_start3A_436 : memref<128xf32, #tpu.memory_space<vmem>>) target(%dma_start3A_433 : memref<128xf32, #tpu.memory_space<hbm>>) target_semaphore(%arg27 : memref<!tpu.dma_semaphore, #tpu.memory_space<semaphore_mem>>)
    %mul3A_437 = arith.constant 10000 : i32
    %mul3A_438 = arith.muli %arg0, %mul3A_437 : i32
    %add3A_439 = arith.addi %mul3A_438, %mul3A_30 : i32
    %add3A_440 = arith.constant 128 : i32
    %add3A_441 = arith.addi %add3A_439, %add3A_440 : i32
    %dma_start3A_442 = arith.constant 2 : i32
    %dma_start3A_443 = arith.constant 0 : i32
    %dma_start3A_444 = tpu.memref_slice %arg14[%dma_start3A_442, %dma_start3A_443] : memref<64x128xf32, #tpu.memory_space<vmem>> -> memref<1x128xf32, #tpu.memory_space<vmem>>
    %dma_start3A_445 = tpu.memref_squeeze %dma_start3A_444 : memref<1x128xf32, #tpu.memory_space<vmem>> -> memref<128xf32, #tpu.memory_space<vmem>>
    %dma_start3A_446 = tpu.memref_slice %arg9[%add3A_441] : memref<20000xf32, #tpu.memory_space<hbm>> -> memref<128xf32, #tpu.memory_space<hbm>>
    %dma_start3A_447 = tpu.memref_slice %arg9[%add3A_441] : memref<20000xf32, #tpu.memory_space<hbm>> -> memref<128xf32, #tpu.memory_space<hbm>>
    %dma_start3A_448 = arith.constant 0 : i32
    %dma_start3A_449 = tpu.memref_slice %arg14[%dma_start3A_442, %dma_start3A_448] : memref<64x128xf32, #tpu.memory_space<vmem>> -> memref<1x128xf32, #tpu.memory_space<vmem>>
    %dma_start3A_450 = tpu.memref_squeeze %dma_start3A_449 : memref<1x128xf32, #tpu.memory_space<vmem>> -> memref<128xf32, #tpu.memory_space<vmem>>
    tpu.enqueue_dma source(%dma_start3A_450 : memref<128xf32, #tpu.memory_space<vmem>>) target(%dma_start3A_447 : memref<128xf32, #tpu.memory_space<hbm>>) target_semaphore(%arg27 : memref<!tpu.dma_semaphore, #tpu.memory_space<semaphore_mem>>)
    %mul3A_451 = arith.constant 10000 : i32
    %mul3A_452 = arith.muli %arg0, %mul3A_451 : i32
    %add3A_453 = arith.addi %mul3A_452, %mul3A_30 : i32
    %add3A_454 = arith.constant 256 : i32
    %add3A_455 = arith.addi %add3A_453, %add3A_454 : i32
    %dma_start3A_456 = arith.constant 4 : i32
    %dma_start3A_457 = arith.constant 0 : i32
    %dma_start3A_458 = tpu.memref_slice %arg14[%dma_start3A_456, %dma_start3A_457] : memref<64x128xf32, #tpu.memory_space<vmem>> -> memref<1x128xf32, #tpu.memory_space<vmem>>
    %dma_start3A_459 = tpu.memref_squeeze %dma_start3A_458 : memref<1x128xf32, #tpu.memory_space<vmem>> -> memref<128xf32, #tpu.memory_space<vmem>>
    %dma_start3A_460 = tpu.memref_slice %arg9[%add3A_455] : memref<20000xf32, #tpu.memory_space<hbm>> -> memref<128xf32, #tpu.memory_space<hbm>>
    %dma_start3A_461 = tpu.memref_slice %arg9[%add3A_455] : memref<20000xf32, #tpu.memory_space<hbm>> -> memref<128xf32, #tpu.memory_space<hbm>>
    %dma_start3A_462 = arith.constant 0 : i32
    %dma_start3A_463 = tpu.memref_slice %arg14[%dma_start3A_456, %dma_start3A_462] : memref<64x128xf32, #tpu.memory_space<vmem>> -> memref<1x128xf32, #tpu.memory_space<vmem>>
    %dma_start3A_464 = tpu.memref_squeeze %dma_start3A_463 : memref<1x128xf32, #tpu.memory_space<vmem>> -> memref<128xf32, #tpu.memory_space<vmem>>
    tpu.enqueue_dma source(%dma_start3A_464 : memref<128xf32, #tpu.memory_space<vmem>>) target(%dma_start3A_461 : memref<128xf32, #tpu.memory_space<hbm>>) target_semaphore(%arg27 : memref<!tpu.dma_semaphore, #tpu.memory_space<semaphore_mem>>)
    %mul3A_465 = arith.constant 10000 : i32
    %mul3A_466 = arith.muli %arg0, %mul3A_465 : i32
    %add3A_467 = arith.addi %mul3A_466, %mul3A_30 : i32
    %add3A_468 = arith.constant 384 : i32
    %add3A_469 = arith.addi %add3A_467, %add3A_468 : i32
    %dma_start3A_470 = arith.constant 6 : i32
    %dma_start3A_471 = arith.constant 0 : i32
    %dma_start3A_472 = tpu.memref_slice %arg14[%dma_start3A_470, %dma_start3A_471] : memref<64x128xf32, #tpu.memory_space<vmem>> -> memref<1x128xf32, #tpu.memory_space<vmem>>
    %dma_start3A_473 = tpu.memref_squeeze %dma_start3A_472 : memref<1x128xf32, #tpu.memory_space<vmem>> -> memref<128xf32, #tpu.memory_space<vmem>>
    %dma_start3A_474 = tpu.memref_slice %arg9[%add3A_469] : memref<20000xf32, #tpu.memory_space<hbm>> -> memref<128xf32, #tpu.memory_space<hbm>>
    %dma_start3A_475 = tpu.memref_slice %arg9[%add3A_469] : memref<20000xf32, #tpu.memory_space<hbm>> -> memref<128xf32, #tpu.memory_space<hbm>>
    %dma_start3A_476 = arith.constant 0 : i32
    %dma_start3A_477 = tpu.memref_slice %arg14[%dma_start3A_470, %dma_start3A_476] : memref<64x128xf32, #tpu.memory_space<vmem>> -> memref<1x128xf32, #tpu.memory_space<vmem>>
    %dma_start3A_478 = tpu.memref_squeeze %dma_start3A_477 : memref<1x128xf32, #tpu.memory_space<vmem>> -> memref<128xf32, #tpu.memory_space<vmem>>
    tpu.enqueue_dma source(%dma_start3A_478 : memref<128xf32, #tpu.memory_space<vmem>>) target(%dma_start3A_475 : memref<128xf32, #tpu.memory_space<hbm>>) target_semaphore(%arg27 : memref<!tpu.dma_semaphore, #tpu.memory_space<semaphore_mem>>)
    %mul3A_479 = arith.constant 10000 : i32
    %mul3A_480 = arith.muli %arg0, %mul3A_479 : i32
    %add3A_481 = arith.addi %mul3A_480, %mul3A_30 : i32
    %add3A_482 = arith.constant 512 : i32
    %add3A_483 = arith.addi %add3A_481, %add3A_482 : i32
    %dma_start3A_484 = arith.constant 8 : i32
    %dma_start3A_485 = arith.constant 0 : i32
    %dma_start3A_486 = tpu.memref_slice %arg14[%dma_start3A_484, %dma_start3A_485] : memref<64x128xf32, #tpu.memory_space<vmem>> -> memref<1x128xf32, #tpu.memory_space<vmem>>
    %dma_start3A_487 = tpu.memref_squeeze %dma_start3A_486 : memref<1x128xf32, #tpu.memory_space<vmem>> -> memref<128xf32, #tpu.memory_space<vmem>>
    %dma_start3A_488 = tpu.memref_slice %arg9[%add3A_483] : memref<20000xf32, #tpu.memory_space<hbm>> -> memref<128xf32, #tpu.memory_space<hbm>>
    %dma_start3A_489 = tpu.memref_slice %arg9[%add3A_483] : memref<20000xf32, #tpu.memory_space<hbm>> -> memref<128xf32, #tpu.memory_space<hbm>>
    %dma_start3A_490 = arith.constant 0 : i32
    %dma_start3A_491 = tpu.memref_slice %arg14[%dma_start3A_484, %dma_start3A_490] : memref<64x128xf32, #tpu.memory_space<vmem>> -> memref<1x128xf32, #tpu.memory_space<vmem>>
    %dma_start3A_492 = tpu.memref_squeeze %dma_start3A_491 : memref<1x128xf32, #tpu.memory_space<vmem>> -> memref<128xf32, #tpu.memory_space<vmem>>
    tpu.enqueue_dma source(%dma_start3A_492 : memref<128xf32, #tpu.memory_space<vmem>>) target(%dma_start3A_489 : memref<128xf32, #tpu.memory_space<hbm>>) target_semaphore(%arg27 : memref<!tpu.dma_semaphore, #tpu.memory_space<semaphore_mem>>)
    %dma_wait3A_493 = arith.constant 0 : i32
    %dma_wait3A_494 = arith.constant 0 : i32
    %dma_wait3A_495 = tpu.memref_slice %arg14[%dma_wait3A_493, %dma_wait3A_494] : memref<64x128xf32, #tpu.memory_space<vmem>> -> memref<1x128xf32, #tpu.memory_space<vmem>>
    %dma_wait3A_496 = tpu.memref_squeeze %dma_wait3A_495 : memref<1x128xf32, #tpu.memory_space<vmem>> -> memref<128xf32, #tpu.memory_space<vmem>>
    %dma_wait3A_497 = arith.constant 0 : i32
    %dma_wait3A_498 = tpu.memref_slice %arg9[%dma_wait3A_497] : memref<20000xf32, #tpu.memory_space<hbm>> -> memref<128xf32, #tpu.memory_space<hbm>>
    %dma_wait3A_499 = arith.constant 0 : i32
    %dma_wait3A_500 = tpu.memref_slice %arg9[%dma_wait3A_499] : memref<20000xf32, #tpu.memory_space<hbm>> -> memref<128xf32, #tpu.memory_space<hbm>>
    %dma_wait3A_501 = arith.constant 0 : i32
    %dma_wait3A_502 = tpu.memref_slice %arg14[%dma_wait3A_493, %dma_wait3A_501] : memref<64x128xf32, #tpu.memory_space<vmem>> -> memref<1x128xf32, #tpu.memory_space<vmem>>
    %dma_wait3A_503 = tpu.memref_squeeze %dma_wait3A_502 : memref<1x128xf32, #tpu.memory_space<vmem>> -> memref<128xf32, #tpu.memory_space<vmem>>
    tpu.wait_dma2 semaphore(%arg27 : memref<!tpu.dma_semaphore, #tpu.memory_space<semaphore_mem>>) src(%dma_wait3A_503 : memref<128xf32, #tpu.memory_space<vmem>>) dst(%dma_wait3A_500 : memref<128xf32, #tpu.memory_space<hbm>>)
    %dma_wait3A_504 = arith.constant 2 : i32
    %dma_wait3A_505 = arith.constant 0 : i32
    %dma_wait3A_506 = tpu.memref_slice %arg14[%dma_wait3A_504, %dma_wait3A_505] : memref<64x128xf32, #tpu.memory_space<vmem>> -> memref<1x128xf32, #tpu.memory_space<vmem>>
    %dma_wait3A_507 = tpu.memref_squeeze %dma_wait3A_506 : memref<1x128xf32, #tpu.memory_space<vmem>> -> memref<128xf32, #tpu.memory_space<vmem>>
    %dma_wait3A_508 = arith.constant 0 : i32
    %dma_wait3A_509 = tpu.memref_slice %arg9[%dma_wait3A_508] : memref<20000xf32, #tpu.memory_space<hbm>> -> memref<128xf32, #tpu.memory_space<hbm>>
    %dma_wait3A_510 = arith.constant 0 : i32
    %dma_wait3A_511 = tpu.memref_slice %arg9[%dma_wait3A_510] : memref<20000xf32, #tpu.memory_space<hbm>> -> memref<128xf32, #tpu.memory_space<hbm>>
    %dma_wait3A_512 = arith.constant 0 : i32
    %dma_wait3A_513 = tpu.memref_slice %arg14[%dma_wait3A_504, %dma_wait3A_512] : memref<64x128xf32, #tpu.memory_space<vmem>> -> memref<1x128xf32, #tpu.memory_space<vmem>>
    %dma_wait3A_514 = tpu.memref_squeeze %dma_wait3A_513 : memref<1x128xf32, #tpu.memory_space<vmem>> -> memref<128xf32, #tpu.memory_space<vmem>>
    tpu.wait_dma2 semaphore(%arg27 : memref<!tpu.dma_semaphore, #tpu.memory_space<semaphore_mem>>) src(%dma_wait3A_514 : memref<128xf32, #tpu.memory_space<vmem>>) dst(%dma_wait3A_511 : memref<128xf32, #tpu.memory_space<hbm>>)
    %dma_wait3A_515 = arith.constant 4 : i32
    %dma_wait3A_516 = arith.constant 0 : i32
    %dma_wait3A_517 = tpu.memref_slice %arg14[%dma_wait3A_515, %dma_wait3A_516] : memref<64x128xf32, #tpu.memory_space<vmem>> -> memref<1x128xf32, #tpu.memory_space<vmem>>
    %dma_wait3A_518 = tpu.memref_squeeze %dma_wait3A_517 : memref<1x128xf32, #tpu.memory_space<vmem>> -> memref<128xf32, #tpu.memory_space<vmem>>
    %dma_wait3A_519 = arith.constant 0 : i32
    %dma_wait3A_520 = tpu.memref_slice %arg9[%dma_wait3A_519] : memref<20000xf32, #tpu.memory_space<hbm>> -> memref<128xf32, #tpu.memory_space<hbm>>
    %dma_wait3A_521 = arith.constant 0 : i32
    %dma_wait3A_522 = tpu.memref_slice %arg9[%dma_wait3A_521] : memref<20000xf32, #tpu.memory_space<hbm>> -> memref<128xf32, #tpu.memory_space<hbm>>
    %dma_wait3A_523 = arith.constant 0 : i32
    %dma_wait3A_524 = tpu.memref_slice %arg14[%dma_wait3A_515, %dma_wait3A_523] : memref<64x128xf32, #tpu.memory_space<vmem>> -> memref<1x128xf32, #tpu.memory_space<vmem>>
    %dma_wait3A_525 = tpu.memref_squeeze %dma_wait3A_524 : memref<1x128xf32, #tpu.memory_space<vmem>> -> memref<128xf32, #tpu.memory_space<vmem>>
    tpu.wait_dma2 semaphore(%arg27 : memref<!tpu.dma_semaphore, #tpu.memory_space<semaphore_mem>>) src(%dma_wait3A_525 : memref<128xf32, #tpu.memory_space<vmem>>) dst(%dma_wait3A_522 : memref<128xf32, #tpu.memory_space<hbm>>)
    %dma_wait3A_526 = arith.constant 6 : i32
    %dma_wait3A_527 = arith.constant 0 : i32
    %dma_wait3A_528 = tpu.memref_slice %arg14[%dma_wait3A_526, %dma_wait3A_527] : memref<64x128xf32, #tpu.memory_space<vmem>> -> memref<1x128xf32, #tpu.memory_space<vmem>>
    %dma_wait3A_529 = tpu.memref_squeeze %dma_wait3A_528 : memref<1x128xf32, #tpu.memory_space<vmem>> -> memref<128xf32, #tpu.memory_space<vmem>>
    %dma_wait3A_530 = arith.constant 0 : i32
    %dma_wait3A_531 = tpu.memref_slice %arg9[%dma_wait3A_530] : memref<20000xf32, #tpu.memory_space<hbm>> -> memref<128xf32, #tpu.memory_space<hbm>>
    %dma_wait3A_532 = arith.constant 0 : i32
    %dma_wait3A_533 = tpu.memref_slice %arg9[%dma_wait3A_532] : memref<20000xf32, #tpu.memory_space<hbm>> -> memref<128xf32, #tpu.memory_space<hbm>>
    %dma_wait3A_534 = arith.constant 0 : i32
    %dma_wait3A_535 = tpu.memref_slice %arg14[%dma_wait3A_526, %dma_wait3A_534] : memref<64x128xf32, #tpu.memory_space<vmem>> -> memref<1x128xf32, #tpu.memory_space<vmem>>
    %dma_wait3A_536 = tpu.memref_squeeze %dma_wait3A_535 : memref<1x128xf32, #tpu.memory_space<vmem>> -> memref<128xf32, #tpu.memory_space<vmem>>
    tpu.wait_dma2 semaphore(%arg27 : memref<!tpu.dma_semaphore, #tpu.memory_space<semaphore_mem>>) src(%dma_wait3A_536 : memref<128xf32, #tpu.memory_space<vmem>>) dst(%dma_wait3A_533 : memref<128xf32, #tpu.memory_space<hbm>>)
    %dma_wait3A_537 = arith.constant 8 : i32
    %dma_wait3A_538 = arith.constant 0 : i32
    %dma_wait3A_539 = tpu.memref_slice %arg14[%dma_wait3A_537, %dma_wait3A_538] : memref<64x128xf32, #tpu.memory_space<vmem>> -> memref<1x128xf32, #tpu.memory_space<vmem>>
    %dma_wait3A_540 = tpu.memref_squeeze %dma_wait3A_539 : memref<1x128xf32, #tpu.memory_space<vmem>> -> memref<128xf32, #tpu.memory_space<vmem>>
    %dma_wait3A_541 = arith.constant 0 : i32
    %dma_wait3A_542 = tpu.memref_slice %arg9[%dma_wait3A_541] : memref<20000xf32, #tpu.memory_space<hbm>> -> memref<128xf32, #tpu.memory_space<hbm>>
    %dma_wait3A_543 = arith.constant 0 : i32
    %dma_wait3A_544 = tpu.memref_slice %arg9[%dma_wait3A_543] : memref<20000xf32, #tpu.memory_space<hbm>> -> memref<128xf32, #tpu.memory_space<hbm>>
    %dma_wait3A_545 = arith.constant 0 : i32
    %dma_wait3A_546 = tpu.memref_slice %arg14[%dma_wait3A_537, %dma_wait3A_545] : memref<64x128xf32, #tpu.memory_space<vmem>> -> memref<1x128xf32, #tpu.memory_space<vmem>>
    %dma_wait3A_547 = tpu.memref_squeeze %dma_wait3A_546 : memref<1x128xf32, #tpu.memory_space<vmem>> -> memref<128xf32, #tpu.memory_space<vmem>>
    tpu.wait_dma2 semaphore(%arg27 : memref<!tpu.dma_semaphore, #tpu.memory_space<semaphore_mem>>) src(%dma_wait3A_547 : memref<128xf32, #tpu.memory_space<vmem>>) dst(%dma_wait3A_544 : memref<128xf32, #tpu.memory_space<hbm>>)
    %dma_wait3A_548 = arith.constant 0 : i32
    %dma_wait3A_549 = tpu.memref_slice %arg8[%arg0, %mul3A_30, %dma_wait3A_548] : memref<2x10000x128xf32, #tpu.memory_space<hbm>> -> memref<1x624x128xf32, #tpu.memory_space<hbm>>
    %dma_wait3A_550 = tpu.memref_squeeze %dma_wait3A_549 : memref<1x624x128xf32, #tpu.memory_space<hbm>> -> memref<624x128xf32, #tpu.memory_space<hbm>>
    %dma_wait3A_551 = arith.constant 0 : i32
    %dma_wait3A_552 = tpu.memref_slice %arg24[%mul3A_30, %dma_wait3A_551] : memref<10000x128xf32, #tpu.memory_space<vmem_shared>> -> memref<624x128xf32, #tpu.memory_space<vmem_shared>>
    tpu.wait_dma2 semaphore(%arg26 : memref<!tpu.dma_semaphore, #tpu.memory_space<semaphore_mem>>) src(%dma_wait3A_552 : memref<624x128xf32, #tpu.memory_space<vmem_shared>>) dst(%dma_wait3A_550 : memref<624x128xf32, #tpu.memory_space<hbm>>)
    %eq3A_553 = arith.constant 15 : i32
    %eq3A_554 = arith.cmpi eq, %arg1, %eq3A_553 : i32
    %convert_element_type3A_555 = arith.extui %eq3A_554 : i1 to i32
    %cond3A_556 = arith.constant 0 : i32
    %cond3A_557 = arith.cmpi ne, %convert_element_type3A_555, %cond3A_556 : i32
    scf.if %cond3A_557 {
      %dma_wait3A_558 = arith.constant 0 : i32
      %dma_wait3A_559 = arith.constant 0 : i32
      %dma_wait3A_560 = arith.constant 0 : i32
      %dma_wait3A_561 = tpu.memref_slice %arg8[%dma_wait3A_558, %dma_wait3A_559, %dma_wait3A_560] : memref<2x10000x128xf32, #tpu.memory_space<hbm>> -> memref<1x16x128xf32, #tpu.memory_space<hbm>>
      %dma_wait3A_562 = tpu.memref_squeeze %dma_wait3A_561 : memref<1x16x128xf32, #tpu.memory_space<hbm>> -> memref<16x128xf32, #tpu.memory_space<hbm>>
      %dma_wait3A_563 = arith.constant 0 : i32
      %dma_wait3A_564 = arith.constant 0 : i32
      %dma_wait3A_565 = tpu.memref_slice %arg24[%dma_wait3A_563, %dma_wait3A_564] : memref<10000x128xf32, #tpu.memory_space<vmem_shared>> -> memref<16x128xf32, #tpu.memory_space<vmem_shared>>
      tpu.wait_dma2 semaphore(%arg28 : memref<!tpu.dma_semaphore, #tpu.memory_space<semaphore_mem>>) src(%dma_wait3A_565 : memref<16x128xf32, #tpu.memory_space<vmem_shared>>) dst(%dma_wait3A_562 : memref<16x128xf32, #tpu.memory_space<hbm>>)
    } else {
    }
    return
  }
}

module attributes {stable_mosaic.version = 14 : i64} {
  func.func @_dense_body(%arg0: memref<10000x128xf32, #tpu.memory_space<vmem>>, %arg1: memref<1x128xf32, #tpu.memory_space<vmem>>, %arg2: memref<1x128xf32, #tpu.memory_space<vmem>>, %arg3: memref<128x128xf32, #tpu.memory_space<vmem>>, %arg4: memref<1x128xf32, #tpu.memory_space<vmem>>, %arg5: memref<128x128xf32, #tpu.memory_space<vmem>>, %arg6: memref<128x128xf32, #tpu.memory_space<vmem>>, %arg7: memref<10000x128xf32, #tpu.memory_space<vmem>>, %arg8: memref<10000x128xf32, #tpu.memory_space<vmem>>, %arg9: memref<10000x128xf32, #tpu.memory_space<vmem>>) attributes {dimension_semantics = [], scalar_prefetch = 0 : i64, scratch_operands = 0 : i64, tpu.core_type = #tpu.core_type<tc>} {
    %get3A = arith.constant 0 : index
    %get3A_0 = arith.constant 0 : index
    %get3A_1 = vector.load %arg0[%get3A, %get3A_0] : memref<10000x128xf32, #tpu.memory_space<vmem>>, vector<10000x128xf32>
    %reduce_sum3A = arith.constant dense<0.000000e+00> : vector<128xf32>
    %reduce_sum3A_2 = vector.multi_reduction <add>, %get3A_1, %reduce_sum3A [0] : vector<10000x128xf32> to vector<128xf32>
    %broadcast_in_dim3A = vector.shape_cast %reduce_sum3A_2 : vector<128xf32> to vector<1x128xf32>
    %div3A = arith.constant 1.000000e+04 : f32
    %div3A_3 = vector.broadcast %div3A : f32 to vector<1x128xf32>
    %div3A_4 = arith.divf %broadcast_in_dim3A, %div3A_3 : vector<1x128xf32>
    %mul3A = arith.mulf %get3A_1, %get3A_1 : vector<10000x128xf32>
    %reduce_sum3A_5 = arith.constant dense<0.000000e+00> : vector<128xf32>
    %reduce_sum3A_6 = vector.multi_reduction <add>, %mul3A, %reduce_sum3A_5 [0] : vector<10000x128xf32> to vector<128xf32>
    %broadcast_in_dim3A_7 = vector.shape_cast %reduce_sum3A_6 : vector<128xf32> to vector<1x128xf32>
    %div3A_8 = arith.constant 1.000000e+04 : f32
    %div3A_9 = vector.broadcast %div3A_8 : f32 to vector<1x128xf32>
    %div3A_10 = arith.divf %broadcast_in_dim3A_7, %div3A_9 : vector<1x128xf32>
    %mul3A_11 = arith.mulf %div3A_4, %div3A_4 : vector<1x128xf32>
    %sub3A = arith.subf %div3A_10, %mul3A_11 : vector<1x128xf32>
    %sub3A_12 = vector.broadcast %div3A_4 : vector<1x128xf32> to vector<10000x128xf32>
    %sub3A_13 = arith.subf %get3A_1, %sub3A_12 : vector<10000x128xf32>
    %add3A = arith.constant 9.99999974E-6 : f32
    %add3A_14 = vector.broadcast %add3A : f32 to vector<1x128xf32>
    %add3A_15 = arith.addf %sub3A, %add3A_14 : vector<1x128xf32>
    %rsqrt3A = math.rsqrt %add3A_15 : vector<1x128xf32>
    %mul3A_16 = vector.broadcast %rsqrt3A : vector<1x128xf32> to vector<10000x128xf32>
    %mul3A_17 = arith.mulf %sub3A_13, %mul3A_16 : vector<10000x128xf32>
    %get3A_18 = arith.constant 0 : index
    %get3A_19 = arith.constant 0 : index
    %get3A_20 = vector.load %arg1[%get3A_18, %get3A_19] : memref<1x128xf32, #tpu.memory_space<vmem>>, vector<1x128xf32>
    %mul3A_21 = vector.broadcast %get3A_20 : vector<1x128xf32> to vector<10000x128xf32>
    %mul3A_22 = arith.mulf %mul3A_17, %mul3A_21 : vector<10000x128xf32>
    %get3A_23 = arith.constant 0 : index
    %get3A_24 = arith.constant 0 : index
    %get3A_25 = vector.load %arg2[%get3A_23, %get3A_24] : memref<1x128xf32, #tpu.memory_space<vmem>>, vector<1x128xf32>
    %add3A_26 = vector.broadcast %get3A_25 : vector<1x128xf32> to vector<10000x128xf32>
    %add3A_27 = arith.addf %mul3A_22, %add3A_26 : vector<10000x128xf32>
    %get3A_28 = arith.constant 0 : index
    %get3A_29 = arith.constant 0 : index
    %get3A_30 = vector.load %arg3[%get3A_28, %get3A_29] : memref<128x128xf32, #tpu.memory_space<vmem>>, vector<128x128xf32>
    %dot_general3A = arith.constant dense<0.000000e+00> : vector<10000x128xf32>
    %dot_general3A_31 = tpu.matmul %add3A_27, %get3A_30, %dot_general3A {dimension_numbers = #tpu.dot_dimension_numbers<[1], [0], [0], [1], [0, 0, 1, 1], [], []>, transpose_lhs_hint = false} : vector<10000x128xf32>, vector<128x128xf32>, vector<10000x128xf32> -> vector<10000x128xf32>
    %get3A_32 = arith.constant 0 : index
    %get3A_33 = arith.constant 0 : index
    %get3A_34 = vector.load %arg4[%get3A_32, %get3A_33] : memref<1x128xf32, #tpu.memory_space<vmem>>, vector<1x128xf32>
    %add3A_35 = vector.broadcast %get3A_34 : vector<1x128xf32> to vector<10000x128xf32>
    %add3A_36 = arith.addf %dot_general3A_31, %add3A_35 : vector<10000x128xf32>
    %get3A_37 = arith.constant 0 : index
    %get3A_38 = arith.constant 0 : index
    %get3A_39 = vector.load %arg5[%get3A_37, %get3A_38] : memref<128x128xf32, #tpu.memory_space<vmem>>, vector<128x128xf32>
    %dot_general3A_40 = arith.constant dense<0.000000e+00> : vector<10000x128xf32>
    %dot_general3A_41 = tpu.matmul %add3A_27, %get3A_39, %dot_general3A_40 {dimension_numbers = #tpu.dot_dimension_numbers<[1], [0], [0], [1], [0, 0, 1, 1], [], []>, transpose_lhs_hint = false} : vector<10000x128xf32>, vector<128x128xf32>, vector<10000x128xf32> -> vector<10000x128xf32>
    %neg3A = arith.constant 0.000000e+00 : f32
    %neg3A_42 = vector.broadcast %neg3A : f32 to vector<10000x128xf32>
    %neg3A_43 = arith.subf %neg3A_42, %add3A_36 : vector<10000x128xf32>
    %exp3A = math.exp %neg3A_43 : vector<10000x128xf32>
    %swap3A = arith.constant 0 : index
    %swap3A_44 = arith.constant 0 : index
    %swap3A_45 = vector.load %arg7[%swap3A, %swap3A_44] : memref<10000x128xf32, #tpu.memory_space<vmem>>, vector<10000x128xf32>
    tpu.vector_store %arg7[%swap3A, %swap3A_44], %exp3A {strides = array<i32>} : memref<10000x128xf32, #tpu.memory_space<vmem>>, vector<10000x128xf32>,
    %neg3A_46 = arith.constant 0.000000e+00 : f32
    %neg3A_47 = vector.broadcast %neg3A_46 : f32 to vector<10000x128xf32>
    %neg3A_48 = arith.subf %neg3A_47, %dot_general3A_41 : vector<10000x128xf32>
    %exp3A_49 = math.exp %neg3A_48 : vector<10000x128xf32>
    %swap3A_50 = arith.constant 0 : index
    %swap3A_51 = arith.constant 0 : index
    %swap3A_52 = vector.load %arg8[%swap3A_50, %swap3A_51] : memref<10000x128xf32, #tpu.memory_space<vmem>>, vector<10000x128xf32>
    tpu.vector_store %arg8[%swap3A_50, %swap3A_51], %exp3A_49 {strides = array<i32>} : memref<10000x128xf32, #tpu.memory_space<vmem>>, vector<10000x128xf32>,
    %get3A_53 = arith.constant 0 : index
    %get3A_54 = arith.constant 0 : index
    %get3A_55 = vector.load %arg6[%get3A_53, %get3A_54] : memref<128x128xf32, #tpu.memory_space<vmem>>, vector<128x128xf32>
    %dot_general3A_56 = arith.constant dense<0.000000e+00> : vector<10000x128xf32>
    %dot_general3A_57 = tpu.matmul %add3A_27, %get3A_55, %dot_general3A_56 {dimension_numbers = #tpu.dot_dimension_numbers<[1], [0], [0], [1], [0, 0, 1, 1], [], []>, transpose_lhs_hint = false} : vector<10000x128xf32>, vector<128x128xf32>, vector<10000x128xf32> -> vector<10000x128xf32>
    %swap3A_58 = arith.constant 0 : index
    %swap3A_59 = arith.constant 0 : index
    %swap3A_60 = vector.load %arg9[%swap3A_58, %swap3A_59] : memref<10000x128xf32, #tpu.memory_space<vmem>>, vector<10000x128xf32>
    tpu.vector_store %arg9[%swap3A_58, %swap3A_59], %dot_general3A_57 {strides = array<i32>} : memref<10000x128xf32, #tpu.memory_space<vmem>>, vector<10000x128xf32>,
    return
  }
}

module attributes {stable_mosaic.version = 14 : i64} {
  func.func @_final_body(%arg0: memref<2x10000x128xf32, #tpu.memory_space<vmem>>, %arg1: memref<2x10000xf32, #tpu.memory_space<vmem>>, %arg2: memref<10000x128xf32, #tpu.memory_space<vmem>>) attributes {dimension_semantics = [], scalar_prefetch = 0 : i64, scratch_operands = 0 : i64, tpu.core_type = #tpu.core_type<tc>} {
    %get3A = arith.constant 0 : index
    %get3A_0 = arith.constant 0 : index
    %get3A_1 = arith.constant 0 : index
    %get3A_2 = vector.load %arg0[%get3A, %get3A_0, %get3A_1] : memref<2x10000x128xf32, #tpu.memory_space<vmem>>, vector<1x10000x128xf32>
    %get3A_3 = vector.shape_cast %get3A_2 : vector<1x10000x128xf32> to vector<10000x128xf32>
    %get3A_4 = arith.constant 1 : index
    %get3A_5 = arith.constant 0 : index
    %get3A_6 = arith.constant 0 : index
    %get3A_7 = vector.load %arg0[%get3A_4, %get3A_5, %get3A_6] : memref<2x10000x128xf32, #tpu.memory_space<vmem>>, vector<1x10000x128xf32>
    %get3A_8 = vector.shape_cast %get3A_7 : vector<1x10000x128xf32> to vector<10000x128xf32>
    %add3A = arith.addf %get3A_3, %get3A_8 : vector<10000x128xf32>
    %get3A_9 = arith.constant 0 : index
    %get3A_10 = arith.constant 0 : index
    %get3A_11 = vector.load %arg1[%get3A_9, %get3A_10] : memref<2x10000xf32, #tpu.memory_space<vmem>>, vector<1x10000xf32>
    %get3A_12 = vector.shape_cast %get3A_11 : vector<1x10000xf32> to vector<10000xf32>
    %get3A_13 = arith.constant 1 : index
    %get3A_14 = arith.constant 0 : index
    %get3A_15 = vector.load %arg1[%get3A_13, %get3A_14] : memref<2x10000xf32, #tpu.memory_space<vmem>>, vector<1x10000xf32>
    %get3A_16 = vector.shape_cast %get3A_15 : vector<1x10000xf32> to vector<10000xf32>
    %add3A_17 = arith.addf %get3A_12, %get3A_16 : vector<10000xf32>
    %broadcast_in_dim3A = vector.shape_cast %add3A_17 : vector<10000xf32> to vector<10000x1xf32>
    %max3A = arith.constant 1.000000e-30 : f32
    %max3A_18 = vector.broadcast %max3A : f32 to vector<10000x1xf32>
    %max3A_19 = arith.maximumf %broadcast_in_dim3A, %max3A_18 : vector<10000x1xf32>
    %div3A = vector.broadcast %max3A_19 : vector<10000x1xf32> to vector<10000x128xf32>
    %div3A_20 = arith.divf %add3A, %div3A : vector<10000x128xf32>
    %swap3A = arith.constant 0 : index
    %swap3A_21 = arith.constant 0 : index
    %swap3A_22 = vector.load %arg2[%swap3A, %swap3A_21] : memref<10000x128xf32, #tpu.memory_space<vmem>>, vector<10000x128xf32>
    tpu.vector_store %arg2[%swap3A, %swap3A_21], %div3A_20 {strides = array<i32>} : memref<10000x128xf32, #tpu.memory_space<vmem>>, vector<10000x128xf32>,
    return
  }
}

</mosaic_0001>

<sc_bundles>
// kernel: kernel.5.cloned.1.call-start
scs
__scs_entry_jumppad:
0x0: {  	(pc) =	sbr.rel $0x88, $3  }
0x1: {  	(tag) =	ssettag $0x0;
	lr =	simm.s32 $0x1  }
0x2: {  	[smem:$0x3F98] =	sst lr;
	_ =	strace $0xD0000000  }
0x3: {  	_ = 	snop  }
0x4: {  	_ = 	snop  }
0x5: {  	_ = 	snop  }
0x6: {  	_ = 	snop  }
0x7: {  	_ = 	snop  }
__scs_overlays_trampoline_lowered:
0x8: {  	[smem:$0x3FA7] =	sst s0  }
0x9: {  	[smem:$0x3FA8] =	sst s1  }
0xa: {  	[smem:$0x3FA9] =	sst s2  }
0xb: {  	[smem:$0x3FAA] =	sst s3  }
0xc: {  	[smem:$0x3FAB] =	sst s4  }
0xd: {  	[smem:$0x3FAC] =	sst s5  }
0xe: {  	[smem:$0x3FAD] =	sst s6  }
0xf: {  	[smem:$0x3FAE] =	sst s7  }
0x10: {  	[smem:$0x3FAF] =	sst s8  }
0x11: {  	[smem:$0x3FB0] =	sst s9;
	s0 =	simm.s32 @!p0 $0x0  }
0x12: {  	s1 =	sld [smem:$0x3F96];
	s0 =	simm.s32 @p0 $0x1  }
0x13: {  	[smem:$0x3FB1] =	sst s0;
	s0 =	simm.s32 @!p1 $0x0  }
0x14: {  	s2 =	sld [smem:$0x3F95];
	s0 =	simm.s32 @p1 $0x1  }
0x15: {  	[smem:$0x3FB2] =	sst s0;
	s0 =	simm.s32 @!p2 $0x0  }
0x16: {  	s3 =	sld [smem:$0x3FDB];
	s0 =	simm.s32 @p2 $0x1  }
0x17: {  	s4 =	simm.s32 $0x1BF5;
	[smem:$0x3FB4] =	sst s0  }
0x18: {  	s0 =	sld [smem:$0x3F97];
	_ =	swait.ge [sflag:s4], $0x0  }
0x19: {  	s7 =	sld [smem:$0x3F98]  }
0x1a: {  	s8 =	sadd.s32 $0xFFFFE003, lr  }
0x1b: {  	s9 =	sadd.s32 $0xFFFFFEF7, lr;
	s5 =	simm.s32 $0xFFFFFFFF;
	p2 =	slt.u32 s8, $0xFFFFF086  }
0x1c: {  	p1 =	slt.u32 s9, $0xF7A;
	s5 =	simm.s32 @!p2 $0x0  }
0x1d: {  	s5 =	simm.s32 @p1 $0x1;
	p0 =	seq.s32 s7, s2  }
0x1e: {  	s7 =	smul.u32 @!p0 $0xF7A, s2;
	p2 =	seq.s32 @!p0 s5, $0x0  }
0x1f: {  	s9 =	smul.u32 $0xF7A, s1;
	s8 =	simm.s32 @!p0 $0x1BF5;
	p2 =	por !p2, p0  }
0x20: {  	[sflag:s8] =	ssyncset.s32 @!p0 $0xFFFFF086;
	s6 =	sadd.s32 @!p0 s3, s7;
	s7 =	simm.s32 @!p0 $0x108  }
0x21: {  	s3 =	sadd.s32 s3, s9;
	s6 =	sadd.s32 @!p0 $0x88, s6;
	s7 =	simm.s32 @p2 $0x1082  }
0x22: {  	[simem:s7], [sflag:s8] =	dma.local @!p0 [hbm:s6], $0xF7A  }
0x23: {  	s9 =	sor.u32 $0xD0000000, s2;
	s6 =	simm.s32 $0x108;
	_ =	swait.ge @!p0 [sflag:s8], $0x0  }
0x24: {  	s3 =	sadd.s32 $0x88, s3;
	s6 =	simm.s32 @!p1 $0x1082;
	[sflag:s4] =	ssyncset.s32 $0xFFFFF086  }
0x25: {  	[simem:s6], [sflag:s4] =	dma.local [hbm:s3], $0xF7A  }
0x26: {  	[smem:$0x3F98] =	sst s1;
	(tag) =	ssettag s2;
	_ =	strace s9  }
0x27: {  	s1 =	sld [smem:$0x3FA8]  }
0x28: {  	s2 =	sld [smem:$0x3FA9]  }
0x29: {  	s4 =	sld [smem:$0x3FAB]  }
0x2a: {  	p0 =	seq.s32 s5, $0x0;
	s5 =	sld [smem:$0x3FAC]  }
0x2b: {  	s6 =	sld [smem:$0x3FAD]  }
0x2c: {  	s7 =	sld [smem:$0x3FAE]  }
0x2d: {  	s3 =	simm.s32 $0x108;
	s8 =	sld [smem:$0x3FAF]  }
0x2e: {  	s3 =	simm.s32 @!p0 $0x1082;
	s9 =	sld [smem:$0x3FB0]  }
0x2f: {  	lr =	sadd.s32 s0, s3;
	s0 =	sld [smem:$0x3FA7]  }
0x30: {  	s3 =	sld [smem:$0x3FAA]  }
0x31: {  	[smem:$0x3FB3] =	sst s10  }
0x32: {  	s10 =	sld [smem:$0x3FB1];
	_ =	sdelay $0x3  }
0x33: {  	p0 =	seq.s32 s10, $0x1;
	s10 =	sld [smem:$0x3FB3];
	_ =	sdelay $0x3  }
0x34: {  	[smem:$0x3FB3] =	sst s10  }
0x35: {  	s10 =	sld [smem:$0x3FB2];
	_ =	sdelay $0x3  }
0x36: {  	p1 =	seq.s32 s10, $0x1;
	s10 =	sld [smem:$0x3FB3];
	_ =	sdelay $0x3  }
0x37: {  	[smem:$0x3FB3] =	sst s10  }
0x38: {  	s10 =	sld [smem:$0x3FB4]  }
0x39: {  	_ = 	snop;
	(pc) =	sbr.ind lr, $3  }
0x3a: {  	_ = 	snop  }
0x3b: {  	_ = 	snop  }
0x3c: {  	p2 =	seq.s32 s10, $0x1;
	s10 =	sld [smem:$0x3FB3]  }
0x3d: {  	_ =	shalt  }
0x3e: {  	_ =	shalt  }
0x3f: {  	_ =	shalt  }
0x40: {  	_ =	shalt  }
0x41: {  	_ =	shalt  }
0x42: {  	_ =	shalt  }
0x43: {  	_ =	shalt  }
0x44: {  	_ =	shalt  }
0x45: {  	_ =	shalt  }
0x46: {  	_ =	shalt  }
0x47: {  	_ =	shalt  }
0x48: {  	_ =	shalt  }
0x49: {  	_ =	shalt  }
0x4a: {  	_ =	shalt  }
0x4b: {  	_ =	shalt  }
0x4c: {  	_ =	shalt  }
0x4d: {  	_ =	shalt  }
0x4e: {  	_ =	shalt  }
0x4f: {  	_ =	shalt  }
0x50: {  	_ =	shalt  }
0x51: {  	_ =	shalt  }
0x52: {  	_ =	shalt  }
0x53: {  	_ =	shalt  }
0x54: {  	_ =	shalt  }
0x55: {  	_ =	shalt  }
0x56: {  	_ =	shalt  }
0x57: {  	_ =	shalt  }
0x58: {  	_ =	shalt  }
0x59: {  	_ =	shalt  }
0x5a: {  	_ =	shalt  }
0x5b: {  	_ =	shalt  }
0x5c: {  	_ =	shalt  }
0x5d: {  	_ =	shalt  }
0x5e: {  	_ =	shalt  }
0x5f: {  	_ =	shalt  }
0x60: {  	_ =	shalt  }
0x61: {  	_ =	shalt  }
0x62: {  	_ =	shalt  }
0x63: {  	_ =	shalt  }
0x64: {  	_ =	shalt  }
0x65: {  	_ =	shalt  }
0x66: {  	_ =	shalt  }
0x67: {  	_ =	shalt  }
0x68: {  	_ =	shalt  }
0x69: {  	_ =	shalt  }
0x6a: {  	_ =	shalt  }
0x6b: {  	_ =	shalt  }
0x6c: {  	_ =	shalt  }
0x6d: {  	_ =	shalt  }
0x6e: {  	_ =	shalt  }
0x6f: {  	_ =	shalt  }
0x70: {  	_ =	shalt  }
0x71: {  	_ =	shalt  }
0x72: {  	_ =	shalt  }
0x73: {  	_ =	shalt  }
0x74: {  	_ =	shalt  }
0x75: {  	_ =	shalt  }
0x76: {  	_ =	shalt  }
0x77: {  	_ =	shalt  }
0x78: {  	_ =	shalt  }
0x79: {  	_ =	shalt  }
0x7a: {  	_ =	shalt  }
0x7b: {  	_ =	shalt  }
0x7c: {  	_ =	shalt  }
0x7d: {  	_ =	shalt  }
0x7e: {  	_ =	shalt  }
0x7f: {  	_ =	shalt  }
0x80: {  	_ =	shalt  }
0x81: {  	_ =	shalt  }
0x82: {  	_ =	shalt  }
0x83: {  	_ =	shalt  }
0x84: {  	_ =	shalt  }
0x85: {  	_ =	shalt  }
0x86: {  	_ =	shalt  }
0x87: {  	_ =	shalt  }
.Lfunc_end0:
.L_simem_size_0:
called_computation_lowered:
.L_overlay_start_0:
0x88: {  	s2 =	sld [smem:$0x3FD9]  }
0x89: {  	s3 =	sld [smem:$0x3FFE];
	_ =	sdelay $0x1  }
0x8a: {  	s1 =	srdreg.scid  }
0x8b: {  	s0 =	sand.u32 $0x1, s1  }
0x8c: {  	s17 =	sshll.u32 s0, $0xA;
	s2 =	sadd.s32 s3, s2  }
0x8d: {  	s2 =	sadd.s32 s2, s17  }
0x8e: {  	[smem:$0x3FBF] =	sst s2  }
0x8f: {  	_ = 	snop  }
0x90: {  	s2 =	sld [smem:$0x3FC1]  }
0x91: {  	s18 =	sld [smem:$0x3FD0];
	(tm) =	ssettm $0x1  }
0x92: {  	s4 =	sld [smem:$0x3FFB];
	_ =	sdelay $0x3  }
0x93: {  	_ =	strace s4  }
0x94: {  	s4 =	sld [smem:$0x3FFC];
	_ =	sdelay $0x3  }
0x95: {  	_ =	strace s4  }
0x96: {  	s4 =	sld [smem:$0x3FFD];
	_ =	sdelay $0x3  }
0x97: {  	_ =	strace s4  }
0x98: {  	_ =	strace $0x8FFFFFFF  }
0x99: {  	s19 =	sld [smem:$0x3FDB];
	_ =	sdelay $0x1  }
0x9a: {  	s5 =	simm.s32 $_scs_section_size  }
0x9b: {  	s6 =	simm.s32 $_size__tile_overlayer_lowered;
	s7 =	simm.s32 $_tile_overlayer_lowered  }
0x9c: {  	s22 =	simm.s32 $0x1BFF;
	s21 =	sshll.u32 s7, $0x1;
	s4 =	sadd.s32 s5, s19  }
0x9d: {  	s8 =	simm.s32 $0x0;
	s20 =	sshll.u32 s6, $0x1;
	s6 =	sadd.s32 s21, s4  }
0x9e: {  	[timem:s8], [sflag:s22] =	dma.local [hbm:s6], s20  }
0x9f: {  	_ =	swait.ge [sflag:s22], s20  }
0xa0: {  	s5 =	ssub.s32 $0x0, s20;
	[sflag:s22] =	ssyncset.done $0x0  }
0xa1: {  	[sflag:s22] =	ssyncadd.s32 s5;
	_ =	sdelay $0x1  }
0xa2: {  	s23 =	simm.s32 $0x1B8B  }
0xa3: {  	_ =	swait.ge [sflag:s23], $0x1  }
0xa4: {  	[sflag:s23] =	ssyncset.done $0x0  }
0xa5: {  	s25 =	simm.s32 $0x1B8E;
	s24 =	sld [smem:$0x3FFE];
	[sflag:s23] =	ssyncadd.s32 $0xFFFFFFFF  }
0xa6: {  	s26 =	simm.s32 $execute0_lowered;
	[smem:$0x3FD2] =	sst s25  }
0xa7: {  	s6 =	sshll.u32 s26, $0x1;
	_ =	strace $0x80000046;
	[dreg:$0x1] =	wrdreg $0xFFFFFFFF  }
0xa8: {  	s28 =	simm.s32 $_size_execute0_lowered;
	s4 =	sadd.s32 s4, s6;
	[dreg:$0x0] =	wrdreg $0x0  }
0xa9: {  	s6 =	sshll.u32 s28, $0x1;
	[dreg:$0x2] =	wrdreg s4  }
0xaa: {  	[dreg:$0x3] =	wrdreg s6  }
0xab: {  	[dreg:$0x4] =	wrdreg $0xC0  }
0xac: {  	_ =	task [dreg:s8], $0x5FFFF  }
0xad: {  	[dreg:$0x1] =	wrdreg $0xFFFFFFFF  }
0xae: {  	[dreg:$0x0] =	wrdreg $0x60  }
0xaf: {  	[dreg:$0x2] =	wrdreg s18  }
0xb0: {  	[dreg:$0x3] =	wrdreg s24  }
0xb1: {  	[dreg:$0x4] =	wrdreg s2  }
0xb2: {  	[dreg:$0x5] =	wrdreg $0xC5000  }
0xb3: {  	[dreg:$0x6] =	wrdreg $0x1FD800  }
0xb4: {  	[dreg:$0x7] =	wrdreg $0x9  }
0xb5: {  	_ =	task.clear_ibuf [dreg:s8], $0x8FFFF;
	_ =	strace $0x90000046  }
0xb6: {  	s29 =	simm.s32 $0x9;
	_ =	strace $0x80000048  }
0xb7: {  	_ =	swait.ge [sflag:s29], $0x1  }
0xb8: {  	[sflag:s29] =	ssyncadd.s32 $0xFFFFFFFF  }
0xb9: {  	_ =	strace $0x90000048  }
0xba: {  	_ =	sfence  }
0xbb: {  	s30 =	sld [smem:$0x0];
	_ =	sdelay $0x2  }
0xbc: {  	s31 =	sshll.u32 s1, $0xD;
	s1 =	sshrl.u32 s1, $0x2  }
0xbd: {  	s3 =	sand.u32 $0x4000, s31;
	s1 =	sadd.s32 s1, s30  }
0xbe: {  	s0 =	sor.u32 s3, s0;
	s1 =	sshll.u32 s1, $0x11  }
0xbf: {  	s0 =	sor.u32 s1, s0  }
0xc0: {  	s0 =	sadd.s32 $0x8F2B, s0  }
0xc1: {  	[sflag:s0] =	ssyncadd.remote.s32 $0x1  }
0xc2: {  	_ =	sfence.sel $0xFFFF  }
0xc3: {  	[dreg:$0x0] =	wrdreg $0xFFFFFFFF;
	(pc) =	sbr.abs _section_cstart, $3  }
0xc4: {  	[dreg:$0x1] =	wrdreg $0xFFFFFFFF  }
0xc5: {  	_ =	task.clear_ibuf [dreg:s8], $0x2FFFF;
	_ =	strace $0x9FFFFFFF  }
0xc6: {  	(tm) =	ssettm $0x7FFFFFFF  }
0xc7: {  	_ =	shalt  }
tec
execute0_lowered:
.L_overlay_start_1:
0x0: {  	(tag) =	ssettag $0x1  }
0x1: {  	s1 =	rddreg [dreg:$0x0]  }
0x2: {  	s0 =	rddreg [dreg:$0x1]  }
0x3: {  	s29 =	rddreg [dreg:$0x3]  }
0x4: {  	s4 =	rddreg [dreg:$0x4]  }
0x5: {  	s15 =	simm.s32 $0x0;
	s2 =	srdreg.scid;
	s17 =	stileid.u32  }
0x6: {  	[smem:$0x7FF] =	sst s15;
	s7 =	sadd.s32 $0x15400, s0;
	s5 =	smul.u32 $0x270, s17  }
0x7: {  	s2 =	sand.u32 $0x1, s2;
	s16 =	sadd.s32 $0xB600, s0;
	s14 =	smul.u32 $0x4E000, s17  }
0x8: {  	s9 =	sshll.u32 s17, $0x1;
	s18 =	sadd.s32 $0x1800, s0;
	s24 =	smul.u32 $0x13800, s17  }
0x9: {  	_ =	strace $0x80000047;
	s9 =	sor.u32 s2, s9;
	s12 =	ssub.s32 $0x2, s2  }
0xa: {  	s9 =	smul.u32 $0x2710, s9;
	s13 =	sshrl.u32 s12, $0x1;
	s23 =	sadd.s32 s5, s4  }
0xb: {  	s22 =	sshrl.u32 s14, $0x2;
	s3 =	sadd.s32 $0x80, s23;
	[dreg:$0x6] =	wrdreg s23  }
0xc: {  	s21 =	ssub.s32 s12, s13;
	s22 =	sadd.s32 s22, s29;
	[dreg:$0x8] =	wrdreg s3  }
0xd: {  	s25 =	sshrl.u32 s9, $0x3;
	s9 =	sadd.s32 $0x80, s9;
	[dreg:$0x7] =	wrdreg s22  }
0xe: {  	p0 =	sne.s32 s17, $0xF;
	s17 =	smax.u32 s21, $0x1;
	[dreg:$0xb] =	wrdreg s9  }
0xf: {  	s6 =	smul.u32 $0x2710, s2;
	s19 =	sadd.s32 $0x800, s22;
	[dreg:$0x13] =	wrdreg s17  }
0x10: {  	s2 =	smul.u32 $0x138800, s2;
	s20 =	sadd.s32 $0x1000, s22;
	[dreg:$0x18] =	wrdreg s19  }
0x11: {  	s6 =	sadd.s32 s5, s6;
	s21 =	sadd.s32 $0x1800, s22;
	[dreg:$0x19] =	wrdreg s20  }
0x12: {  	s5 =	sadd.s32 s24, s2;
	s24 =	sadd.s32 $0x2800, s22;
	[dreg:$0x1a] =	wrdreg s21  }
0x13: {  	s11 =	sadd.s32 $0x64200, s0;
	s13 =	sadd.s32 $0x6000, s22;
	[dreg:$0x1c] =	wrdreg s24  }
0x14: {  	s2 =	sshrl.u32 s2, $0x3;
	s26 =	sadd.s32 s16, s25;
	[smem:$0x7E2] =	sst s13  }
0x15: {  	s5 =	sshrl.u32 s5, $0x3;
	s12 =	sadd.s32 s18, s25;
	[dreg:$0x9] =	wrdreg s26  }
0x16: {  	s2 =	sadd.s32 s11, s2;
	s5 =	sadd.s32 s11, s5;
	[dreg:$0xa] =	wrdreg s12  }
0x17: {  	s8 =	sadd.s32 $0x3C600, s0;
	s2 =	sadd.s32 $0x27000, s2;
	[dreg:$0xc] =	wrdreg s5  }
0x18: {  	s3 =	smov.u32 s18;
	s18 =	sadd.s32 $0x200, s23;
	[dreg:$0xd] =	wrdreg s2  }
0x19: {  	s6 =	sshrl.u32 s6, $0x3;
	s25 =	sadd.s32 $0x3000, s22;
	[dreg:$0x17] =	wrdreg s18  }
0x1a: {  	s0 =	sadd.s32 s6, s0;
	s6 =	sadd.s32 $0x5000, s22;
	[dreg:$0x1d] =	wrdreg s25  }
0x1b: {  	s9 =	sadd.s32 $0x5800, s22;
	[smem:$0x7E0] =	sst s6  }
0x1c: {  	s17 =	sadd.s32 $0x7800, s22;
	[smem:$0x7E1] =	sst s9  }
0x1d: {  	s19 =	sadd.s32 $0x8800, s22;
	[smem:$0x7E5] =	sst s17  }
0x1e: {  	s20 =	sadd.s32 $0x9000, s22;
	[smem:$0x7E7] =	sst s19  }
0x1f: {  	s21 =	sadd.s32 $0x9800, s22;
	[smem:$0x7E8] =	sst s20  }
0x20: {  	s24 =	sadd.s32 $0xA800, s22;
	[smem:$0x7E9] =	sst s21  }
0x21: {  	s13 =	sadd.s32 $0xE000, s22;
	[smem:$0x7EB] =	sst s24  }
0x22: {  	s11 =	sadd.s32 $0x63800, s0;
	[smem:$0x7F2] =	sst s13  }
0x23: {  	s12 =	sadd.s32 $0x63810, s0;
	[dreg:$0xe] =	wrdreg s11  }
0x24: {  	s14 =	sadd.s32 $0x63820, s0;
	[dreg:$0xf] =	wrdreg s12  }
0x25: {  	s10 =	smov.u32 s16;
	s16 =	sadd.s32 $0x63830, s0;
	[dreg:$0x10] =	wrdreg s14  }
0x26: {  	s0 =	sadd.s32 $0x63840, s0;
	[dreg:$0x11] =	wrdreg s16  }
0x27: {  	s26 =	sadd.s32 $0x3800, s22;
	[dreg:$0x12] =	wrdreg s0  }
0x28: {  	s5 =	sadd.s32 $0x4800, s22;
	[dreg:$0x1e] =	wrdreg s26  }
0x29: {  	s18 =	sadd.s32 $0x8000, s22;
	[smem:$0x7DF] =	sst s5  }
0x2a: {  	s25 =	sadd.s32 $0xB000, s22;
	[smem:$0x7E6] =	sst s18  }
0x2b: {  	s6 =	sadd.s32 $0xD000, s22;
	[smem:$0x7EC] =	sst s25  }
0x2c: {  	s9 =	sadd.s32 $0xD800, s22;
	[smem:$0x7F0] =	sst s6  }
0x2d: {  	s17 =	sadd.s32 $0xF800, s22;
	[smem:$0x7F1] =	sst s9  }
0x2e: {  	s19 =	sadd.s32 $0x10800, s22;
	[smem:$0x7F5] =	sst s17  }
0x2f: {  	s20 =	sadd.s32 $0x11000, s22;
	[smem:$0x7F7] =	sst s19  }
0x30: {  	s21 =	sadd.s32 $0x11800, s22;
	[smem:$0x7F8] =	sst s20  }
0x31: {  	s2 =	sadd.s32 $0x138000, s29;
	s24 =	sadd.s32 $0x12800, s22;
	[smem:$0x7F9] =	sst s21  }
0x32: {  	s0 =	sshrl.u32 @!p0 s2, $0x3;
	s11 =	sadd.s32 $0x100, s23;
	[smem:$0x7FB] =	sst s24  }
0x33: {  	s12 =	sadd.s32 $0x180, s23;
	s23 =	sadd.s32 $0x2000, s22;
	[dreg:$0x14] =	wrdreg s0  }
0x34: {  	s2 =	sadd.s32 $0x4000, s22;
	[dreg:$0x1b] =	wrdreg s23  }
0x35: {  	s14 =	sadd.s32 $0x6800, s22;
	[dreg:$0x1f] =	wrdreg s2  }
0x36: {  	s16 =	sadd.s32 $0x7000, s22;
	[smem:$0x7E3] =	sst s14  }
0x37: {  	s26 =	sadd.s32 $0xB800, s22;
	[smem:$0x7E4] =	sst s16  }
0x38: {  	s30 =	simm.s32 $0x6;
	s5 =	sadd.s32 $0xC800, s22;
	[smem:$0x7ED] =	sst s26  }
0x39: {  	v0 =	vimm.s32 $0xFEDCBA98;
	v1 =	vimm.s32 $0x76543210;
	s31 =	simm.s32 $0x7;
	s18 =	sadd.s32 $0x10000, s22;
	[smem:$0x7EF] =	sst s5  }
0x3a: {  	v2 =	vimm.s32 $0x3210FEDC;
	v3 =	vimm.s32 $0xBA987654;
	s28 =	simm.s32 $0x5;
	s25 =	sadd.s32 $0x13000, s22;
	[smem:$0x7F6] =	sst s18  }
0x3b: {  	v4 =	vimm.s32 $0x10FEDCBA;
	v5 =	vimm.s32 $0x98765432;
	s13 =	simm.s32 $0x8;
	s6 =	simm.s32 $0xD;
	[smem:$0x7FC] =	sst s25  }
0x3c: {  	v6 =	vimm.s32 $0xFEDCBA9;
	v7 =	vimm.s32 $0x87654321;
	s9 =	simm.s32 $0x400;
	s17 =	simm.s32 $0x600;
	[dreg:$0x15] =	wrdreg s11  }
0x3d: {  	v0 =	vunpack.c.l.s4.s8 v0;
	v1 =	vunpack.c.l.s4.s8 v1;
	v2 =	vunpack.c.l.s4.s8 v2;
	s24 =	simm.s32 $0x2;
	s23 =	sadd.s32 $0xA000, s22;
	[dreg:$0x16] =	wrdreg s12  }
0x3e: {  	v3 =	vunpack.c.l.s4.s8 v3;
	v4 =	vunpack.c.l.s4.s8 v4;
	v5 =	vunpack.c.l.s4.s8 v5;
	s19 =	simm.s32 $0xC480;
	s2 =	sadd.s32 $0xC000, s22;
	[smem:$0x7EA] =	sst s23  }
0x3f: {  	v6 =	vunpack.c.l.s4.s8 v6;
	v7 =	vunpack.c.l.s4.s8 v7;
	v0 =	vunpack.c.0.s8.s32 v0;
	s21 =	simm.s32 $0xA400;
	s14 =	sadd.s32 $0xE800, s22;
	[smem:$0x7EE] =	sst s2  }
0x40: {  	v1 =	vunpack.c.0.s8.s32 v1;
	v2 =	vunpack.c.0.s8.s32 v2;
	v3 =	vunpack.c.0.s8.s32 v3;
	s20 =	simm.s32 $0x0;
	s16 =	sadd.s32 $0xF000, s22;
	[smem:$0x7F3] =	sst s14  }
0x41: {  	v4 =	vunpack.c.0.s8.s32 v4;
	v5 =	vunpack.c.0.s8.s32 v5;
	v0 =	vand.u32 $0xF, v0;
	s26 =	sadd.s32 $0x13800, s22;
	s18 =	simm.s32 $0x700;
	[smem:$0x7F4] =	sst s16  }
0x42: {  	v6 =	vunpack.c.0.s8.s32 v6;
	v7 =	vunpack.c.0.s8.s32 v7;
	v0 =	vcombine.low v0, v1;
	s0 =	simm.s32 $0x40;
	s23 =	sadd.s32 $0x12000, s22;
	[smem:$0x7FD] =	sst s26  }
0x43: {  	v1 =	vcombine.low v3, v2;
	v2 =	vcombine.low v5, v4;
	s16 =	simm.s32 $0x500;
	s2 =	simm.s32 $0x6380;
	s14 =	simm.s32 $0x3  }
0x44: {  	v3 =	vimm.f32 $0.0e+00;
	v4 =	vcombine.low v7, v6;
	v5 =	vlaneseq.u32;
	s26 =	simm.s32 $0x4;
	[smem:$0x7FA] =	sst s23;
	s23 =	simm.s32 $0x1  }
.LBB2_1:
0x45: {  	s5 =	rddreg [dreg:$0x2]  }
0x46: {  	[tilespmem:s15], [sflag:$0xD] =	stream.linear.gather [hbm4b:s5+s15], $0x80, $0x38;
	v63 =	vld [tilespmem:$0x0]  }
0x47: {  	_ =	swait.ge [sflag:s6], $0x80  }
0x48: {  	[sflag:s6] =	ssyncset.done $0x0  }
0x49: {  	s5 =	simm.s32 $0x0;
	[sflag:s6] =	ssyncadd.s32 $0xFFFFFF80;
	s6 =	simm.s32 $0x200  }
.LBB2_2:
0x4a: {  	p1 =	sne.s32 s6, $0x1E00;
	[tilespmem:s5+$0x370] =	vst v3  }
0x4b: {  	[tilespmem:s5+$0x300] =	vst v3  }
0x4c: {  	[tilespmem:s5+$0x310] =	vst v3  }
.Ltmp0:
0x4d: {  	[tilespmem:s5+$0x320] =	vst v3;
	(pc) =	sbr.rel @p1 .LBB2_2-.Ltmp0, $4  }
0x4e: {  	[tilespmem:s5+$0x330] =	vst v3  }
0x4f: {  	[tilespmem:s5+$0x340] =	vst v3  }
0x50: {  	[tilespmem:s5+$0x350] =	vst v3  }
0x51: {  	[tilespmem:s5+$0x360] =	vst v3;
	s5 =	sshra.s32 s6, $0x2;
	s6 =	sadd.s32 $0x200, s6  }
0x52: {  	[tilespmem:s5+$0x370] =	vst v3  }
0x53: {  	[tilespmem:s5+$0x300] =	vst v3  }
0x54: {  	[tilespmem:s5+$0x310] =	vst v3  }
0x55: {  	[tilespmem:s5+$0x320] =	vst v3  }
0x56: {  	[tilespmem:s5+$0x330] =	vst v3  }
0x57: {  	[tilespmem:s5+$0x340] =	vst v3  }
0x58: {  	[tilespmem:s5+$0x350] =	vst v3  }
0x59: {  	[tilespmem:s5+$0x360] =	vst v3  }
0x5a: {  	[tilespmem:$0x6300] =	vst v3  }
0x5b: {  	[tilespmem:$0x6310] =	vst v3  }
0x5c: {  	[smem:$0x7DE] =	sst s20;
	[tilespmem:$0x6320] =	vst v3  }
0x5d: {  	s6 =	simm.s32 $0x300;
	s25 =	rddreg [dreg:$0x19];
	[tilespmem:$0x6330] =	vst v3  }
0x5e: {  	[spmem:s22] =	stream.linear.scatter [tilespmem:s6], [sflag:$0x1], $0x800, $0x38;
	v63 =	vld [tilespmem:$0x0]  }
0x5f: {  	s22 =	rddreg [dreg:$0x18]  }
0x60: {  	[spmem:s22] =	stream.linear.scatter [tilespmem:s6], [sflag:$0x1], $0x800, $0x38;
	v63 =	vld [tilespmem:$0x0]  }
0x61: {  	s15 =	rddreg [dreg:$0x1a]  }
0x62: {  	[spmem:s25] =	stream.linear.scatter [tilespmem:s6], [sflag:$0x1], $0x800, $0x38;
	v63 =	vld [tilespmem:$0x0]  }
0x63: {  	s20 =	rddreg [dreg:$0x1b]  }
0x64: {  	[spmem:s15] =	stream.linear.scatter [tilespmem:s6], [sflag:$0x1], $0x800, $0x38;
	v63 =	vld [tilespmem:$0x0]  }
0x65: {  	s22 =	rddreg [dreg:$0x1c]  }
0x66: {  	[spmem:s20] =	stream.linear.scatter [tilespmem:s6], [sflag:$0x1], $0x800, $0x38;
	v63 =	vld [tilespmem:$0x0]  }
0x67: {  	s25 =	rddreg [dreg:$0x1d]  }
0x68: {  	[spmem:s22] =	stream.linear.scatter [tilespmem:s6], [sflag:$0x1], $0x800, $0x38;
	v63 =	vld [tilespmem:$0x0]  }
0x69: {  	s15 =	rddreg [dreg:$0x1e]  }
0x6a: {  	[spmem:s25] =	stream.linear.scatter [tilespmem:s6], [sflag:$0x1], $0x800, $0x38;
	v63 =	vld [tilespmem:$0x0]  }
0x6b: {  	s20 =	rddreg [dreg:$0x1f]  }
0x6c: {  	[spmem:s15] =	stream.linear.scatter [tilespmem:s6], [sflag:$0x1], $0x800, $0x38;
	v63 =	vld [tilespmem:$0x0]  }
0x6d: {  	s22 =	sld [smem:$0x7DF]  }
0x6e: {  	[spmem:s20] =	stream.linear.scatter [tilespmem:s6], [sflag:$0x1], $0x800, $0x38;
	v63 =	vld [tilespmem:$0x0]  }
0x6f: {  	s25 =	sld [smem:$0x7E0]  }
0x70: {  	[spmem:s22] =	stream.linear.scatter [tilespmem:s6], [sflag:$0x1], $0x800, $0x38;
	v63 =	vld [tilespmem:$0x0]  }
0x71: {  	s15 =	sld [smem:$0x7E1]  }
0x72: {  	[spmem:s25] =	stream.linear.scatter [tilespmem:s6], [sflag:$0x1], $0x800, $0x38;
	v63 =	vld [tilespmem:$0x0]  }
0x73: {  	s20 =	sld [smem:$0x7E2]  }
0x74: {  	[spmem:s15] =	stream.linear.scatter [tilespmem:s6], [sflag:$0x1], $0x800, $0x38;
	v63 =	vld [tilespmem:$0x0]  }
0x75: {  	s22 =	sld [smem:$0x7E3]  }
0x76: {  	[spmem:s20] =	stream.linear.scatter [tilespmem:s6], [sflag:$0x1], $0x800, $0x38;
	v63 =	vld [tilespmem:$0x0]  }
0x77: {  	s25 =	sld [smem:$0x7E4]  }
0x78: {  	[spmem:s22] =	stream.linear.scatter [tilespmem:s6], [sflag:$0x1], $0x800, $0x38;
	v63 =	vld [tilespmem:$0x0]  }
0x79: {  	s15 =	sld [smem:$0x7E5]  }
0x7a: {  	[spmem:s25] =	stream.linear.scatter [tilespmem:s6], [sflag:$0x1], $0x800, $0x38;
	v63 =	vld [tilespmem:$0x0]  }
0x7b: {  	s20 =	sld [smem:$0x7E6]  }
0x7c: {  	[spmem:s15] =	stream.linear.scatter [tilespmem:s6], [sflag:$0x1], $0x800, $0x38;
	v63 =	vld [tilespmem:$0x0]  }
0x7d: {  	s22 =	sld [smem:$0x7E7]  }
0x7e: {  	[spmem:s20] =	stream.linear.scatter [tilespmem:s6], [sflag:$0x1], $0x800, $0x38;
	v63 =	vld [tilespmem:$0x0]  }
0x7f: {  	s25 =	sld [smem:$0x7E8]  }
0x80: {  	[spmem:s22] =	stream.linear.scatter [tilespmem:s6], [sflag:$0x1], $0x800, $0x38;
	v63 =	vld [tilespmem:$0x0]  }
0x81: {  	s15 =	sld [smem:$0x7E9]  }
0x82: {  	[spmem:s25] =	stream.linear.scatter [tilespmem:s6], [sflag:$0x1], $0x800, $0x38;
	v63 =	vld [tilespmem:$0x0]  }
0x83: {  	s20 =	sld [smem:$0x7EA]  }
0x84: {  	[spmem:s15] =	stream.linear.scatter [tilespmem:s6], [sflag:$0x1], $0x800, $0x38;
	v63 =	vld [tilespmem:$0x0]  }
0x85: {  	s22 =	sld [smem:$0x7EB]  }
0x86: {  	[spmem:s20] =	stream.linear.scatter [tilespmem:s6], [sflag:$0x1], $0x800, $0x38;
	v63 =	vld [tilespmem:$0x0]  }
0x87: {  	s25 =	sld [smem:$0x7EC]  }
0x88: {  	[spmem:s22] =	stream.linear.scatter [tilespmem:s6], [sflag:$0x1], $0x800, $0x38;
	v63 =	vld [tilespmem:$0x0]  }
0x89: {  	s15 =	sld [smem:$0x7ED]  }
0x8a: {  	[spmem:s25] =	stream.linear.scatter [tilespmem:s6], [sflag:$0x1], $0x800, $0x38;
	v63 =	vld [tilespmem:$0x0]  }
0x8b: {  	s20 =	sld [smem:$0x7EE]  }
0x8c: {  	[spmem:s15] =	stream.linear.scatter [tilespmem:s6], [sflag:$0x1], $0x800, $0x38;
	v63 =	vld [tilespmem:$0x0]  }
0x8d: {  	s22 =	sld [smem:$0x7EF]  }
0x8e: {  	[spmem:s20] =	stream.linear.scatter [tilespmem:s6], [sflag:$0x1], $0x800, $0x38;
	v63 =	vld [tilespmem:$0x0]  }
0x8f: {  	s25 =	sld [smem:$0x7F0]  }
0x90: {  	[spmem:s22] =	stream.linear.scatter [tilespmem:s6], [sflag:$0x1], $0x800, $0x38;
	v63 =	vld [tilespmem:$0x0]  }
0x91: {  	s15 =	sld [smem:$0x7F1]  }
0x92: {  	[spmem:s25] =	stream.linear.scatter [tilespmem:s6], [sflag:$0x1], $0x800, $0x38;
	v63 =	vld [tilespmem:$0x0]  }
0x93: {  	s20 =	sld [smem:$0x7F2]  }
0x94: {  	[spmem:s15] =	stream.linear.scatter [tilespmem:s6], [sflag:$0x1], $0x800, $0x38;
	v63 =	vld [tilespmem:$0x0]  }
0x95: {  	s22 =	sld [smem:$0x7F3]  }
0x96: {  	[spmem:s20] =	stream.linear.scatter [tilespmem:s6], [sflag:$0x1], $0x800, $0x38;
	v63 =	vld [tilespmem:$0x0]  }
0x97: {  	s25 =	sld [smem:$0x7F4]  }
0x98: {  	[spmem:s22] =	stream.linear.scatter [tilespmem:s6], [sflag:$0x1], $0x800, $0x38;
	v63 =	vld [tilespmem:$0x0]  }
0x99: {  	s15 =	sld [smem:$0x7F5]  }
0x9a: {  	[spmem:s25] =	stream.linear.scatter [tilespmem:s6], [sflag:$0x1], $0x800, $0x38;
	v63 =	vld [tilespmem:$0x0]  }
0x9b: {  	s20 =	sld [smem:$0x7F6]  }
0x9c: {  	[spmem:s15] =	stream.linear.scatter [tilespmem:s6], [sflag:$0x1], $0x800, $0x38;
	v63 =	vld [tilespmem:$0x0]  }
0x9d: {  	s22 =	sld [smem:$0x7F7]  }
0x9e: {  	[spmem:s20] =	stream.linear.scatter [tilespmem:s6], [sflag:$0x1], $0x800, $0x38;
	v63 =	vld [tilespmem:$0x0]  }
0x9f: {  	s25 =	sld [smem:$0x7F8]  }
0xa0: {  	[spmem:s22] =	stream.linear.scatter [tilespmem:s6], [sflag:$0x1], $0x800, $0x38;
	v63 =	vld [tilespmem:$0x0]  }
0xa1: {  	s15 =	sld [smem:$0x7F9]  }
0xa2: {  	[spmem:s25] =	stream.linear.scatter [tilespmem:s6], [sflag:$0x1], $0x800, $0x38;
	v63 =	vld [tilespmem:$0x0]  }
0xa3: {  	s20 =	sld [smem:$0x7FA]  }
0xa4: {  	[spmem:s15] =	stream.linear.scatter [tilespmem:s6], [sflag:$0x1], $0x800, $0x38;
	v63 =	vld [tilespmem:$0x0]  }
0xa5: {  	s22 =	sld [smem:$0x7FB]  }
0xa6: {  	[spmem:s20] =	stream.linear.scatter [tilespmem:s6], [sflag:$0x1], $0x800, $0x38;
	v63 =	vld [tilespmem:$0x0]  }
0xa7: {  	s25 =	sld [smem:$0x7FC]  }
0xa8: {  	[spmem:s22] =	stream.linear.scatter [tilespmem:s6], [sflag:$0x1], $0x800, $0x38;
	v63 =	vld [tilespmem:$0x0]  }
0xa9: {  	s15 =	sld [smem:$0x7FD]  }
0xaa: {  	[spmem:s25] =	stream.linear.scatter [tilespmem:s6], [sflag:$0x1], $0x800, $0x38;
	v63 =	vld [tilespmem:$0x0]  }
0xab: {  	_ = 	snop  }
0xac: {  	[spmem:s15] =	stream.linear.scatter [tilespmem:s6], [sflag:$0x1], $0x800, $0x38;
	v63 =	vld [tilespmem:$0x0]  }
0xad: {  	s20 =	rddreg [dreg:$0x6]  }
0xae: {  	[spmem:s20] =	stream.linear.scatter [tilespmem:s6], [sflag:$0x2], $0x80, $0x38;
	v63 =	vld [tilespmem:$0x0]  }
0xaf: {  	s22 =	rddreg [dreg:$0x8]  }
0xb0: {  	[spmem:s22] =	stream.linear.scatter [tilespmem:s9], [sflag:$0x2], $0x80, $0x38;
	v63 =	vld [tilespmem:$0x0]  }
0xb1: {  	_ = 	snop  }
0xb2: {  	[spmem:s11] =	stream.linear.scatter [tilespmem:s16], [sflag:$0x2], $0x80, $0x38;
	v63 =	vld [tilespmem:$0x0]  }
0xb3: {  	_ = 	snop  }
0xb4: {  	[spmem:s12] =	stream.linear.scatter [tilespmem:s17], [sflag:$0x2], $0x80, $0x38;
	v63 =	vld [tilespmem:$0x0]  }
0xb5: {  	s25 =	rddreg [dreg:$0x17]  }
0xb6: {  	[spmem:s25] =	stream.linear.scatter [tilespmem:s18], [sflag:$0x2], $0x80, $0x38;
	v63 =	vld [tilespmem:$0x0]  }
0xb7: {  	_ =	swait.ge [sflag:s23], $0x800  }
0xb8: {  	s5 =	simm.s32 $0x27;
	[sflag:s23] =	ssyncset.done $0x0  }
.LBB2_4:
0xb9: {  	p1 =	sne.s32 s5, $0x1;
	s5 =	sadd.s32 $0xFFFFFFFF, s5;
	[sflag:s23] =	ssyncadd.s32 $0xFFFFF800  }
.Ltmp1:
0xba: {  	(pc) =	sbr.rel @p1 .LBB2_4-.Ltmp1, $3  }
0xbb: {  	_ =	sdelay $0x1  }
0xbc: {  	_ =	swait.ge [sflag:s23], $0x800  }
0xbd: {  	[sflag:s23] =	ssyncset.done $0x0  }
0xbe: {  	[sflag:s23] =	ssyncadd.s32 $0xFFFFF800  }
0xbf: {  	_ =	swait.ge [sflag:s24], $0x80  }
0xc0: {  	[sflag:s24] =	ssyncset.done $0x0  }
0xc1: {  	[sflag:s24] =	ssyncadd.s32 $0xFFFFFF80  }
0xc2: {  	_ =	swait.ge [sflag:s24], $0x80  }
0xc3: {  	[sflag:s24] =	ssyncset.done $0x0  }
0xc4: {  	[sflag:s24] =	ssyncadd.s32 $0xFFFFFF80  }
0xc5: {  	_ =	swait.ge [sflag:s24], $0x80  }
0xc6: {  	[sflag:s24] =	ssyncset.done $0x0  }
0xc7: {  	[sflag:s24] =	ssyncadd.s32 $0xFFFFFF80  }
0xc8: {  	_ =	swait.ge [sflag:s24], $0x80  }
0xc9: {  	[sflag:s24] =	ssyncset.done $0x0  }
0xca: {  	[sflag:s24] =	ssyncadd.s32 $0xFFFFFF80  }
0xcb: {  	_ =	swait.ge [sflag:s24], $0x80  }
0xcc: {  	[sflag:s24] =	ssyncset.done $0x0  }
0xcd: {  	[sflag:s24] =	ssyncadd.s32 $0xFFFFFF80  }
0xce: {  	[bflag:$0x0] =	sbarrier.arrive $0xFFFF  }
0xcf: {  	s25 =	simm.s32 $0x0;
	s6 =	simm.s32 $0x80;
	s5 =	rddreg [dreg:$0x9]  }
0xd0: {  	[tilespmem:s6], [sflag:$0xB] =	stream.linear.gather [hbm4b:s5+s25], $0x100, $0x38;
	v63 =	vld [tilespmem:$0x0]  }
0xd1: {  	s9 =	simm.s32 $0x180;
	s16 =	simm.s32 $0xB;
	s15 =	rddreg [dreg:$0xa]  }
0xd2: {  	[tilespmem:s9], [sflag:$0xC] =	stream.linear.gather [hbm4b:s15+s25], $0x100, $0x38;
	v63 =	vld [tilespmem:$0x0]  }
0xd3: {  	_ =	swait.ge [sflag:s16], $0x100  }
0xd4: {  	[sflag:s16] =	ssyncset.done $0x0  }
0xd5: {  	s17 =	simm.s32 $0xC;
	[sflag:s16] =	ssyncadd.s32 $0xFFFFFF00  }
0xd6: {  	_ =	swait.ge [sflag:s17], $0x100  }
0xd7: {  	[sflag:s17] =	ssyncset.done $0x0  }
0xd8: {  	[sflag:s17] =	ssyncadd.s32 $0xFFFFFF00  }
0xd9: {  	v6 =	vld [tilespmem:$0x180]  }
0xda: {  	v7 =	vld [tilespmem:$0x190]  }
0xdb: {  	v8 =	vld [tilespmem:$0x1A0]  }
0xdc: {  	v9 =	vld [tilespmem:$0x1B0];
	_ =	sdelay $0x1  }
0xdd: {  	[tilespmem:$0x6380] =	vst v6  }
0xde: {  	[tilespmem:$0x6390] =	vst v7  }
0xdf: {  	[tilespmem:$0x63A0] =	vst v8  }
0xe0: {  	s18 =	simm.s32 $0x300;
	[tilespmem:$0x63B0] =	vst v9  }
0xe1: {  	[tilespmem:s18], [sflag:$0x1] =	stream.indirect.gather [hbm4b:s1+s0], $0x80, s6, s0, $0xb8;
	v63 =	vld [tilespmem:$0x0]  }
0xe2: {  	s20 =	simm.s32 $0x2300  }
0xe3: {  	[tilespmem:s20], [sflag:$0x2] =	stream.indirect.gather [hbm4b:s7+s0], $0x80, s2, s0, $0xb8;
	v63 =	vld [tilespmem:$0x0]  }
0xe4: {  	s22 =	simm.s32 $0x4300  }
0xe5: {  	[tilespmem:s22], [sflag:$0x3] =	stream.indirect.gather [hbm4b:s8+s0], $0x80, s6, s0, $0xb8;
	v63 =	vld [tilespmem:$0x0]  }
.LBB2_6:
0xe6: {  	_ =	swait.ge [sflag:s23], $0x2000  }
0xe7: {  	[sflag:s23] =	ssyncset.done $0x0  }
0xe8: {  	[sflag:s23] =	ssyncadd.s32 $0xFFFFE000  }
0xe9: {  	_ =	swait.ge [sflag:s24], $0x2000  }
0xea: {  	[sflag:s24] =	ssyncset.done $0x0  }
0xeb: {  	[sflag:s24] =	ssyncadd.s32 $0xFFFFE000  }
0xec: {  	_ =	swait.ge [sflag:s14], $0x2000  }
0xed: {  	p1 =	seq.s32 s25, $0x0;
	[sflag:s14] =	ssyncset.done $0x0  }
0xee: {  	s5 =	simm.s32 @!p1 $0x9;
	[sflag:s14] =	ssyncadd.s32 $0xFFFFE000  }
0xef: {  	_ =	swait.ge @!p1 [sflag:s5], $0x2000  }
0xf0: {  	[sflag:s5] =	ssyncset.done @!p1 $0x0  }
0xf1: {  	[sflag:s5] =	ssyncadd.s32 @!p1 $0xFFFFE000;
	s5 =	simm.s32 @!p1 $0xA  }
0xf2: {  	_ =	swait.ge @!p1 [sflag:s5], $0x40  }
0xf3: {  	s12 =	sshll.u32 s25, $0x7;
	[sflag:s5] =	ssyncset.done @!p1 $0x0  }
0xf4: {  	[sflag:s5] =	ssyncadd.s32 @!p1 $0xFFFFFFC0;
	s5 =	sand.u32 $0x80, s12  }
0xf5: {  	v6 =	vld [tilespmem:s5+$0x1C0];
	_ =	sdelay $0x4  }
0xf6: {  	[tilespmem:$0xC480] =	vst v6  }
0xf7: {  	v6 =	vld [tilespmem:s5+$0x1D0];
	_ =	sdelay $0x4  }
0xf8: {  	[tilespmem:$0xC490] =	vst v6  }
0xf9: {  	v6 =	vld [tilespmem:s5+$0x1E0];
	_ =	sdelay $0x4  }
0xfa: {  	[tilespmem:$0xC4A0] =	vst v6  }
0xfb: {  	v6 =	vld [tilespmem:s5+$0x1F0];
	_ =	sdelay $0x4  }
0xfc: {  	s9 =	simm.s32 $0x6400;
	s6 =	sadd.s32 $0xC0, s5;
	[tilespmem:$0xC4B0] =	vst v6  }
0xfd: {  	[tilespmem:s9], [sflag:$0x6] =	stream.indirect.gather [hbm4b:s1+s0], $0x80, s6, s0, $0xb8;
	v63 =	vld [tilespmem:$0x0]  }
0xfe: {  	s16 =	smov.u32 s4;
	s4 =	smov.u32 s29;
	s29 =	simm.s32 $0x8400  }
0xff: {  	[tilespmem:s29], [sflag:$0x7] =	stream.indirect.gather [hbm4b:s7+s0], $0x80, s19, s0, $0xb8;
	v63 =	vld [tilespmem:$0x0]  }
0x100: {  	s17 =	simm.s32 $0x340;
	s11 =	simm.s32 $0x2340;
	s15 =	simm.s32 $0x0  }
0x101: {  	[tilespmem:s21], [sflag:$0x8] =	stream.indirect.gather [hbm4b:s8+s0], $0x80, s6, s0, $0xb8;
	v63 =	vld [tilespmem:$0x0]  }
.LBB2_7:
0x102: {  	v13 =	vld [tilespmem:$0x0]  }
0x103: {  	v12 =	vld [tilespmem:$0x10]  }
0x104: {  	v10 =	vld [tilespmem:$0x20]  }
0x105: {  	v9 =	vld [tilespmem:$0x30]  }
0x106: {  	v8 =	vld [tilespmem:$0x40]  }
0x107: {  	v7 =	vld [tilespmem:$0x50]  }
0x108: {  	v11 =	vld [tilespmem:s17+$0xFFFFFFE0]  }
0x109: {  	v14 =	vld [tilespmem:s17+$0xFFFFFFC0]  }
0x10a: {  	v15 =	vld [tilespmem:s11+$0xFFFFFFC0]  }
0x10b: {  	v16 =	vld [tilespmem:s17+$0xFFFFFFD0]  }
0x10c: {  	v17 =	vld [tilespmem:s11+$0xFFFFFFD0]  }
0x10d: {  	v18 =	vld [tilespmem:s11+$0xFFFFFFE0]  }
0x10e: {  	v19 =	vld [tilespmem:s17+$0xFFFFFFF0]  }
0x10f: {  	v20 =	vld [tilespmem:s17+$0x0]  }
0x110: {  	v14 =	vmul.f32 v15, v14;
	v15 =	vld [tilespmem:s11+$0xFFFFFFF0]  }
0x111: {  	v21 =	vld [tilespmem:s17+$0x10]  }
0x112: {  	v16 =	vmul.f32 v17, v16;
	v17 =	vld [tilespmem:s11+$0x0];
	v14 =	vadd.f32 $1.000000000e+00, v14  }
0x113: {  	v11 =	vmul.f32 v18, v11;
	v18 =	vld [tilespmem:s11+$0x10]  }
0x114: {  	v16 =	vadd.f32 $1.000000000e+00, v16;
	(erf) = vrcp.f32 v14;
	v14 =	vld [tilespmem:s17+$0x20]  }
0x115: {  	v15 =	vmul.f32 v15, v19;
	v19 =	vld [tilespmem:s11+$0x20]  }
0x116: {  	v6 =	vld [tilespmem:$0x60];
	v11 =	vadd.f32 $1.000000000e+00, v11;
	(erf) = vrcp.f32 v16  }
0x117: {  	v16 =	vld [tilespmem:s17+$0x30];
	v15 =	vadd.f32 $1.000000000e+00, v15  }
0x118: {  	s6 =	sadd.s32 $0x80, s17;
	v17 =	vmul.f32 v17, v20;
	v20 =	vld [tilespmem:s11+$0x30];
	(erf) = vrcp.f32 v11  }
0x119: {  	s9 =	sadd.s32 $0x80, s11;
	(erf) = vrcp.f32 v15;
	v15 =	vld [tilespmem:s6+$0xFFFFFFC0]  }
0x11a: {  	v18 =	vmul.f32 v18, v21;
	v17 =	vadd.f32 $1.000000000e+00, v17;
	v14 =	vmul.f32 v19, v14;
	v19 =	vld [tilespmem:s9+$0xFFFFFFC0]  }
0x11b: {  	v22 =	vld [tilespmem:s9+$0xFFFFFFD0]  }
0x11c: {  	v18 =	vadd.f32 $1.000000000e+00, v18;
	(erf) = vrcp.f32 v17;
	v17 =	vld [tilespmem:s6+$0xFFFFFFD0]  }
0x11d: {  	v21 =	vld [tilespmem:s6+$0xFFFFFFE0];
	v16 =	vmul.f32 v20, v16;
	v14 =	vadd.f32 $1.000000000e+00, v14;
	v20 =	vpop (erf)  }
0x11e: {  	(erf) = vrcp.f32 v18;
	v18 =	vld [tilespmem:s9+$0xFFFFFFE0];
	v20 =	vmul.f32 v20, v13  }
0x11f: {  	v24 =	vld [tilespmem:s6+$0xFFFFFFF0];
	v16 =	vadd.f32 $1.000000000e+00, v16;
	v23 =	vpop (erf);
	(erf) = vrcp.f32 v14;
	v14 =	vmul.f32 v19, v15  }
0x120: {  	v23 =	vmul.f32 v23, v12;
	v15 =	vld [tilespmem:s9+$0xFFFFFFF0];
	v20 =	vadd.f32 $0.0e+00, v20  }
0x121: {  	v25 =	vld [tilespmem:s6+$0x0];
	v19 =	vpop (erf);
	(erf) = vrcp.f32 v16;
	v16 =	vmul.f32 v22, v17;
	v14 =	vadd.f32 $1.000000000e+00, v14  }
0x122: {  	v11 =	vld [tilespmem:$0x70];
	v19 =	vmul.f32 v19, v10;
	v20 =	vadd.f32 v23, v20  }
0x123: {  	v17 =	vld [tilespmem:s9+$0x0];
	v18 =	vmul.f32 v18, v21;
	v16 =	vadd.f32 $1.000000000e+00, v16;
	v22 =	vpop (erf)  }
0x124: {  	v21 =	vld [tilespmem:s9+$0x10];
	v19 =	vadd.f32 v19, v20;
	v20 =	vmul.f32 v22, v9  }
0x125: {  	v23 =	vld [tilespmem:s6+$0x10];
	v18 =	vadd.f32 $1.000000000e+00, v18;
	(erf) = vrcp.f32 v14;
	v15 =	vmul.f32 v15, v24;
	v14 =	vpop (erf)  }
0x126: {  	v22 =	vld [tilespmem:s6+$0x20];
	v19 =	vadd.f32 v20, v19;
	v14 =	vmul.f32 v14, v8  }
0x127: {  	(erf) = vrcp.f32 v16;
	v20 =	vld [tilespmem:s9+$0x20];
	v16 =	vpop (erf);
	v15 =	vadd.f32 $1.000000000e+00, v15  }
0x128: {  	v24 =	vld [tilespmem:s6+$0x30];
	v16 =	vmul.f32 v16, v7;
	v14 =	vadd.f32 v14, v19  }
0x129: {  	v17 =	vmul.f32 v17, v25;
	(erf) = vrcp.f32 v18;
	v18 =	vpop (erf);
	v19 =	vld [tilespmem:s9+$0x30]  }
0x12a: {  	s6 =	sadd.s32 $0x80, s6;
	v14 =	vadd.f32 v16, v14;
	v16 =	vmul.f32 v18, v6  }
0x12b: {  	v17 =	vadd.f32 $1.000000000e+00, v17;
	(erf) = vrcp.f32 v15;
	s9 =	sadd.s32 $0x80, s9;
	v18 =	vmul.f32 v21, v23;
	v15 =	vpop (erf);
	v23 =	vld [tilespmem:s6+$0xFFFFFFC0]  }
0x12c: {  	v15 =	vmul.f32 v15, v11;
	v20 =	vmul.f32 v20, v22;
	v22 =	vld [tilespmem:s9+$0xFFFFFFC0];
	v16 =	vadd.f32 v16, v14  }
0x12d: {  	(erf) = vrcp.f32 v17;
	v17 =	vld [tilespmem:s6+$0xFFFFFFD0];
	v18 =	vadd.f32 $1.000000000e+00, v18  }
0x12e: {  	v19 =	vmul.f32 v19, v24;
	v24 =	vpop (erf);
	v15 =	vadd.f32 v15, v16;
	v16 =	vadd.f32 $1.000000000e+00, v20;
	v20 =	vld [tilespmem:s9+$0xFFFFFFD0]  }
0x12f: {  	v21 =	vld [tilespmem:s6+$0xFFFFFFE0];
	v24 =	vmul.f32 v24, v13  }
0x130: {  	s18 =	simm.s32 $0x0;
	(erf) = vrcp.f32 v18;
	v18 =	vld [tilespmem:s9+$0xFFFFFFE0];
	v26 =	vperm.xlane v15, v0  }
0x131: {  	v27 =	vmov s18;
	v28 =	vld [tilespmem:s6+$0xFFFFFFF0];
	v25 =	vpop (erf);
	(erf) = vrcp.f32 v16;
	v16 =	vmul.f32 v22, v23  }
0x132: {  	v19 =	vadd.f32 $1.000000000e+00, v19;
	v25 =	vmul.f32 v25, v12;
	v24 =	vadd.f32 $0.0e+00, v24;
	v22 =	vld [tilespmem:s9+$0xFFFFFFF0]  }
0x133: {  	v23 =	vpop (erf);
	v15 =	vadd.f32 v15, v26;
	v16 =	vadd.f32 $1.000000000e+00, v16;
	v17 =	vmul.f32 v20, v17  }
0x134: {  	v23 =	vmul.f32 v23, v10;
	(erf) = vrcp.f32 v19;
	v19 =	vld [tilespmem:s9+$0x0];
	v24 =	vadd.f32 v25, v24  }
0x135: {  	v26 =	vld [tilespmem:s6+$0x0];
	v20 =	vpop (erf);
	v18 =	vmul.f32 v18, v21;
	v25 =	vperm.xlane v15, v1;
	v17 =	vadd.f32 $1.000000000e+00, v17  }
0x136: {  	v21 =	vld [tilespmem:s6+$0x10];
	v23 =	vadd.f32 v23, v24;
	v20 =	vmul.f32 v20, v9;
	(erf) = vrcp.f32 v16  }
0x137: {  	v24 =	vld [tilespmem:s9+$0x10];
	v22 =	vmul.f32 v22, v28;
	v18 =	vadd.f32 $1.000000000e+00, v18;
	v16 =	vpop (erf);
	v15 =	vadd.f32 v15, v25  }
0x138: {  	vm0 =	veq.s32 v27, v5;
	v25 =	vld [tilespmem:s6+$0x20];
	v20 =	vadd.f32 v20, v23;
	v16 =	vmul.f32 v16, v8  }
0x139: {  	v23 =	vld [tilespmem:s9+$0x20];
	(erf) = vrcp.f32 v17;
	v22 =	vadd.f32 $1.000000000e+00, v22;
	v27 =	vperm.xlane v15, v2;
	v17 =	vpop (erf)  }
0x13a: {  	v26 =	vmul.f32 v19, v26;
	v19 =	vld [tilespmem:s6+$0x30];
	v16 =	vadd.f32 v16, v20;
	v17 =	vmul.f32 v17, v7  }
0x13b: {  	v14 =	vimm.f32 $0.0e+00;
	(erf) = vrcp.f32 v18;
	v20 =	vld [tilespmem:s9+$0x30];
	v18 =	vpop (erf);
	v15 =	vadd.f32 v15, v27  }
0x13c: {  	s6 =	sadd.s32 $0x80, s6;
	v24 =	vmul.f32 v24, v21;
	v16 =	vadd.f32 v17, v16;
	v17 =	vmul.f32 v18, v6  }
0x13d: {  	v26 =	vadd.f32 $1.000000000e+00, v26;
	(erf) = vrcp.f32 v22;
	v21 =	vld [tilespmem:s6+$0xFFFFFFC0];
	v22 =	vpop (erf);
	v27 =	vperm.xlane v15, v4  }
0x13e: {  	s22 =	simm.s32 $0x1;
	s18 =	sadd.s32 $0x80, s9;
	v23 =	vmul.f32 v23, v25;
	v18 =	vld [tilespmem:s6+$0xFFFFFFE0];
	v16 =	vadd.f32 v17, v16;
	v17 =	vmul.f32 v22, v11  }
0x13f: {  	s29 =	simm.s32 $0x2;
	s20 =	simm.s32 $0x3;
	s9 =	simm.s32 $0x4;
	v24 =	vadd.f32 $1.000000000e+00, v24;
	(erf) = vrcp.f32 v26;
	v22 =	vld [tilespmem:s18+$0xFFFFFFC0];
	v15 =	vadd.f32 v15, v27  }
.LBB2_8:
0x140: {  	p1 =	sne.s32 s9, $0xF;
	v25 =	vld [tilespmem:s6+$0xFFFFFFD0];
	v23 =	vadd.f32 $1.000000000e+00, v23;
	v19 =	vmul.f32 v20, v19;
	v20 =	vpop (erf);
	v16 =	vadd.f32 v17, v16  }
0x141: {  	v17 =	vld [tilespmem:s18+$0xFFFFFFD0];
	v20 =	vmul.f32 v20, v13;
	(erf) = vrcp.f32 v24;
	v14 =	vsel vm0, v15, v14  }
0x142: {  	v27 =	vmov s22;
	s22 =	smov.u32 s29;
	s29 =	smov.u32 s20;
	s20 =	smov.u32 s9;
	v15 =	vld [tilespmem:s18+$0xFFFFFFE0];
	v19 =	vadd.f32 $1.000000000e+00, v19;
	v24 =	vpop (erf);
	v26 =	vperm.xlane v16, v0  }
0x143: {  	v28 =	vld [tilespmem:s6+$0xFFFFFFF0];
	v20 =	vadd.f32 $0.0e+00, v20;
	v29 =	vmul.f32 v24, v12;
	(erf) = vrcp.f32 v23  }
0x144: {  	vm0 =	veq.s32 v27, v5;
	v21 =	vmul.f32 v22, v21;
	v22 =	vld [tilespmem:s18+$0xFFFFFFF0];
	v23 =	vpop (erf);
	v16 =	vadd.f32 v16, v26  }
0x145: {  	v26 =	vld [tilespmem:s6+$0x0];
	v20 =	vadd.f32 v29, v20;
	v23 =	vmul.f32 v23, v10;
	(erf) = vrcp.f32 v19  }
0x146: {  	v27 =	vadd.f32 $1.000000000e+00, v21;
	v17 =	vmul.f32 v17, v25;
	v21 =	vld [tilespmem:s18+$0x0];
	v24 =	vpop (erf);
	v25 =	vperm.xlane v16, v1  }
0x147: {  	v15 =	vmul.f32 v15, v18;
	v18 =	vld [tilespmem:s6+$0x10];
	v20 =	vadd.f32 v23, v20;
	v23 =	vmul.f32 v24, v9  }
0x148: {  	v29 =	vadd.f32 $1.000000000e+00, v17;
	v24 =	vld [tilespmem:s18+$0x10];
	(erf) = vrcp.f32 v27;
	v19 =	vpop (erf);
	v16 =	vadd.f32 v16, v25  }
0x149: {  	v22 =	vmul.f32 v22, v28;
	v25 =	vld [tilespmem:s6+$0x20];
	v20 =	vadd.f32 v23, v20;
	v23 =	vmul.f32 v19, v8  }
0x14a: {  	v30 =	vadd.f32 $1.000000000e+00, v15;
	v27 =	vld [tilespmem:s18+$0x20];
	(erf) = vrcp.f32 v29;
	v17 =	vpop (erf);
	v28 =	vperm.xlane v16, v2  }
0x14b: {  	v21 =	vmul.f32 v21, v26;
	v19 =	vld [tilespmem:s6+$0x30];
	v23 =	vadd.f32 v23, v20;
	v29 =	vmul.f32 v17, v7  }
.Ltmp2:
0x14c: {  	v22 =	vadd.f32 $1.000000000e+00, v22;
	v20 =	vld [tilespmem:s18+$0x30];
	(erf) = vrcp.f32 v30;
	v15 =	vpop (erf);
	v26 =	vadd.f32 v16, v28;
	(pc) =	sbr.rel @p1 .LBB2_8-.Ltmp2, $4  }
0x14d: {  	s6 =	sadd.s32 $0x80, s6;
	v24 =	vmul.f32 v24, v18;
	v16 =	vadd.f32 v29, v23;
	v15 =	vmul.f32 v15, v6  }
0x14e: {  	v28 =	vadd.f32 $1.000000000e+00, v21;
	v18 =	vld [tilespmem:s6+$0xFFFFFFE0];
	(erf) = vrcp.f32 v22;
	v17 =	vpop (erf);
	v29 =	vperm.xlane v26, v4  }
0x14f: {  	s18 =	sadd.s32 $0x80, s18;
	v21 =	vld [tilespmem:s6+$0xFFFFFFC0];
	v23 =	vmul.f32 v27, v25;
	v16 =	vadd.f32 v15, v16;
	v17 =	vmul.f32 v17, v11  }
0x150: {  	s9 =	sadd.s32 $0x1, s9;
	v24 =	vadd.f32 $1.000000000e+00, v24;
	v22 =	vld [tilespmem:s18+$0xFFFFFFC0];
	(erf) = vrcp.f32 v28;
	v15 =	vadd.f32 v26, v29  }
0x151: {  	v25 =	vld [tilespmem:s6+$0xFFFFFFD0]  }
0x152: {  	v26 =	vld [tilespmem:s18+$0xFFFFFFD0]  }
0x153: {  	v27 =	vld [tilespmem:s18+$0xFFFFFFE0]  }
0x154: {  	v19 =	vmul.f32 v20, v19;
	v44 =	vld [tilespmem:s6+$0xFFFFFFF0]  }
0x155: {  	v23 =	vadd.f32 $1.000000000e+00, v23;
	v45 =	vld [tilespmem:s18+$0xFFFFFFF0];
	v21 =	vmul.f32 v22, v21  }
0x156: {  	v46 =	vld [tilespmem:s6+$0x0];
	(erf) = vrcp.f32 v24;
	v19 =	vadd.f32 $1.000000000e+00, v19  }
0x157: {  	v47 =	vld [tilespmem:s18+$0x0];
	(erf) = vrcp.f32 v23;
	v25 =	vmul.f32 v26, v25;
	v21 =	vadd.f32 $1.000000000e+00, v21  }
0x158: {  	v48 =	vld [tilespmem:s6+$0x10];
	(erf) = vrcp.f32 v19  }
0x159: {  	v49 =	vld [tilespmem:s18+$0x10];
	v18 =	vmul.f32 v27, v18;
	v25 =	vadd.f32 $1.000000000e+00, v25;
	(erf) = vrcp.f32 v21  }
0x15a: {  	v50 =	vpop (erf);
	v51 =	vld [tilespmem:s6+$0x20]  }
0x15b: {  	v53 =	vld [tilespmem:s18+$0x20];
	v52 =	vpop (erf);
	v20 =	vmul.f32 v45, v44;
	v18 =	vadd.f32 $1.000000000e+00, v18;
	(erf) = vrcp.f32 v25  }
0x15c: {  	v29 =	vld [tilespmem:s6+$0x30];
	v28 =	vpop (erf)  }
0x15d: {  	v54 =	vld [tilespmem:s18+$0x30];
	v23 =	vmul.f32 v47, v46;
	v30 =	vpop (erf);
	v20 =	vadd.f32 $1.000000000e+00, v20;
	(erf) = vrcp.f32 v18  }
0x15e: {  	v55 =	vpop (erf)  }
0x15f: {  	v19 =	vmul.f32 v49, v48;
	v23 =	vadd.f32 $1.000000000e+00, v23;
	v56 =	vpop (erf);
	(erf) = vrcp.f32 v20  }
0x160: {  	v57 =	vpop (erf)  }
0x161: {  	v22 =	vmul.f32 v53, v51;
	v19 =	vadd.f32 $1.000000000e+00, v19;
	(erf) = vrcp.f32 v23;
	v58 =	vpop (erf)  }
0x162: {  	v59 =	vmul.f32 v54, v29;
	v21 =	vmul.f32 v50, v13;
	v60 =	vpop (erf)  }
0x163: {  	v22 =	vadd.f32 $1.000000000e+00, v22;
	(erf) = vrcp.f32 v19;
	v61 =	vmul.f32 v60, v13  }
0x164: {  	v29 =	vmul.f32 v52, v12;
	v33 =	vadd.f32 $1.000000000e+00, v59;
	v32 =	vadd.f32 $0.0e+00, v21;
	v62 =	vpop (erf)  }
0x165: {  	(erf) = vrcp.f32 v22;
	v31 =	vmul.f32 v62, v12;
	v13 =	vadd.f32 $0.0e+00, v61  }
0x166: {  	v34 =	vmul.f32 v28, v10;
	v19 =	vadd.f32 v29, v32;
	v35 =	vpop (erf)  }
0x167: {  	(erf) = vrcp.f32 v33;
	v36 =	vmul.f32 v35, v10;
	v12 =	vadd.f32 v31, v13  }
0x168: {  	v38 =	vmul.f32 v30, v9;
	v37 =	vadd.f32 v34, v19;
	v39 =	vpop (erf)  }
0x169: {  	v40 =	vmul.f32 v39, v9;
	v10 =	vadd.f32 v36, v12  }
0x16a: {  	v42 =	vmul.f32 v55, v8;
	v41 =	vadd.f32 v38, v37;
	v43 =	vpop (erf)  }
0x16b: {  	v44 =	vmul.f32 v43, v8;
	v9 =	vadd.f32 v40, v10  }
0x16c: {  	v46 =	vmul.f32 v56, v7;
	v45 =	vadd.f32 v42, v41;
	v47 =	vpop (erf)  }
0x16d: {  	v7 =	vmul.f32 v47, v7;
	v8 =	vadd.f32 v44, v9  }
0x16e: {  	v49 =	vmul.f32 v57, v6;
	v48 =	vadd.f32 v46, v45;
	v50 =	vpop (erf)  }
0x16f: {  	v6 =	vmul.f32 v50, v6;
	v7 =	vadd.f32 v7, v8  }
0x170: {  	v52 =	vmul.f32 v58, v11;
	v9 =	vadd.f32 v49, v48;
	v53 =	vpop (erf)  }
0x171: {  	v51 =	vadd.f32 v17, v16;
	v6 =	vadd.f32 v6, v7;
	v7 =	vmul.f32 v53, v11  }
0x172: {  	v9 =	vadd.f32 v52, v9  }
0x173: {  	v54 =	vperm.xlane v51, v0;
	v6 =	vadd.f32 v7, v6  }
0x174: {  	v55 =	vperm.xlane v9, v0  }
0x175: {  	v7 =	vadd.f32 v51, v54;
	v56 =	vperm.xlane v6, v0  }
0x176: {  	v8 =	vadd.f32 v9, v55  }
0x177: {  	v11 =	vperm.xlane v7, v1;
	v6 =	vadd.f32 v6, v56  }
0x178: {  	v9 =	vperm.xlane v8, v1  }
0x179: {  	v7 =	vadd.f32 v7, v11;
	v10 =	vperm.xlane v6, v1  }
0x17a: {  	v8 =	vadd.f32 v8, v9  }
0x17b: {  	v11 =	vperm.xlane v7, v2;
	v6 =	vadd.f32 v6, v10  }
0x17c: {  	v9 =	vperm.xlane v8, v2  }
0x17d: {  	v7 =	vadd.f32 v7, v11;
	v10 =	vperm.xlane v6, v2  }
0x17e: {  	v8 =	vadd.f32 v8, v9  }
0x17f: {  	v11 =	vperm.xlane v7, v4;
	v6 =	vadd.f32 v6, v10  }
0x180: {  	v59 =	vsel vm0, v15, v14;
	v57 =	vmov s22;
	v58 =	vperm.xlane v8, v4  }
0x181: {  	vm13 =	veq.s32 v57, v5;
	v7 =	vadd.f32 v7, v11;
	v60 =	vperm.xlane v6, v4  }
0x182: {  	v62 =	vmov s20;
	v61 =	vmov s29;
	v8 =	vadd.f32 v8, v58  }
0x183: {  	vm14 =	veq.s32 v61, v5;
	v7 =	vsel vm13, v7, v59;
	v6 =	vadd.f32 v6, v60  }
0x184: {  	vm15 =	veq.s32 v62, v5;
	v7 =	vsel vm14, v8, v7  }
0x185: {  	v6 =	vsel vm15, v6, v7  }
0x186: {  	v6 =	vmul.f32 $1.442695020e+00, v6;
	_ =	sdelay $0x1  }
0x187: {  	(erf) = vpow2.f32 v6;
	_ =	sdelay $0x3  }
0x188: {  	s29 =	sshll.u32 s15, $0x4;
	s15 =	sadd.s32 $0x1, s15  }
0x189: {  	p1 =	sne.s32 s15, $0x4  }
.Ltmp3:
0x18a: {  	_ = 	snop;
	(pc) =	sbr.rel @p1 .LBB2_7-.Ltmp3, $3  }
0x18b: {  	_ =	sdelay $0x1  }
0x18c: {  	s6 =	sand.u32 $0x3FFFFFF0, s29;
	v6 =	vpop (erf)  }
0x18d: {  	s17 =	sadd.s32 $0x800, s17;
	s11 =	sadd.s32 $0x800, s11;
	[tilespmem:s6+$0x6300] =	vst v6  }
0x18e: {  	s6 =	simm.s32 $0x0;
	s9 =	simm.s32 $0x4340  }
0x18f: {  	s11 =	simm.s32 $0x0;
	s29 =	smov.u32 s4;
	s4 =	smov.u32 s16  }
.LBB2_11:
0x190: {  	s15 =	sshll.u32 s11, $0x4  }
0x191: {  	v7 =	vld [tilespmem:s15+$0x6300];
	_ =	sdelay $0x1  }
0x192: {  	v11 =	vld [tilespmem:s9+$0xFFFFFFC0]  }
0x193: {  	v13 =	vld [tilespmem:s9+$0xFFFFFFD0]  }
0x194: {  	v12 =	vld [tilespmem:s9+$0xFFFFFFE0];
	v6 =	vmov s6  }
0x195: {  	v9 =	vld [tilespmem:s9+$0x0];
	v6 =	vperm.xlane v7, v6  }
0x196: {  	v10 =	vld [tilespmem:s9+$0x10]  }
0x197: {  	v8 =	vld [tilespmem:s9+$0x20];
	v14 =	vmul.f32 v11, v6  }
0x198: {  	s17 =	simm.s32 $0x1;
	s18 =	smov.u32 s9;
	s15 =	smov.u32 s9;
	v13 =	vmul.f32 v13, v6;
	v11 =	vld [tilespmem:s9+$0x30]  }
.LBB2_12:
0x199: {  	p1 =	sne.s32 s17, $0xF;
	[tilespmem:s15+$0xFFFFFFC0] =	vst v14;
	v12 =	vmul.f32 v12, v6;
	v14 =	vld [tilespmem:s15+$0xFFFFFFF0];
	s18 =	sadd.s32 $0x80, s18  }
0x19a: {  	v15 =	vld [tilespmem:s18+$0xFFFFFFC0];
	[tilespmem:s15+$0xFFFFFFD0] =	vst v13;
	v9 =	vmul.f32 v9, v6  }
0x19b: {  	v13 =	vld [tilespmem:s18+$0xFFFFFFD0];
	[tilespmem:s15+$0xFFFFFFE0] =	vst v12;
	v10 =	vmul.f32 v10, v6  }
.Ltmp4:
0x19c: {  	v16 =	vmov s17;
	v12 =	vld [tilespmem:s18+$0xFFFFFFE0];
	[tilespmem:s15+$0x0] =	vst v9;
	v8 =	vmul.f32 v8, v6;
	(pc) =	sbr.rel @p1 .LBB2_12-.Ltmp4, $4  }
0x19d: {  	v16 =	vperm.xlane v7, v16;
	v9 =	vld [tilespmem:s18+$0x0];
	[tilespmem:s15+$0x10] =	vst v10;
	v11 =	vmul.f32 v11, v6  }
0x19e: {  	v10 =	vld [tilespmem:s18+$0x10];
	v17 =	vmul.f32 v14, v6;
	[tilespmem:s15+$0x20] =	vst v8  }
0x19f: {  	v6 =	vmov v16;
	v14 =	vmul.f32 v15, v16;
	v8 =	vld [tilespmem:s18+$0x20];
	[tilespmem:s15+$0x30] =	vst v11  }
0x1a0: {  	s17 =	sadd.s32 $0x1, s17;
	v13 =	vmul.f32 v13, v6;
	v11 =	vld [tilespmem:s18+$0x30];
	[tilespmem:s15+$0xFFFFFFF0] =	vst v17;
	s15 =	smov.u32 s18  }
0x1a1: {  	[tilespmem:s15+$0xFFFFFFC0] =	vst v14;
	v7 =	vmul.f32 v12, v6;
	v62 =	vld [tilespmem:s15+$0xFFFFFFF0]  }
0x1a2: {  	s11 =	sadd.s32 $0x1, s11;
	[tilespmem:s15+$0xFFFFFFD0] =	vst v13;
	v9 =	vmul.f32 v9, v6  }
0x1a3: {  	p1 =	sne.s32 s11, $0x4;
	[tilespmem:s15+$0xFFFFFFE0] =	vst v7;
	v7 =	vmul.f32 v10, v6  }
.Ltmp5:
0x1a4: {  	[tilespmem:s15+$0x0] =	vst v9;
	v8 =	vmul.f32 v8, v6;
	(pc) =	sbr.rel @p1 .LBB2_11-.Ltmp5, $4  }
0x1a5: {  	[tilespmem:s15+$0x10] =	vst v7;
	v7 =	vmul.f32 v11, v6  }
0x1a6: {  	v6 =	vmul.f32 v62, v6;
	[tilespmem:s15+$0x20] =	vst v8  }
0x1a7: {  	[tilespmem:s15+$0x30] =	vst v7  }
0x1a8: {  	s9 =	sadd.s32 $0x800, s9;
	[tilespmem:s15+$0xFFFFFFF0] =	vst v6  }
0x1a9: {  	s6 =	simm.s32 $0x4300  }
0x1aa: {  	[spmem:s29] =	stream.indirect.scatter.add.f32 [tilespmem:s6], [sflag:$0x4], $0x80, s2, s0, $0xb8;
	v63 =	vld [tilespmem:$0x0]  }
0x1ab: {  	s20 =	simm.s32 $0x6300  }
0x1ac: {  	[spmem:s4] =	stream.indirect.scatter.add.f32 [tilespmem:s20], [sflag:$0x5], $0x1, s2, s0, $0xb8;
	v63 =	vld [tilespmem:$0x0]  }
0x1ad: {  	_ =	swait.ge [sflag:s30], $0x2000  }
0x1ae: {  	[sflag:s30] =	ssyncset.done $0x0  }
0x1af: {  	[sflag:s30] =	ssyncadd.s32 $0xFFFFE000  }
0x1b0: {  	_ =	swait.ge [sflag:s31], $0x2000  }
0x1b1: {  	[sflag:s31] =	ssyncset.done $0x0  }
0x1b2: {  	[sflag:s31] =	ssyncadd.s32 $0xFFFFE000  }
0x1b3: {  	s22 =	sand.u32 $0x1, s25;
	_ =	swait.ge [sflag:s13], $0x2000  }
0x1b4: {  	p1 =	seq.s32 s22, $0x0;
	s6 =	rddreg [dreg:$0xb]  }
0x1b5: {  	s6 =	sadd.s32 @!p1 s12, s6  }
0x1b6: {  	s11 =	simm.s32 @!p1 $0x0;
	[sflag:s13] =	ssyncset.done $0x0;
	s6 =	sshrl.u32 @!p1 s6, $0x3  }
0x1b7: {  	[sflag:s13] =	ssyncadd.s32 $0xFFFFE000;
	s12 =	simm.s32 @!p1 $0x80;
	s9 =	sadd.s32 @!p1 s10, s6  }
0x1b8: {  	[tilespmem:s12], [sflag:$0xB] =	stream.linear.gather @!p1 [hbm4b:s9+s11], $0x100, $0x38;
	v63 =	vld [tilespmem:$0x0]  }
0x1b9: {  	s6 =	sadd.s32 @!p1 s3, s6;
	s9 =	simm.s32 @!p1 $0x180  }
0x1ba: {  	[tilespmem:s9], [sflag:$0xC] =	stream.linear.gather @!p1 [hbm4b:s6+s11], $0x100, $0x38;
	v63 =	vld [tilespmem:$0x0]  }
0x1bb: {  	s6 =	simm.s32 @!p1 $0xB  }
0x1bc: {  	_ =	swait.ge @!p1 [sflag:s6], $0x100  }
0x1bd: {  	[sflag:s6] =	ssyncset.done @!p1 $0x0  }
0x1be: {  	[sflag:s6] =	ssyncadd.s32 @!p1 $0xFFFFFF00;
	s6 =	simm.s32 @!p1 $0xC  }
0x1bf: {  	_ =	swait.ge @!p1 [sflag:s6], $0x100  }
0x1c0: {  	[sflag:s6] =	ssyncset.done @!p1 $0x0  }
0x1c1: {  	[sflag:s6] =	ssyncadd.s32 @!p1 $0xFFFFFF00  }
0x1c2: {  	_ =	swait.ge [sflag:s26], $0x2000  }
0x1c3: {  	[sflag:s26] =	ssyncset.done $0x0  }
0x1c4: {  	[sflag:s26] =	ssyncadd.s32 $0xFFFFE000  }
0x1c5: {  	_ =	swait.ge [sflag:s28], $0x40  }
0x1c6: {  	p1 =	seq.s32 s25, $0x4D;
	[sflag:s28] =	ssyncset.done $0x0  }
0x1c7: {  	s6 =	sxor.u32 @!p1 $0x80, s5;
	[sflag:s28] =	ssyncadd.s32 $0xFFFFFFC0  }
0x1c8: {  	v6 =	vld @!p1 [tilespmem:s6+$0x180];
	_ =	sdelay $0x4  }
0x1c9: {  	s9 =	ssub.s32 @!p1 $0x210, s5;
	[tilespmem:$0x6380] =	vst @!p1 v6  }
0x1ca: {  	v6 =	vld @!p1 [tilespmem:s9+$0x0];
	_ =	sdelay $0x4  }
0x1cb: {  	s9 =	ssub.s32 @!p1 $0x220, s5;
	[tilespmem:$0x6390] =	vst @!p1 v6  }
0x1cc: {  	v6 =	vld @!p1 [tilespmem:s9+$0x0];
	_ =	sdelay $0x4  }
0x1cd: {  	s5 =	ssub.s32 @!p1 $0x230, s5;
	[tilespmem:$0x63A0] =	vst @!p1 v6  }
0x1ce: {  	v6 =	vld @!p1 [tilespmem:s5+$0x0];
	_ =	sdelay $0x4  }
0x1cf: {  	s9 =	simm.s32 @!p1 $0x300;
	s5 =	sadd.s32 @!p1 $0x80, s6;
	s6 =	simm.s32 @!p1 $0x40;
	[tilespmem:$0x63B0] =	vst @!p1 v6  }
0x1d0: {  	[tilespmem:s9], [sflag:$0x1] =	stream.indirect.gather @!p1 [hbm4b:s1+s6], $0x80, s5, s6, $0xb8;
	v63 =	vld [tilespmem:$0x0]  }
0x1d1: {  	s11 =	simm.s32 @!p1 $0x2300;
	s9 =	simm.s32 @!p1 $0x6380  }
0x1d2: {  	[tilespmem:s11], [sflag:$0x2] =	stream.indirect.gather @!p1 [hbm4b:s7+s6], $0x80, s9, s6, $0xb8;
	v63 =	vld [tilespmem:$0x0]  }
0x1d3: {  	s15 =	simm.s32 $0x0;
	s9 =	simm.s32 @!p1 $0x4300  }
0x1d4: {  	[tilespmem:s9], [sflag:$0x3] =	stream.indirect.gather @!p1 [hbm4b:s8+s6], $0x80, s5, s6, $0xb8;
	v63 =	vld [tilespmem:$0x0]  }
0x1d5: {  	s12 =	simm.s32 $0x8440;
	s11 =	simm.s32 $0x6440;
	s5 =	simm.s32 $0x0  }
.LBB2_15:
0x1d6: {  	v13 =	vld [tilespmem:$0x0]  }
0x1d7: {  	v12 =	vld [tilespmem:$0x10]  }
0x1d8: {  	v10 =	vld [tilespmem:$0x20]  }
0x1d9: {  	v9 =	vld [tilespmem:$0x30]  }
0x1da: {  	v8 =	vld [tilespmem:$0x40]  }
0x1db: {  	v7 =	vld [tilespmem:$0x50]  }
0x1dc: {  	v11 =	vld [tilespmem:s11+$0xFFFFFFE0]  }
0x1dd: {  	v14 =	vld [tilespmem:s11+$0xFFFFFFC0]  }
0x1de: {  	v15 =	vld [tilespmem:s12+$0xFFFFFFC0]  }
0x1df: {  	v16 =	vld [tilespmem:s11+$0xFFFFFFD0]  }
0x1e0: {  	v17 =	vld [tilespmem:s12+$0xFFFFFFD0]  }
0x1e1: {  	v18 =	vld [tilespmem:s12+$0xFFFFFFE0]  }
0x1e2: {  	v19 =	vld [tilespmem:s11+$0xFFFFFFF0]  }
0x1e3: {  	v20 =	vld [tilespmem:s11+$0x0]  }
0x1e4: {  	v14 =	vmul.f32 v15, v14;
	v15 =	vld [tilespmem:s12+$0xFFFFFFF0]  }
0x1e5: {  	v21 =	vld [tilespmem:s11+$0x10]  }
0x1e6: {  	v16 =	vmul.f32 v17, v16;
	v17 =	vld [tilespmem:s12+$0x0];
	v14 =	vadd.f32 $1.000000000e+00, v14  }
0x1e7: {  	v11 =	vmul.f32 v18, v11;
	v18 =	vld [tilespmem:s12+$0x10]  }
0x1e8: {  	v16 =	vadd.f32 $1.000000000e+00, v16;
	(erf) = vrcp.f32 v14;
	v14 =	vld [tilespmem:s11+$0x20]  }
0x1e9: {  	v15 =	vmul.f32 v15, v19;
	v19 =	vld [tilespmem:s12+$0x20]  }
0x1ea: {  	v6 =	vld [tilespmem:$0x60];
	v11 =	vadd.f32 $1.000000000e+00, v11;
	(erf) = vrcp.f32 v16  }
0x1eb: {  	v16 =	vld [tilespmem:s11+$0x30];
	v15 =	vadd.f32 $1.000000000e+00, v15  }
0x1ec: {  	s6 =	sadd.s32 $0x80, s11;
	v17 =	vmul.f32 v17, v20;
	v20 =	vld [tilespmem:s12+$0x30];
	(erf) = vrcp.f32 v11  }
0x1ed: {  	s9 =	sadd.s32 $0x80, s12;
	(erf) = vrcp.f32 v15;
	v15 =	vld [tilespmem:s6+$0xFFFFFFC0]  }
0x1ee: {  	v18 =	vmul.f32 v18, v21;
	v17 =	vadd.f32 $1.000000000e+00, v17;
	v14 =	vmul.f32 v19, v14;
	v19 =	vld [tilespmem:s9+$0xFFFFFFC0]  }
0x1ef: {  	v22 =	vld [tilespmem:s9+$0xFFFFFFD0]  }
0x1f0: {  	v18 =	vadd.f32 $1.000000000e+00, v18;
	(erf) = vrcp.f32 v17;
	v17 =	vld [tilespmem:s6+$0xFFFFFFD0]  }
0x1f1: {  	v21 =	vld [tilespmem:s6+$0xFFFFFFE0];
	v16 =	vmul.f32 v20, v16;
	v14 =	vadd.f32 $1.000000000e+00, v14;
	v20 =	vpop (erf)  }
0x1f2: {  	(erf) = vrcp.f32 v18;
	v18 =	vld [tilespmem:s9+$0xFFFFFFE0];
	v20 =	vmul.f32 v20, v13  }
0x1f3: {  	v24 =	vld [tilespmem:s6+$0xFFFFFFF0];
	v16 =	vadd.f32 $1.000000000e+00, v16;
	v23 =	vpop (erf);
	(erf) = vrcp.f32 v14;
	v14 =	vmul.f32 v19, v15  }
0x1f4: {  	v23 =	vmul.f32 v23, v12;
	v15 =	vld [tilespmem:s9+$0xFFFFFFF0];
	v20 =	vadd.f32 $0.0e+00, v20  }
0x1f5: {  	v25 =	vld [tilespmem:s6+$0x0];
	v19 =	vpop (erf);
	(erf) = vrcp.f32 v16;
	v16 =	vmul.f32 v22, v17;
	v14 =	vadd.f32 $1.000000000e+00, v14  }
0x1f6: {  	v11 =	vld [tilespmem:$0x70];
	v19 =	vmul.f32 v19, v10;
	v20 =	vadd.f32 v23, v20  }
0x1f7: {  	v17 =	vld [tilespmem:s9+$0x0];
	v18 =	vmul.f32 v18, v21;
	v16 =	vadd.f32 $1.000000000e+00, v16;
	v22 =	vpop (erf)  }
0x1f8: {  	v21 =	vld [tilespmem:s9+$0x10];
	v19 =	vadd.f32 v19, v20;
	v20 =	vmul.f32 v22, v9  }
0x1f9: {  	v23 =	vld [tilespmem:s6+$0x10];
	v18 =	vadd.f32 $1.000000000e+00, v18;
	(erf) = vrcp.f32 v14;
	v15 =	vmul.f32 v15, v24;
	v14 =	vpop (erf)  }
0x1fa: {  	v22 =	vld [tilespmem:s6+$0x20];
	v19 =	vadd.f32 v20, v19;
	v14 =	vmul.f32 v14, v8  }
0x1fb: {  	(erf) = vrcp.f32 v16;
	v20 =	vld [tilespmem:s9+$0x20];
	v16 =	vpop (erf);
	v15 =	vadd.f32 $1.000000000e+00, v15  }
0x1fc: {  	v24 =	vld [tilespmem:s6+$0x30];
	v16 =	vmul.f32 v16, v7;
	v14 =	vadd.f32 v14, v19  }
0x1fd: {  	v17 =	vmul.f32 v17, v25;
	(erf) = vrcp.f32 v18;
	v18 =	vpop (erf);
	v19 =	vld [tilespmem:s9+$0x30]  }
0x1fe: {  	s6 =	sadd.s32 $0x80, s6;
	v14 =	vadd.f32 v16, v14;
	v16 =	vmul.f32 v18, v6  }
0x1ff: {  	v17 =	vadd.f32 $1.000000000e+00, v17;
	(erf) = vrcp.f32 v15;
	s9 =	sadd.s32 $0x80, s9;
	v18 =	vmul.f32 v21, v23;
	v15 =	vpop (erf);
	v23 =	vld [tilespmem:s6+$0xFFFFFFC0]  }
0x200: {  	v15 =	vmul.f32 v15, v11;
	v20 =	vmul.f32 v20, v22;
	v22 =	vld [tilespmem:s9+$0xFFFFFFC0];
	v16 =	vadd.f32 v16, v14  }
0x201: {  	(erf) = vrcp.f32 v17;
	v17 =	vld [tilespmem:s6+$0xFFFFFFD0];
	v18 =	vadd.f32 $1.000000000e+00, v18  }
0x202: {  	v19 =	vmul.f32 v19, v24;
	v24 =	vpop (erf);
	v15 =	vadd.f32 v15, v16;
	v16 =	vadd.f32 $1.000000000e+00, v20;
	v20 =	vld [tilespmem:s9+$0xFFFFFFD0]  }
0x203: {  	v21 =	vld [tilespmem:s6+$0xFFFFFFE0];
	v24 =	vmul.f32 v24, v13  }
0x204: {  	(erf) = vrcp.f32 v18;
	v18 =	vld [tilespmem:s9+$0xFFFFFFE0];
	v26 =	vperm.xlane v15, v0  }
0x205: {  	v27 =	vmov s5;
	v28 =	vld [tilespmem:s6+$0xFFFFFFF0];
	v25 =	vpop (erf);
	(erf) = vrcp.f32 v16;
	v16 =	vmul.f32 v22, v23  }
0x206: {  	v19 =	vadd.f32 $1.000000000e+00, v19;
	v25 =	vmul.f32 v25, v12;
	v24 =	vadd.f32 $0.0e+00, v24;
	v22 =	vld [tilespmem:s9+$0xFFFFFFF0]  }
0x207: {  	v23 =	vpop (erf);
	v15 =	vadd.f32 v15, v26;
	v16 =	vadd.f32 $1.000000000e+00, v16;
	v17 =	vmul.f32 v20, v17  }
0x208: {  	v23 =	vmul.f32 v23, v10;
	(erf) = vrcp.f32 v19;
	v19 =	vld [tilespmem:s9+$0x0];
	v24 =	vadd.f32 v25, v24  }
0x209: {  	v26 =	vld [tilespmem:s6+$0x0];
	v20 =	vpop (erf);
	v18 =	vmul.f32 v18, v21;
	v25 =	vperm.xlane v15, v1;
	v17 =	vadd.f32 $1.000000000e+00, v17  }
0x20a: {  	v21 =	vld [tilespmem:s6+$0x10];
	v23 =	vadd.f32 v23, v24;
	v20 =	vmul.f32 v20, v9;
	(erf) = vrcp.f32 v16  }
0x20b: {  	v24 =	vld [tilespmem:s9+$0x10];
	v22 =	vmul.f32 v22, v28;
	v18 =	vadd.f32 $1.000000000e+00, v18;
	v16 =	vpop (erf);
	v15 =	vadd.f32 v15, v25  }
0x20c: {  	vm0 =	veq.s32 v27, v5;
	v25 =	vld [tilespmem:s6+$0x20];
	v20 =	vadd.f32 v20, v23;
	v16 =	vmul.f32 v16, v8  }
0x20d: {  	v23 =	vld [tilespmem:s9+$0x20];
	(erf) = vrcp.f32 v17;
	v22 =	vadd.f32 $1.000000000e+00, v22;
	v27 =	vperm.xlane v15, v2;
	v17 =	vpop (erf)  }
0x20e: {  	v26 =	vmul.f32 v19, v26;
	v19 =	vld [tilespmem:s6+$0x30];
	v16 =	vadd.f32 v16, v20;
	v17 =	vmul.f32 v17, v7  }
0x20f: {  	v14 =	vimm.f32 $0.0e+00;
	(erf) = vrcp.f32 v18;
	v20 =	vld [tilespmem:s9+$0x30];
	v18 =	vpop (erf);
	v15 =	vadd.f32 v15, v27  }
0x210: {  	s6 =	sadd.s32 $0x80, s6;
	v24 =	vmul.f32 v24, v21;
	v16 =	vadd.f32 v17, v16;
	v17 =	vmul.f32 v18, v6  }
0x211: {  	v26 =	vadd.f32 $1.000000000e+00, v26;
	(erf) = vrcp.f32 v22;
	v21 =	vld [tilespmem:s6+$0xFFFFFFC0];
	v22 =	vpop (erf);
	v27 =	vperm.xlane v15, v4  }
0x212: {  	s22 =	simm.s32 $0x1;
	s18 =	sadd.s32 $0x80, s9;
	v23 =	vmul.f32 v23, v25;
	v18 =	vld [tilespmem:s6+$0xFFFFFFE0];
	v16 =	vadd.f32 v17, v16;
	v17 =	vmul.f32 v22, v11  }
0x213: {  	s20 =	simm.s32 $0x2;
	s17 =	simm.s32 $0x3;
	s9 =	simm.s32 $0x4;
	v24 =	vadd.f32 $1.000000000e+00, v24;
	(erf) = vrcp.f32 v26;
	v22 =	vld [tilespmem:s18+$0xFFFFFFC0];
	v15 =	vadd.f32 v15, v27  }
.LBB2_16:
0x214: {  	p1 =	sne.s32 s9, $0xF;
	v25 =	vld [tilespmem:s6+$0xFFFFFFD0];
	v23 =	vadd.f32 $1.000000000e+00, v23;
	v19 =	vmul.f32 v20, v19;
	v20 =	vpop (erf);
	v16 =	vadd.f32 v17, v16  }
0x215: {  	v17 =	vld [tilespmem:s18+$0xFFFFFFD0];
	v20 =	vmul.f32 v20, v13;
	(erf) = vrcp.f32 v24;
	v14 =	vsel vm0, v15, v14  }
0x216: {  	v27 =	vmov s22;
	s22 =	smov.u32 s20;
	s20 =	smov.u32 s17;
	s17 =	smov.u32 s9;
	v15 =	vld [tilespmem:s18+$0xFFFFFFE0];
	v19 =	vadd.f32 $1.000000000e+00, v19;
	v24 =	vpop (erf);
	v26 =	vperm.xlane v16, v0  }
0x217: {  	v28 =	vld [tilespmem:s6+$0xFFFFFFF0];
	v20 =	vadd.f32 $0.0e+00, v20;
	v29 =	vmul.f32 v24, v12;
	(erf) = vrcp.f32 v23  }
0x218: {  	vm0 =	veq.s32 v27, v5;
	v21 =	vmul.f32 v22, v21;
	v22 =	vld [tilespmem:s18+$0xFFFFFFF0];
	v23 =	vpop (erf);
	v16 =	vadd.f32 v16, v26  }
0x219: {  	v26 =	vld [tilespmem:s6+$0x0];
	v20 =	vadd.f32 v29, v20;
	v23 =	vmul.f32 v23, v10;
	(erf) = vrcp.f32 v19  }
0x21a: {  	v27 =	vadd.f32 $1.000000000e+00, v21;
	v17 =	vmul.f32 v17, v25;
	v21 =	vld [tilespmem:s18+$0x0];
	v24 =	vpop (erf);
	v25 =	vperm.xlane v16, v1  }
0x21b: {  	v15 =	vmul.f32 v15, v18;
	v18 =	vld [tilespmem:s6+$0x10];
	v20 =	vadd.f32 v23, v20;
	v23 =	vmul.f32 v24, v9  }
0x21c: {  	v29 =	vadd.f32 $1.000000000e+00, v17;
	v24 =	vld [tilespmem:s18+$0x10];
	(erf) = vrcp.f32 v27;
	v19 =	vpop (erf);
	v16 =	vadd.f32 v16, v25  }
0x21d: {  	v22 =	vmul.f32 v22, v28;
	v25 =	vld [tilespmem:s6+$0x20];
	v20 =	vadd.f32 v23, v20;
	v23 =	vmul.f32 v19, v8  }
0x21e: {  	v30 =	vadd.f32 $1.000000000e+00, v15;
	v27 =	vld [tilespmem:s18+$0x20];
	(erf) = vrcp.f32 v29;
	v17 =	vpop (erf);
	v28 =	vperm.xlane v16, v2  }
0x21f: {  	v21 =	vmul.f32 v21, v26;
	v19 =	vld [tilespmem:s6+$0x30];
	v23 =	vadd.f32 v23, v20;
	v29 =	vmul.f32 v17, v7  }
.Ltmp6:
0x220: {  	v22 =	vadd.f32 $1.000000000e+00, v22;
	v20 =	vld [tilespmem:s18+$0x30];
	(erf) = vrcp.f32 v30;
	v15 =	vpop (erf);
	v26 =	vadd.f32 v16, v28;
	(pc) =	sbr.rel @p1 .LBB2_16-.Ltmp6, $4  }
0x221: {  	s6 =	sadd.s32 $0x80, s6;
	v24 =	vmul.f32 v24, v18;
	v16 =	vadd.f32 v29, v23;
	v15 =	vmul.f32 v15, v6  }
0x222: {  	v28 =	vadd.f32 $1.000000000e+00, v21;
	v18 =	vld [tilespmem:s6+$0xFFFFFFE0];
	(erf) = vrcp.f32 v22;
	v17 =	vpop (erf);
	v29 =	vperm.xlane v26, v4  }
0x223: {  	s18 =	sadd.s32 $0x80, s18;
	v21 =	vld [tilespmem:s6+$0xFFFFFFC0];
	v23 =	vmul.f32 v27, v25;
	v16 =	vadd.f32 v15, v16;
	v17 =	vmul.f32 v17, v11  }
0x224: {  	s9 =	sadd.s32 $0x1, s9;
	v24 =	vadd.f32 $1.000000000e+00, v24;
	v22 =	vld [tilespmem:s18+$0xFFFFFFC0];
	(erf) = vrcp.f32 v28;
	v15 =	vadd.f32 v26, v29  }
0x225: {  	v25 =	vld [tilespmem:s6+$0xFFFFFFD0]  }
0x226: {  	v26 =	vld [tilespmem:s18+$0xFFFFFFD0]  }
0x227: {  	v27 =	vld [tilespmem:s18+$0xFFFFFFE0]  }
0x228: {  	v19 =	vmul.f32 v20, v19;
	v44 =	vld [tilespmem:s6+$0xFFFFFFF0]  }
0x229: {  	v23 =	vadd.f32 $1.000000000e+00, v23;
	v45 =	vld [tilespmem:s18+$0xFFFFFFF0];
	v21 =	vmul.f32 v22, v21  }
0x22a: {  	v46 =	vld [tilespmem:s6+$0x0];
	(erf) = vrcp.f32 v24;
	v19 =	vadd.f32 $1.000000000e+00, v19  }
0x22b: {  	v47 =	vld [tilespmem:s18+$0x0];
	(erf) = vrcp.f32 v23;
	v25 =	vmul.f32 v26, v25;
	v21 =	vadd.f32 $1.000000000e+00, v21  }
0x22c: {  	v48 =	vld [tilespmem:s6+$0x10];
	(erf) = vrcp.f32 v19  }
0x22d: {  	v49 =	vld [tilespmem:s18+$0x10];
	v18 =	vmul.f32 v27, v18;
	v25 =	vadd.f32 $1.000000000e+00, v25;
	(erf) = vrcp.f32 v21  }
0x22e: {  	v50 =	vpop (erf);
	v51 =	vld [tilespmem:s6+$0x20]  }
0x22f: {  	v53 =	vld [tilespmem:s18+$0x20];
	v52 =	vpop (erf);
	v20 =	vmul.f32 v45, v44;
	v18 =	vadd.f32 $1.000000000e+00, v18;
	(erf) = vrcp.f32 v25  }
0x230: {  	v29 =	vld [tilespmem:s6+$0x30];
	v28 =	vpop (erf)  }
0x231: {  	v54 =	vld [tilespmem:s18+$0x30];
	v23 =	vmul.f32 v47, v46;
	v30 =	vpop (erf);
	v20 =	vadd.f32 $1.000000000e+00, v20;
	(erf) = vrcp.f32 v18  }
0x232: {  	v55 =	vpop (erf)  }
0x233: {  	v19 =	vmul.f32 v49, v48;
	v23 =	vadd.f32 $1.000000000e+00, v23;
	v56 =	vpop (erf);
	(erf) = vrcp.f32 v20  }
0x234: {  	v57 =	vpop (erf)  }
0x235: {  	v22 =	vmul.f32 v53, v51;
	v19 =	vadd.f32 $1.000000000e+00, v19;
	(erf) = vrcp.f32 v23;
	v58 =	vpop (erf)  }
0x236: {  	v59 =	vmul.f32 v54, v29;
	v21 =	vmul.f32 v50, v13;
	v60 =	vpop (erf)  }
0x237: {  	v22 =	vadd.f32 $1.000000000e+00, v22;
	(erf) = vrcp.f32 v19;
	v61 =	vmul.f32 v60, v13  }
0x238: {  	v29 =	vmul.f32 v52, v12;
	v33 =	vadd.f32 $1.000000000e+00, v59;
	v32 =	vadd.f32 $0.0e+00, v21;
	v62 =	vpop (erf)  }
0x239: {  	(erf) = vrcp.f32 v22;
	v31 =	vmul.f32 v62, v12;
	v13 =	vadd.f32 $0.0e+00, v61  }
0x23a: {  	v34 =	vmul.f32 v28, v10;
	v19 =	vadd.f32 v29, v32;
	v35 =	vpop (erf)  }
0x23b: {  	(erf) = vrcp.f32 v33;
	v36 =	vmul.f32 v35, v10;
	v12 =	vadd.f32 v31, v13  }
0x23c: {  	v38 =	vmul.f32 v30, v9;
	v37 =	vadd.f32 v34, v19;
	v39 =	vpop (erf)  }
0x23d: {  	v40 =	vmul.f32 v39, v9;
	v10 =	vadd.f32 v36, v12  }
0x23e: {  	v42 =	vmul.f32 v55, v8;
	v41 =	vadd.f32 v38, v37;
	v43 =	vpop (erf)  }
0x23f: {  	v44 =	vmul.f32 v43, v8;
	v9 =	vadd.f32 v40, v10  }
0x240: {  	v46 =	vmul.f32 v56, v7;
	v45 =	vadd.f32 v42, v41;
	v47 =	vpop (erf)  }
0x241: {  	v7 =	vmul.f32 v47, v7;
	v8 =	vadd.f32 v44, v9  }
0x242: {  	v49 =	vmul.f32 v57, v6;
	v48 =	vadd.f32 v46, v45;
	v50 =	vpop (erf)  }
0x243: {  	v6 =	vmul.f32 v50, v6;
	v7 =	vadd.f32 v7, v8  }
0x244: {  	v52 =	vmul.f32 v58, v11;
	v9 =	vadd.f32 v49, v48;
	v53 =	vpop (erf)  }
0x245: {  	v51 =	vadd.f32 v17, v16;
	v6 =	vadd.f32 v6, v7;
	v7 =	vmul.f32 v53, v11  }
0x246: {  	v9 =	vadd.f32 v52, v9  }
0x247: {  	v54 =	vperm.xlane v51, v0;
	v6 =	vadd.f32 v7, v6  }
0x248: {  	v55 =	vperm.xlane v9, v0  }
0x249: {  	v7 =	vadd.f32 v51, v54;
	v56 =	vperm.xlane v6, v0  }
0x24a: {  	v8 =	vadd.f32 v9, v55  }
0x24b: {  	v11 =	vperm.xlane v7, v1;
	v6 =	vadd.f32 v6, v56  }
0x24c: {  	v9 =	vperm.xlane v8, v1  }
0x24d: {  	v7 =	vadd.f32 v7, v11;
	v10 =	vperm.xlane v6, v1  }
0x24e: {  	v8 =	vadd.f32 v8, v9  }
0x24f: {  	v11 =	vperm.xlane v7, v2;
	v6 =	vadd.f32 v6, v10  }
0x250: {  	v9 =	vperm.xlane v8, v2  }
0x251: {  	v7 =	vadd.f32 v7, v11;
	v10 =	vperm.xlane v6, v2  }
0x252: {  	v8 =	vadd.f32 v8, v9  }
0x253: {  	v11 =	vperm.xlane v7, v4;
	v6 =	vadd.f32 v6, v10  }
0x254: {  	v59 =	vsel vm0, v15, v14;
	v57 =	vmov s22;
	v58 =	vperm.xlane v8, v4  }
0x255: {  	vm13 =	veq.s32 v57, v5;
	v7 =	vadd.f32 v7, v11;
	v60 =	vperm.xlane v6, v4  }
0x256: {  	v62 =	vmov s17;
	v61 =	vmov s20;
	v8 =	vadd.f32 v8, v58  }
0x257: {  	vm14 =	veq.s32 v61, v5;
	v7 =	vsel vm13, v7, v59;
	v6 =	vadd.f32 v6, v60  }
0x258: {  	vm15 =	veq.s32 v62, v5;
	v7 =	vsel vm14, v8, v7  }
0x259: {  	v6 =	vsel vm15, v6, v7  }
0x25a: {  	v6 =	vmul.f32 $1.442695020e+00, v6;
	_ =	sdelay $0x1  }
0x25b: {  	(erf) = vpow2.f32 v6;
	_ =	sdelay $0x3  }
0x25c: {  	s22 =	sshll.u32 s15, $0x4;
	s15 =	sadd.s32 $0x1, s15  }
0x25d: {  	p1 =	sne.s32 s15, $0x4  }
.Ltmp7:
0x25e: {  	_ = 	snop;
	(pc) =	sbr.rel @p1 .LBB2_15-.Ltmp7, $3  }
0x25f: {  	_ =	sdelay $0x1  }
0x260: {  	s6 =	sand.u32 $0x3FFFFFF0, s22;
	v6 =	vpop (erf)  }
0x261: {  	s11 =	sadd.s32 $0x800, s11;
	s12 =	sadd.s32 $0x800, s12;
	[tilespmem:s6+$0xC400] =	vst v6  }
0x262: {  	s5 =	simm.s32 $0x0;
	s6 =	simm.s32 $0xA440;
	s9 =	simm.s32 $0x0  }
.LBB2_19:
0x263: {  	s11 =	sshll.u32 s9, $0x4  }
0x264: {  	v7 =	vld [tilespmem:s11+$0xC400];
	_ =	sdelay $0x1  }
0x265: {  	v11 =	vld [tilespmem:s6+$0xFFFFFFC0]  }
0x266: {  	v13 =	vld [tilespmem:s6+$0xFFFFFFD0]  }
0x267: {  	v12 =	vld [tilespmem:s6+$0xFFFFFFE0];
	v6 =	vmov s5  }
0x268: {  	v9 =	vld [tilespmem:s6+$0x0];
	v6 =	vperm.xlane v7, v6  }
0x269: {  	v10 =	vld [tilespmem:s6+$0x10]  }
0x26a: {  	v8 =	vld [tilespmem:s6+$0x20];
	v14 =	vmul.f32 v11, v6  }
0x26b: {  	s12 =	simm.s32 $0x1;
	s15 =	smov.u32 s6;
	s11 =	smov.u32 s6;
	v13 =	vmul.f32 v13, v6;
	v11 =	vld [tilespmem:s6+$0x30]  }
.LBB2_20:
0x26c: {  	p1 =	sne.s32 s12, $0xF;
	[tilespmem:s11+$0xFFFFFFC0] =	vst v14;
	v12 =	vmul.f32 v12, v6;
	v14 =	vld [tilespmem:s11+$0xFFFFFFF0];
	s15 =	sadd.s32 $0x80, s15  }
0x26d: {  	v15 =	vld [tilespmem:s15+$0xFFFFFFC0];
	[tilespmem:s11+$0xFFFFFFD0] =	vst v13;
	v9 =	vmul.f32 v9, v6  }
0x26e: {  	v13 =	vld [tilespmem:s15+$0xFFFFFFD0];
	[tilespmem:s11+$0xFFFFFFE0] =	vst v12;
	v10 =	vmul.f32 v10, v6  }
.Ltmp8:
0x26f: {  	v16 =	vmov s12;
	v12 =	vld [tilespmem:s15+$0xFFFFFFE0];
	[tilespmem:s11+$0x0] =	vst v9;
	v8 =	vmul.f32 v8, v6;
	(pc) =	sbr.rel @p1 .LBB2_20-.Ltmp8, $4  }
0x270: {  	v16 =	vperm.xlane v7, v16;
	v9 =	vld [tilespmem:s15+$0x0];
	[tilespmem:s11+$0x10] =	vst v10;
	v11 =	vmul.f32 v11, v6  }
0x271: {  	v10 =	vld [tilespmem:s15+$0x10];
	v17 =	vmul.f32 v14, v6;
	[tilespmem:s11+$0x20] =	vst v8  }
0x272: {  	v6 =	vmov v16;
	v14 =	vmul.f32 v15, v16;
	v8 =	vld [tilespmem:s15+$0x20];
	[tilespmem:s11+$0x30] =	vst v11  }
0x273: {  	s12 =	sadd.s32 $0x1, s12;
	v13 =	vmul.f32 v13, v6;
	v11 =	vld [tilespmem:s15+$0x30];
	[tilespmem:s11+$0xFFFFFFF0] =	vst v17;
	s11 =	smov.u32 s15  }
0x274: {  	[tilespmem:s11+$0xFFFFFFC0] =	vst v14;
	v7 =	vmul.f32 v12, v6;
	v62 =	vld [tilespmem:s11+$0xFFFFFFF0]  }
0x275: {  	s9 =	sadd.s32 $0x1, s9;
	[tilespmem:s11+$0xFFFFFFD0] =	vst v13;
	v9 =	vmul.f32 v9, v6  }
0x276: {  	p1 =	sne.s32 s9, $0x4;
	[tilespmem:s11+$0xFFFFFFE0] =	vst v7;
	v7 =	vmul.f32 v10, v6  }
.Ltmp9:
0x277: {  	[tilespmem:s11+$0x0] =	vst v9;
	v8 =	vmul.f32 v8, v6;
	(pc) =	sbr.rel @p1 .LBB2_19-.Ltmp9, $4  }
0x278: {  	[tilespmem:s11+$0x10] =	vst v7;
	v7 =	vmul.f32 v11, v6  }
0x279: {  	v6 =	vmul.f32 v62, v6;
	[tilespmem:s11+$0x20] =	vst v8  }
0x27a: {  	[tilespmem:s11+$0x30] =	vst v7  }
0x27b: {  	s6 =	sadd.s32 $0x800, s6;
	[tilespmem:s11+$0xFFFFFFF0] =	vst v6  }
0x27c: {  	s25 =	sadd.s32 $0x1, s25  }
0x27d: {  	p1 =	sne.s32 s25, $0x4E  }
.Ltmp10:
0x27e: {  	_ = 	snop;
	(pc) =	sbr.rel @p1 .LBB2_6-.Ltmp10, $4  }
0x27f: {  	_ = 	snop  }
0x280: {  	[spmem:s29] =	stream.indirect.scatter.add.f32 [tilespmem:s21], [sflag:$0x9], $0x80, s19, s0, $0xb8;
	v63 =	vld [tilespmem:$0x0]  }
0x281: {  	s5 =	simm.s32 $0xC400  }
0x282: {  	[spmem:s4] =	stream.indirect.scatter.add.f32 [tilespmem:s5], [sflag:$0xA], $0x1, s19, s0, $0xb8;
	v63 =	vld [tilespmem:$0x0]  }
0x283: {  	s5 =	simm.s32 $0x9  }
0x284: {  	_ =	swait.ge [sflag:s5], $0x2000  }
0x285: {  	[sflag:s5] =	ssyncset.done $0x0  }
0x286: {  	s9 =	simm.s32 $0xA;
	[sflag:s5] =	ssyncadd.s32 $0xFFFFE000  }
0x287: {  	_ =	swait.ge [sflag:s9], $0x40  }
0x288: {  	[sflag:s9] =	ssyncset.done $0x0  }
0x289: {  	[sflag:s9] =	ssyncadd.s32 $0xFFFFFFC0  }
0x28a: {  	v6 =	vld [tilespmem:$0x180]  }
0x28b: {  	v7 =	vld [tilespmem:$0x190]  }
0x28c: {  	v8 =	vld [tilespmem:$0x1A0]  }
0x28d: {  	v9 =	vld [tilespmem:$0x1B0]  }
0x28e: {  	v10 =	vld [tilespmem:$0x180]  }
0x28f: {  	[tilespmem:$0x6380] =	vst v6  }
0x290: {  	[tilespmem:$0x6390] =	vst v7  }
0x291: {  	[tilespmem:$0x63A0] =	vst v8  }
0x292: {  	[tilespmem:$0x63B0] =	vst v9  }
0x293: {  	s11 =	simm.s32 $0x300;
	s6 =	simm.s32 $0x80;
	[tilespmem:$0x280] =	vst v10  }
0x294: {  	[tilespmem:s11], [sflag:$0x1] =	stream.indirect.gather [hbm4b:s1+s0], $0x80, s6, s0, $0xb8;
	v63 =	vld [tilespmem:$0x0]  }
0x295: {  	s12 =	simm.s32 $0x2300  }
0x296: {  	[tilespmem:s12], [sflag:$0x2] =	stream.indirect.gather [hbm4b:s7+s0], $0x80, s2, s0, $0xb8;
	v63 =	vld [tilespmem:$0x0]  }
0x297: {  	s15 =	simm.s32 $0x4300  }
0x298: {  	[tilespmem:s15], [sflag:$0x3] =	stream.indirect.gather [hbm4b:s8+s0], $0x80, s6, s0, $0xb8;
	v63 =	vld [tilespmem:$0x0]  }
0x299: {  	_ =	swait.ge [sflag:s23], $0x2000  }
0x29a: {  	[sflag:s23] =	ssyncset.done $0x0  }
0x29b: {  	[sflag:s23] =	ssyncadd.s32 $0xFFFFE000  }
0x29c: {  	_ =	swait.ge [sflag:s24], $0x2000  }
0x29d: {  	[sflag:s24] =	ssyncset.done $0x0  }
0x29e: {  	[sflag:s24] =	ssyncadd.s32 $0xFFFFE000  }
0x29f: {  	_ =	swait.ge [sflag:s14], $0x2000  }
0x2a0: {  	[sflag:s14] =	ssyncset.done $0x0  }
0x2a1: {  	[sflag:s14] =	ssyncadd.s32 $0xFFFFE000  }
0x2a2: {  	v13 =	vld [tilespmem:$0x0]  }
0x2a3: {  	v11 =	vld [tilespmem:$0x10]  }
0x2a4: {  	v10 =	vld [tilespmem:$0x20]  }
0x2a5: {  	v9 =	vld [tilespmem:$0x30]  }
0x2a6: {  	v8 =	vld [tilespmem:$0x40]  }
0x2a7: {  	s16 =	simm.s32 $0x340;
	v7 =	vld [tilespmem:$0x50]  }
0x2a8: {  	v12 =	vld [tilespmem:s16+$0xFFFFFFE0]  }
0x2a9: {  	s17 =	simm.s32 $0x2340;
	v14 =	vld [tilespmem:s16+$0xFFFFFFC0]  }
0x2aa: {  	v15 =	vld [tilespmem:s17+$0xFFFFFFC0]  }
0x2ab: {  	v16 =	vld [tilespmem:s16+$0xFFFFFFD0]  }
0x2ac: {  	v17 =	vld [tilespmem:s17+$0xFFFFFFD0]  }
0x2ad: {  	v18 =	vld [tilespmem:s17+$0xFFFFFFE0]  }
0x2ae: {  	v19 =	vld [tilespmem:s16+$0xFFFFFFF0]  }
0x2af: {  	v20 =	vld [tilespmem:s16+$0x0]  }
0x2b0: {  	v14 =	vmul.f32 v15, v14;
	v15 =	vld [tilespmem:s17+$0xFFFFFFF0]  }
0x2b1: {  	v21 =	vld [tilespmem:s16+$0x10]  }
0x2b2: {  	v16 =	vmul.f32 v17, v16;
	v17 =	vld [tilespmem:s17+$0x0];
	v14 =	vadd.f32 $1.000000000e+00, v14  }
0x2b3: {  	v12 =	vmul.f32 v18, v12;
	v18 =	vld [tilespmem:s17+$0x10]  }
0x2b4: {  	v16 =	vadd.f32 $1.000000000e+00, v16;
	(erf) = vrcp.f32 v14;
	v14 =	vld [tilespmem:s16+$0x20]  }
0x2b5: {  	v15 =	vmul.f32 v15, v19;
	v19 =	vld [tilespmem:s17+$0x20]  }
0x2b6: {  	v6 =	vld [tilespmem:$0x60];
	v12 =	vadd.f32 $1.000000000e+00, v12;
	(erf) = vrcp.f32 v16  }
0x2b7: {  	v16 =	vld [tilespmem:s16+$0x30];
	v15 =	vadd.f32 $1.000000000e+00, v15  }
0x2b8: {  	s18 =	simm.s32 $0x3C0;
	v17 =	vmul.f32 v17, v20;
	v20 =	vld [tilespmem:s17+$0x30];
	(erf) = vrcp.f32 v12  }
0x2b9: {  	s20 =	simm.s32 $0x23C0;
	(erf) = vrcp.f32 v15;
	v15 =	vld [tilespmem:s18+$0xFFFFFFC0]  }
0x2ba: {  	v18 =	vmul.f32 v18, v21;
	v17 =	vadd.f32 $1.000000000e+00, v17;
	v14 =	vmul.f32 v19, v14;
	v19 =	vld [tilespmem:s20+$0xFFFFFFC0]  }
0x2bb: {  	v22 =	vld [tilespmem:s20+$0xFFFFFFD0]  }
0x2bc: {  	v18 =	vadd.f32 $1.000000000e+00, v18;
	(erf) = vrcp.f32 v17;
	v17 =	vld [tilespmem:s18+$0xFFFFFFD0]  }
0x2bd: {  	v21 =	vld [tilespmem:s18+$0xFFFFFFE0];
	v16 =	vmul.f32 v20, v16;
	v14 =	vadd.f32 $1.000000000e+00, v14;
	v20 =	vpop (erf)  }
0x2be: {  	(erf) = vrcp.f32 v18;
	v18 =	vld [tilespmem:s20+$0xFFFFFFE0];
	v20 =	vmul.f32 v20, v13  }
0x2bf: {  	v24 =	vld [tilespmem:s18+$0xFFFFFFF0];
	v16 =	vadd.f32 $1.000000000e+00, v16;
	v23 =	vpop (erf);
	(erf) = vrcp.f32 v14;
	v14 =	vmul.f32 v19, v15  }
0x2c0: {  	v23 =	vmul.f32 v23, v11;
	v15 =	vld [tilespmem:s20+$0xFFFFFFF0];
	v20 =	vadd.f32 $0.0e+00, v20  }
0x2c1: {  	v25 =	vld [tilespmem:s18+$0x0];
	v19 =	vpop (erf);
	(erf) = vrcp.f32 v16;
	v16 =	vmul.f32 v22, v17;
	v14 =	vadd.f32 $1.000000000e+00, v14  }
0x2c2: {  	v12 =	vld [tilespmem:$0x70];
	v19 =	vmul.f32 v19, v10;
	v20 =	vadd.f32 v23, v20  }
0x2c3: {  	v17 =	vld [tilespmem:s20+$0x0];
	v18 =	vmul.f32 v18, v21;
	v16 =	vadd.f32 $1.000000000e+00, v16;
	v22 =	vpop (erf)  }
0x2c4: {  	v21 =	vld [tilespmem:s20+$0x10];
	v19 =	vadd.f32 v19, v20;
	v20 =	vmul.f32 v22, v9  }
0x2c5: {  	v23 =	vld [tilespmem:s18+$0x10];
	v18 =	vadd.f32 $1.000000000e+00, v18;
	(erf) = vrcp.f32 v14;
	v15 =	vmul.f32 v15, v24;
	v14 =	vpop (erf)  }
0x2c6: {  	v22 =	vld [tilespmem:s18+$0x20];
	v19 =	vadd.f32 v20, v19;
	v14 =	vmul.f32 v14, v8  }
0x2c7: {  	(erf) = vrcp.f32 v16;
	v20 =	vld [tilespmem:s20+$0x20];
	v16 =	vpop (erf);
	v15 =	vadd.f32 $1.000000000e+00, v15  }
0x2c8: {  	v24 =	vld [tilespmem:s18+$0x30];
	v16 =	vmul.f32 v16, v7;
	v14 =	vadd.f32 v14, v19  }
0x2c9: {  	v17 =	vmul.f32 v17, v25;
	(erf) = vrcp.f32 v18;
	v18 =	vpop (erf);
	v19 =	vld [tilespmem:s20+$0x30]  }
0x2ca: {  	s22 =	simm.s32 $0x440;
	v14 =	vadd.f32 v16, v14;
	v16 =	vmul.f32 v18, v6  }
0x2cb: {  	s25 =	simm.s32 $0x2440;
	v17 =	vadd.f32 $1.000000000e+00, v17;
	(erf) = vrcp.f32 v15;
	v18 =	vmul.f32 v21, v23;
	v15 =	vpop (erf);
	v23 =	vld [tilespmem:s22+$0xFFFFFFC0]  }
0x2cc: {  	v15 =	vmul.f32 v15, v12;
	v20 =	vmul.f32 v20, v22;
	v22 =	vld [tilespmem:s25+$0xFFFFFFC0];
	v16 =	vadd.f32 v16, v14  }
0x2cd: {  	(erf) = vrcp.f32 v17;
	v17 =	vld [tilespmem:s22+$0xFFFFFFD0];
	v18 =	vadd.f32 $1.000000000e+00, v18  }
0x2ce: {  	v19 =	vmul.f32 v19, v24;
	v24 =	vpop (erf);
	v15 =	vadd.f32 v15, v16;
	v16 =	vadd.f32 $1.000000000e+00, v20;
	v20 =	vld [tilespmem:s25+$0xFFFFFFD0]  }
0x2cf: {  	v21 =	vld [tilespmem:s22+$0xFFFFFFE0];
	v24 =	vmul.f32 v24, v13  }
0x2d0: {  	s9 =	simm.s32 $0x0;
	(erf) = vrcp.f32 v18;
	v18 =	vld [tilespmem:s25+$0xFFFFFFE0];
	v26 =	vperm.xlane v15, v0  }
0x2d1: {  	v27 =	vmov s9;
	v28 =	vld [tilespmem:s22+$0xFFFFFFF0];
	v25 =	vpop (erf);
	(erf) = vrcp.f32 v16;
	v16 =	vmul.f32 v22, v23  }
0x2d2: {  	v19 =	vadd.f32 $1.000000000e+00, v19;
	v25 =	vmul.f32 v25, v11;
	v24 =	vadd.f32 $0.0e+00, v24;
	v22 =	vld [tilespmem:s25+$0xFFFFFFF0]  }
0x2d3: {  	v23 =	vpop (erf);
	v15 =	vadd.f32 v15, v26;
	v16 =	vadd.f32 $1.000000000e+00, v16;
	v17 =	vmul.f32 v20, v17  }
0x2d4: {  	v23 =	vmul.f32 v23, v10;
	(erf) = vrcp.f32 v19;
	v19 =	vld [tilespmem:s25+$0x0];
	v24 =	vadd.f32 v25, v24  }
0x2d5: {  	v26 =	vld [tilespmem:s22+$0x0];
	v20 =	vpop (erf);
	v18 =	vmul.f32 v18, v21;
	v25 =	vperm.xlane v15, v1;
	v17 =	vadd.f32 $1.000000000e+00, v17  }
0x2d6: {  	v21 =	vld [tilespmem:s22+$0x10];
	v23 =	vadd.f32 v23, v24;
	v20 =	vmul.f32 v20, v9;
	(erf) = vrcp.f32 v16  }
0x2d7: {  	v24 =	vld [tilespmem:s25+$0x10];
	v22 =	vmul.f32 v22, v28;
	v18 =	vadd.f32 $1.000000000e+00, v18;
	v16 =	vpop (erf);
	v15 =	vadd.f32 v15, v25  }
0x2d8: {  	vm0 =	veq.s32 v27, v5;
	v25 =	vld [tilespmem:s22+$0x20];
	v20 =	vadd.f32 v20, v23;
	v16 =	vmul.f32 v16, v8  }
0x2d9: {  	v23 =	vld [tilespmem:s25+$0x20];
	(erf) = vrcp.f32 v17;
	v22 =	vadd.f32 $1.000000000e+00, v22;
	v27 =	vperm.xlane v15, v2;
	v17 =	vpop (erf)  }
0x2da: {  	v26 =	vmul.f32 v19, v26;
	v19 =	vld [tilespmem:s22+$0x30];
	v16 =	vadd.f32 v16, v20;
	v17 =	vmul.f32 v17, v7  }
0x2db: {  	v14 =	vimm.f32 $0.0e+00;
	(erf) = vrcp.f32 v18;
	v20 =	vld [tilespmem:s25+$0x30];
	v18 =	vpop (erf);
	v15 =	vadd.f32 v15, v27  }
0x2dc: {  	s6 =	simm.s32 $0x4C0;
	v24 =	vmul.f32 v24, v21;
	v16 =	vadd.f32 v17, v16;
	v17 =	vmul.f32 v18, v6  }
0x2dd: {  	v26 =	vadd.f32 $1.000000000e+00, v26;
	(erf) = vrcp.f32 v22;
	v21 =	vld [tilespmem:s6+$0xFFFFFFC0];
	v22 =	vpop (erf);
	v27 =	vperm.xlane v15, v4  }
0x2de: {  	s5 =	simm.s32 $0x3;
	s15 =	simm.s32 $0x24C0;
	v23 =	vmul.f32 v23, v25;
	v18 =	vld [tilespmem:s6+$0xFFFFFFE0];
	v16 =	vadd.f32 v17, v16;
	v17 =	vmul.f32 v22, v12  }
0x2df: {  	s9 =	simm.s32 $0x4;
	s11 =	simm.s32 $0x2;
	s12 =	simm.s32 $0x1;
	v24 =	vadd.f32 $1.000000000e+00, v24;
	(erf) = vrcp.f32 v26;
	v22 =	vld [tilespmem:s15+$0xFFFFFFC0];
	v15 =	vadd.f32 v15, v27  }
.LBB2_24:
0x2e0: {  	p1 =	sne.s32 s9, $0xF;
	v25 =	vld [tilespmem:s6+$0xFFFFFFD0];
	v23 =	vadd.f32 $1.000000000e+00, v23;
	v19 =	vmul.f32 v20, v19;
	v20 =	vpop (erf);
	v16 =	vadd.f32 v17, v16  }
0x2e1: {  	v17 =	vld [tilespmem:s15+$0xFFFFFFD0];
	v20 =	vmul.f32 v20, v13;
	(erf) = vrcp.f32 v24;
	v14 =	vsel vm0, v15, v14  }
0x2e2: {  	v27 =	vmov s12;
	s12 =	smov.u32 s11;
	s11 =	smov.u32 s5;
	s5 =	smov.u32 s9;
	v15 =	vld [tilespmem:s15+$0xFFFFFFE0];
	v19 =	vadd.f32 $1.000000000e+00, v19;
	v24 =	vpop (erf);
	v26 =	vperm.xlane v16, v0  }
0x2e3: {  	v28 =	vld [tilespmem:s6+$0xFFFFFFF0];
	v20 =	vadd.f32 $0.0e+00, v20;
	v29 =	vmul.f32 v24, v11;
	(erf) = vrcp.f32 v23  }
0x2e4: {  	vm0 =	veq.s32 v27, v5;
	v21 =	vmul.f32 v22, v21;
	v22 =	vld [tilespmem:s15+$0xFFFFFFF0];
	v23 =	vpop (erf);
	v16 =	vadd.f32 v16, v26  }
0x2e5: {  	v26 =	vld [tilespmem:s6+$0x0];
	v20 =	vadd.f32 v29, v20;
	v23 =	vmul.f32 v23, v10;
	(erf) = vrcp.f32 v19  }
0x2e6: {  	v27 =	vadd.f32 $1.000000000e+00, v21;
	v17 =	vmul.f32 v17, v25;
	v21 =	vld [tilespmem:s15+$0x0];
	v24 =	vpop (erf);
	v25 =	vperm.xlane v16, v1  }
0x2e7: {  	v15 =	vmul.f32 v15, v18;
	v18 =	vld [tilespmem:s6+$0x10];
	v20 =	vadd.f32 v23, v20;
	v23 =	vmul.f32 v24, v9  }
0x2e8: {  	v29 =	vadd.f32 $1.000000000e+00, v17;
	v24 =	vld [tilespmem:s15+$0x10];
	(erf) = vrcp.f32 v27;
	v19 =	vpop (erf);
	v16 =	vadd.f32 v16, v25  }
0x2e9: {  	v22 =	vmul.f32 v22, v28;
	v25 =	vld [tilespmem:s6+$0x20];
	v20 =	vadd.f32 v23, v20;
	v23 =	vmul.f32 v19, v8  }
0x2ea: {  	v30 =	vadd.f32 $1.000000000e+00, v15;
	v27 =	vld [tilespmem:s15+$0x20];
	(erf) = vrcp.f32 v29;
	v17 =	vpop (erf);
	v28 =	vperm.xlane v16, v2  }
0x2eb: {  	v21 =	vmul.f32 v21, v26;
	v19 =	vld [tilespmem:s6+$0x30];
	v23 =	vadd.f32 v23, v20;
	v29 =	vmul.f32 v17, v7  }
.Ltmp11:
0x2ec: {  	v22 =	vadd.f32 $1.000000000e+00, v22;
	v20 =	vld [tilespmem:s15+$0x30];
	(erf) = vrcp.f32 v30;
	v15 =	vpop (erf);
	v26 =	vadd.f32 v16, v28;
	(pc) =	sbr.rel @p1 .LBB2_24-.Ltmp11, $4  }
0x2ed: {  	s6 =	sadd.s32 $0x80, s6;
	v24 =	vmul.f32 v24, v18;
	v16 =	vadd.f32 v29, v23;
	v15 =	vmul.f32 v15, v6  }
0x2ee: {  	v28 =	vadd.f32 $1.000000000e+00, v21;
	v18 =	vld [tilespmem:s6+$0xFFFFFFE0];
	(erf) = vrcp.f32 v22;
	v17 =	vpop (erf);
	v29 =	vperm.xlane v26, v4  }
0x2ef: {  	s15 =	sadd.s32 $0x80, s15;
	v21 =	vld [tilespmem:s6+$0xFFFFFFC0];
	v23 =	vmul.f32 v27, v25;
	v16 =	vadd.f32 v15, v16;
	v17 =	vmul.f32 v17, v12  }
0x2f0: {  	s9 =	sadd.s32 $0x1, s9;
	v24 =	vadd.f32 $1.000000000e+00, v24;
	v22 =	vld [tilespmem:s15+$0xFFFFFFC0];
	(erf) = vrcp.f32 v28;
	v15 =	vadd.f32 v26, v29  }
0x2f1: {  	v25 =	vld [tilespmem:s6+$0xFFFFFFD0]  }
0x2f2: {  	v26 =	vld [tilespmem:s15+$0xFFFFFFD0]  }
0x2f3: {  	v27 =	vld [tilespmem:s15+$0xFFFFFFE0]  }
0x2f4: {  	v19 =	vmul.f32 v20, v19;
	v37 =	vld [tilespmem:s6+$0xFFFFFFF0]  }
0x2f5: {  	v23 =	vadd.f32 $1.000000000e+00, v23;
	v38 =	vld [tilespmem:s15+$0xFFFFFFF0];
	v21 =	vmul.f32 v22, v21  }
0x2f6: {  	(erf) = vrcp.f32 v24;
	v19 =	vadd.f32 $1.000000000e+00, v19  }
0x2f7: {  	v39 =	vld [tilespmem:s6+$0x0];
	(erf) = vrcp.f32 v23;
	v25 =	vmul.f32 v26, v25;
	v21 =	vadd.f32 $1.000000000e+00, v21  }
0x2f8: {  	v40 =	vld [tilespmem:s15+$0x0];
	(erf) = vrcp.f32 v19  }
0x2f9: {  	v41 =	vld [tilespmem:s6+$0x10];
	v18 =	vmul.f32 v27, v18;
	v25 =	vadd.f32 $1.000000000e+00, v25;
	(erf) = vrcp.f32 v21  }
0x2fa: {  	v42 =	vld [tilespmem:s15+$0x10];
	v43 =	vpop (erf);
	v20 =	vmul.f32 v38, v37  }
0x2fb: {  	v44 =	vld [tilespmem:s6+$0x20];
	v45 =	vpop (erf);
	v18 =	vadd.f32 $1.000000000e+00, v18;
	(erf) = vrcp.f32 v25  }
0x2fc: {  	v46 =	vld [tilespmem:s15+$0x20];
	v28 =	vpop (erf);
	v20 =	vadd.f32 $1.000000000e+00, v20  }
0x2fd: {  	v29 =	vld [tilespmem:s6+$0x30];
	v30 =	vpop (erf);
	(erf) = vrcp.f32 v18  }
0x2fe: {  	v47 =	vld [tilespmem:s15+$0x30];
	v23 =	vmul.f32 v40, v39;
	v48 =	vpop (erf);
	(erf) = vrcp.f32 v20  }
0x2ff: {  	v49 =	vpop (erf)  }
0x300: {  	v19 =	vmul.f32 v42, v41;
	v23 =	vadd.f32 $1.000000000e+00, v23;
	v50 =	vpop (erf)  }
0x301: {  	v55 =	vmul.f32 v45, v11;
	v21 =	vmul.f32 v43, v13;
	v51 =	vpop (erf)  }
0x302: {  	v22 =	vmul.f32 v46, v44;
	v19 =	vadd.f32 $1.000000000e+00, v19;
	(erf) = vrcp.f32 v23;
	v53 =	vpop (erf)  }
0x303: {  	v52 =	vmul.f32 v47, v29;
	v56 =	vadd.f32 $0.0e+00, v21;
	v13 =	vmul.f32 v53, v13  }
0x304: {  	v58 =	vmul.f32 v28, v10;
	v22 =	vadd.f32 $1.000000000e+00, v22;
	(erf) = vrcp.f32 v19;
	v54 =	vpop (erf)  }
0x305: {  	v19 =	vadd.f32 v55, v56;
	v11 =	vmul.f32 v54, v11;
	v13 =	vadd.f32 $0.0e+00, v13  }
0x306: {  	v57 =	vadd.f32 $1.000000000e+00, v52;
	v60 =	vmul.f32 v30, v9;
	(erf) = vrcp.f32 v22;
	v59 =	vpop (erf)  }
0x307: {  	v10 =	vmul.f32 v59, v10;
	v61 =	vpop (erf);
	v11 =	vadd.f32 v11, v13;
	v13 =	vadd.f32 v58, v19  }
0x308: {  	(erf) = vrcp.f32 v57;
	v9 =	vmul.f32 v61, v9  }
0x309: {  	v10 =	vadd.f32 v10, v11;
	v11 =	vadd.f32 v60, v13;
	v13 =	vmul.f32 v48, v8;
	_ =	sdelay $0x1  }
0x30a: {  	v62 =	vpop (erf);
	v9 =	vadd.f32 v9, v10;
	v10 =	vadd.f32 v13, v11;
	v11 =	vmul.f32 v49, v7  }
0x30b: {  	v8 =	vmul.f32 v62, v8  }
0x30c: {  	v13 =	vpop (erf)  }
0x30d: {  	v8 =	vadd.f32 v8, v9;
	v7 =	vmul.f32 v13, v7  }
0x30e: {  	v9 =	vadd.f32 v11, v10;
	v10 =	vmul.f32 v50, v6;
	v11 =	vpop (erf)  }
0x30f: {  	v7 =	vadd.f32 v7, v8;
	v6 =	vmul.f32 v11, v6  }
0x310: {  	v9 =	vadd.f32 v10, v9;
	v10 =	vmul.f32 v51, v12;
	v8 =	vadd.f32 v17, v16;
	v11 =	vpop (erf)  }
0x311: {  	v6 =	vadd.f32 v6, v7;
	v7 =	vmul.f32 v11, v12  }
0x312: {  	v9 =	vadd.f32 v10, v9;
	v11 =	vperm.xlane v8, v0  }
0x313: {  	v6 =	vadd.f32 v7, v6  }
0x314: {  	v7 =	vadd.f32 v8, v11;
	v8 =	vperm.xlane v9, v0  }
0x315: {  	v10 =	vperm.xlane v6, v0  }
0x316: {  	v11 =	vperm.xlane v7, v1;
	v8 =	vadd.f32 v9, v8  }
0x317: {  	v6 =	vadd.f32 v6, v10  }
0x318: {  	v7 =	vadd.f32 v7, v11;
	v9 =	vperm.xlane v8, v1  }
0x319: {  	v10 =	vperm.xlane v6, v1  }
0x31a: {  	v11 =	vperm.xlane v7, v2;
	v8 =	vadd.f32 v8, v9  }
0x31b: {  	v6 =	vadd.f32 v6, v10  }
0x31c: {  	v7 =	vadd.f32 v7, v11;
	v9 =	vperm.xlane v8, v2  }
0x31d: {  	v10 =	vperm.xlane v6, v2  }
0x31e: {  	v11 =	vperm.xlane v7, v4;
	v8 =	vadd.f32 v8, v9  }
0x31f: {  	v6 =	vadd.f32 v6, v10  }
0x320: {  	v9 =	vmov s12;
	v7 =	vadd.f32 v7, v11;
	v10 =	vperm.xlane v8, v4  }
0x321: {  	vm13 =	veq.s32 v9, v5;
	v11 =	vsel vm0, v15, v14;
	v9 =	vperm.xlane v6, v4  }
0x322: {  	v7 =	vsel vm13, v7, v11;
	v11 =	vmov s11;
	v8 =	vadd.f32 v8, v10  }
0x323: {  	v10 =	vmov s5;
	vm14 =	veq.s32 v11, v5;
	v6 =	vadd.f32 v6, v9  }
0x324: {  	vm15 =	veq.s32 v10, v5;
	v7 =	vsel vm14, v8, v7  }
0x325: {  	v6 =	vsel vm15, v6, v7  }
0x326: {  	v6 =	vmul.f32 $1.442695020e+00, v6;
	_ =	sdelay $0x1  }
0x327: {  	(erf) = vpow2.f32 v6;
	_ =	sdelay $0x8  }
0x328: {  	v6 =	vpop (erf)  }
0x329: {  	s5 =	simm.s32 $0x4340;
	[tilespmem:$0x6300] =	vst v6  }
0x32a: {  	v11 =	vld [tilespmem:s5+$0xFFFFFFC0]  }
0x32b: {  	s25 =	simm.s32 $0x0;
	v13 =	vld [tilespmem:s5+$0xFFFFFFD0]  }
0x32c: {  	v7 =	vmov s25;
	v12 =	vld [tilespmem:s5+$0xFFFFFFE0]  }
0x32d: {  	v7 =	vperm.xlane v6, v7;
	v9 =	vld [tilespmem:s5+$0x0]  }
0x32e: {  	s22 =	rddreg [dreg:$0x7];
	v10 =	vld [tilespmem:s5+$0x10]  }
0x32f: {  	s15 =	rddreg [dreg:$0x8];
	v8 =	vld [tilespmem:s5+$0x20];
	v14 =	vmul.f32 v11, v7  }
0x330: {  	s6 =	simm.s32 $0x1;
	s9 =	simm.s32 $0x4340;
	s12 =	rddreg [dreg:$0x6];
	v13 =	vmul.f32 v13, v7;
	v11 =	vld [tilespmem:s5+$0x30]  }
.LBB2_26:
0x331: {  	p1 =	sne.s32 s6, $0xF;
	[tilespmem:s5+$0xFFFFFFC0] =	vst v14;
	v12 =	vmul.f32 v12, v7;
	v14 =	vld [tilespmem:s5+$0xFFFFFFF0];
	s9 =	sadd.s32 $0x80, s9  }
0x332: {  	v15 =	vld [tilespmem:s9+$0xFFFFFFC0];
	[tilespmem:s5+$0xFFFFFFD0] =	vst v13;
	v9 =	vmul.f32 v9, v7  }
0x333: {  	v13 =	vld [tilespmem:s9+$0xFFFFFFD0];
	[tilespmem:s5+$0xFFFFFFE0] =	vst v12;
	v10 =	vmul.f32 v10, v7  }
.Ltmp12:
0x334: {  	v16 =	vmov s6;
	v12 =	vld [tilespmem:s9+$0xFFFFFFE0];
	[tilespmem:s5+$0x0] =	vst v9;
	v8 =	vmul.f32 v8, v7;
	(pc) =	sbr.rel @p1 .LBB2_26-.Ltmp12, $4  }
0x335: {  	v16 =	vperm.xlane v6, v16;
	v9 =	vld [tilespmem:s9+$0x0];
	[tilespmem:s5+$0x10] =	vst v10;
	v11 =	vmul.f32 v11, v7  }
0x336: {  	v10 =	vld [tilespmem:s9+$0x10];
	v17 =	vmul.f32 v14, v7;
	[tilespmem:s5+$0x20] =	vst v8  }
0x337: {  	v7 =	vmov v16;
	v14 =	vmul.f32 v15, v16;
	v8 =	vld [tilespmem:s9+$0x20];
	[tilespmem:s5+$0x30] =	vst v11  }
0x338: {  	s6 =	sadd.s32 $0x1, s6;
	v13 =	vmul.f32 v13, v7;
	v11 =	vld [tilespmem:s9+$0x30];
	[tilespmem:s5+$0xFFFFFFF0] =	vst v17;
	s5 =	smov.u32 s9  }
0x339: {  	[tilespmem:s5+$0xFFFFFFC0] =	vst v14;
	v6 =	vmul.f32 v12, v7;
	v62 =	vld [tilespmem:s5+$0xFFFFFFF0]  }
0x33a: {  	[tilespmem:s5+$0xFFFFFFD0] =	vst v13;
	v9 =	vmul.f32 v9, v7  }
0x33b: {  	[tilespmem:s5+$0xFFFFFFE0] =	vst v6;
	v6 =	vmul.f32 v10, v7  }
0x33c: {  	[tilespmem:s5+$0x0] =	vst v9;
	v8 =	vmul.f32 v8, v7  }
0x33d: {  	[tilespmem:s5+$0x10] =	vst v6;
	v6 =	vmul.f32 v11, v7  }
0x33e: {  	v7 =	vmul.f32 v62, v7;
	[tilespmem:s5+$0x20] =	vst v8  }
0x33f: {  	s16 =	simm.s32 $0x4300;
	[tilespmem:s5+$0x30] =	vst v6  }
0x340: {  	s9 =	simm.s32 $0x10;
	s11 =	simm.s32 $0x280;
	s17 =	simm.s32 $0xD;
	[tilespmem:s5+$0xFFFFFFF0] =	vst v7  }
0x341: {  	[spmem:s29] =	stream.indirect.scatter.add.f32 [tilespmem:s16], [sflag:$0xD], $0x80, s11, s9, $0xb8;
	v63 =	vld [tilespmem:$0x0]  }
0x342: {  	_ =	swait.ge [sflag:s17], $0x800  }
0x343: {  	[sflag:s17] =	ssyncset.done $0x0  }
0x344: {  	s6 =	simm.s32 $0x6300;
	[sflag:s17] =	ssyncadd.s32 $0xFFFFF800  }
0x345: {  	[spmem:s4] =	stream.indirect.scatter.add.f32 [tilespmem:s6], [sflag:$0xD], $0x1, s11, s9, $0xb8;
	v63 =	vld [tilespmem:$0x0]  }
0x346: {  	_ =	swait.ge [sflag:s17], $0x10  }
0x347: {  	[sflag:s17] =	ssyncset.done $0x0  }
0x348: {  	s18 =	stileid.u32;
	[sflag:s17] =	ssyncadd.s32 $0xFFFFFFF0  }
0x349: {  	s20 =	sshrl.u32 s22, $0x3;
	s5 =	sshll.u32 s18, $0x6;
	[bflag:$0x0] =	sbarrier.arrive $0xFFFF  }
0x34a: {  	s5 =	sor.u32 $0x1C01, s5;
	s16 =	simm.s32 $0x300;
	s25 =	rddreg [dreg:$0xc]  }
0x34b: {  	[hbm:s25], [sflag:s5] =	dma.local [spmem:s20], $0x2700  }
0x34c: {  	[tilespmem:s16], [sflag:$0x2] =	stream.linear.gather [spmem:s12], $0x80, $0x38;
	v63 =	vld [tilespmem:$0x0]  }
0x34d: {  	s17 =	simm.s32 $0x400;
	s11 =	rddreg [dreg:$0x15]  }
0x34e: {  	[tilespmem:s17], [sflag:$0x2] =	stream.linear.gather [spmem:s15], $0x80, $0x38;
	v63 =	vld [tilespmem:$0x0]  }
0x34f: {  	s18 =	simm.s32 $0x500;
	s12 =	rddreg [dreg:$0x16]  }
0x350: {  	[tilespmem:s18], [sflag:$0x2] =	stream.linear.gather [spmem:s11], $0x80, $0x38;
	v63 =	vld [tilespmem:$0x0]  }
0x351: {  	s25 =	simm.s32 $0x600;
	s5 =	rddreg [dreg:$0x17]  }
0x352: {  	[tilespmem:s25], [sflag:$0x2] =	stream.linear.gather [spmem:s12], $0x80, $0x38;
	v63 =	vld [tilespmem:$0x0]  }
0x353: {  	s20 =	simm.s32 $0x700;
	s6 =	rddreg [dreg:$0xd]  }
0x354: {  	[tilespmem:s20], [sflag:$0x2] =	stream.linear.gather [spmem:s5], $0x80, $0x38;
	v63 =	vld [tilespmem:$0x0]  }
0x355: {  	s9 =	rddreg [dreg:$0x14];
	s5 =	simm.s32 @!p0 $0x1FC3  }
0x356: {  	[hbm:s6], [sflag:s5] =	dma.local @!p0 [spmem:s9], $0x100  }
0x357: {  	_ =	swait.ge [sflag:s24], $0x80  }
0x358: {  	[sflag:s24] =	ssyncset.done $0x0  }
0x359: {  	[sflag:s24] =	ssyncadd.s32 $0xFFFFFF80  }
0x35a: {  	_ =	swait.ge [sflag:s24], $0x80  }
0x35b: {  	[sflag:s24] =	ssyncset.done $0x0  }
0x35c: {  	[sflag:s24] =	ssyncadd.s32 $0xFFFFFF80  }
0x35d: {  	_ =	swait.ge [sflag:s24], $0x80  }
0x35e: {  	[sflag:s24] =	ssyncset.done $0x0  }
0x35f: {  	[sflag:s24] =	ssyncadd.s32 $0xFFFFFF80  }
0x360: {  	_ =	swait.ge [sflag:s24], $0x80  }
0x361: {  	[sflag:s24] =	ssyncset.done $0x0  }
0x362: {  	[sflag:s24] =	ssyncadd.s32 $0xFFFFFF80  }
0x363: {  	_ =	swait.ge [sflag:s24], $0x80  }
0x364: {  	[sflag:s24] =	ssyncset.done $0x0  }
0x365: {  	s15 =	simm.s32 $0x0;
	s9 =	rddreg [dreg:$0xe];
	[sflag:s24] =	ssyncadd.s32 $0xFFFFFF80  }
0x366: {  	[hbm4b:s9+s15] =	stream.linear.scatter [tilespmem:s16], [sflag:$0x2], $0x80, $0x38;
	v63 =	vld [tilespmem:$0x0]  }
0x367: {  	s16 =	rddreg [dreg:$0xf]  }
0x368: {  	[hbm4b:s16+s15] =	stream.linear.scatter [tilespmem:s17], [sflag:$0x2], $0x80, $0x38;
	v63 =	vld [tilespmem:$0x0]  }
0x369: {  	s17 =	rddreg [dreg:$0x10]  }
0x36a: {  	[hbm4b:s17+s15] =	stream.linear.scatter [tilespmem:s18], [sflag:$0x2], $0x80, $0x38;
	v63 =	vld [tilespmem:$0x0]  }
0x36b: {  	s18 =	rddreg [dreg:$0x11]  }
0x36c: {  	[hbm4b:s18+s15] =	stream.linear.scatter [tilespmem:s25], [sflag:$0x2], $0x80, $0x38;
	v63 =	vld [tilespmem:$0x0]  }
0x36d: {  	s25 =	rddreg [dreg:$0x12]  }
0x36e: {  	[hbm4b:s25+s15] =	stream.linear.scatter [tilespmem:s20], [sflag:$0x2], $0x80, $0x38;
	v63 =	vld [tilespmem:$0x0]  }
0x36f: {  	_ =	swait.ge [sflag:s24], $0x80  }
0x370: {  	[sflag:s24] =	ssyncset.done $0x0  }
0x371: {  	[sflag:s24] =	ssyncadd.s32 $0xFFFFFF80  }
0x372: {  	_ =	swait.ge [sflag:s24], $0x80  }
0x373: {  	[sflag:s24] =	ssyncset.done $0x0  }
0x374: {  	[sflag:s24] =	ssyncadd.s32 $0xFFFFFF80  }
0x375: {  	_ =	swait.ge [sflag:s24], $0x80  }
0x376: {  	[sflag:s24] =	ssyncset.done $0x0  }
0x377: {  	[sflag:s24] =	ssyncadd.s32 $0xFFFFFF80  }
0x378: {  	_ =	swait.ge [sflag:s24], $0x80  }
0x379: {  	[sflag:s24] =	ssyncset.done $0x0  }
0x37a: {  	[sflag:s24] =	ssyncadd.s32 $0xFFFFFF80  }
0x37b: {  	_ =	swait.ge [sflag:s24], $0x80  }
0x37c: {  	[sflag:s24] =	ssyncset.done $0x0  }
0x37d: {  	[sflag:s24] =	ssyncadd.s32 $0xFFFFFF80  }
0x37e: {  	_ =	swait.ge [sflag:s23], $0x2700  }
0x37f: {  	[sflag:s23] =	ssyncset.done $0x0  }
0x380: {  	s5 =	simm.s32 @!p0 $0x3;
	[sflag:s23] =	ssyncadd.s32 $0xFFFFD900  }
0x381: {  	_ =	swait.ge @!p0 [sflag:s5], $0x100  }
0x382: {  	s6 =	sld [smem:$0x7DE];
	_ =	sdelay $0x2  }
0x383: {  	s25 =	rddreg [dreg:$0x13];
	s20 =	sadd.s32 $0x1, s6  }
0x384: {  	p1 =	sne.s32 s20, s25  }
.Ltmp13:
0x385: {  	_ = 	snop;
	(pc) =	sbr.rel @p1 .LBB2_1-.Ltmp13, $4  }
0x386: {  	_ = 	snop  }
0x387: {  	s9 =	simm.s32 $0x400  }
0x388: {  	s16 =	simm.s32 $0x500;
	s17 =	simm.s32 $0x600;
	[sflag:s5] =	ssyncset.done @!p0 $0x0  }
0x389: {  	s18 =	simm.s32 $0x700;
	[sflag:s5] =	ssyncadd.s32 @!p0 $0xFFFFFF00;
	s6 =	simm.s32 $0xD  }
0x38a: {  	_ =	sfence.sel $0x180000  }
0x38b: {  	[bflag:$0x0] =	sbarrier.arrive $0xFFFF  }
0x38c: {  	_ =	strace $0x90000047  }
0x38d: {  	s0 =	stileid.u32;
	[bflag:$0x2] =	sbarrier.arrive $0xFFFF  }
0x38e: {  	p0 =	sne.s32 s0, $0x0;
	s0 =	rddreg [dreg:$0x5]  }
0x38f: {  	s0 =	sadd.s32 @!p0 $0x100000, s0  }
0x390: {  	[sflag:s0] =	ssyncadd.tile.s32 @!p0 $0x1;
	_ =	shalt  }
.Lfunc_end2:
_tile_overlayer_lowered:
.L_overlay_start_2:
0x391: {  	(tag) =	ssettag $0x2  }
0x392: {  	s0 =	rddreg [dreg:$0x0];
	s2 =	stileid.u32  }
0x393: {  	s1 =	rddreg [dreg:$0x1];
	p0 =	sne.s32 s2, $0x0  }
0x394: {  	s3 =	rddreg [dreg:$0x2];
	[bflag:$0x3] =	sbarrier.arrive $0xFFFF;
	s2 =	simm.s32 @!p0 $0x1C0D  }
0x395: {  	[timem:s3], [sflag:s2] =	dma.local @!p0 [hbm:s0], s1  }
0x396: {  	s0 =	simm.s32 @!p0 $0xD  }
0x397: {  	_ =	swait.ge @!p0 [sflag:s0], s1  }
0x398: {  	s1 =	ssub.s32 @!p0 $0x0, s1;
	[sflag:s0] =	ssyncset.done @!p0 $0x0  }
0x399: {  	[sflag:s0] =	ssyncadd.s32 @!p0 s1  }
0x39a: {  	[bflag:$0x3] =	sbarrier.arrive $0xFFFF  }
0x39b: {  	_ =	shalt  }

</sc_bundles>
